<compile_context>
chip_gen: v7x
topology: tpu7x:2x2x1
jax: 0.10.2.dev20260603
libtpu: 0.0.44.dev20260713+nightly
codegen_flags: <defaults>
</compile_context>

<pallas_src>
import functools

import jax
import jax.numpy as jnp
from jax import lax
from jax.experimental import pallas as pl
from jax.experimental.pallas import tpu as pltpu
from jax.experimental.pallas import tpu_sc as plsc

_N = 10000
_E = 320000
_D = 128
_H = 128
_B = 64
_T = 4

_NC = 2
_NS = 16
_NW = _NC * _NS
_CW = 80
_CPT = 126
_CPT0 = 162
_CPT1 = 90
_EPAD = _NW * _CPT * _CW
_ER = _EPAD // _CW
_NP = 10240
_WPS = _NP // _NS


def _sc_deg(dst_hbm, out_hbm, acc, dv0, dv1, onesv, zv, sd0, sd1):
    c = lax.axis_index("c")
    s = lax.axis_index("s")
    base = (s * (_CPT0 + _CPT1) + c * _CPT0) * _CW
    cpt = jnp.where(c == 0, _CPT0, _CPT1)
    dv = (dv0, dv1)
    sd = (sd0, sd1)
    ones16 = jnp.ones((16,), jnp.float32)
    zero16 = jnp.zeros((16,), jnp.float32)

    @pl.loop(0, _CW // 16)
    def _(i):
        onesv[pl.ds(i * 16, 16)] = ones16

    @pl.loop(0, _WPS // 16)
    def _(i):
        zv[pl.ds(i * 16, 16)] = zero16

    woff = pl.multiple_of(s * _WPS, 8)
    pltpu.sync_copy(zv, acc.at[pl.ds(woff, _WPS)])

    def idx_off(t):
        return pl.multiple_of(base + t * _CW, 8)

    pltpu.async_copy(dst_hbm.at[pl.ds(idx_off(0), _CW)], dv0, sd0)
    pltpu.async_copy(dst_hbm.at[pl.ds(idx_off(1), _CW)], dv1, sd1)
    plsc.subcore_barrier()

    def body(t, j):
        pltpu.make_async_copy(dst_hbm.at[pl.ds(0, _CW)], dv[j], sd[j]).wait()
        pltpu.sync_copy(onesv, acc.at[dv[j]], add=True)

        @pl.when(t + 2 < cpt)
        def _():
            pltpu.async_copy(dst_hbm.at[pl.ds(idx_off(t + 2), _CW)], dv[j],
                             sd[j])

    @pl.loop(0, cpt // 2)
    def _(u):
        t0 = u * 2
        body(t0, 0)
        body(t0 + 1, 1)

    plsc.subcore_barrier()
    woff2 = pl.multiple_of(s * _WPS, 8)
    pltpu.sync_copy(acc.at[pl.ds(woff2, _WPS)],
                    out_hbm.at[c, pl.ds(woff2, _WPS)])


def _sc_agg(g_hbm, src_hbm, dst_hbm, out_hbm, acc,
            sv0, sv1, sv2, dv0, dv1, dv2, rows0, rows1, rows2,
            ss0, ss1, ss2, sd0, sd1, sd2, sg0, sg1, sg2, sc0, sc1, sc2):
    c = lax.axis_index("c")
    s = lax.axis_index("s")
    base = (s * (_CPT0 + _CPT1) + c * _CPT0) * _CW
    cpt = jnp.where(c == 0, _CPT0, _CPT1)
    sv = (sv0, sv1, sv2)
    dv = (dv0, dv1, dv2)
    rows = (rows0, rows1, rows2)
    ss = (ss0, ss1, ss2)
    sd = (sd0, sd1, sd2)
    sg = (sg0, sg1, sg2)
    sc = (sc0, sc1, sc2)

    @pl.when(s < _NS - 1)
    def _():
        off = pl.multiple_of(s * 624, 8)
        pltpu.sync_copy(g_hbm.at[pl.ds(off, 624)], acc.at[pl.ds(off, 624)])

    @pl.when(s == _NS - 1)
    def _():
        pltpu.sync_copy(g_hbm.at[pl.ds(15 * 624, _N - 15 * 624)],
                        acc.at[pl.ds(15 * 624, _N - 15 * 624)])

    def idx_off(t):
        return pl.multiple_of(base + t * _CW, 8)

    def fetch_idx(t, j):
        pltpu.async_copy(src_hbm.at[pl.ds(idx_off(t), _CW)], sv[j], ss[j])
        pltpu.async_copy(dst_hbm.at[pl.ds(idx_off(t), _CW)], dv[j], sd[j])

    def wait_idx_src(j):
        pltpu.make_async_copy(src_hbm.at[pl.ds(0, _CW)], sv[j], ss[j]).wait()

    def wait_idx_dst(j):
        pltpu.make_async_copy(dst_hbm.at[pl.ds(0, _CW)], dv[j], sd[j]).wait()

    fetch_idx(0, 0)
    fetch_idx(1, 1)
    plsc.subcore_barrier()
    wait_idx_src(0)
    pltpu.async_copy(g_hbm.at[sv[0]], rows[0], sg[0])

    def body(t, u, k):
        b, bn, bp = k % 3, (k + 1) % 3, (k + 2) % 3
        wait_idx_dst(b)
        pltpu.make_async_copy(g_hbm.at[sv[b]], rows[b], sg[b]).wait()
        pltpu.async_copy(rows[b], acc.at[dv[b]], sc[b], add=True)

        @pl.when(t + 1 < cpt)
        def _():
            wait_idx_src(bn)
            pltpu.async_copy(g_hbm.at[sv[bn]], rows[bn], sg[bn])

        @pl.when(t >= 1)
        def _():
            pltpu.make_async_copy(rows[bp], acc.at[dv[bp]], sc[bp]).wait()

        @pl.when(t + 2 < cpt)
        def _():
            fetch_idx(t + 2, bp)

    @pl.loop(0, cpt // 3)
    def _(u):
        t0 = u * 3
        body(t0, u, 0)
        body(t0 + 1, u, 1)
        body(t0 + 2, u, 2)

    pltpu.make_async_copy(rows[2], acc.at[dv[2]], sc[2]).wait()
    plsc.subcore_barrier()
    woff2 = pl.multiple_of(s * _WPS, 8)
    pltpu.sync_copy(acc.at[pl.ds(woff2, _WPS)],
                    out_hbm.at[c, pl.ds(woff2, _WPS)])


@functools.cache
def _sc_mesh():
    return plsc.VectorSubcoreMesh(
        core_axis_name="c", subcore_axis_name="s",
        num_cores=_NC, num_subcores=_NS)


@functools.cache
def _deg_kernel():
    return pl.kernel(
        _sc_deg,
        out_type=jax.ShapeDtypeStruct((_NC, _NP), jnp.float32),
        mesh=_sc_mesh(),
        scratch_types=[
            pltpu.VMEM_SHARED((_NP,), jnp.float32),
            pltpu.VMEM((_CW,), jnp.int32),
            pltpu.VMEM((_CW,), jnp.int32),
            pltpu.VMEM((_CW,), jnp.float32),
            pltpu.VMEM((_WPS,), jnp.float32),
            pltpu.SemaphoreType.DMA,
            pltpu.SemaphoreType.DMA,
        ],
    )


@functools.cache
def _agg_kernel():
    return pl.kernel(
        _sc_agg,
        out_type=jax.ShapeDtypeStruct((_NC, _NP, _H), jnp.float32),
        mesh=_sc_mesh(),
        scratch_types=[
            pltpu.VMEM_SHARED((_NP, _H), jnp.float32),
            pltpu.VMEM((_CW,), jnp.int32),
            pltpu.VMEM((_CW,), jnp.int32),
            pltpu.VMEM((_CW,), jnp.int32),
            pltpu.VMEM((_CW,), jnp.int32),
            pltpu.VMEM((_CW,), jnp.int32),
            pltpu.VMEM((_CW,), jnp.int32),
            pltpu.VMEM((_CW, _H), jnp.float32),
            pltpu.VMEM((_CW, _H), jnp.float32),
            pltpu.VMEM((_CW, _H), jnp.float32),
        ] + [pltpu.SemaphoreType.DMA] * 12,
    )


def _deg_call(dst):
    return _deg_kernel()(dst)


def _agg_call(g, src, dst):
    return _agg_kernel()(g, src, dst)



_RB = 2000
_NG = _N // _RB


def _tc_prep(x_ref, w_ref, degp_ref, dinv_ref, g_ref):
    d = degp_ref[0] + degp_ref[1] + 1.0
    dinv = lax.rsqrt(d)
    dinv_ref[...] = dinv
    h = jnp.dot(x_ref[...], w_ref[...], preferred_element_type=jnp.float32)
    g_ref[...] = dinv * h


def _tc_mid(aggp_ref, g_ref, dinv_ref, b_ref, w_ref, gout_ref):
    dinv = dinv_ref[...]
    m = aggp_ref[0] + aggp_ref[1] - g_ref[...]
    xn = jnp.maximum(dinv * m + b_ref[...], 0.0)
    gout_ref[...] = dinv * jnp.dot(xn, w_ref[...],
                                   preferred_element_type=jnp.float32)


def _tc_final(aggp_ref, g_ref, dinv_ref, b_ref, batch_ref, rt_ref, wh_ref,
              hb_ref, out_ref, sums, cnts):
    i = pl.program_id(0)

    @pl.when(i == 0)
    def _():
        sums[...] = jnp.zeros_like(sums)
        cnts[...] = jnp.zeros_like(cnts)

    dinv = dinv_ref[...]
    h = dinv * (aggp_ref[0] + aggp_ref[1] - g_ref[...]) + b_ref[...]
    cols = lax.broadcasted_iota(jnp.int32, (_RB, _B), 1)
    oh = (batch_ref[...] == cols).astype(jnp.float32)
    dn = (((0,), (0,)), ((), ()))
    sums[...] += lax.dot_general(oh, h, dn, preferred_element_type=jnp.float32)
    cnts[...] += lax.dot_general(oh, jnp.ones((_RB, _H), jnp.float32), dn,
                                 preferred_element_type=jnp.float32)

    @pl.when(i == _NG - 1)
    def _():
        pooled = sums[...] / jnp.maximum(cnts[...], 1.0)
        scores = jnp.dot(pooled, wh_ref[...], preferred_element_type=jnp.float32)
        tcols = lax.broadcasted_iota(jnp.int32, (_B, _T), 1)
        sel = (rt_ref[...] == tcols).astype(jnp.float32)
        out_ref[...] = jnp.sum(sel * (scores + hb_ref[...]), axis=1,
                               keepdims=True)


def _prep_call(x, w1, degp):
    return pl.pallas_call(
        _tc_prep,
        grid=(_NG,),
        in_specs=[
            pl.BlockSpec((_RB, _D), lambda i: (i, 0)),
            pl.BlockSpec((_D, _H), lambda i: (0, 0)),
            pl.BlockSpec((_NC, _RB, 1), lambda i: (0, i, 0)),
        ],
        out_specs=[
            pl.BlockSpec((_RB, 1), lambda i: (i, 0)),
            pl.BlockSpec((_RB, _H), lambda i: (i, 0)),
        ],
        out_shape=[
            jax.ShapeDtypeStruct((_N, 1), jnp.float32),
            jax.ShapeDtypeStruct((_N, _H), jnp.float32),
        ],
    )(x, w1, degp)


def _mid_call(aggp, g, dinv, b, w):
    return pl.pallas_call(
        _tc_mid,
        grid=(_NG,),
        in_specs=[
            pl.BlockSpec((_NC, _RB, _H), lambda i: (0, i, 0)),
            pl.BlockSpec((_RB, _H), lambda i: (i, 0)),
            pl.BlockSpec((_RB, 1), lambda i: (i, 0)),
            pl.BlockSpec((1, _H), lambda i: (0, 0)),
            pl.BlockSpec((_H, _H), lambda i: (0, 0)),
        ],
        out_specs=pl.BlockSpec((_RB, _H), lambda i: (i, 0)),
        out_shape=jax.ShapeDtypeStruct((_N, _H), jnp.float32),
    )(aggp, g, dinv, b, w)


def _final_call(aggp, g, dinv, b, batch2d, rt2d, wh, hb):
    return pl.pallas_call(
        _tc_final,
        grid=(_NG,),
        in_specs=[
            pl.BlockSpec((_NC, _RB, _H), lambda i: (0, i, 0)),
            pl.BlockSpec((_RB, _H), lambda i: (i, 0)),
            pl.BlockSpec((_RB, 1), lambda i: (i, 0)),
            pl.BlockSpec((1, _H), lambda i: (0, 0)),
            pl.BlockSpec((_RB, 1), lambda i: (i, 0)),
            pl.BlockSpec((_B, 1), lambda i: (0, 0)),
            pl.BlockSpec((_H, _T), lambda i: (0, 0)),
            pl.BlockSpec((1, _T), lambda i: (0, 0)),
        ],
        out_specs=pl.BlockSpec((_B, 1), lambda i: (0, 0)),
        out_shape=jax.ShapeDtypeStruct((_B, 1), jnp.float32),
        scratch_shapes=[
            pltpu.VMEM((_B, _H), jnp.float32),
            pltpu.VMEM((_B, _H), jnp.float32),
        ],
    )(aggp, g, dinv, b, batch2d, rt2d, wh, hb)


@jax.jit
def kernel(x, edge_index, batch, r_target, W1, b1, W2, b2, W3, b3, head_W,
           head_b):
    npad = _EPAD - _E
    src = jnp.concatenate(
        [edge_index[0].astype(jnp.int32), jnp.zeros((npad,), jnp.int32)])
    dst = jnp.concatenate(
        [edge_index[1].astype(jnp.int32), jnp.full((npad,), _N, jnp.int32)])
    batch2d = batch.astype(jnp.int32).reshape(_N, 1)
    rt2d = r_target.astype(jnp.int32).reshape(_B, 1)
    wh = head_W[:, :, 0].T
    hb = head_b[:, 0].reshape(1, _T)

    degp = _deg_call(dst)
    dinv, g = _prep_call(x, W1, degp.reshape(_NC, _NP, 1))

    agg1 = _agg_call(g, src, dst)
    g = _mid_call(agg1, g, dinv, b1.reshape(1, _H), W2)
    agg2 = _agg_call(g, src, dst)
    g = _mid_call(agg2, g, dinv, b2.reshape(1, _H), W3)
    agg3 = _agg_call(g, src, dst)

    out = _final_call(agg3, g, dinv, b3.reshape(1, _H), batch2d, rt2d, wh, hb)
    return out.reshape(_B)

# --- scband reference (transcript-rebuilt; emitter-appended) ---
"""Pipeline reference for scband-gcn-42322607735471 (READ-ONLY COPY).

The authoritative reference and input builder live on the scoring server;
editing this copy changes nothing except your own understanding.
"""

import jax, jax.numpy as jnp
import numpy as np

N = 10000
E = 320000
D = 128
H = 128
B = 64
T = 4


def setup_inputs(seed: int = 0) -> dict:
    key = jax.random.key(seed)
    ks = jax.random.split(key, 14)
    x = jax.random.normal(ks[0], (N, D), dtype=jnp.float32)
    edge_index = jax.random.randint(ks[1], (2, E), 0, N, dtype=jnp.int64)
    batch = jnp.sort(jax.random.randint(ks[2], (N,), 0, B, dtype=jnp.int64))
    r_target = jax.random.randint(ks[3], (B,), 0, T, dtype=jnp.int64)
    s1 = 1.0 / np.sqrt(D)
    s2 = 1.0 / np.sqrt(H)
    W1 = jax.random.uniform(ks[4], (D, H), jnp.float32, -s1, s1)
    b1 = jnp.zeros((H,), jnp.float32)
    W2 = jax.random.uniform(ks[5], (H, H), jnp.float32, -s2, s2)
    b2 = jnp.zeros((H,), jnp.float32)
    W3 = jax.random.uniform(ks[6], (H, H), jnp.float32, -s2, s2)
    b3 = jnp.zeros((H,), jnp.float32)
    head_W = jax.random.uniform(ks[7], (T, H, 1), jnp.float32, -s2, s2)
    head_b = jnp.zeros((T, 1), jnp.float32)
    return {"x": x, "edge_index": edge_index, "batch": batch, "r_target": r_target,
            "W1": W1, "b1": b1, "W2": W2, "b2": b2, "W3": W3, "b3": b3,
            "head_W": head_W, "head_b": head_b}


def _gcn_conv(x, edge_index, W, b, n_nodes):
    # GCNConv: x' = D^{-1/2} (A + I) D^{-1/2} (x W) + b
    h = x @ W
    src = edge_index[0]
    dst = edge_index[1]
    loop = jnp.arange(n_nodes, dtype=src.dtype)
    src_all = jnp.concatenate([src, loop])
    dst_all = jnp.concatenate([dst, loop])
    deg = jnp.zeros((n_nodes,), jnp.float32).at[dst_all].add(1.0)
    dinv = jnp.where(deg > 0, jax.lax.rsqrt(deg), 0.0)
    norm = dinv[src_all] * dinv[dst_all]
    msg = h[src_all] * norm[:, None]
    out = jax.ops.segment_sum(msg, dst_all, num_segments=n_nodes)
    return out + b


def reference(x, edge_index, batch, r_target, W1, b1, W2, b2, W3, b3, head_W, head_b):
    h = jax.nn.relu(_gcn_conv(x, edge_index, W1, b1, N))
    h = jax.nn.relu(_gcn_conv(h, edge_index, W2, b2, N))
    h = _gcn_conv(h, edge_index, W3, b3, N)
    # global_mean_pool over graphs
    sums = jax.ops.segment_sum(h, batch, num_segments=B)
    counts = jax.ops.segment_sum(jnp.ones((N,), jnp.float32), batch, num_segments=B)
    pooled = sums / jnp.maximum(counts, 1.0)[:, None]
    # dropout_p is None -> no dropout
    # per-graph task head selection
    Wt = head_W[r_target]          # [B, H, 1]
    bt = head_b[r_target]          # [B, 1]
    out = jnp.einsum('bh,bho->bo', pooled, Wt) + bt  # [B, 1]
    return out.squeeze(-1)

if __name__ == "__main__":
    import jax
    _d = setup_inputs()
    print(jax.jit(kernel)(*tuple(_d.values())))

</pallas_src>

<mosaic_0001>
#map = affine_map<(d0, d1) -> (0, 0)>
#map1 = affine_map<(d0, d1) -> (0)>
#map2 = affine_map<(d0, d1) -> (0, 0, 0)>
module attributes {stable_mosaic.version = 14 : i64} {
  func.func @_sc_agg(%arg0: i32, %arg1: i32, %arg2: memref<10000x128xf32, #tpu.memory_space<hbm>>, %arg3: memref<322560xi32, #tpu.memory_space<hbm>>, %arg4: memref<322560xi32, #tpu.memory_space<hbm>>, %arg5: memref<2x10240x128xf32, #tpu.memory_space<hbm>>, %arg6: memref<10240x128xf32, #tpu.memory_space<vmem_shared>>, %arg7: memref<80xi32, #tpu.memory_space<vmem>>, %arg8: memref<80xi32, #tpu.memory_space<vmem>>, %arg9: memref<80xi32, #tpu.memory_space<vmem>>, %arg10: memref<80xi32, #tpu.memory_space<vmem>>, %arg11: memref<80xi32, #tpu.memory_space<vmem>>, %arg12: memref<80xi32, #tpu.memory_space<vmem>>, %arg13: memref<80x128xf32, #tpu.memory_space<vmem>>, %arg14: memref<80x128xf32, #tpu.memory_space<vmem>>, %arg15: memref<80x128xf32, #tpu.memory_space<vmem>>, %arg16: memref<!tpu.dma_semaphore, #tpu.memory_space<semaphore_mem>>, %arg17: memref<!tpu.dma_semaphore, #tpu.memory_space<semaphore_mem>>, %arg18: memref<!tpu.dma_semaphore, #tpu.memory_space<semaphore_mem>>, %arg19: memref<!tpu.dma_semaphore, #tpu.memory_space<semaphore_mem>>, %arg20: memref<!tpu.dma_semaphore, #tpu.memory_space<semaphore_mem>>, %arg21: memref<!tpu.dma_semaphore, #tpu.memory_space<semaphore_mem>>, %arg22: memref<!tpu.dma_semaphore, #tpu.memory_space<semaphore_mem>>, %arg23: memref<!tpu.dma_semaphore, #tpu.memory_space<semaphore_mem>>, %arg24: memref<!tpu.dma_semaphore, #tpu.memory_space<semaphore_mem>>, %arg25: memref<!tpu.dma_semaphore, #tpu.memory_space<semaphore_mem>>, %arg26: memref<!tpu.dma_semaphore, #tpu.memory_space<semaphore_mem>>, %arg27: memref<!tpu.dma_semaphore, #tpu.memory_space<semaphore_mem>>) attributes {dimension_semantics = [#tpu.dimension_semantics<core_parallel>, #tpu.dimension_semantics<subcore_parallel>], iteration_bounds = array<i64: 2, 16>, scalar_prefetch = 0 : i64, scratch_operands = 22 : i64, tpu.core_type = #tpu.core_type<sc_vector_subcore>, window_params = [{transform_indices = #map}, {transform_indices = #map1}, {transform_indices = #map1}, {transform_indices = #map2}]} {
    %mul3A = arith.constant 252 : i32
    %mul3A_0 = arith.muli %arg1, %mul3A : i32
    %mul3A_1 = arith.constant 162 : i32
    %mul3A_2 = arith.muli %arg0, %mul3A_1 : i32
    %add3A = arith.addi %mul3A_0, %mul3A_2 : i32
    %mul3A_3 = arith.constant 80 : i32
    %mul3A_4 = arith.muli %add3A, %mul3A_3 : i32
    %eq3A = arith.constant 0 : i32
    %eq3A_5 = arith.cmpi eq, %arg0, %eq3A : i32
    %jit3A = arith.constant 162 : i32
    %jit3A_6 = arith.constant 90 : i32
    %select_n3A = arith.select %eq3A_5, %jit3A, %jit3A_6 : i32
    %lt3A = arith.constant 15 : i32
    %lt3A_7 = arith.cmpi slt, %arg1, %lt3A : i32
    %convert_element_type3A = arith.extui %lt3A_7 : i1 to i32
    %cond3A = arith.constant 0 : i32
    %cond3A_8 = arith.cmpi ne, %convert_element_type3A, %cond3A : i32
    scf.if %cond3A_8 {
      %mul3A_81 = arith.constant 624 : i32
      %mul3A_82 = arith.muli %arg1, %mul3A_81 : i32
      %multiple_of3A_83 = tpu.assume_multiple %mul3A_82, 8 : i32
      "tpu.region"() ({
        %run_scoped3A = tpu.sem_alloc : memref<!tpu.dma_semaphore, #tpu.memory_space<semaphore_mem>>
        %dma_start3A_84 = arith.constant 0 : i32
        %dma_start3A_85 = tpu.memref_slice %arg6[%multiple_of3A_83, %dma_start3A_84] : memref<10240x128xf32, #tpu.memory_space<vmem_shared>> -> memref<624x128xf32, #tpu.memory_space<vmem_shared>>
        %dma_start3A_86 = arith.constant 0 : i32
        %dma_start3A_87 = tpu.memref_slice %arg2[%multiple_of3A_83, %dma_start3A_86] : memref<10000x128xf32, #tpu.memory_space<hbm>> -> memref<624x128xf32, #tpu.memory_space<hbm>>
        tpu.enqueue_dma source(%dma_start3A_87 : memref<624x128xf32, #tpu.memory_space<hbm>>) target(%dma_start3A_85 : memref<624x128xf32, #tpu.memory_space<vmem_shared>>) target_semaphore(%run_scoped3A : memref<!tpu.dma_semaphore, #tpu.memory_space<semaphore_mem>>)
        %dma_wait3A_88 = arith.constant 0 : i32
        %dma_wait3A_89 = tpu.memref_slice %arg6[%multiple_of3A_83, %dma_wait3A_88] : memref<10240x128xf32, #tpu.memory_space<vmem_shared>> -> memref<624x128xf32, #tpu.memory_space<vmem_shared>>
        %dma_wait3A_90 = arith.constant 0 : i32
        %dma_wait3A_91 = tpu.memref_slice %arg2[%multiple_of3A_83, %dma_wait3A_90] : memref<10000x128xf32, #tpu.memory_space<hbm>> -> memref<624x128xf32, #tpu.memory_space<hbm>>
        tpu.wait_dma2 semaphore(%run_scoped3A : memref<!tpu.dma_semaphore, #tpu.memory_space<semaphore_mem>>) src(%dma_wait3A_91 : memref<624x128xf32, #tpu.memory_space<hbm>>) dst(%dma_wait3A_89 : memref<624x128xf32, #tpu.memory_space<vmem_shared>>)
        tpu.yield
      }) : () -> ()
    } else {
    }
    %eq3A_9 = arith.constant 15 : i32
    %eq3A_10 = arith.cmpi eq, %arg1, %eq3A_9 : i32
    %convert_element_type3A_11 = arith.extui %eq3A_10 : i1 to i32
    %cond3A_12 = arith.constant 0 : i32
    %cond3A_13 = arith.cmpi ne, %convert_element_type3A_11, %cond3A_12 : i32
    scf.if %cond3A_13 {
      "tpu.region"() ({
        %run_scoped3A = tpu.sem_alloc : memref<!tpu.dma_semaphore, #tpu.memory_space<semaphore_mem>>
        %dma_start3A_81 = arith.constant 9360 : i32
        %dma_start3A_82 = arith.constant 0 : i32
        %dma_start3A_83 = tpu.memref_slice %arg6[%dma_start3A_81, %dma_start3A_82] : memref<10240x128xf32, #tpu.memory_space<vmem_shared>> -> memref<640x128xf32, #tpu.memory_space<vmem_shared>>
        %dma_start3A_84 = arith.constant 9360 : i32
        %dma_start3A_85 = arith.constant 0 : i32
        %dma_start3A_86 = tpu.memref_slice %arg2[%dma_start3A_84, %dma_start3A_85] : memref<10000x128xf32, #tpu.memory_space<hbm>> -> memref<640x128xf32, #tpu.memory_space<hbm>>
        tpu.enqueue_dma source(%dma_start3A_86 : memref<640x128xf32, #tpu.memory_space<hbm>>) target(%dma_start3A_83 : memref<640x128xf32, #tpu.memory_space<vmem_shared>>) target_semaphore(%run_scoped3A : memref<!tpu.dma_semaphore, #tpu.memory_space<semaphore_mem>>)
        %dma_wait3A_87 = arith.constant 9360 : i32
        %dma_wait3A_88 = arith.constant 0 : i32
        %dma_wait3A_89 = tpu.memref_slice %arg6[%dma_wait3A_87, %dma_wait3A_88] : memref<10240x128xf32, #tpu.memory_space<vmem_shared>> -> memref<640x128xf32, #tpu.memory_space<vmem_shared>>
        %dma_wait3A_90 = arith.constant 9360 : i32
        %dma_wait3A_91 = arith.constant 0 : i32
        %dma_wait3A_92 = tpu.memref_slice %arg2[%dma_wait3A_90, %dma_wait3A_91] : memref<10000x128xf32, #tpu.memory_space<hbm>> -> memref<640x128xf32, #tpu.memory_space<hbm>>
        tpu.wait_dma2 semaphore(%run_scoped3A : memref<!tpu.dma_semaphore, #tpu.memory_space<semaphore_mem>>) src(%dma_wait3A_92 : memref<640x128xf32, #tpu.memory_space<hbm>>) dst(%dma_wait3A_89 : memref<640x128xf32, #tpu.memory_space<vmem_shared>>)
        tpu.yield
      }) : () -> ()
    } else {
    }
    %add3A_14 = arith.constant 0 : i32
    %add3A_15 = arith.addi %mul3A_4, %add3A_14 : i32
    %multiple_of3A = tpu.assume_multiple %add3A_15, 8 : i32
    %dma_start3A = tpu.memref_slice %arg3[%multiple_of3A] : memref<322560xi32, #tpu.memory_space<hbm>> -> memref<80xi32, #tpu.memory_space<hbm>>
    %dma_start3A_16 = tpu.memref_slice %arg3[%multiple_of3A] : memref<322560xi32, #tpu.memory_space<hbm>> -> memref<80xi32, #tpu.memory_space<hbm>>
    tpu.enqueue_dma source(%dma_start3A_16 : memref<80xi32, #tpu.memory_space<hbm>>) target(%arg7 : memref<80xi32, #tpu.memory_space<vmem>>) target_semaphore(%arg16 : memref<!tpu.dma_semaphore, #tpu.memory_space<semaphore_mem>>)
    %add3A_17 = arith.constant 0 : i32
    %add3A_18 = arith.addi %mul3A_4, %add3A_17 : i32
    %multiple_of3A_19 = tpu.assume_multiple %add3A_18, 8 : i32
    %dma_start3A_20 = tpu.memref_slice %arg4[%multiple_of3A_19] : memref<322560xi32, #tpu.memory_space<hbm>> -> memref<80xi32, #tpu.memory_space<hbm>>
    %dma_start3A_21 = tpu.memref_slice %arg4[%multiple_of3A_19] : memref<322560xi32, #tpu.memory_space<hbm>> -> memref<80xi32, #tpu.memory_space<hbm>>
    tpu.enqueue_dma source(%dma_start3A_21 : memref<80xi32, #tpu.memory_space<hbm>>) target(%arg10 : memref<80xi32, #tpu.memory_space<vmem>>) target_semaphore(%arg19 : memref<!tpu.dma_semaphore, #tpu.memory_space<semaphore_mem>>)
    %add3A_22 = arith.constant 80 : i32
    %add3A_23 = arith.addi %mul3A_4, %add3A_22 : i32
    %multiple_of3A_24 = tpu.assume_multiple %add3A_23, 8 : i32
    %dma_start3A_25 = tpu.memref_slice %arg3[%multiple_of3A_24] : memref<322560xi32, #tpu.memory_space<hbm>> -> memref<80xi32, #tpu.memory_space<hbm>>
    %dma_start3A_26 = tpu.memref_slice %arg3[%multiple_of3A_24] : memref<322560xi32, #tpu.memory_space<hbm>> -> memref<80xi32, #tpu.memory_space<hbm>>
    tpu.enqueue_dma source(%dma_start3A_26 : memref<80xi32, #tpu.memory_space<hbm>>) target(%arg8 : memref<80xi32, #tpu.memory_space<vmem>>) target_semaphore(%arg17 : memref<!tpu.dma_semaphore, #tpu.memory_space<semaphore_mem>>)
    %add3A_27 = arith.constant 80 : i32
    %add3A_28 = arith.addi %mul3A_4, %add3A_27 : i32
    %multiple_of3A_29 = tpu.assume_multiple %add3A_28, 8 : i32
    %dma_start3A_30 = tpu.memref_slice %arg4[%multiple_of3A_29] : memref<322560xi32, #tpu.memory_space<hbm>> -> memref<80xi32, #tpu.memory_space<hbm>>
    %dma_start3A_31 = tpu.memref_slice %arg4[%multiple_of3A_29] : memref<322560xi32, #tpu.memory_space<hbm>> -> memref<80xi32, #tpu.memory_space<hbm>>
    tpu.enqueue_dma source(%dma_start3A_31 : memref<80xi32, #tpu.memory_space<hbm>>) target(%arg11 : memref<80xi32, #tpu.memory_space<vmem>>) target_semaphore(%arg20 : memref<!tpu.dma_semaphore, #tpu.memory_space<semaphore_mem>>)
    %barrier3A = arith.constant 0 : index
    tpu.barrier barrier_id(%barrier3A)
    %dma_wait3A = arith.constant 0 : i32
    %dma_wait3A_32 = tpu.memref_slice %arg3[%dma_wait3A] : memref<322560xi32, #tpu.memory_space<hbm>> -> memref<80xi32, #tpu.memory_space<hbm>>
    %dma_wait3A_33 = arith.constant 0 : i32
    %dma_wait3A_34 = tpu.memref_slice %arg3[%dma_wait3A_33] : memref<322560xi32, #tpu.memory_space<hbm>> -> memref<80xi32, #tpu.memory_space<hbm>>
    tpu.wait_dma2 semaphore(%arg16 : memref<!tpu.dma_semaphore, #tpu.memory_space<semaphore_mem>>) src(%dma_wait3A_34 : memref<80xi32, #tpu.memory_space<hbm>>) dst(%arg7 : memref<80xi32, #tpu.memory_space<vmem>>)
    %dma_start3A_35 = arith.constant 0 : i32
    %dma_start3A_36 = arith.constant 0 : i32
    %dma_start3A_37 = tpu.memref_slice %arg2[%dma_start3A_35, %dma_start3A_36] : memref<10000x128xf32, #tpu.memory_space<hbm>> -> memref<10000x128xf32, #tpu.memory_space<hbm>>
    tpu.enqueue_indirect_dma source(%dma_start3A_37 : memref<10000x128xf32, #tpu.memory_space<hbm>>) target(%arg13 : memref<80x128xf32, #tpu.memory_space<vmem>>) offsets(%arg7 : memref<80xi32, #tpu.memory_space<vmem>>) semaphore(%arg22 : memref<!tpu.dma_semaphore, #tpu.memory_space<semaphore_mem>>)
    %jit3A_38 = arith.constant 3 : i32
    %div3A = arith.divsi %select_n3A, %jit3A_38 : i32
    %sign3A = arith.constant 0 : i32
    %sign3A_39 = arith.cmpi sgt, %select_n3A, %sign3A : i32
    %sign3A_40 = arith.extui %sign3A_39 : i1 to i32
    %sign3A_41 = arith.constant 0 : i32
    %sign3A_42 = arith.cmpi slt, %select_n3A, %sign3A_41 : i32
    %sign3A_43 = arith.extui %sign3A_42 : i1 to i32
    %sign3A_44 = arith.subi %sign3A_40, %sign3A_43 : i32
    %sign3A_45 = arith.constant 0 : i32
    %sign3A_46 = arith.cmpi sgt, %jit3A_38, %sign3A_45 : i32
    %sign3A_47 = arith.extui %sign3A_46 : i1 to i32
    %sign3A_48 = arith.constant 0 : i32
    %sign3A_49 = arith.cmpi slt, %jit3A_38, %sign3A_48 : i32
    %sign3A_50 = arith.extui %sign3A_49 : i1 to i32
    %sign3A_51 = arith.subi %sign3A_47, %sign3A_50 : i32
    %ne3A = arith.cmpi ne, %sign3A_44, %sign3A_51 : i32
    %rem3A = arith.remsi %select_n3A, %jit3A_38 : i32
    %ne3A_52 = arith.constant 0 : i32
    %ne3A_53 = arith.cmpi ne, %rem3A, %ne3A_52 : i32
    %and3A = arith.andi %ne3A, %ne3A_53 : i1
    %sub3A = arith.constant 1 : i32
    %sub3A_54 = arith.subi %div3A, %sub3A : i32
    %select_n3A_55 = arith.select %and3A, %sub3A_54, %div3A : i32
    %sub3A_56 = arith.constant 0 : i32
    %sub3A_57 = arith.subi %select_n3A_55, %sub3A_56 : i32
    %sub3A_58 = arith.constant 1 : i32
    %sub3A_59 = arith.constant 1 : i32
    %sub3A_60 = arith.subi %sub3A_58, %sub3A_59 : i32
    %add3A_61 = arith.addi %sub3A_57, %sub3A_60 : i32
    %div3A_62 = arith.constant 1 : i32
    %div3A_63 = arith.divsi %add3A_61, %div3A_62 : i32
    %while3A = arith.constant 1 : i32
    %while3A_64 = arith.constant 0 : i32
    %while3A_65 = arith.constant 0 : i32
    %while3A_66 = arith.subi %div3A_63, %while3A_65 : i32
    %while3A_67 = arith.addi %while3A_65, %while3A_66 : i32
    %while3A_68 = arith.constant 1 : i32
    %while3A_69 = arith.divsi %while3A_66, %while3A_68 : i32
    %while3A_70 = arith.muli %while3A_69, %while3A_68 : i32
    %while3A_71 = arith.addi %while3A_65, %while3A_70 : i32
    %while3A_72 = arith.constant 1 : i32
    scf.for %while3A_81 = %while3A_65 to %while3A_71 step %while3A_72  : i32 {
      %mul3A_82 = arith.muli %while3A_81, %while3A : i32
      %add3A_83 = arith.addi %while3A_64, %mul3A_82 : i32
      %mul3A_84 = arith.constant 3 : i32
      %mul3A_85 = arith.muli %add3A_83, %mul3A_84 : i32
      %dma_wait3A_86 = arith.constant 0 : i32
      %dma_wait3A_87 = tpu.memref_slice %arg4[%dma_wait3A_86] : memref<322560xi32, #tpu.memory_space<hbm>> -> memref<80xi32, #tpu.memory_space<hbm>>
      %dma_wait3A_88 = arith.constant 0 : i32
      %dma_wait3A_89 = tpu.memref_slice %arg4[%dma_wait3A_88] : memref<322560xi32, #tpu.memory_space<hbm>> -> memref<80xi32, #tpu.memory_space<hbm>>
      tpu.wait_dma2 semaphore(%arg19 : memref<!tpu.dma_semaphore, #tpu.memory_space<semaphore_mem>>) src(%dma_wait3A_89 : memref<80xi32, #tpu.memory_space<hbm>>) dst(%arg10 : memref<80xi32, #tpu.memory_space<vmem>>)
      %dma_wait3A_90 = arith.constant 0 : i32
      %dma_wait3A_91 = arith.constant 0 : i32
      %dma_wait3A_92 = tpu.memref_slice %arg2[%dma_wait3A_90, %dma_wait3A_91] : memref<10000x128xf32, #tpu.memory_space<hbm>> -> memref<10000x128xf32, #tpu.memory_space<hbm>>
      tpu.wait_indirect_dma semaphore(%arg22 : memref<!tpu.dma_semaphore, #tpu.memory_space<semaphore_mem>>) src(%dma_wait3A_92 : memref<10000x128xf32, #tpu.memory_space<hbm>>) dst(%arg13 : memref<80x128xf32, #tpu.memory_space<vmem>>)
      %dma_start3A_93 = arith.constant 0 : i32
      %dma_start3A_94 = arith.constant 0 : i32
      %dma_start3A_95 = tpu.memref_slice %arg6[%dma_start3A_93, %dma_start3A_94] : memref<10240x128xf32, #tpu.memory_space<vmem_shared>> -> memref<10240x128xf32, #tpu.memory_space<vmem_shared>>
      tpu.enqueue_indirect_dma source(%arg13 : memref<80x128xf32, #tpu.memory_space<vmem>>) target(%dma_start3A_95 : memref<10240x128xf32, #tpu.memory_space<vmem_shared>>) offsets(%arg10 : memref<80xi32, #tpu.memory_space<vmem>>) semaphore(%arg25 : memref<!tpu.dma_semaphore, #tpu.memory_space<semaphore_mem>>) {add = true}
      %add3A_96 = arith.constant 1 : i32
      %add3A_97 = arith.addi %mul3A_85, %add3A_96 : i32
      %lt3A_98 = arith.cmpi slt, %add3A_97, %select_n3A : i32
      %convert_element_type3A_99 = arith.extui %lt3A_98 : i1 to i32
      %cond3A_100 = arith.constant 0 : i32
      %cond3A_101 = arith.cmpi ne, %convert_element_type3A_99, %cond3A_100 : i32
      scf.if %cond3A_101 {
        %dma_wait3A_170 = arith.constant 0 : i32
        %dma_wait3A_171 = tpu.memref_slice %arg3[%dma_wait3A_170] : memref<322560xi32, #tpu.memory_space<hbm>> -> memref<80xi32, #tpu.memory_space<hbm>>
        %dma_wait3A_172 = arith.constant 0 : i32
        %dma_wait3A_173 = tpu.memref_slice %arg3[%dma_wait3A_172] : memref<322560xi32, #tpu.memory_space<hbm>> -> memref<80xi32, #tpu.memory_space<hbm>>
        tpu.wait_dma2 semaphore(%arg17 : memref<!tpu.dma_semaphore, #tpu.memory_space<semaphore_mem>>) src(%dma_wait3A_173 : memref<80xi32, #tpu.memory_space<hbm>>) dst(%arg8 : memref<80xi32, #tpu.memory_space<vmem>>)
        %dma_start3A_174 = arith.constant 0 : i32
        %dma_start3A_175 = arith.constant 0 : i32
        %dma_start3A_176 = tpu.memref_slice %arg2[%dma_start3A_174, %dma_start3A_175] : memref<10000x128xf32, #tpu.memory_space<hbm>> -> memref<10000x128xf32, #tpu.memory_space<hbm>>
        tpu.enqueue_indirect_dma source(%dma_start3A_176 : memref<10000x128xf32, #tpu.memory_space<hbm>>) target(%arg14 : memref<80x128xf32, #tpu.memory_space<vmem>>) offsets(%arg8 : memref<80xi32, #tpu.memory_space<vmem>>) semaphore(%arg23 : memref<!tpu.dma_semaphore, #tpu.memory_space<semaphore_mem>>)
      } else {
      }
      %ge3A = arith.constant 1 : i32
      %ge3A_102 = arith.cmpi sge, %mul3A_85, %ge3A : i32
      %convert_element_type3A_103 = arith.extui %ge3A_102 : i1 to i32
      %cond3A_104 = arith.constant 0 : i32
      %cond3A_105 = arith.cmpi ne, %convert_element_type3A_103, %cond3A_104 : i32
      scf.if %cond3A_105 {
        %dma_wait3A_170 = arith.constant 0 : i32
        %dma_wait3A_171 = arith.constant 0 : i32
        %dma_wait3A_172 = tpu.memref_slice %arg6[%dma_wait3A_170, %dma_wait3A_171] : memref<10240x128xf32, #tpu.memory_space<vmem_shared>> -> memref<10240x128xf32, #tpu.memory_space<vmem_shared>>
        tpu.wait_indirect_dma semaphore(%arg27 : memref<!tpu.dma_semaphore, #tpu.memory_space<semaphore_mem>>) src(%arg15 : memref<80x128xf32, #tpu.memory_space<vmem>>) dst(%dma_wait3A_172 : memref<10240x128xf32, #tpu.memory_space<vmem_shared>>)
      } else {
      }
      %add3A_106 = arith.constant 2 : i32
      %add3A_107 = arith.addi %mul3A_85, %add3A_106 : i32
      %lt3A_108 = arith.cmpi slt, %add3A_107, %select_n3A : i32
      %convert_element_type3A_109 = arith.extui %lt3A_108 : i1 to i32
      %cond3A_110 = arith.constant 0 : i32
      %cond3A_111 = arith.cmpi ne, %convert_element_type3A_109, %cond3A_110 : i32
      scf.if %cond3A_111 {
        %add3A_170 = arith.constant 2 : i32
        %add3A_171 = arith.addi %mul3A_85, %add3A_170 : i32
        %mul3A_172 = arith.constant 80 : i32
        %mul3A_173 = arith.muli %add3A_171, %mul3A_172 : i32
        %add3A_174 = arith.addi %mul3A_4, %mul3A_173 : i32
        %multiple_of3A_175 = tpu.assume_multiple %add3A_174, 8 : i32
        %dma_start3A_176 = tpu.memref_slice %arg3[%multiple_of3A_175] : memref<322560xi32, #tpu.memory_space<hbm>> -> memref<80xi32, #tpu.memory_space<hbm>>
        %dma_start3A_177 = tpu.memref_slice %arg3[%multiple_of3A_175] : memref<322560xi32, #tpu.memory_space<hbm>> -> memref<80xi32, #tpu.memory_space<hbm>>
        tpu.enqueue_dma source(%dma_start3A_177 : memref<80xi32, #tpu.memory_space<hbm>>) target(%arg9 : memref<80xi32, #tpu.memory_space<vmem>>) target_semaphore(%arg18 : memref<!tpu.dma_semaphore, #tpu.memory_space<semaphore_mem>>)
        %mul3A_178 = arith.constant 80 : i32
        %mul3A_179 = arith.muli %add3A_171, %mul3A_178 : i32
        %add3A_180 = arith.addi %mul3A_4, %mul3A_179 : i32
        %multiple_of3A_181 = tpu.assume_multiple %add3A_180, 8 : i32
        %dma_start3A_182 = tpu.memref_slice %arg4[%multiple_of3A_181] : memref<322560xi32, #tpu.memory_space<hbm>> -> memref<80xi32, #tpu.memory_space<hbm>>
        %dma_start3A_183 = tpu.memref_slice %arg4[%multiple_of3A_181] : memref<322560xi32, #tpu.memory_space<hbm>> -> memref<80xi32, #tpu.memory_space<hbm>>
        tpu.enqueue_dma source(%dma_start3A_183 : memref<80xi32, #tpu.memory_space<hbm>>) target(%arg12 : memref<80xi32, #tpu.memory_space<vmem>>) target_semaphore(%arg21 : memref<!tpu.dma_semaphore, #tpu.memory_space<semaphore_mem>>)
      } else {
      }
      %add3A_112 = arith.constant 1 : i32
      %add3A_113 = arith.addi %mul3A_85, %add3A_112 : i32
      %dma_wait3A_114 = arith.constant 0 : i32
      %dma_wait3A_115 = tpu.memref_slice %arg4[%dma_wait3A_114] : memref<322560xi32, #tpu.memory_space<hbm>> -> memref<80xi32, #tpu.memory_space<hbm>>
      %dma_wait3A_116 = arith.constant 0 : i32
      %dma_wait3A_117 = tpu.memref_slice %arg4[%dma_wait3A_116] : memref<322560xi32, #tpu.memory_space<hbm>> -> memref<80xi32, #tpu.memory_space<hbm>>
      tpu.wait_dma2 semaphore(%arg20 : memref<!tpu.dma_semaphore, #tpu.memory_space<semaphore_mem>>) src(%dma_wait3A_117 : memref<80xi32, #tpu.memory_space<hbm>>) dst(%arg11 : memref<80xi32, #tpu.memory_space<vmem>>)
      %dma_wait3A_118 = arith.constant 0 : i32
      %dma_wait3A_119 = arith.constant 0 : i32
      %dma_wait3A_120 = tpu.memref_slice %arg2[%dma_wait3A_118, %dma_wait3A_119] : memref<10000x128xf32, #tpu.memory_space<hbm>> -> memref<10000x128xf32, #tpu.memory_space<hbm>>
      tpu.wait_indirect_dma semaphore(%arg23 : memref<!tpu.dma_semaphore, #tpu.memory_space<semaphore_mem>>) src(%dma_wait3A_120 : memref<10000x128xf32, #tpu.memory_space<hbm>>) dst(%arg14 : memref<80x128xf32, #tpu.memory_space<vmem>>)
      %dma_start3A_121 = arith.constant 0 : i32
      %dma_start3A_122 = arith.constant 0 : i32
      %dma_start3A_123 = tpu.memref_slice %arg6[%dma_start3A_121, %dma_start3A_122] : memref<10240x128xf32, #tpu.memory_space<vmem_shared>> -> memref<10240x128xf32, #tpu.memory_space<vmem_shared>>
      tpu.enqueue_indirect_dma source(%arg14 : memref<80x128xf32, #tpu.memory_space<vmem>>) target(%dma_start3A_123 : memref<10240x128xf32, #tpu.memory_space<vmem_shared>>) offsets(%arg11 : memref<80xi32, #tpu.memory_space<vmem>>) semaphore(%arg26 : memref<!tpu.dma_semaphore, #tpu.memory_space<semaphore_mem>>) {add = true}
      %add3A_124 = arith.constant 1 : i32
      %add3A_125 = arith.addi %add3A_113, %add3A_124 : i32
      %lt3A_126 = arith.cmpi slt, %add3A_125, %select_n3A : i32
      %convert_element_type3A_127 = arith.extui %lt3A_126 : i1 to i32
      %cond3A_128 = arith.constant 0 : i32
      %cond3A_129 = arith.cmpi ne, %convert_element_type3A_127, %cond3A_128 : i32
      scf.if %cond3A_129 {
        %dma_wait3A_170 = arith.constant 0 : i32
        %dma_wait3A_171 = tpu.memref_slice %arg3[%dma_wait3A_170] : memref<322560xi32, #tpu.memory_space<hbm>> -> memref<80xi32, #tpu.memory_space<hbm>>
        %dma_wait3A_172 = arith.constant 0 : i32
        %dma_wait3A_173 = tpu.memref_slice %arg3[%dma_wait3A_172] : memref<322560xi32, #tpu.memory_space<hbm>> -> memref<80xi32, #tpu.memory_space<hbm>>
        tpu.wait_dma2 semaphore(%arg18 : memref<!tpu.dma_semaphore, #tpu.memory_space<semaphore_mem>>) src(%dma_wait3A_173 : memref<80xi32, #tpu.memory_space<hbm>>) dst(%arg9 : memref<80xi32, #tpu.memory_space<vmem>>)
        %dma_start3A_174 = arith.constant 0 : i32
        %dma_start3A_175 = arith.constant 0 : i32
        %dma_start3A_176 = tpu.memref_slice %arg2[%dma_start3A_174, %dma_start3A_175] : memref<10000x128xf32, #tpu.memory_space<hbm>> -> memref<10000x128xf32, #tpu.memory_space<hbm>>
        tpu.enqueue_indirect_dma source(%dma_start3A_176 : memref<10000x128xf32, #tpu.memory_space<hbm>>) target(%arg15 : memref<80x128xf32, #tpu.memory_space<vmem>>) offsets(%arg9 : memref<80xi32, #tpu.memory_space<vmem>>) semaphore(%arg24 : memref<!tpu.dma_semaphore, #tpu.memory_space<semaphore_mem>>)
      } else {
      }
      %ge3A_130 = arith.constant 1 : i32
      %ge3A_131 = arith.cmpi sge, %add3A_113, %ge3A_130 : i32
      %convert_element_type3A_132 = arith.extui %ge3A_131 : i1 to i32
      %cond3A_133 = arith.constant 0 : i32
      %cond3A_134 = arith.cmpi ne, %convert_element_type3A_132, %cond3A_133 : i32
      scf.if %cond3A_134 {
        %dma_wait3A_170 = arith.constant 0 : i32
        %dma_wait3A_171 = arith.constant 0 : i32
        %dma_wait3A_172 = tpu.memref_slice %arg6[%dma_wait3A_170, %dma_wait3A_171] : memref<10240x128xf32, #tpu.memory_space<vmem_shared>> -> memref<10240x128xf32, #tpu.memory_space<vmem_shared>>
        tpu.wait_indirect_dma semaphore(%arg25 : memref<!tpu.dma_semaphore, #tpu.memory_space<semaphore_mem>>) src(%arg13 : memref<80x128xf32, #tpu.memory_space<vmem>>) dst(%dma_wait3A_172 : memref<10240x128xf32, #tpu.memory_space<vmem_shared>>)
      } else {
      }
      %add3A_135 = arith.constant 2 : i32
      %add3A_136 = arith.addi %add3A_113, %add3A_135 : i32
      %lt3A_137 = arith.cmpi slt, %add3A_136, %select_n3A : i32
      %convert_element_type3A_138 = arith.extui %lt3A_137 : i1 to i32
      %cond3A_139 = arith.constant 0 : i32
      %cond3A_140 = arith.cmpi ne, %convert_element_type3A_138, %cond3A_139 : i32
      scf.if %cond3A_140 {
        %add3A_170 = arith.constant 2 : i32
        %add3A_171 = arith.addi %add3A_113, %add3A_170 : i32
        %mul3A_172 = arith.constant 80 : i32
        %mul3A_173 = arith.muli %add3A_171, %mul3A_172 : i32
        %add3A_174 = arith.addi %mul3A_4, %mul3A_173 : i32
        %multiple_of3A_175 = tpu.assume_multiple %add3A_174, 8 : i32
        %dma_start3A_176 = tpu.memref_slice %arg3[%multiple_of3A_175] : memref<322560xi32, #tpu.memory_space<hbm>> -> memref<80xi32, #tpu.memory_space<hbm>>
        %dma_start3A_177 = tpu.memref_slice %arg3[%multiple_of3A_175] : memref<322560xi32, #tpu.memory_space<hbm>> -> memref<80xi32, #tpu.memory_space<hbm>>
        tpu.enqueue_dma source(%dma_start3A_177 : memref<80xi32, #tpu.memory_space<hbm>>) target(%arg7 : memref<80xi32, #tpu.memory_space<vmem>>) target_semaphore(%arg16 : memref<!tpu.dma_semaphore, #tpu.memory_space<semaphore_mem>>)
        %mul3A_178 = arith.constant 80 : i32
        %mul3A_179 = arith.muli %add3A_171, %mul3A_178 : i32
        %add3A_180 = arith.addi %mul3A_4, %mul3A_179 : i32
        %multiple_of3A_181 = tpu.assume_multiple %add3A_180, 8 : i32
        %dma_start3A_182 = tpu.memref_slice %arg4[%multiple_of3A_181] : memref<322560xi32, #tpu.memory_space<hbm>> -> memref<80xi32, #tpu.memory_space<hbm>>
        %dma_start3A_183 = tpu.memref_slice %arg4[%multiple_of3A_181] : memref<322560xi32, #tpu.memory_space<hbm>> -> memref<80xi32, #tpu.memory_space<hbm>>
        tpu.enqueue_dma source(%dma_start3A_183 : memref<80xi32, #tpu.memory_space<hbm>>) target(%arg10 : memref<80xi32, #tpu.memory_space<vmem>>) target_semaphore(%arg19 : memref<!tpu.dma_semaphore, #tpu.memory_space<semaphore_mem>>)
      } else {
      }
      %add3A_141 = arith.constant 2 : i32
      %add3A_142 = arith.addi %mul3A_85, %add3A_141 : i32
      %dma_wait3A_143 = arith.constant 0 : i32
      %dma_wait3A_144 = tpu.memref_slice %arg4[%dma_wait3A_143] : memref<322560xi32, #tpu.memory_space<hbm>> -> memref<80xi32, #tpu.memory_space<hbm>>
      %dma_wait3A_145 = arith.constant 0 : i32
      %dma_wait3A_146 = tpu.memref_slice %arg4[%dma_wait3A_145] : memref<322560xi32, #tpu.memory_space<hbm>> -> memref<80xi32, #tpu.memory_space<hbm>>
      tpu.wait_dma2 semaphore(%arg21 : memref<!tpu.dma_semaphore, #tpu.memory_space<semaphore_mem>>) src(%dma_wait3A_146 : memref<80xi32, #tpu.memory_space<hbm>>) dst(%arg12 : memref<80xi32, #tpu.memory_space<vmem>>)
      %dma_wait3A_147 = arith.constant 0 : i32
      %dma_wait3A_148 = arith.constant 0 : i32
      %dma_wait3A_149 = tpu.memref_slice %arg2[%dma_wait3A_147, %dma_wait3A_148] : memref<10000x128xf32, #tpu.memory_space<hbm>> -> memref<10000x128xf32, #tpu.memory_space<hbm>>
      tpu.wait_indirect_dma semaphore(%arg24 : memref<!tpu.dma_semaphore, #tpu.memory_space<semaphore_mem>>) src(%dma_wait3A_149 : memref<10000x128xf32, #tpu.memory_space<hbm>>) dst(%arg15 : memref<80x128xf32, #tpu.memory_space<vmem>>)
      %dma_start3A_150 = arith.constant 0 : i32
      %dma_start3A_151 = arith.constant 0 : i32
      %dma_start3A_152 = tpu.memref_slice %arg6[%dma_start3A_150, %dma_start3A_151] : memref<10240x128xf32, #tpu.memory_space<vmem_shared>> -> memref<10240x128xf32, #tpu.memory_space<vmem_shared>>
      tpu.enqueue_indirect_dma source(%arg15 : memref<80x128xf32, #tpu.memory_space<vmem>>) target(%dma_start3A_152 : memref<10240x128xf32, #tpu.memory_space<vmem_shared>>) offsets(%arg12 : memref<80xi32, #tpu.memory_space<vmem>>) semaphore(%arg27 : memref<!tpu.dma_semaphore, #tpu.memory_space<semaphore_mem>>) {add = true}
      %add3A_153 = arith.constant 1 : i32
      %add3A_154 = arith.addi %add3A_142, %add3A_153 : i32
      %lt3A_155 = arith.cmpi slt, %add3A_154, %select_n3A : i32
      %convert_element_type3A_156 = arith.extui %lt3A_155 : i1 to i32
      %cond3A_157 = arith.constant 0 : i32
      %cond3A_158 = arith.cmpi ne, %convert_element_type3A_156, %cond3A_157 : i32
      scf.if %cond3A_158 {
        %dma_wait3A_170 = arith.constant 0 : i32
        %dma_wait3A_171 = tpu.memref_slice %arg3[%dma_wait3A_170] : memref<322560xi32, #tpu.memory_space<hbm>> -> memref<80xi32, #tpu.memory_space<hbm>>
        %dma_wait3A_172 = arith.constant 0 : i32
        %dma_wait3A_173 = tpu.memref_slice %arg3[%dma_wait3A_172] : memref<322560xi32, #tpu.memory_space<hbm>> -> memref<80xi32, #tpu.memory_space<hbm>>
        tpu.wait_dma2 semaphore(%arg16 : memref<!tpu.dma_semaphore, #tpu.memory_space<semaphore_mem>>) src(%dma_wait3A_173 : memref<80xi32, #tpu.memory_space<hbm>>) dst(%arg7 : memref<80xi32, #tpu.memory_space<vmem>>)
        %dma_start3A_174 = arith.constant 0 : i32
        %dma_start3A_175 = arith.constant 0 : i32
        %dma_start3A_176 = tpu.memref_slice %arg2[%dma_start3A_174, %dma_start3A_175] : memref<10000x128xf32, #tpu.memory_space<hbm>> -> memref<10000x128xf32, #tpu.memory_space<hbm>>
        tpu.enqueue_indirect_dma source(%dma_start3A_176 : memref<10000x128xf32, #tpu.memory_space<hbm>>) target(%arg13 : memref<80x128xf32, #tpu.memory_space<vmem>>) offsets(%arg7 : memref<80xi32, #tpu.memory_space<vmem>>) semaphore(%arg22 : memref<!tpu.dma_semaphore, #tpu.memory_space<semaphore_mem>>)
      } else {
      }
      %ge3A_159 = arith.constant 1 : i32
      %ge3A_160 = arith.cmpi sge, %add3A_142, %ge3A_159 : i32
      %convert_element_type3A_161 = arith.extui %ge3A_160 : i1 to i32
      %cond3A_162 = arith.constant 0 : i32
      %cond3A_163 = arith.cmpi ne, %convert_element_type3A_161, %cond3A_162 : i32
      scf.if %cond3A_163 {
        %dma_wait3A_170 = arith.constant 0 : i32
        %dma_wait3A_171 = arith.constant 0 : i32
        %dma_wait3A_172 = tpu.memref_slice %arg6[%dma_wait3A_170, %dma_wait3A_171] : memref<10240x128xf32, #tpu.memory_space<vmem_shared>> -> memref<10240x128xf32, #tpu.memory_space<vmem_shared>>
        tpu.wait_indirect_dma semaphore(%arg26 : memref<!tpu.dma_semaphore, #tpu.memory_space<semaphore_mem>>) src(%arg14 : memref<80x128xf32, #tpu.memory_space<vmem>>) dst(%dma_wait3A_172 : memref<10240x128xf32, #tpu.memory_space<vmem_shared>>)
      } else {
      }
      %add3A_164 = arith.constant 2 : i32
      %add3A_165 = arith.addi %add3A_142, %add3A_164 : i32
      %lt3A_166 = arith.cmpi slt, %add3A_165, %select_n3A : i32
      %convert_element_type3A_167 = arith.extui %lt3A_166 : i1 to i32
      %cond3A_168 = arith.constant 0 : i32
      %cond3A_169 = arith.cmpi ne, %convert_element_type3A_167, %cond3A_168 : i32
      scf.if %cond3A_169 {
        %add3A_170 = arith.constant 2 : i32
        %add3A_171 = arith.addi %add3A_142, %add3A_170 : i32
        %mul3A_172 = arith.constant 80 : i32
        %mul3A_173 = arith.muli %add3A_171, %mul3A_172 : i32
        %add3A_174 = arith.addi %mul3A_4, %mul3A_173 : i32
        %multiple_of3A_175 = tpu.assume_multiple %add3A_174, 8 : i32
        %dma_start3A_176 = tpu.memref_slice %arg3[%multiple_of3A_175] : memref<322560xi32, #tpu.memory_space<hbm>> -> memref<80xi32, #tpu.memory_space<hbm>>
        %dma_start3A_177 = tpu.memref_slice %arg3[%multiple_of3A_175] : memref<322560xi32, #tpu.memory_space<hbm>> -> memref<80xi32, #tpu.memory_space<hbm>>
        tpu.enqueue_dma source(%dma_start3A_177 : memref<80xi32, #tpu.memory_space<hbm>>) target(%arg8 : memref<80xi32, #tpu.memory_space<vmem>>) target_semaphore(%arg17 : memref<!tpu.dma_semaphore, #tpu.memory_space<semaphore_mem>>)
        %mul3A_178 = arith.constant 80 : i32
        %mul3A_179 = arith.muli %add3A_171, %mul3A_178 : i32
        %add3A_180 = arith.addi %mul3A_4, %mul3A_179 : i32
        %multiple_of3A_181 = tpu.assume_multiple %add3A_180, 8 : i32
        %dma_start3A_182 = tpu.memref_slice %arg4[%multiple_of3A_181] : memref<322560xi32, #tpu.memory_space<hbm>> -> memref<80xi32, #tpu.memory_space<hbm>>
        %dma_start3A_183 = tpu.memref_slice %arg4[%multiple_of3A_181] : memref<322560xi32, #tpu.memory_space<hbm>> -> memref<80xi32, #tpu.memory_space<hbm>>
        tpu.enqueue_dma source(%dma_start3A_183 : memref<80xi32, #tpu.memory_space<hbm>>) target(%arg11 : memref<80xi32, #tpu.memory_space<vmem>>) target_semaphore(%arg20 : memref<!tpu.dma_semaphore, #tpu.memory_space<semaphore_mem>>)
      } else {
      }
    }
    %while3A_73 = arith.constant 1 : i32
    scf.for %while3A_81 = %while3A_71 to %while3A_67 step %while3A_73  : i32 {
      %mul3A_82 = arith.muli %while3A_81, %while3A : i32
      %add3A_83 = arith.addi %while3A_64, %mul3A_82 : i32
      %mul3A_84 = arith.constant 3 : i32
      %mul3A_85 = arith.muli %add3A_83, %mul3A_84 : i32
      %dma_wait3A_86 = arith.constant 0 : i32
      %dma_wait3A_87 = tpu.memref_slice %arg4[%dma_wait3A_86] : memref<322560xi32, #tpu.memory_space<hbm>> -> memref<80xi32, #tpu.memory_space<hbm>>
      %dma_wait3A_88 = arith.constant 0 : i32
      %dma_wait3A_89 = tpu.memref_slice %arg4[%dma_wait3A_88] : memref<322560xi32, #tpu.memory_space<hbm>> -> memref<80xi32, #tpu.memory_space<hbm>>
      tpu.wait_dma2 semaphore(%arg19 : memref<!tpu.dma_semaphore, #tpu.memory_space<semaphore_mem>>) src(%dma_wait3A_89 : memref<80xi32, #tpu.memory_space<hbm>>) dst(%arg10 : memref<80xi32, #tpu.memory_space<vmem>>)
      %dma_wait3A_90 = arith.constant 0 : i32
      %dma_wait3A_91 = arith.constant 0 : i32
      %dma_wait3A_92 = tpu.memref_slice %arg2[%dma_wait3A_90, %dma_wait3A_91] : memref<10000x128xf32, #tpu.memory_space<hbm>> -> memref<10000x128xf32, #tpu.memory_space<hbm>>
      tpu.wait_indirect_dma semaphore(%arg22 : memref<!tpu.dma_semaphore, #tpu.memory_space<semaphore_mem>>) src(%dma_wait3A_92 : memref<10000x128xf32, #tpu.memory_space<hbm>>) dst(%arg13 : memref<80x128xf32, #tpu.memory_space<vmem>>)
      %dma_start3A_93 = arith.constant 0 : i32
      %dma_start3A_94 = arith.constant 0 : i32
      %dma_start3A_95 = tpu.memref_slice %arg6[%dma_start3A_93, %dma_start3A_94] : memref<10240x128xf32, #tpu.memory_space<vmem_shared>> -> memref<10240x128xf32, #tpu.memory_space<vmem_shared>>
      tpu.enqueue_indirect_dma source(%arg13 : memref<80x128xf32, #tpu.memory_space<vmem>>) target(%dma_start3A_95 : memref<10240x128xf32, #tpu.memory_space<vmem_shared>>) offsets(%arg10 : memref<80xi32, #tpu.memory_space<vmem>>) semaphore(%arg25 : memref<!tpu.dma_semaphore, #tpu.memory_space<semaphore_mem>>) {add = true}
      %add3A_96 = arith.constant 1 : i32
      %add3A_97 = arith.addi %mul3A_85, %add3A_96 : i32
      %lt3A_98 = arith.cmpi slt, %add3A_97, %select_n3A : i32
      %convert_element_type3A_99 = arith.extui %lt3A_98 : i1 to i32
      %cond3A_100 = arith.constant 0 : i32
      %cond3A_101 = arith.cmpi ne, %convert_element_type3A_99, %cond3A_100 : i32
      scf.if %cond3A_101 {
        %dma_wait3A_170 = arith.constant 0 : i32
        %dma_wait3A_171 = tpu.memref_slice %arg3[%dma_wait3A_170] : memref<322560xi32, #tpu.memory_space<hbm>> -> memref<80xi32, #tpu.memory_space<hbm>>
        %dma_wait3A_172 = arith.constant 0 : i32
        %dma_wait3A_173 = tpu.memref_slice %arg3[%dma_wait3A_172] : memref<322560xi32, #tpu.memory_space<hbm>> -> memref<80xi32, #tpu.memory_space<hbm>>
        tpu.wait_dma2 semaphore(%arg17 : memref<!tpu.dma_semaphore, #tpu.memory_space<semaphore_mem>>) src(%dma_wait3A_173 : memref<80xi32, #tpu.memory_space<hbm>>) dst(%arg8 : memref<80xi32, #tpu.memory_space<vmem>>)
        %dma_start3A_174 = arith.constant 0 : i32
        %dma_start3A_175 = arith.constant 0 : i32
        %dma_start3A_176 = tpu.memref_slice %arg2[%dma_start3A_174, %dma_start3A_175] : memref<10000x128xf32, #tpu.memory_space<hbm>> -> memref<10000x128xf32, #tpu.memory_space<hbm>>
        tpu.enqueue_indirect_dma source(%dma_start3A_176 : memref<10000x128xf32, #tpu.memory_space<hbm>>) target(%arg14 : memref<80x128xf32, #tpu.memory_space<vmem>>) offsets(%arg8 : memref<80xi32, #tpu.memory_space<vmem>>) semaphore(%arg23 : memref<!tpu.dma_semaphore, #tpu.memory_space<semaphore_mem>>)
      } else {
      }
      %ge3A = arith.constant 1 : i32
      %ge3A_102 = arith.cmpi sge, %mul3A_85, %ge3A : i32
      %convert_element_type3A_103 = arith.extui %ge3A_102 : i1 to i32
      %cond3A_104 = arith.constant 0 : i32
      %cond3A_105 = arith.cmpi ne, %convert_element_type3A_103, %cond3A_104 : i32
      scf.if %cond3A_105 {
        %dma_wait3A_170 = arith.constant 0 : i32
        %dma_wait3A_171 = arith.constant 0 : i32
        %dma_wait3A_172 = tpu.memref_slice %arg6[%dma_wait3A_170, %dma_wait3A_171] : memref<10240x128xf32, #tpu.memory_space<vmem_shared>> -> memref<10240x128xf32, #tpu.memory_space<vmem_shared>>
        tpu.wait_indirect_dma semaphore(%arg27 : memref<!tpu.dma_semaphore, #tpu.memory_space<semaphore_mem>>) src(%arg15 : memref<80x128xf32, #tpu.memory_space<vmem>>) dst(%dma_wait3A_172 : memref<10240x128xf32, #tpu.memory_space<vmem_shared>>)
      } else {
      }
      %add3A_106 = arith.constant 2 : i32
      %add3A_107 = arith.addi %mul3A_85, %add3A_106 : i32
      %lt3A_108 = arith.cmpi slt, %add3A_107, %select_n3A : i32
      %convert_element_type3A_109 = arith.extui %lt3A_108 : i1 to i32
      %cond3A_110 = arith.constant 0 : i32
      %cond3A_111 = arith.cmpi ne, %convert_element_type3A_109, %cond3A_110 : i32
      scf.if %cond3A_111 {
        %add3A_170 = arith.constant 2 : i32
        %add3A_171 = arith.addi %mul3A_85, %add3A_170 : i32
        %mul3A_172 = arith.constant 80 : i32
        %mul3A_173 = arith.muli %add3A_171, %mul3A_172 : i32
        %add3A_174 = arith.addi %mul3A_4, %mul3A_173 : i32
        %multiple_of3A_175 = tpu.assume_multiple %add3A_174, 8 : i32
        %dma_start3A_176 = tpu.memref_slice %arg3[%multiple_of3A_175] : memref<322560xi32, #tpu.memory_space<hbm>> -> memref<80xi32, #tpu.memory_space<hbm>>
        %dma_start3A_177 = tpu.memref_slice %arg3[%multiple_of3A_175] : memref<322560xi32, #tpu.memory_space<hbm>> -> memref<80xi32, #tpu.memory_space<hbm>>
        tpu.enqueue_dma source(%dma_start3A_177 : memref<80xi32, #tpu.memory_space<hbm>>) target(%arg9 : memref<80xi32, #tpu.memory_space<vmem>>) target_semaphore(%arg18 : memref<!tpu.dma_semaphore, #tpu.memory_space<semaphore_mem>>)
        %mul3A_178 = arith.constant 80 : i32
        %mul3A_179 = arith.muli %add3A_171, %mul3A_178 : i32
        %add3A_180 = arith.addi %mul3A_4, %mul3A_179 : i32
        %multiple_of3A_181 = tpu.assume_multiple %add3A_180, 8 : i32
        %dma_start3A_182 = tpu.memref_slice %arg4[%multiple_of3A_181] : memref<322560xi32, #tpu.memory_space<hbm>> -> memref<80xi32, #tpu.memory_space<hbm>>
        %dma_start3A_183 = tpu.memref_slice %arg4[%multiple_of3A_181] : memref<322560xi32, #tpu.memory_space<hbm>> -> memref<80xi32, #tpu.memory_space<hbm>>
        tpu.enqueue_dma source(%dma_start3A_183 : memref<80xi32, #tpu.memory_space<hbm>>) target(%arg12 : memref<80xi32, #tpu.memory_space<vmem>>) target_semaphore(%arg21 : memref<!tpu.dma_semaphore, #tpu.memory_space<semaphore_mem>>)
      } else {
      }
      %add3A_112 = arith.constant 1 : i32
      %add3A_113 = arith.addi %mul3A_85, %add3A_112 : i32
      %dma_wait3A_114 = arith.constant 0 : i32
      %dma_wait3A_115 = tpu.memref_slice %arg4[%dma_wait3A_114] : memref<322560xi32, #tpu.memory_space<hbm>> -> memref<80xi32, #tpu.memory_space<hbm>>
      %dma_wait3A_116 = arith.constant 0 : i32
      %dma_wait3A_117 = tpu.memref_slice %arg4[%dma_wait3A_116] : memref<322560xi32, #tpu.memory_space<hbm>> -> memref<80xi32, #tpu.memory_space<hbm>>
      tpu.wait_dma2 semaphore(%arg20 : memref<!tpu.dma_semaphore, #tpu.memory_space<semaphore_mem>>) src(%dma_wait3A_117 : memref<80xi32, #tpu.memory_space<hbm>>) dst(%arg11 : memref<80xi32, #tpu.memory_space<vmem>>)
      %dma_wait3A_118 = arith.constant 0 : i32
      %dma_wait3A_119 = arith.constant 0 : i32
      %dma_wait3A_120 = tpu.memref_slice %arg2[%dma_wait3A_118, %dma_wait3A_119] : memref<10000x128xf32, #tpu.memory_space<hbm>> -> memref<10000x128xf32, #tpu.memory_space<hbm>>
      tpu.wait_indirect_dma semaphore(%arg23 : memref<!tpu.dma_semaphore, #tpu.memory_space<semaphore_mem>>) src(%dma_wait3A_120 : memref<10000x128xf32, #tpu.memory_space<hbm>>) dst(%arg14 : memref<80x128xf32, #tpu.memory_space<vmem>>)
      %dma_start3A_121 = arith.constant 0 : i32
      %dma_start3A_122 = arith.constant 0 : i32
      %dma_start3A_123 = tpu.memref_slice %arg6[%dma_start3A_121, %dma_start3A_122] : memref<10240x128xf32, #tpu.memory_space<vmem_shared>> -> memref<10240x128xf32, #tpu.memory_space<vmem_shared>>
      tpu.enqueue_indirect_dma source(%arg14 : memref<80x128xf32, #tpu.memory_space<vmem>>) target(%dma_start3A_123 : memref<10240x128xf32, #tpu.memory_space<vmem_shared>>) offsets(%arg11 : memref<80xi32, #tpu.memory_space<vmem>>) semaphore(%arg26 : memref<!tpu.dma_semaphore, #tpu.memory_space<semaphore_mem>>) {add = true}
      %add3A_124 = arith.constant 1 : i32
      %add3A_125 = arith.addi %add3A_113, %add3A_124 : i32
      %lt3A_126 = arith.cmpi slt, %add3A_125, %select_n3A : i32
      %convert_element_type3A_127 = arith.extui %lt3A_126 : i1 to i32
      %cond3A_128 = arith.constant 0 : i32
      %cond3A_129 = arith.cmpi ne, %convert_element_type3A_127, %cond3A_128 : i32
      scf.if %cond3A_129 {
        %dma_wait3A_170 = arith.constant 0 : i32
        %dma_wait3A_171 = tpu.memref_slice %arg3[%dma_wait3A_170] : memref<322560xi32, #tpu.memory_space<hbm>> -> memref<80xi32, #tpu.memory_space<hbm>>
        %dma_wait3A_172 = arith.constant 0 : i32
        %dma_wait3A_173 = tpu.memref_slice %arg3[%dma_wait3A_172] : memref<322560xi32, #tpu.memory_space<hbm>> -> memref<80xi32, #tpu.memory_space<hbm>>
        tpu.wait_dma2 semaphore(%arg18 : memref<!tpu.dma_semaphore, #tpu.memory_space<semaphore_mem>>) src(%dma_wait3A_173 : memref<80xi32, #tpu.memory_space<hbm>>) dst(%arg9 : memref<80xi32, #tpu.memory_space<vmem>>)
        %dma_start3A_174 = arith.constant 0 : i32
        %dma_start3A_175 = arith.constant 0 : i32
        %dma_start3A_176 = tpu.memref_slice %arg2[%dma_start3A_174, %dma_start3A_175] : memref<10000x128xf32, #tpu.memory_space<hbm>> -> memref<10000x128xf32, #tpu.memory_space<hbm>>
        tpu.enqueue_indirect_dma source(%dma_start3A_176 : memref<10000x128xf32, #tpu.memory_space<hbm>>) target(%arg15 : memref<80x128xf32, #tpu.memory_space<vmem>>) offsets(%arg9 : memref<80xi32, #tpu.memory_space<vmem>>) semaphore(%arg24 : memref<!tpu.dma_semaphore, #tpu.memory_space<semaphore_mem>>)
      } else {
      }
      %ge3A_130 = arith.constant 1 : i32
      %ge3A_131 = arith.cmpi sge, %add3A_113, %ge3A_130 : i32
      %convert_element_type3A_132 = arith.extui %ge3A_131 : i1 to i32
      %cond3A_133 = arith.constant 0 : i32
      %cond3A_134 = arith.cmpi ne, %convert_element_type3A_132, %cond3A_133 : i32
      scf.if %cond3A_134 {
        %dma_wait3A_170 = arith.constant 0 : i32
        %dma_wait3A_171 = arith.constant 0 : i32
        %dma_wait3A_172 = tpu.memref_slice %arg6[%dma_wait3A_170, %dma_wait3A_171] : memref<10240x128xf32, #tpu.memory_space<vmem_shared>> -> memref<10240x128xf32, #tpu.memory_space<vmem_shared>>
        tpu.wait_indirect_dma semaphore(%arg25 : memref<!tpu.dma_semaphore, #tpu.memory_space<semaphore_mem>>) src(%arg13 : memref<80x128xf32, #tpu.memory_space<vmem>>) dst(%dma_wait3A_172 : memref<10240x128xf32, #tpu.memory_space<vmem_shared>>)
      } else {
      }
      %add3A_135 = arith.constant 2 : i32
      %add3A_136 = arith.addi %add3A_113, %add3A_135 : i32
      %lt3A_137 = arith.cmpi slt, %add3A_136, %select_n3A : i32
      %convert_element_type3A_138 = arith.extui %lt3A_137 : i1 to i32
      %cond3A_139 = arith.constant 0 : i32
      %cond3A_140 = arith.cmpi ne, %convert_element_type3A_138, %cond3A_139 : i32
      scf.if %cond3A_140 {
        %add3A_170 = arith.constant 2 : i32
        %add3A_171 = arith.addi %add3A_113, %add3A_170 : i32
        %mul3A_172 = arith.constant 80 : i32
        %mul3A_173 = arith.muli %add3A_171, %mul3A_172 : i32
        %add3A_174 = arith.addi %mul3A_4, %mul3A_173 : i32
        %multiple_of3A_175 = tpu.assume_multiple %add3A_174, 8 : i32
        %dma_start3A_176 = tpu.memref_slice %arg3[%multiple_of3A_175] : memref<322560xi32, #tpu.memory_space<hbm>> -> memref<80xi32, #tpu.memory_space<hbm>>
        %dma_start3A_177 = tpu.memref_slice %arg3[%multiple_of3A_175] : memref<322560xi32, #tpu.memory_space<hbm>> -> memref<80xi32, #tpu.memory_space<hbm>>
        tpu.enqueue_dma source(%dma_start3A_177 : memref<80xi32, #tpu.memory_space<hbm>>) target(%arg7 : memref<80xi32, #tpu.memory_space<vmem>>) target_semaphore(%arg16 : memref<!tpu.dma_semaphore, #tpu.memory_space<semaphore_mem>>)
        %mul3A_178 = arith.constant 80 : i32
        %mul3A_179 = arith.muli %add3A_171, %mul3A_178 : i32
        %add3A_180 = arith.addi %mul3A_4, %mul3A_179 : i32
        %multiple_of3A_181 = tpu.assume_multiple %add3A_180, 8 : i32
        %dma_start3A_182 = tpu.memref_slice %arg4[%multiple_of3A_181] : memref<322560xi32, #tpu.memory_space<hbm>> -> memref<80xi32, #tpu.memory_space<hbm>>
        %dma_start3A_183 = tpu.memref_slice %arg4[%multiple_of3A_181] : memref<322560xi32, #tpu.memory_space<hbm>> -> memref<80xi32, #tpu.memory_space<hbm>>
        tpu.enqueue_dma source(%dma_start3A_183 : memref<80xi32, #tpu.memory_space<hbm>>) target(%arg10 : memref<80xi32, #tpu.memory_space<vmem>>) target_semaphore(%arg19 : memref<!tpu.dma_semaphore, #tpu.memory_space<semaphore_mem>>)
      } else {
      }
      %add3A_141 = arith.constant 2 : i32
      %add3A_142 = arith.addi %mul3A_85, %add3A_141 : i32
      %dma_wait3A_143 = arith.constant 0 : i32
      %dma_wait3A_144 = tpu.memref_slice %arg4[%dma_wait3A_143] : memref<322560xi32, #tpu.memory_space<hbm>> -> memref<80xi32, #tpu.memory_space<hbm>>
      %dma_wait3A_145 = arith.constant 0 : i32
      %dma_wait3A_146 = tpu.memref_slice %arg4[%dma_wait3A_145] : memref<322560xi32, #tpu.memory_space<hbm>> -> memref<80xi32, #tpu.memory_space<hbm>>
      tpu.wait_dma2 semaphore(%arg21 : memref<!tpu.dma_semaphore, #tpu.memory_space<semaphore_mem>>) src(%dma_wait3A_146 : memref<80xi32, #tpu.memory_space<hbm>>) dst(%arg12 : memref<80xi32, #tpu.memory_space<vmem>>)
      %dma_wait3A_147 = arith.constant 0 : i32
      %dma_wait3A_148 = arith.constant 0 : i32
      %dma_wait3A_149 = tpu.memref_slice %arg2[%dma_wait3A_147, %dma_wait3A_148] : memref<10000x128xf32, #tpu.memory_space<hbm>> -> memref<10000x128xf32, #tpu.memory_space<hbm>>
      tpu.wait_indirect_dma semaphore(%arg24 : memref<!tpu.dma_semaphore, #tpu.memory_space<semaphore_mem>>) src(%dma_wait3A_149 : memref<10000x128xf32, #tpu.memory_space<hbm>>) dst(%arg15 : memref<80x128xf32, #tpu.memory_space<vmem>>)
      %dma_start3A_150 = arith.constant 0 : i32
      %dma_start3A_151 = arith.constant 0 : i32
      %dma_start3A_152 = tpu.memref_slice %arg6[%dma_start3A_150, %dma_start3A_151] : memref<10240x128xf32, #tpu.memory_space<vmem_shared>> -> memref<10240x128xf32, #tpu.memory_space<vmem_shared>>
      tpu.enqueue_indirect_dma source(%arg15 : memref<80x128xf32, #tpu.memory_space<vmem>>) target(%dma_start3A_152 : memref<10240x128xf32, #tpu.memory_space<vmem_shared>>) offsets(%arg12 : memref<80xi32, #tpu.memory_space<vmem>>) semaphore(%arg27 : memref<!tpu.dma_semaphore, #tpu.memory_space<semaphore_mem>>) {add = true}
      %add3A_153 = arith.constant 1 : i32
      %add3A_154 = arith.addi %add3A_142, %add3A_153 : i32
      %lt3A_155 = arith.cmpi slt, %add3A_154, %select_n3A : i32
      %convert_element_type3A_156 = arith.extui %lt3A_155 : i1 to i32
      %cond3A_157 = arith.constant 0 : i32
      %cond3A_158 = arith.cmpi ne, %convert_element_type3A_156, %cond3A_157 : i32
      scf.if %cond3A_158 {
        %dma_wait3A_170 = arith.constant 0 : i32
        %dma_wait3A_171 = tpu.memref_slice %arg3[%dma_wait3A_170] : memref<322560xi32, #tpu.memory_space<hbm>> -> memref<80xi32, #tpu.memory_space<hbm>>
        %dma_wait3A_172 = arith.constant 0 : i32
        %dma_wait3A_173 = tpu.memref_slice %arg3[%dma_wait3A_172] : memref<322560xi32, #tpu.memory_space<hbm>> -> memref<80xi32, #tpu.memory_space<hbm>>
        tpu.wait_dma2 semaphore(%arg16 : memref<!tpu.dma_semaphore, #tpu.memory_space<semaphore_mem>>) src(%dma_wait3A_173 : memref<80xi32, #tpu.memory_space<hbm>>) dst(%arg7 : memref<80xi32, #tpu.memory_space<vmem>>)
        %dma_start3A_174 = arith.constant 0 : i32
        %dma_start3A_175 = arith.constant 0 : i32
        %dma_start3A_176 = tpu.memref_slice %arg2[%dma_start3A_174, %dma_start3A_175] : memref<10000x128xf32, #tpu.memory_space<hbm>> -> memref<10000x128xf32, #tpu.memory_space<hbm>>
        tpu.enqueue_indirect_dma source(%dma_start3A_176 : memref<10000x128xf32, #tpu.memory_space<hbm>>) target(%arg13 : memref<80x128xf32, #tpu.memory_space<vmem>>) offsets(%arg7 : memref<80xi32, #tpu.memory_space<vmem>>) semaphore(%arg22 : memref<!tpu.dma_semaphore, #tpu.memory_space<semaphore_mem>>)
      } else {
      }
      %ge3A_159 = arith.constant 1 : i32
      %ge3A_160 = arith.cmpi sge, %add3A_142, %ge3A_159 : i32
      %convert_element_type3A_161 = arith.extui %ge3A_160 : i1 to i32
      %cond3A_162 = arith.constant 0 : i32
      %cond3A_163 = arith.cmpi ne, %convert_element_type3A_161, %cond3A_162 : i32
      scf.if %cond3A_163 {
        %dma_wait3A_170 = arith.constant 0 : i32
        %dma_wait3A_171 = arith.constant 0 : i32
        %dma_wait3A_172 = tpu.memref_slice %arg6[%dma_wait3A_170, %dma_wait3A_171] : memref<10240x128xf32, #tpu.memory_space<vmem_shared>> -> memref<10240x128xf32, #tpu.memory_space<vmem_shared>>
        tpu.wait_indirect_dma semaphore(%arg26 : memref<!tpu.dma_semaphore, #tpu.memory_space<semaphore_mem>>) src(%arg14 : memref<80x128xf32, #tpu.memory_space<vmem>>) dst(%dma_wait3A_172 : memref<10240x128xf32, #tpu.memory_space<vmem_shared>>)
      } else {
      }
      %add3A_164 = arith.constant 2 : i32
      %add3A_165 = arith.addi %add3A_142, %add3A_164 : i32
      %lt3A_166 = arith.cmpi slt, %add3A_165, %select_n3A : i32
      %convert_element_type3A_167 = arith.extui %lt3A_166 : i1 to i32
      %cond3A_168 = arith.constant 0 : i32
      %cond3A_169 = arith.cmpi ne, %convert_element_type3A_167, %cond3A_168 : i32
      scf.if %cond3A_169 {
        %add3A_170 = arith.constant 2 : i32
        %add3A_171 = arith.addi %add3A_142, %add3A_170 : i32
        %mul3A_172 = arith.constant 80 : i32
        %mul3A_173 = arith.muli %add3A_171, %mul3A_172 : i32
        %add3A_174 = arith.addi %mul3A_4, %mul3A_173 : i32
        %multiple_of3A_175 = tpu.assume_multiple %add3A_174, 8 : i32
        %dma_start3A_176 = tpu.memref_slice %arg3[%multiple_of3A_175] : memref<322560xi32, #tpu.memory_space<hbm>> -> memref<80xi32, #tpu.memory_space<hbm>>
        %dma_start3A_177 = tpu.memref_slice %arg3[%multiple_of3A_175] : memref<322560xi32, #tpu.memory_space<hbm>> -> memref<80xi32, #tpu.memory_space<hbm>>
        tpu.enqueue_dma source(%dma_start3A_177 : memref<80xi32, #tpu.memory_space<hbm>>) target(%arg8 : memref<80xi32, #tpu.memory_space<vmem>>) target_semaphore(%arg17 : memref<!tpu.dma_semaphore, #tpu.memory_space<semaphore_mem>>)
        %mul3A_178 = arith.constant 80 : i32
        %mul3A_179 = arith.muli %add3A_171, %mul3A_178 : i32
        %add3A_180 = arith.addi %mul3A_4, %mul3A_179 : i32
        %multiple_of3A_181 = tpu.assume_multiple %add3A_180, 8 : i32
        %dma_start3A_182 = tpu.memref_slice %arg4[%multiple_of3A_181] : memref<322560xi32, #tpu.memory_space<hbm>> -> memref<80xi32, #tpu.memory_space<hbm>>
        %dma_start3A_183 = tpu.memref_slice %arg4[%multiple_of3A_181] : memref<322560xi32, #tpu.memory_space<hbm>> -> memref<80xi32, #tpu.memory_space<hbm>>
        tpu.enqueue_dma source(%dma_start3A_183 : memref<80xi32, #tpu.memory_space<hbm>>) target(%arg11 : memref<80xi32, #tpu.memory_space<vmem>>) target_semaphore(%arg20 : memref<!tpu.dma_semaphore, #tpu.memory_space<semaphore_mem>>)
      } else {
      }
    }
    %dma_wait3A_74 = arith.constant 0 : i32
    %dma_wait3A_75 = arith.constant 0 : i32
    %dma_wait3A_76 = tpu.memref_slice %arg6[%dma_wait3A_74, %dma_wait3A_75] : memref<10240x128xf32, #tpu.memory_space<vmem_shared>> -> memref<10240x128xf32, #tpu.memory_space<vmem_shared>>
    tpu.wait_indirect_dma semaphore(%arg27 : memref<!tpu.dma_semaphore, #tpu.memory_space<semaphore_mem>>) src(%arg15 : memref<80x128xf32, #tpu.memory_space<vmem>>) dst(%dma_wait3A_76 : memref<10240x128xf32, #tpu.memory_space<vmem_shared>>)
    %barrier3A_77 = arith.constant 0 : index
    tpu.barrier barrier_id(%barrier3A_77)
    %mul3A_78 = arith.constant 640 : i32
    %mul3A_79 = arith.muli %arg1, %mul3A_78 : i32
    %multiple_of3A_80 = tpu.assume_multiple %mul3A_79, 8 : i32
    "tpu.region"() ({
      %run_scoped3A = tpu.sem_alloc : memref<!tpu.dma_semaphore, #tpu.memory_space<semaphore_mem>>
      %dma_start3A_81 = arith.constant 0 : i32
      %dma_start3A_82 = tpu.memref_slice %arg5[%arg0, %multiple_of3A_80, %dma_start3A_81] : memref<2x10240x128xf32, #tpu.memory_space<hbm>> -> memref<1x640x128xf32, #tpu.memory_space<hbm>>
      %dma_start3A_83 = tpu.memref_squeeze %dma_start3A_82 : memref<1x640x128xf32, #tpu.memory_space<hbm>> -> memref<640x128xf32, #tpu.memory_space<hbm>>
      %dma_start3A_84 = arith.constant 0 : i32
      %dma_start3A_85 = tpu.memref_slice %arg6[%multiple_of3A_80, %dma_start3A_84] : memref<10240x128xf32, #tpu.memory_space<vmem_shared>> -> memref<640x128xf32, #tpu.memory_space<vmem_shared>>
      tpu.enqueue_dma source(%dma_start3A_85 : memref<640x128xf32, #tpu.memory_space<vmem_shared>>) target(%dma_start3A_83 : memref<640x128xf32, #tpu.memory_space<hbm>>) target_semaphore(%run_scoped3A : memref<!tpu.dma_semaphore, #tpu.memory_space<semaphore_mem>>)
      %dma_wait3A_86 = arith.constant 0 : i32
      %dma_wait3A_87 = tpu.memref_slice %arg5[%arg0, %multiple_of3A_80, %dma_wait3A_86] : memref<2x10240x128xf32, #tpu.memory_space<hbm>> -> memref<1x640x128xf32, #tpu.memory_space<hbm>>
      %dma_wait3A_88 = tpu.memref_squeeze %dma_wait3A_87 : memref<1x640x128xf32, #tpu.memory_space<hbm>> -> memref<640x128xf32, #tpu.memory_space<hbm>>
      %dma_wait3A_89 = arith.constant 0 : i32
      %dma_wait3A_90 = tpu.memref_slice %arg6[%multiple_of3A_80, %dma_wait3A_89] : memref<10240x128xf32, #tpu.memory_space<vmem_shared>> -> memref<640x128xf32, #tpu.memory_space<vmem_shared>>
      tpu.wait_dma2 semaphore(%run_scoped3A : memref<!tpu.dma_semaphore, #tpu.memory_space<semaphore_mem>>) src(%dma_wait3A_90 : memref<640x128xf32, #tpu.memory_space<vmem_shared>>) dst(%dma_wait3A_88 : memref<640x128xf32, #tpu.memory_space<hbm>>)
      tpu.yield
    }) : () -> ()
    return
  }
}

#map = affine_map<(d0, d1) -> (0, 0)>
#map1 = affine_map<(d0, d1) -> (0)>
#map2 = affine_map<(d0, d1) -> (0, 0, 0)>
module attributes {stable_mosaic.version = 14 : i64} {
  func.func @_sc_agg(%arg0: i32, %arg1: i32, %arg2: memref<10000x128xf32, #tpu.memory_space<hbm>>, %arg3: memref<322560xi32, #tpu.memory_space<hbm>>, %arg4: memref<322560xi32, #tpu.memory_space<hbm>>, %arg5: memref<2x10240x128xf32, #tpu.memory_space<hbm>>, %arg6: memref<10240x128xf32, #tpu.memory_space<vmem_shared>>, %arg7: memref<80xi32, #tpu.memory_space<vmem>>, %arg8: memref<80xi32, #tpu.memory_space<vmem>>, %arg9: memref<80xi32, #tpu.memory_space<vmem>>, %arg10: memref<80xi32, #tpu.memory_space<vmem>>, %arg11: memref<80xi32, #tpu.memory_space<vmem>>, %arg12: memref<80xi32, #tpu.memory_space<vmem>>, %arg13: memref<80x128xf32, #tpu.memory_space<vmem>>, %arg14: memref<80x128xf32, #tpu.memory_space<vmem>>, %arg15: memref<80x128xf32, #tpu.memory_space<vmem>>, %arg16: memref<!tpu.dma_semaphore, #tpu.memory_space<semaphore_mem>>, %arg17: memref<!tpu.dma_semaphore, #tpu.memory_space<semaphore_mem>>, %arg18: memref<!tpu.dma_semaphore, #tpu.memory_space<semaphore_mem>>, %arg19: memref<!tpu.dma_semaphore, #tpu.memory_space<semaphore_mem>>, %arg20: memref<!tpu.dma_semaphore, #tpu.memory_space<semaphore_mem>>, %arg21: memref<!tpu.dma_semaphore, #tpu.memory_space<semaphore_mem>>, %arg22: memref<!tpu.dma_semaphore, #tpu.memory_space<semaphore_mem>>, %arg23: memref<!tpu.dma_semaphore, #tpu.memory_space<semaphore_mem>>, %arg24: memref<!tpu.dma_semaphore, #tpu.memory_space<semaphore_mem>>, %arg25: memref<!tpu.dma_semaphore, #tpu.memory_space<semaphore_mem>>, %arg26: memref<!tpu.dma_semaphore, #tpu.memory_space<semaphore_mem>>, %arg27: memref<!tpu.dma_semaphore, #tpu.memory_space<semaphore_mem>>) attributes {dimension_semantics = [#tpu.dimension_semantics<core_parallel>, #tpu.dimension_semantics<subcore_parallel>], iteration_bounds = array<i64: 2, 16>, scalar_prefetch = 0 : i64, scratch_operands = 22 : i64, tpu.core_type = #tpu.core_type<sc_vector_subcore>, window_params = [{transform_indices = #map}, {transform_indices = #map1}, {transform_indices = #map1}, {transform_indices = #map2}]} {
    %mul3A = arith.constant 252 : i32
    %mul3A_0 = arith.muli %arg1, %mul3A : i32
    %mul3A_1 = arith.constant 162 : i32
    %mul3A_2 = arith.muli %arg0, %mul3A_1 : i32
    %add3A = arith.addi %mul3A_0, %mul3A_2 : i32
    %mul3A_3 = arith.constant 80 : i32
    %mul3A_4 = arith.muli %add3A, %mul3A_3 : i32
    %eq3A = arith.constant 0 : i32
    %eq3A_5 = arith.cmpi eq, %arg0, %eq3A : i32
    %jit3A = arith.constant 162 : i32
    %jit3A_6 = arith.constant 90 : i32
    %select_n3A = arith.select %eq3A_5, %jit3A, %jit3A_6 : i32
    %lt3A = arith.constant 15 : i32
    %lt3A_7 = arith.cmpi slt, %arg1, %lt3A : i32
    %convert_element_type3A = arith.extui %lt3A_7 : i1 to i32
    %cond3A = arith.constant 0 : i32
    %cond3A_8 = arith.cmpi ne, %convert_element_type3A, %cond3A : i32
    scf.if %cond3A_8 {
      %mul3A_81 = arith.constant 624 : i32
      %mul3A_82 = arith.muli %arg1, %mul3A_81 : i32
      %multiple_of3A_83 = tpu.assume_multiple %mul3A_82, 8 : i32
      "tpu.region"() ({
        %run_scoped3A = tpu.sem_alloc : memref<!tpu.dma_semaphore, #tpu.memory_space<semaphore_mem>>
        %dma_start3A_84 = arith.constant 0 : i32
        %dma_start3A_85 = tpu.memref_slice %arg6[%multiple_of3A_83, %dma_start3A_84] : memref<10240x128xf32, #tpu.memory_space<vmem_shared>> -> memref<624x128xf32, #tpu.memory_space<vmem_shared>>
        %dma_start3A_86 = arith.constant 0 : i32
        %dma_start3A_87 = tpu.memref_slice %arg2[%multiple_of3A_83, %dma_start3A_86] : memref<10000x128xf32, #tpu.memory_space<hbm>> -> memref<624x128xf32, #tpu.memory_space<hbm>>
        tpu.enqueue_dma source(%dma_start3A_87 : memref<624x128xf32, #tpu.memory_space<hbm>>) target(%dma_start3A_85 : memref<624x128xf32, #tpu.memory_space<vmem_shared>>) target_semaphore(%run_scoped3A : memref<!tpu.dma_semaphore, #tpu.memory_space<semaphore_mem>>)
        %dma_wait3A_88 = arith.constant 0 : i32
        %dma_wait3A_89 = tpu.memref_slice %arg6[%multiple_of3A_83, %dma_wait3A_88] : memref<10240x128xf32, #tpu.memory_space<vmem_shared>> -> memref<624x128xf32, #tpu.memory_space<vmem_shared>>
        %dma_wait3A_90 = arith.constant 0 : i32
        %dma_wait3A_91 = tpu.memref_slice %arg2[%multiple_of3A_83, %dma_wait3A_90] : memref<10000x128xf32, #tpu.memory_space<hbm>> -> memref<624x128xf32, #tpu.memory_space<hbm>>
        tpu.wait_dma2 semaphore(%run_scoped3A : memref<!tpu.dma_semaphore, #tpu.memory_space<semaphore_mem>>) src(%dma_wait3A_91 : memref<624x128xf32, #tpu.memory_space<hbm>>) dst(%dma_wait3A_89 : memref<624x128xf32, #tpu.memory_space<vmem_shared>>)
        tpu.yield
      }) : () -> ()
    } else {
    }
    %eq3A_9 = arith.constant 15 : i32
    %eq3A_10 = arith.cmpi eq, %arg1, %eq3A_9 : i32
    %convert_element_type3A_11 = arith.extui %eq3A_10 : i1 to i32
    %cond3A_12 = arith.constant 0 : i32
    %cond3A_13 = arith.cmpi ne, %convert_element_type3A_11, %cond3A_12 : i32
    scf.if %cond3A_13 {
      "tpu.region"() ({
        %run_scoped3A = tpu.sem_alloc : memref<!tpu.dma_semaphore, #tpu.memory_space<semaphore_mem>>
        %dma_start3A_81 = arith.constant 9360 : i32
        %dma_start3A_82 = arith.constant 0 : i32
        %dma_start3A_83 = tpu.memref_slice %arg6[%dma_start3A_81, %dma_start3A_82] : memref<10240x128xf32, #tpu.memory_space<vmem_shared>> -> memref<640x128xf32, #tpu.memory_space<vmem_shared>>
        %dma_start3A_84 = arith.constant 9360 : i32
        %dma_start3A_85 = arith.constant 0 : i32
        %dma_start3A_86 = tpu.memref_slice %arg2[%dma_start3A_84, %dma_start3A_85] : memref<10000x128xf32, #tpu.memory_space<hbm>> -> memref<640x128xf32, #tpu.memory_space<hbm>>
        tpu.enqueue_dma source(%dma_start3A_86 : memref<640x128xf32, #tpu.memory_space<hbm>>) target(%dma_start3A_83 : memref<640x128xf32, #tpu.memory_space<vmem_shared>>) target_semaphore(%run_scoped3A : memref<!tpu.dma_semaphore, #tpu.memory_space<semaphore_mem>>)
        %dma_wait3A_87 = arith.constant 9360 : i32
        %dma_wait3A_88 = arith.constant 0 : i32
        %dma_wait3A_89 = tpu.memref_slice %arg6[%dma_wait3A_87, %dma_wait3A_88] : memref<10240x128xf32, #tpu.memory_space<vmem_shared>> -> memref<640x128xf32, #tpu.memory_space<vmem_shared>>
        %dma_wait3A_90 = arith.constant 9360 : i32
        %dma_wait3A_91 = arith.constant 0 : i32
        %dma_wait3A_92 = tpu.memref_slice %arg2[%dma_wait3A_90, %dma_wait3A_91] : memref<10000x128xf32, #tpu.memory_space<hbm>> -> memref<640x128xf32, #tpu.memory_space<hbm>>
        tpu.wait_dma2 semaphore(%run_scoped3A : memref<!tpu.dma_semaphore, #tpu.memory_space<semaphore_mem>>) src(%dma_wait3A_92 : memref<640x128xf32, #tpu.memory_space<hbm>>) dst(%dma_wait3A_89 : memref<640x128xf32, #tpu.memory_space<vmem_shared>>)
        tpu.yield
      }) : () -> ()
    } else {
    }
    %add3A_14 = arith.constant 0 : i32
    %add3A_15 = arith.addi %mul3A_4, %add3A_14 : i32
    %multiple_of3A = tpu.assume_multiple %add3A_15, 8 : i32
    %dma_start3A = tpu.memref_slice %arg3[%multiple_of3A] : memref<322560xi32, #tpu.memory_space<hbm>> -> memref<80xi32, #tpu.memory_space<hbm>>
    %dma_start3A_16 = tpu.memref_slice %arg3[%multiple_of3A] : memref<322560xi32, #tpu.memory_space<hbm>> -> memref<80xi32, #tpu.memory_space<hbm>>
    tpu.enqueue_dma source(%dma_start3A_16 : memref<80xi32, #tpu.memory_space<hbm>>) target(%arg7 : memref<80xi32, #tpu.memory_space<vmem>>) target_semaphore(%arg16 : memref<!tpu.dma_semaphore, #tpu.memory_space<semaphore_mem>>)
    %add3A_17 = arith.constant 0 : i32
    %add3A_18 = arith.addi %mul3A_4, %add3A_17 : i32
    %multiple_of3A_19 = tpu.assume_multiple %add3A_18, 8 : i32
    %dma_start3A_20 = tpu.memref_slice %arg4[%multiple_of3A_19] : memref<322560xi32, #tpu.memory_space<hbm>> -> memref<80xi32, #tpu.memory_space<hbm>>
    %dma_start3A_21 = tpu.memref_slice %arg4[%multiple_of3A_19] : memref<322560xi32, #tpu.memory_space<hbm>> -> memref<80xi32, #tpu.memory_space<hbm>>
    tpu.enqueue_dma source(%dma_start3A_21 : memref<80xi32, #tpu.memory_space<hbm>>) target(%arg10 : memref<80xi32, #tpu.memory_space<vmem>>) target_semaphore(%arg19 : memref<!tpu.dma_semaphore, #tpu.memory_space<semaphore_mem>>)
    %add3A_22 = arith.constant 80 : i32
    %add3A_23 = arith.addi %mul3A_4, %add3A_22 : i32
    %multiple_of3A_24 = tpu.assume_multiple %add3A_23, 8 : i32
    %dma_start3A_25 = tpu.memref_slice %arg3[%multiple_of3A_24] : memref<322560xi32, #tpu.memory_space<hbm>> -> memref<80xi32, #tpu.memory_space<hbm>>
    %dma_start3A_26 = tpu.memref_slice %arg3[%multiple_of3A_24] : memref<322560xi32, #tpu.memory_space<hbm>> -> memref<80xi32, #tpu.memory_space<hbm>>
    tpu.enqueue_dma source(%dma_start3A_26 : memref<80xi32, #tpu.memory_space<hbm>>) target(%arg8 : memref<80xi32, #tpu.memory_space<vmem>>) target_semaphore(%arg17 : memref<!tpu.dma_semaphore, #tpu.memory_space<semaphore_mem>>)
    %add3A_27 = arith.constant 80 : i32
    %add3A_28 = arith.addi %mul3A_4, %add3A_27 : i32
    %multiple_of3A_29 = tpu.assume_multiple %add3A_28, 8 : i32
    %dma_start3A_30 = tpu.memref_slice %arg4[%multiple_of3A_29] : memref<322560xi32, #tpu.memory_space<hbm>> -> memref<80xi32, #tpu.memory_space<hbm>>
    %dma_start3A_31 = tpu.memref_slice %arg4[%multiple_of3A_29] : memref<322560xi32, #tpu.memory_space<hbm>> -> memref<80xi32, #tpu.memory_space<hbm>>
    tpu.enqueue_dma source(%dma_start3A_31 : memref<80xi32, #tpu.memory_space<hbm>>) target(%arg11 : memref<80xi32, #tpu.memory_space<vmem>>) target_semaphore(%arg20 : memref<!tpu.dma_semaphore, #tpu.memory_space<semaphore_mem>>)
    %barrier3A = arith.constant 0 : index
    tpu.barrier barrier_id(%barrier3A)
    %dma_wait3A = arith.constant 0 : i32
    %dma_wait3A_32 = tpu.memref_slice %arg3[%dma_wait3A] : memref<322560xi32, #tpu.memory_space<hbm>> -> memref<80xi32, #tpu.memory_space<hbm>>
    %dma_wait3A_33 = arith.constant 0 : i32
    %dma_wait3A_34 = tpu.memref_slice %arg3[%dma_wait3A_33] : memref<322560xi32, #tpu.memory_space<hbm>> -> memref<80xi32, #tpu.memory_space<hbm>>
    tpu.wait_dma2 semaphore(%arg16 : memref<!tpu.dma_semaphore, #tpu.memory_space<semaphore_mem>>) src(%dma_wait3A_34 : memref<80xi32, #tpu.memory_space<hbm>>) dst(%arg7 : memref<80xi32, #tpu.memory_space<vmem>>)
    %dma_start3A_35 = arith.constant 0 : i32
    %dma_start3A_36 = arith.constant 0 : i32
    %dma_start3A_37 = tpu.memref_slice %arg2[%dma_start3A_35, %dma_start3A_36] : memref<10000x128xf32, #tpu.memory_space<hbm>> -> memref<10000x128xf32, #tpu.memory_space<hbm>>
    tpu.enqueue_indirect_dma source(%dma_start3A_37 : memref<10000x128xf32, #tpu.memory_space<hbm>>) target(%arg13 : memref<80x128xf32, #tpu.memory_space<vmem>>) offsets(%arg7 : memref<80xi32, #tpu.memory_space<vmem>>) semaphore(%arg22 : memref<!tpu.dma_semaphore, #tpu.memory_space<semaphore_mem>>)
    %jit3A_38 = arith.constant 3 : i32
    %div3A = arith.divsi %select_n3A, %jit3A_38 : i32
    %sign3A = arith.constant 0 : i32
    %sign3A_39 = arith.cmpi sgt, %select_n3A, %sign3A : i32
    %sign3A_40 = arith.extui %sign3A_39 : i1 to i32
    %sign3A_41 = arith.constant 0 : i32
    %sign3A_42 = arith.cmpi slt, %select_n3A, %sign3A_41 : i32
    %sign3A_43 = arith.extui %sign3A_42 : i1 to i32
    %sign3A_44 = arith.subi %sign3A_40, %sign3A_43 : i32
    %sign3A_45 = arith.constant 0 : i32
    %sign3A_46 = arith.cmpi sgt, %jit3A_38, %sign3A_45 : i32
    %sign3A_47 = arith.extui %sign3A_46 : i1 to i32
    %sign3A_48 = arith.constant 0 : i32
    %sign3A_49 = arith.cmpi slt, %jit3A_38, %sign3A_48 : i32
    %sign3A_50 = arith.extui %sign3A_49 : i1 to i32
    %sign3A_51 = arith.subi %sign3A_47, %sign3A_50 : i32
    %ne3A = arith.cmpi ne, %sign3A_44, %sign3A_51 : i32
    %rem3A = arith.remsi %select_n3A, %jit3A_38 : i32
    %ne3A_52 = arith.constant 0 : i32
    %ne3A_53 = arith.cmpi ne, %rem3A, %ne3A_52 : i32
    %and3A = arith.andi %ne3A, %ne3A_53 : i1
    %sub3A = arith.constant 1 : i32
    %sub3A_54 = arith.subi %div3A, %sub3A : i32
    %select_n3A_55 = arith.select %and3A, %sub3A_54, %div3A : i32
    %sub3A_56 = arith.constant 0 : i32
    %sub3A_57 = arith.subi %select_n3A_55, %sub3A_56 : i32
    %sub3A_58 = arith.constant 1 : i32
    %sub3A_59 = arith.constant 1 : i32
    %sub3A_60 = arith.subi %sub3A_58, %sub3A_59 : i32
    %add3A_61 = arith.addi %sub3A_57, %sub3A_60 : i32
    %div3A_62 = arith.constant 1 : i32
    %div3A_63 = arith.divsi %add3A_61, %div3A_62 : i32
    %while3A = arith.constant 1 : i32
    %while3A_64 = arith.constant 0 : i32
    %while3A_65 = arith.constant 0 : i32
    %while3A_66 = arith.subi %div3A_63, %while3A_65 : i32
    %while3A_67 = arith.addi %while3A_65, %while3A_66 : i32
    %while3A_68 = arith.constant 1 : i32
    %while3A_69 = arith.divsi %while3A_66, %while3A_68 : i32
    %while3A_70 = arith.muli %while3A_69, %while3A_68 : i32
    %while3A_71 = arith.addi %while3A_65, %while3A_70 : i32
    %while3A_72 = arith.constant 1 : i32
    scf.for %while3A_81 = %while3A_65 to %while3A_71 step %while3A_72  : i32 {
      %mul3A_82 = arith.muli %while3A_81, %while3A : i32
      %add3A_83 = arith.addi %while3A_64, %mul3A_82 : i32
      %mul3A_84 = arith.constant 3 : i32
      %mul3A_85 = arith.muli %add3A_83, %mul3A_84 : i32
      %dma_wait3A_86 = arith.constant 0 : i32
      %dma_wait3A_87 = tpu.memref_slice %arg4[%dma_wait3A_86] : memref<322560xi32, #tpu.memory_space<hbm>> -> memref<80xi32, #tpu.memory_space<hbm>>
      %dma_wait3A_88 = arith.constant 0 : i32
      %dma_wait3A_89 = tpu.memref_slice %arg4[%dma_wait3A_88] : memref<322560xi32, #tpu.memory_space<hbm>> -> memref<80xi32, #tpu.memory_space<hbm>>
      tpu.wait_dma2 semaphore(%arg19 : memref<!tpu.dma_semaphore, #tpu.memory_space<semaphore_mem>>) src(%dma_wait3A_89 : memref<80xi32, #tpu.memory_space<hbm>>) dst(%arg10 : memref<80xi32, #tpu.memory_space<vmem>>)
      %dma_wait3A_90 = arith.constant 0 : i32
      %dma_wait3A_91 = arith.constant 0 : i32
      %dma_wait3A_92 = tpu.memref_slice %arg2[%dma_wait3A_90, %dma_wait3A_91] : memref<10000x128xf32, #tpu.memory_space<hbm>> -> memref<10000x128xf32, #tpu.memory_space<hbm>>
      tpu.wait_indirect_dma semaphore(%arg22 : memref<!tpu.dma_semaphore, #tpu.memory_space<semaphore_mem>>) src(%dma_wait3A_92 : memref<10000x128xf32, #tpu.memory_space<hbm>>) dst(%arg13 : memref<80x128xf32, #tpu.memory_space<vmem>>)
      %dma_start3A_93 = arith.constant 0 : i32
      %dma_start3A_94 = arith.constant 0 : i32
      %dma_start3A_95 = tpu.memref_slice %arg6[%dma_start3A_93, %dma_start3A_94] : memref<10240x128xf32, #tpu.memory_space<vmem_shared>> -> memref<10240x128xf32, #tpu.memory_space<vmem_shared>>
      tpu.enqueue_indirect_dma source(%arg13 : memref<80x128xf32, #tpu.memory_space<vmem>>) target(%dma_start3A_95 : memref<10240x128xf32, #tpu.memory_space<vmem_shared>>) offsets(%arg10 : memref<80xi32, #tpu.memory_space<vmem>>) semaphore(%arg25 : memref<!tpu.dma_semaphore, #tpu.memory_space<semaphore_mem>>) {add = true}
      %add3A_96 = arith.constant 1 : i32
      %add3A_97 = arith.addi %mul3A_85, %add3A_96 : i32
      %lt3A_98 = arith.cmpi slt, %add3A_97, %select_n3A : i32
      %convert_element_type3A_99 = arith.extui %lt3A_98 : i1 to i32
      %cond3A_100 = arith.constant 0 : i32
      %cond3A_101 = arith.cmpi ne, %convert_element_type3A_99, %cond3A_100 : i32
      scf.if %cond3A_101 {
        %dma_wait3A_170 = arith.constant 0 : i32
        %dma_wait3A_171 = tpu.memref_slice %arg3[%dma_wait3A_170] : memref<322560xi32, #tpu.memory_space<hbm>> -> memref<80xi32, #tpu.memory_space<hbm>>
        %dma_wait3A_172 = arith.constant 0 : i32
        %dma_wait3A_173 = tpu.memref_slice %arg3[%dma_wait3A_172] : memref<322560xi32, #tpu.memory_space<hbm>> -> memref<80xi32, #tpu.memory_space<hbm>>
        tpu.wait_dma2 semaphore(%arg17 : memref<!tpu.dma_semaphore, #tpu.memory_space<semaphore_mem>>) src(%dma_wait3A_173 : memref<80xi32, #tpu.memory_space<hbm>>) dst(%arg8 : memref<80xi32, #tpu.memory_space<vmem>>)
        %dma_start3A_174 = arith.constant 0 : i32
        %dma_start3A_175 = arith.constant 0 : i32
        %dma_start3A_176 = tpu.memref_slice %arg2[%dma_start3A_174, %dma_start3A_175] : memref<10000x128xf32, #tpu.memory_space<hbm>> -> memref<10000x128xf32, #tpu.memory_space<hbm>>
        tpu.enqueue_indirect_dma source(%dma_start3A_176 : memref<10000x128xf32, #tpu.memory_space<hbm>>) target(%arg14 : memref<80x128xf32, #tpu.memory_space<vmem>>) offsets(%arg8 : memref<80xi32, #tpu.memory_space<vmem>>) semaphore(%arg23 : memref<!tpu.dma_semaphore, #tpu.memory_space<semaphore_mem>>)
      } else {
      }
      %ge3A = arith.constant 1 : i32
      %ge3A_102 = arith.cmpi sge, %mul3A_85, %ge3A : i32
      %convert_element_type3A_103 = arith.extui %ge3A_102 : i1 to i32
      %cond3A_104 = arith.constant 0 : i32
      %cond3A_105 = arith.cmpi ne, %convert_element_type3A_103, %cond3A_104 : i32
      scf.if %cond3A_105 {
        %dma_wait3A_170 = arith.constant 0 : i32
        %dma_wait3A_171 = arith.constant 0 : i32
        %dma_wait3A_172 = tpu.memref_slice %arg6[%dma_wait3A_170, %dma_wait3A_171] : memref<10240x128xf32, #tpu.memory_space<vmem_shared>> -> memref<10240x128xf32, #tpu.memory_space<vmem_shared>>
        tpu.wait_indirect_dma semaphore(%arg27 : memref<!tpu.dma_semaphore, #tpu.memory_space<semaphore_mem>>) src(%arg15 : memref<80x128xf32, #tpu.memory_space<vmem>>) dst(%dma_wait3A_172 : memref<10240x128xf32, #tpu.memory_space<vmem_shared>>)
      } else {
      }
      %add3A_106 = arith.constant 2 : i32
      %add3A_107 = arith.addi %mul3A_85, %add3A_106 : i32
      %lt3A_108 = arith.cmpi slt, %add3A_107, %select_n3A : i32
      %convert_element_type3A_109 = arith.extui %lt3A_108 : i1 to i32
      %cond3A_110 = arith.constant 0 : i32
      %cond3A_111 = arith.cmpi ne, %convert_element_type3A_109, %cond3A_110 : i32
      scf.if %cond3A_111 {
        %add3A_170 = arith.constant 2 : i32
        %add3A_171 = arith.addi %mul3A_85, %add3A_170 : i32
        %mul3A_172 = arith.constant 80 : i32
        %mul3A_173 = arith.muli %add3A_171, %mul3A_172 : i32
        %add3A_174 = arith.addi %mul3A_4, %mul3A_173 : i32
        %multiple_of3A_175 = tpu.assume_multiple %add3A_174, 8 : i32
        %dma_start3A_176 = tpu.memref_slice %arg3[%multiple_of3A_175] : memref<322560xi32, #tpu.memory_space<hbm>> -> memref<80xi32, #tpu.memory_space<hbm>>
        %dma_start3A_177 = tpu.memref_slice %arg3[%multiple_of3A_175] : memref<322560xi32, #tpu.memory_space<hbm>> -> memref<80xi32, #tpu.memory_space<hbm>>
        tpu.enqueue_dma source(%dma_start3A_177 : memref<80xi32, #tpu.memory_space<hbm>>) target(%arg9 : memref<80xi32, #tpu.memory_space<vmem>>) target_semaphore(%arg18 : memref<!tpu.dma_semaphore, #tpu.memory_space<semaphore_mem>>)
        %mul3A_178 = arith.constant 80 : i32
        %mul3A_179 = arith.muli %add3A_171, %mul3A_178 : i32
        %add3A_180 = arith.addi %mul3A_4, %mul3A_179 : i32
        %multiple_of3A_181 = tpu.assume_multiple %add3A_180, 8 : i32
        %dma_start3A_182 = tpu.memref_slice %arg4[%multiple_of3A_181] : memref<322560xi32, #tpu.memory_space<hbm>> -> memref<80xi32, #tpu.memory_space<hbm>>
        %dma_start3A_183 = tpu.memref_slice %arg4[%multiple_of3A_181] : memref<322560xi32, #tpu.memory_space<hbm>> -> memref<80xi32, #tpu.memory_space<hbm>>
        tpu.enqueue_dma source(%dma_start3A_183 : memref<80xi32, #tpu.memory_space<hbm>>) target(%arg12 : memref<80xi32, #tpu.memory_space<vmem>>) target_semaphore(%arg21 : memref<!tpu.dma_semaphore, #tpu.memory_space<semaphore_mem>>)
      } else {
      }
      %add3A_112 = arith.constant 1 : i32
      %add3A_113 = arith.addi %mul3A_85, %add3A_112 : i32
      %dma_wait3A_114 = arith.constant 0 : i32
      %dma_wait3A_115 = tpu.memref_slice %arg4[%dma_wait3A_114] : memref<322560xi32, #tpu.memory_space<hbm>> -> memref<80xi32, #tpu.memory_space<hbm>>
      %dma_wait3A_116 = arith.constant 0 : i32
      %dma_wait3A_117 = tpu.memref_slice %arg4[%dma_wait3A_116] : memref<322560xi32, #tpu.memory_space<hbm>> -> memref<80xi32, #tpu.memory_space<hbm>>
      tpu.wait_dma2 semaphore(%arg20 : memref<!tpu.dma_semaphore, #tpu.memory_space<semaphore_mem>>) src(%dma_wait3A_117 : memref<80xi32, #tpu.memory_space<hbm>>) dst(%arg11 : memref<80xi32, #tpu.memory_space<vmem>>)
      %dma_wait3A_118 = arith.constant 0 : i32
      %dma_wait3A_119 = arith.constant 0 : i32
      %dma_wait3A_120 = tpu.memref_slice %arg2[%dma_wait3A_118, %dma_wait3A_119] : memref<10000x128xf32, #tpu.memory_space<hbm>> -> memref<10000x128xf32, #tpu.memory_space<hbm>>
      tpu.wait_indirect_dma semaphore(%arg23 : memref<!tpu.dma_semaphore, #tpu.memory_space<semaphore_mem>>) src(%dma_wait3A_120 : memref<10000x128xf32, #tpu.memory_space<hbm>>) dst(%arg14 : memref<80x128xf32, #tpu.memory_space<vmem>>)
      %dma_start3A_121 = arith.constant 0 : i32
      %dma_start3A_122 = arith.constant 0 : i32
      %dma_start3A_123 = tpu.memref_slice %arg6[%dma_start3A_121, %dma_start3A_122] : memref<10240x128xf32, #tpu.memory_space<vmem_shared>> -> memref<10240x128xf32, #tpu.memory_space<vmem_shared>>
      tpu.enqueue_indirect_dma source(%arg14 : memref<80x128xf32, #tpu.memory_space<vmem>>) target(%dma_start3A_123 : memref<10240x128xf32, #tpu.memory_space<vmem_shared>>) offsets(%arg11 : memref<80xi32, #tpu.memory_space<vmem>>) semaphore(%arg26 : memref<!tpu.dma_semaphore, #tpu.memory_space<semaphore_mem>>) {add = true}
      %add3A_124 = arith.constant 1 : i32
      %add3A_125 = arith.addi %add3A_113, %add3A_124 : i32
      %lt3A_126 = arith.cmpi slt, %add3A_125, %select_n3A : i32
      %convert_element_type3A_127 = arith.extui %lt3A_126 : i1 to i32
      %cond3A_128 = arith.constant 0 : i32
      %cond3A_129 = arith.cmpi ne, %convert_element_type3A_127, %cond3A_128 : i32
      scf.if %cond3A_129 {
        %dma_wait3A_170 = arith.constant 0 : i32
        %dma_wait3A_171 = tpu.memref_slice %arg3[%dma_wait3A_170] : memref<322560xi32, #tpu.memory_space<hbm>> -> memref<80xi32, #tpu.memory_space<hbm>>
        %dma_wait3A_172 = arith.constant 0 : i32
        %dma_wait3A_173 = tpu.memref_slice %arg3[%dma_wait3A_172] : memref<322560xi32, #tpu.memory_space<hbm>> -> memref<80xi32, #tpu.memory_space<hbm>>
        tpu.wait_dma2 semaphore(%arg18 : memref<!tpu.dma_semaphore, #tpu.memory_space<semaphore_mem>>) src(%dma_wait3A_173 : memref<80xi32, #tpu.memory_space<hbm>>) dst(%arg9 : memref<80xi32, #tpu.memory_space<vmem>>)
        %dma_start3A_174 = arith.constant 0 : i32
        %dma_start3A_175 = arith.constant 0 : i32
        %dma_start3A_176 = tpu.memref_slice %arg2[%dma_start3A_174, %dma_start3A_175] : memref<10000x128xf32, #tpu.memory_space<hbm>> -> memref<10000x128xf32, #tpu.memory_space<hbm>>
        tpu.enqueue_indirect_dma source(%dma_start3A_176 : memref<10000x128xf32, #tpu.memory_space<hbm>>) target(%arg15 : memref<80x128xf32, #tpu.memory_space<vmem>>) offsets(%arg9 : memref<80xi32, #tpu.memory_space<vmem>>) semaphore(%arg24 : memref<!tpu.dma_semaphore, #tpu.memory_space<semaphore_mem>>)
      } else {
      }
      %ge3A_130 = arith.constant 1 : i32
      %ge3A_131 = arith.cmpi sge, %add3A_113, %ge3A_130 : i32
      %convert_element_type3A_132 = arith.extui %ge3A_131 : i1 to i32
      %cond3A_133 = arith.constant 0 : i32
      %cond3A_134 = arith.cmpi ne, %convert_element_type3A_132, %cond3A_133 : i32
      scf.if %cond3A_134 {
        %dma_wait3A_170 = arith.constant 0 : i32
        %dma_wait3A_171 = arith.constant 0 : i32
        %dma_wait3A_172 = tpu.memref_slice %arg6[%dma_wait3A_170, %dma_wait3A_171] : memref<10240x128xf32, #tpu.memory_space<vmem_shared>> -> memref<10240x128xf32, #tpu.memory_space<vmem_shared>>
        tpu.wait_indirect_dma semaphore(%arg25 : memref<!tpu.dma_semaphore, #tpu.memory_space<semaphore_mem>>) src(%arg13 : memref<80x128xf32, #tpu.memory_space<vmem>>) dst(%dma_wait3A_172 : memref<10240x128xf32, #tpu.memory_space<vmem_shared>>)
      } else {
      }
      %add3A_135 = arith.constant 2 : i32
      %add3A_136 = arith.addi %add3A_113, %add3A_135 : i32
      %lt3A_137 = arith.cmpi slt, %add3A_136, %select_n3A : i32
      %convert_element_type3A_138 = arith.extui %lt3A_137 : i1 to i32
      %cond3A_139 = arith.constant 0 : i32
      %cond3A_140 = arith.cmpi ne, %convert_element_type3A_138, %cond3A_139 : i32
      scf.if %cond3A_140 {
        %add3A_170 = arith.constant 2 : i32
        %add3A_171 = arith.addi %add3A_113, %add3A_170 : i32
        %mul3A_172 = arith.constant 80 : i32
        %mul3A_173 = arith.muli %add3A_171, %mul3A_172 : i32
        %add3A_174 = arith.addi %mul3A_4, %mul3A_173 : i32
        %multiple_of3A_175 = tpu.assume_multiple %add3A_174, 8 : i32
        %dma_start3A_176 = tpu.memref_slice %arg3[%multiple_of3A_175] : memref<322560xi32, #tpu.memory_space<hbm>> -> memref<80xi32, #tpu.memory_space<hbm>>
        %dma_start3A_177 = tpu.memref_slice %arg3[%multiple_of3A_175] : memref<322560xi32, #tpu.memory_space<hbm>> -> memref<80xi32, #tpu.memory_space<hbm>>
        tpu.enqueue_dma source(%dma_start3A_177 : memref<80xi32, #tpu.memory_space<hbm>>) target(%arg7 : memref<80xi32, #tpu.memory_space<vmem>>) target_semaphore(%arg16 : memref<!tpu.dma_semaphore, #tpu.memory_space<semaphore_mem>>)
        %mul3A_178 = arith.constant 80 : i32
        %mul3A_179 = arith.muli %add3A_171, %mul3A_178 : i32
        %add3A_180 = arith.addi %mul3A_4, %mul3A_179 : i32
        %multiple_of3A_181 = tpu.assume_multiple %add3A_180, 8 : i32
        %dma_start3A_182 = tpu.memref_slice %arg4[%multiple_of3A_181] : memref<322560xi32, #tpu.memory_space<hbm>> -> memref<80xi32, #tpu.memory_space<hbm>>
        %dma_start3A_183 = tpu.memref_slice %arg4[%multiple_of3A_181] : memref<322560xi32, #tpu.memory_space<hbm>> -> memref<80xi32, #tpu.memory_space<hbm>>
        tpu.enqueue_dma source(%dma_start3A_183 : memref<80xi32, #tpu.memory_space<hbm>>) target(%arg10 : memref<80xi32, #tpu.memory_space<vmem>>) target_semaphore(%arg19 : memref<!tpu.dma_semaphore, #tpu.memory_space<semaphore_mem>>)
      } else {
      }
      %add3A_141 = arith.constant 2 : i32
      %add3A_142 = arith.addi %mul3A_85, %add3A_141 : i32
      %dma_wait3A_143 = arith.constant 0 : i32
      %dma_wait3A_144 = tpu.memref_slice %arg4[%dma_wait3A_143] : memref<322560xi32, #tpu.memory_space<hbm>> -> memref<80xi32, #tpu.memory_space<hbm>>
      %dma_wait3A_145 = arith.constant 0 : i32
      %dma_wait3A_146 = tpu.memref_slice %arg4[%dma_wait3A_145] : memref<322560xi32, #tpu.memory_space<hbm>> -> memref<80xi32, #tpu.memory_space<hbm>>
      tpu.wait_dma2 semaphore(%arg21 : memref<!tpu.dma_semaphore, #tpu.memory_space<semaphore_mem>>) src(%dma_wait3A_146 : memref<80xi32, #tpu.memory_space<hbm>>) dst(%arg12 : memref<80xi32, #tpu.memory_space<vmem>>)
      %dma_wait3A_147 = arith.constant 0 : i32
      %dma_wait3A_148 = arith.constant 0 : i32
      %dma_wait3A_149 = tpu.memref_slice %arg2[%dma_wait3A_147, %dma_wait3A_148] : memref<10000x128xf32, #tpu.memory_space<hbm>> -> memref<10000x128xf32, #tpu.memory_space<hbm>>
      tpu.wait_indirect_dma semaphore(%arg24 : memref<!tpu.dma_semaphore, #tpu.memory_space<semaphore_mem>>) src(%dma_wait3A_149 : memref<10000x128xf32, #tpu.memory_space<hbm>>) dst(%arg15 : memref<80x128xf32, #tpu.memory_space<vmem>>)
      %dma_start3A_150 = arith.constant 0 : i32
      %dma_start3A_151 = arith.constant 0 : i32
      %dma_start3A_152 = tpu.memref_slice %arg6[%dma_start3A_150, %dma_start3A_151] : memref<10240x128xf32, #tpu.memory_space<vmem_shared>> -> memref<10240x128xf32, #tpu.memory_space<vmem_shared>>
      tpu.enqueue_indirect_dma source(%arg15 : memref<80x128xf32, #tpu.memory_space<vmem>>) target(%dma_start3A_152 : memref<10240x128xf32, #tpu.memory_space<vmem_shared>>) offsets(%arg12 : memref<80xi32, #tpu.memory_space<vmem>>) semaphore(%arg27 : memref<!tpu.dma_semaphore, #tpu.memory_space<semaphore_mem>>) {add = true}
      %add3A_153 = arith.constant 1 : i32
      %add3A_154 = arith.addi %add3A_142, %add3A_153 : i32
      %lt3A_155 = arith.cmpi slt, %add3A_154, %select_n3A : i32
      %convert_element_type3A_156 = arith.extui %lt3A_155 : i1 to i32
      %cond3A_157 = arith.constant 0 : i32
      %cond3A_158 = arith.cmpi ne, %convert_element_type3A_156, %cond3A_157 : i32
      scf.if %cond3A_158 {
        %dma_wait3A_170 = arith.constant 0 : i32
        %dma_wait3A_171 = tpu.memref_slice %arg3[%dma_wait3A_170] : memref<322560xi32, #tpu.memory_space<hbm>> -> memref<80xi32, #tpu.memory_space<hbm>>
        %dma_wait3A_172 = arith.constant 0 : i32
        %dma_wait3A_173 = tpu.memref_slice %arg3[%dma_wait3A_172] : memref<322560xi32, #tpu.memory_space<hbm>> -> memref<80xi32, #tpu.memory_space<hbm>>
        tpu.wait_dma2 semaphore(%arg16 : memref<!tpu.dma_semaphore, #tpu.memory_space<semaphore_mem>>) src(%dma_wait3A_173 : memref<80xi32, #tpu.memory_space<hbm>>) dst(%arg7 : memref<80xi32, #tpu.memory_space<vmem>>)
        %dma_start3A_174 = arith.constant 0 : i32
        %dma_start3A_175 = arith.constant 0 : i32
        %dma_start3A_176 = tpu.memref_slice %arg2[%dma_start3A_174, %dma_start3A_175] : memref<10000x128xf32, #tpu.memory_space<hbm>> -> memref<10000x128xf32, #tpu.memory_space<hbm>>
        tpu.enqueue_indirect_dma source(%dma_start3A_176 : memref<10000x128xf32, #tpu.memory_space<hbm>>) target(%arg13 : memref<80x128xf32, #tpu.memory_space<vmem>>) offsets(%arg7 : memref<80xi32, #tpu.memory_space<vmem>>) semaphore(%arg22 : memref<!tpu.dma_semaphore, #tpu.memory_space<semaphore_mem>>)
      } else {
      }
      %ge3A_159 = arith.constant 1 : i32
      %ge3A_160 = arith.cmpi sge, %add3A_142, %ge3A_159 : i32
      %convert_element_type3A_161 = arith.extui %ge3A_160 : i1 to i32
      %cond3A_162 = arith.constant 0 : i32
      %cond3A_163 = arith.cmpi ne, %convert_element_type3A_161, %cond3A_162 : i32
      scf.if %cond3A_163 {
        %dma_wait3A_170 = arith.constant 0 : i32
        %dma_wait3A_171 = arith.constant 0 : i32
        %dma_wait3A_172 = tpu.memref_slice %arg6[%dma_wait3A_170, %dma_wait3A_171] : memref<10240x128xf32, #tpu.memory_space<vmem_shared>> -> memref<10240x128xf32, #tpu.memory_space<vmem_shared>>
        tpu.wait_indirect_dma semaphore(%arg26 : memref<!tpu.dma_semaphore, #tpu.memory_space<semaphore_mem>>) src(%arg14 : memref<80x128xf32, #tpu.memory_space<vmem>>) dst(%dma_wait3A_172 : memref<10240x128xf32, #tpu.memory_space<vmem_shared>>)
      } else {
      }
      %add3A_164 = arith.constant 2 : i32
      %add3A_165 = arith.addi %add3A_142, %add3A_164 : i32
      %lt3A_166 = arith.cmpi slt, %add3A_165, %select_n3A : i32
      %convert_element_type3A_167 = arith.extui %lt3A_166 : i1 to i32
      %cond3A_168 = arith.constant 0 : i32
      %cond3A_169 = arith.cmpi ne, %convert_element_type3A_167, %cond3A_168 : i32
      scf.if %cond3A_169 {
        %add3A_170 = arith.constant 2 : i32
        %add3A_171 = arith.addi %add3A_142, %add3A_170 : i32
        %mul3A_172 = arith.constant 80 : i32
        %mul3A_173 = arith.muli %add3A_171, %mul3A_172 : i32
        %add3A_174 = arith.addi %mul3A_4, %mul3A_173 : i32
        %multiple_of3A_175 = tpu.assume_multiple %add3A_174, 8 : i32
        %dma_start3A_176 = tpu.memref_slice %arg3[%multiple_of3A_175] : memref<322560xi32, #tpu.memory_space<hbm>> -> memref<80xi32, #tpu.memory_space<hbm>>
        %dma_start3A_177 = tpu.memref_slice %arg3[%multiple_of3A_175] : memref<322560xi32, #tpu.memory_space<hbm>> -> memref<80xi32, #tpu.memory_space<hbm>>
        tpu.enqueue_dma source(%dma_start3A_177 : memref<80xi32, #tpu.memory_space<hbm>>) target(%arg8 : memref<80xi32, #tpu.memory_space<vmem>>) target_semaphore(%arg17 : memref<!tpu.dma_semaphore, #tpu.memory_space<semaphore_mem>>)
        %mul3A_178 = arith.constant 80 : i32
        %mul3A_179 = arith.muli %add3A_171, %mul3A_178 : i32
        %add3A_180 = arith.addi %mul3A_4, %mul3A_179 : i32
        %multiple_of3A_181 = tpu.assume_multiple %add3A_180, 8 : i32
        %dma_start3A_182 = tpu.memref_slice %arg4[%multiple_of3A_181] : memref<322560xi32, #tpu.memory_space<hbm>> -> memref<80xi32, #tpu.memory_space<hbm>>
        %dma_start3A_183 = tpu.memref_slice %arg4[%multiple_of3A_181] : memref<322560xi32, #tpu.memory_space<hbm>> -> memref<80xi32, #tpu.memory_space<hbm>>
        tpu.enqueue_dma source(%dma_start3A_183 : memref<80xi32, #tpu.memory_space<hbm>>) target(%arg11 : memref<80xi32, #tpu.memory_space<vmem>>) target_semaphore(%arg20 : memref<!tpu.dma_semaphore, #tpu.memory_space<semaphore_mem>>)
      } else {
      }
    }
    %while3A_73 = arith.constant 1 : i32
    scf.for %while3A_81 = %while3A_71 to %while3A_67 step %while3A_73  : i32 {
      %mul3A_82 = arith.muli %while3A_81, %while3A : i32
      %add3A_83 = arith.addi %while3A_64, %mul3A_82 : i32
      %mul3A_84 = arith.constant 3 : i32
      %mul3A_85 = arith.muli %add3A_83, %mul3A_84 : i32
      %dma_wait3A_86 = arith.constant 0 : i32
      %dma_wait3A_87 = tpu.memref_slice %arg4[%dma_wait3A_86] : memref<322560xi32, #tpu.memory_space<hbm>> -> memref<80xi32, #tpu.memory_space<hbm>>
      %dma_wait3A_88 = arith.constant 0 : i32
      %dma_wait3A_89 = tpu.memref_slice %arg4[%dma_wait3A_88] : memref<322560xi32, #tpu.memory_space<hbm>> -> memref<80xi32, #tpu.memory_space<hbm>>
      tpu.wait_dma2 semaphore(%arg19 : memref<!tpu.dma_semaphore, #tpu.memory_space<semaphore_mem>>) src(%dma_wait3A_89 : memref<80xi32, #tpu.memory_space<hbm>>) dst(%arg10 : memref<80xi32, #tpu.memory_space<vmem>>)
      %dma_wait3A_90 = arith.constant 0 : i32
      %dma_wait3A_91 = arith.constant 0 : i32
      %dma_wait3A_92 = tpu.memref_slice %arg2[%dma_wait3A_90, %dma_wait3A_91] : memref<10000x128xf32, #tpu.memory_space<hbm>> -> memref<10000x128xf32, #tpu.memory_space<hbm>>
      tpu.wait_indirect_dma semaphore(%arg22 : memref<!tpu.dma_semaphore, #tpu.memory_space<semaphore_mem>>) src(%dma_wait3A_92 : memref<10000x128xf32, #tpu.memory_space<hbm>>) dst(%arg13 : memref<80x128xf32, #tpu.memory_space<vmem>>)
      %dma_start3A_93 = arith.constant 0 : i32
      %dma_start3A_94 = arith.constant 0 : i32
      %dma_start3A_95 = tpu.memref_slice %arg6[%dma_start3A_93, %dma_start3A_94] : memref<10240x128xf32, #tpu.memory_space<vmem_shared>> -> memref<10240x128xf32, #tpu.memory_space<vmem_shared>>
      tpu.enqueue_indirect_dma source(%arg13 : memref<80x128xf32, #tpu.memory_space<vmem>>) target(%dma_start3A_95 : memref<10240x128xf32, #tpu.memory_space<vmem_shared>>) offsets(%arg10 : memref<80xi32, #tpu.memory_space<vmem>>) semaphore(%arg25 : memref<!tpu.dma_semaphore, #tpu.memory_space<semaphore_mem>>) {add = true}
      %add3A_96 = arith.constant 1 : i32
      %add3A_97 = arith.addi %mul3A_85, %add3A_96 : i32
      %lt3A_98 = arith.cmpi slt, %add3A_97, %select_n3A : i32
      %convert_element_type3A_99 = arith.extui %lt3A_98 : i1 to i32
      %cond3A_100 = arith.constant 0 : i32
      %cond3A_101 = arith.cmpi ne, %convert_element_type3A_99, %cond3A_100 : i32
      scf.if %cond3A_101 {
        %dma_wait3A_170 = arith.constant 0 : i32
        %dma_wait3A_171 = tpu.memref_slice %arg3[%dma_wait3A_170] : memref<322560xi32, #tpu.memory_space<hbm>> -> memref<80xi32, #tpu.memory_space<hbm>>
        %dma_wait3A_172 = arith.constant 0 : i32
        %dma_wait3A_173 = tpu.memref_slice %arg3[%dma_wait3A_172] : memref<322560xi32, #tpu.memory_space<hbm>> -> memref<80xi32, #tpu.memory_space<hbm>>
        tpu.wait_dma2 semaphore(%arg17 : memref<!tpu.dma_semaphore, #tpu.memory_space<semaphore_mem>>) src(%dma_wait3A_173 : memref<80xi32, #tpu.memory_space<hbm>>) dst(%arg8 : memref<80xi32, #tpu.memory_space<vmem>>)
        %dma_start3A_174 = arith.constant 0 : i32
        %dma_start3A_175 = arith.constant 0 : i32
        %dma_start3A_176 = tpu.memref_slice %arg2[%dma_start3A_174, %dma_start3A_175] : memref<10000x128xf32, #tpu.memory_space<hbm>> -> memref<10000x128xf32, #tpu.memory_space<hbm>>
        tpu.enqueue_indirect_dma source(%dma_start3A_176 : memref<10000x128xf32, #tpu.memory_space<hbm>>) target(%arg14 : memref<80x128xf32, #tpu.memory_space<vmem>>) offsets(%arg8 : memref<80xi32, #tpu.memory_space<vmem>>) semaphore(%arg23 : memref<!tpu.dma_semaphore, #tpu.memory_space<semaphore_mem>>)
      } else {
      }
      %ge3A = arith.constant 1 : i32
      %ge3A_102 = arith.cmpi sge, %mul3A_85, %ge3A : i32
      %convert_element_type3A_103 = arith.extui %ge3A_102 : i1 to i32
      %cond3A_104 = arith.constant 0 : i32
      %cond3A_105 = arith.cmpi ne, %convert_element_type3A_103, %cond3A_104 : i32
      scf.if %cond3A_105 {
        %dma_wait3A_170 = arith.constant 0 : i32
        %dma_wait3A_171 = arith.constant 0 : i32
        %dma_wait3A_172 = tpu.memref_slice %arg6[%dma_wait3A_170, %dma_wait3A_171] : memref<10240x128xf32, #tpu.memory_space<vmem_shared>> -> memref<10240x128xf32, #tpu.memory_space<vmem_shared>>
        tpu.wait_indirect_dma semaphore(%arg27 : memref<!tpu.dma_semaphore, #tpu.memory_space<semaphore_mem>>) src(%arg15 : memref<80x128xf32, #tpu.memory_space<vmem>>) dst(%dma_wait3A_172 : memref<10240x128xf32, #tpu.memory_space<vmem_shared>>)
      } else {
      }
      %add3A_106 = arith.constant 2 : i32
      %add3A_107 = arith.addi %mul3A_85, %add3A_106 : i32
      %lt3A_108 = arith.cmpi slt, %add3A_107, %select_n3A : i32
      %convert_element_type3A_109 = arith.extui %lt3A_108 : i1 to i32
      %cond3A_110 = arith.constant 0 : i32
      %cond3A_111 = arith.cmpi ne, %convert_element_type3A_109, %cond3A_110 : i32
      scf.if %cond3A_111 {
        %add3A_170 = arith.constant 2 : i32
        %add3A_171 = arith.addi %mul3A_85, %add3A_170 : i32
        %mul3A_172 = arith.constant 80 : i32
        %mul3A_173 = arith.muli %add3A_171, %mul3A_172 : i32
        %add3A_174 = arith.addi %mul3A_4, %mul3A_173 : i32
        %multiple_of3A_175 = tpu.assume_multiple %add3A_174, 8 : i32
        %dma_start3A_176 = tpu.memref_slice %arg3[%multiple_of3A_175] : memref<322560xi32, #tpu.memory_space<hbm>> -> memref<80xi32, #tpu.memory_space<hbm>>
        %dma_start3A_177 = tpu.memref_slice %arg3[%multiple_of3A_175] : memref<322560xi32, #tpu.memory_space<hbm>> -> memref<80xi32, #tpu.memory_space<hbm>>
        tpu.enqueue_dma source(%dma_start3A_177 : memref<80xi32, #tpu.memory_space<hbm>>) target(%arg9 : memref<80xi32, #tpu.memory_space<vmem>>) target_semaphore(%arg18 : memref<!tpu.dma_semaphore, #tpu.memory_space<semaphore_mem>>)
        %mul3A_178 = arith.constant 80 : i32
        %mul3A_179 = arith.muli %add3A_171, %mul3A_178 : i32
        %add3A_180 = arith.addi %mul3A_4, %mul3A_179 : i32
        %multiple_of3A_181 = tpu.assume_multiple %add3A_180, 8 : i32
        %dma_start3A_182 = tpu.memref_slice %arg4[%multiple_of3A_181] : memref<322560xi32, #tpu.memory_space<hbm>> -> memref<80xi32, #tpu.memory_space<hbm>>
        %dma_start3A_183 = tpu.memref_slice %arg4[%multiple_of3A_181] : memref<322560xi32, #tpu.memory_space<hbm>> -> memref<80xi32, #tpu.memory_space<hbm>>
        tpu.enqueue_dma source(%dma_start3A_183 : memref<80xi32, #tpu.memory_space<hbm>>) target(%arg12 : memref<80xi32, #tpu.memory_space<vmem>>) target_semaphore(%arg21 : memref<!tpu.dma_semaphore, #tpu.memory_space<semaphore_mem>>)
      } else {
      }
      %add3A_112 = arith.constant 1 : i32
      %add3A_113 = arith.addi %mul3A_85, %add3A_112 : i32
      %dma_wait3A_114 = arith.constant 0 : i32
      %dma_wait3A_115 = tpu.memref_slice %arg4[%dma_wait3A_114] : memref<322560xi32, #tpu.memory_space<hbm>> -> memref<80xi32, #tpu.memory_space<hbm>>
      %dma_wait3A_116 = arith.constant 0 : i32
      %dma_wait3A_117 = tpu.memref_slice %arg4[%dma_wait3A_116] : memref<322560xi32, #tpu.memory_space<hbm>> -> memref<80xi32, #tpu.memory_space<hbm>>
      tpu.wait_dma2 semaphore(%arg20 : memref<!tpu.dma_semaphore, #tpu.memory_space<semaphore_mem>>) src(%dma_wait3A_117 : memref<80xi32, #tpu.memory_space<hbm>>) dst(%arg11 : memref<80xi32, #tpu.memory_space<vmem>>)
      %dma_wait3A_118 = arith.constant 0 : i32
      %dma_wait3A_119 = arith.constant 0 : i32
      %dma_wait3A_120 = tpu.memref_slice %arg2[%dma_wait3A_118, %dma_wait3A_119] : memref<10000x128xf32, #tpu.memory_space<hbm>> -> memref<10000x128xf32, #tpu.memory_space<hbm>>
      tpu.wait_indirect_dma semaphore(%arg23 : memref<!tpu.dma_semaphore, #tpu.memory_space<semaphore_mem>>) src(%dma_wait3A_120 : memref<10000x128xf32, #tpu.memory_space<hbm>>) dst(%arg14 : memref<80x128xf32, #tpu.memory_space<vmem>>)
      %dma_start3A_121 = arith.constant 0 : i32
      %dma_start3A_122 = arith.constant 0 : i32
      %dma_start3A_123 = tpu.memref_slice %arg6[%dma_start3A_121, %dma_start3A_122] : memref<10240x128xf32, #tpu.memory_space<vmem_shared>> -> memref<10240x128xf32, #tpu.memory_space<vmem_shared>>
      tpu.enqueue_indirect_dma source(%arg14 : memref<80x128xf32, #tpu.memory_space<vmem>>) target(%dma_start3A_123 : memref<10240x128xf32, #tpu.memory_space<vmem_shared>>) offsets(%arg11 : memref<80xi32, #tpu.memory_space<vmem>>) semaphore(%arg26 : memref<!tpu.dma_semaphore, #tpu.memory_space<semaphore_mem>>) {add = true}
      %add3A_124 = arith.constant 1 : i32
      %add3A_125 = arith.addi %add3A_113, %add3A_124 : i32
      %lt3A_126 = arith.cmpi slt, %add3A_125, %select_n3A : i32
      %convert_element_type3A_127 = arith.extui %lt3A_126 : i1 to i32
      %cond3A_128 = arith.constant 0 : i32
      %cond3A_129 = arith.cmpi ne, %convert_element_type3A_127, %cond3A_128 : i32
      scf.if %cond3A_129 {
        %dma_wait3A_170 = arith.constant 0 : i32
        %dma_wait3A_171 = tpu.memref_slice %arg3[%dma_wait3A_170] : memref<322560xi32, #tpu.memory_space<hbm>> -> memref<80xi32, #tpu.memory_space<hbm>>
        %dma_wait3A_172 = arith.constant 0 : i32
        %dma_wait3A_173 = tpu.memref_slice %arg3[%dma_wait3A_172] : memref<322560xi32, #tpu.memory_space<hbm>> -> memref<80xi32, #tpu.memory_space<hbm>>
        tpu.wait_dma2 semaphore(%arg18 : memref<!tpu.dma_semaphore, #tpu.memory_space<semaphore_mem>>) src(%dma_wait3A_173 : memref<80xi32, #tpu.memory_space<hbm>>) dst(%arg9 : memref<80xi32, #tpu.memory_space<vmem>>)
        %dma_start3A_174 = arith.constant 0 : i32
        %dma_start3A_175 = arith.constant 0 : i32
        %dma_start3A_176 = tpu.memref_slice %arg2[%dma_start3A_174, %dma_start3A_175] : memref<10000x128xf32, #tpu.memory_space<hbm>> -> memref<10000x128xf32, #tpu.memory_space<hbm>>
        tpu.enqueue_indirect_dma source(%dma_start3A_176 : memref<10000x128xf32, #tpu.memory_space<hbm>>) target(%arg15 : memref<80x128xf32, #tpu.memory_space<vmem>>) offsets(%arg9 : memref<80xi32, #tpu.memory_space<vmem>>) semaphore(%arg24 : memref<!tpu.dma_semaphore, #tpu.memory_space<semaphore_mem>>)
      } else {
      }
      %ge3A_130 = arith.constant 1 : i32
      %ge3A_131 = arith.cmpi sge, %add3A_113, %ge3A_130 : i32
      %convert_element_type3A_132 = arith.extui %ge3A_131 : i1 to i32
      %cond3A_133 = arith.constant 0 : i32
      %cond3A_134 = arith.cmpi ne, %convert_element_type3A_132, %cond3A_133 : i32
      scf.if %cond3A_134 {
        %dma_wait3A_170 = arith.constant 0 : i32
        %dma_wait3A_171 = arith.constant 0 : i32
        %dma_wait3A_172 = tpu.memref_slice %arg6[%dma_wait3A_170, %dma_wait3A_171] : memref<10240x128xf32, #tpu.memory_space<vmem_shared>> -> memref<10240x128xf32, #tpu.memory_space<vmem_shared>>
        tpu.wait_indirect_dma semaphore(%arg25 : memref<!tpu.dma_semaphore, #tpu.memory_space<semaphore_mem>>) src(%arg13 : memref<80x128xf32, #tpu.memory_space<vmem>>) dst(%dma_wait3A_172 : memref<10240x128xf32, #tpu.memory_space<vmem_shared>>)
      } else {
      }
      %add3A_135 = arith.constant 2 : i32
      %add3A_136 = arith.addi %add3A_113, %add3A_135 : i32
      %lt3A_137 = arith.cmpi slt, %add3A_136, %select_n3A : i32
      %convert_element_type3A_138 = arith.extui %lt3A_137 : i1 to i32
      %cond3A_139 = arith.constant 0 : i32
      %cond3A_140 = arith.cmpi ne, %convert_element_type3A_138, %cond3A_139 : i32
      scf.if %cond3A_140 {
        %add3A_170 = arith.constant 2 : i32
        %add3A_171 = arith.addi %add3A_113, %add3A_170 : i32
        %mul3A_172 = arith.constant 80 : i32
        %mul3A_173 = arith.muli %add3A_171, %mul3A_172 : i32
        %add3A_174 = arith.addi %mul3A_4, %mul3A_173 : i32
        %multiple_of3A_175 = tpu.assume_multiple %add3A_174, 8 : i32
        %dma_start3A_176 = tpu.memref_slice %arg3[%multiple_of3A_175] : memref<322560xi32, #tpu.memory_space<hbm>> -> memref<80xi32, #tpu.memory_space<hbm>>
        %dma_start3A_177 = tpu.memref_slice %arg3[%multiple_of3A_175] : memref<322560xi32, #tpu.memory_space<hbm>> -> memref<80xi32, #tpu.memory_space<hbm>>
        tpu.enqueue_dma source(%dma_start3A_177 : memref<80xi32, #tpu.memory_space<hbm>>) target(%arg7 : memref<80xi32, #tpu.memory_space<vmem>>) target_semaphore(%arg16 : memref<!tpu.dma_semaphore, #tpu.memory_space<semaphore_mem>>)
        %mul3A_178 = arith.constant 80 : i32
        %mul3A_179 = arith.muli %add3A_171, %mul3A_178 : i32
        %add3A_180 = arith.addi %mul3A_4, %mul3A_179 : i32
        %multiple_of3A_181 = tpu.assume_multiple %add3A_180, 8 : i32
        %dma_start3A_182 = tpu.memref_slice %arg4[%multiple_of3A_181] : memref<322560xi32, #tpu.memory_space<hbm>> -> memref<80xi32, #tpu.memory_space<hbm>>
        %dma_start3A_183 = tpu.memref_slice %arg4[%multiple_of3A_181] : memref<322560xi32, #tpu.memory_space<hbm>> -> memref<80xi32, #tpu.memory_space<hbm>>
        tpu.enqueue_dma source(%dma_start3A_183 : memref<80xi32, #tpu.memory_space<hbm>>) target(%arg10 : memref<80xi32, #tpu.memory_space<vmem>>) target_semaphore(%arg19 : memref<!tpu.dma_semaphore, #tpu.memory_space<semaphore_mem>>)
      } else {
      }
      %add3A_141 = arith.constant 2 : i32
      %add3A_142 = arith.addi %mul3A_85, %add3A_141 : i32
      %dma_wait3A_143 = arith.constant 0 : i32
      %dma_wait3A_144 = tpu.memref_slice %arg4[%dma_wait3A_143] : memref<322560xi32, #tpu.memory_space<hbm>> -> memref<80xi32, #tpu.memory_space<hbm>>
      %dma_wait3A_145 = arith.constant 0 : i32
      %dma_wait3A_146 = tpu.memref_slice %arg4[%dma_wait3A_145] : memref<322560xi32, #tpu.memory_space<hbm>> -> memref<80xi32, #tpu.memory_space<hbm>>
      tpu.wait_dma2 semaphore(%arg21 : memref<!tpu.dma_semaphore, #tpu.memory_space<semaphore_mem>>) src(%dma_wait3A_146 : memref<80xi32, #tpu.memory_space<hbm>>) dst(%arg12 : memref<80xi32, #tpu.memory_space<vmem>>)
      %dma_wait3A_147 = arith.constant 0 : i32
      %dma_wait3A_148 = arith.constant 0 : i32
      %dma_wait3A_149 = tpu.memref_slice %arg2[%dma_wait3A_147, %dma_wait3A_148] : memref<10000x128xf32, #tpu.memory_space<hbm>> -> memref<10000x128xf32, #tpu.memory_space<hbm>>
      tpu.wait_indirect_dma semaphore(%arg24 : memref<!tpu.dma_semaphore, #tpu.memory_space<semaphore_mem>>) src(%dma_wait3A_149 : memref<10000x128xf32, #tpu.memory_space<hbm>>) dst(%arg15 : memref<80x128xf32, #tpu.memory_space<vmem>>)
      %dma_start3A_150 = arith.constant 0 : i32
      %dma_start3A_151 = arith.constant 0 : i32
      %dma_start3A_152 = tpu.memref_slice %arg6[%dma_start3A_150, %dma_start3A_151] : memref<10240x128xf32, #tpu.memory_space<vmem_shared>> -> memref<10240x128xf32, #tpu.memory_space<vmem_shared>>
      tpu.enqueue_indirect_dma source(%arg15 : memref<80x128xf32, #tpu.memory_space<vmem>>) target(%dma_start3A_152 : memref<10240x128xf32, #tpu.memory_space<vmem_shared>>) offsets(%arg12 : memref<80xi32, #tpu.memory_space<vmem>>) semaphore(%arg27 : memref<!tpu.dma_semaphore, #tpu.memory_space<semaphore_mem>>) {add = true}
      %add3A_153 = arith.constant 1 : i32
      %add3A_154 = arith.addi %add3A_142, %add3A_153 : i32
      %lt3A_155 = arith.cmpi slt, %add3A_154, %select_n3A : i32
      %convert_element_type3A_156 = arith.extui %lt3A_155 : i1 to i32
      %cond3A_157 = arith.constant 0 : i32
      %cond3A_158 = arith.cmpi ne, %convert_element_type3A_156, %cond3A_157 : i32
      scf.if %cond3A_158 {
        %dma_wait3A_170 = arith.constant 0 : i32
        %dma_wait3A_171 = tpu.memref_slice %arg3[%dma_wait3A_170] : memref<322560xi32, #tpu.memory_space<hbm>> -> memref<80xi32, #tpu.memory_space<hbm>>
        %dma_wait3A_172 = arith.constant 0 : i32
        %dma_wait3A_173 = tpu.memref_slice %arg3[%dma_wait3A_172] : memref<322560xi32, #tpu.memory_space<hbm>> -> memref<80xi32, #tpu.memory_space<hbm>>
        tpu.wait_dma2 semaphore(%arg16 : memref<!tpu.dma_semaphore, #tpu.memory_space<semaphore_mem>>) src(%dma_wait3A_173 : memref<80xi32, #tpu.memory_space<hbm>>) dst(%arg7 : memref<80xi32, #tpu.memory_space<vmem>>)
        %dma_start3A_174 = arith.constant 0 : i32
        %dma_start3A_175 = arith.constant 0 : i32
        %dma_start3A_176 = tpu.memref_slice %arg2[%dma_start3A_174, %dma_start3A_175] : memref<10000x128xf32, #tpu.memory_space<hbm>> -> memref<10000x128xf32, #tpu.memory_space<hbm>>
        tpu.enqueue_indirect_dma source(%dma_start3A_176 : memref<10000x128xf32, #tpu.memory_space<hbm>>) target(%arg13 : memref<80x128xf32, #tpu.memory_space<vmem>>) offsets(%arg7 : memref<80xi32, #tpu.memory_space<vmem>>) semaphore(%arg22 : memref<!tpu.dma_semaphore, #tpu.memory_space<semaphore_mem>>)
      } else {
      }
      %ge3A_159 = arith.constant 1 : i32
      %ge3A_160 = arith.cmpi sge, %add3A_142, %ge3A_159 : i32
      %convert_element_type3A_161 = arith.extui %ge3A_160 : i1 to i32
      %cond3A_162 = arith.constant 0 : i32
      %cond3A_163 = arith.cmpi ne, %convert_element_type3A_161, %cond3A_162 : i32
      scf.if %cond3A_163 {
        %dma_wait3A_170 = arith.constant 0 : i32
        %dma_wait3A_171 = arith.constant 0 : i32
        %dma_wait3A_172 = tpu.memref_slice %arg6[%dma_wait3A_170, %dma_wait3A_171] : memref<10240x128xf32, #tpu.memory_space<vmem_shared>> -> memref<10240x128xf32, #tpu.memory_space<vmem_shared>>
        tpu.wait_indirect_dma semaphore(%arg26 : memref<!tpu.dma_semaphore, #tpu.memory_space<semaphore_mem>>) src(%arg14 : memref<80x128xf32, #tpu.memory_space<vmem>>) dst(%dma_wait3A_172 : memref<10240x128xf32, #tpu.memory_space<vmem_shared>>)
      } else {
      }
      %add3A_164 = arith.constant 2 : i32
      %add3A_165 = arith.addi %add3A_142, %add3A_164 : i32
      %lt3A_166 = arith.cmpi slt, %add3A_165, %select_n3A : i32
      %convert_element_type3A_167 = arith.extui %lt3A_166 : i1 to i32
      %cond3A_168 = arith.constant 0 : i32
      %cond3A_169 = arith.cmpi ne, %convert_element_type3A_167, %cond3A_168 : i32
      scf.if %cond3A_169 {
        %add3A_170 = arith.constant 2 : i32
        %add3A_171 = arith.addi %add3A_142, %add3A_170 : i32
        %mul3A_172 = arith.constant 80 : i32
        %mul3A_173 = arith.muli %add3A_171, %mul3A_172 : i32
        %add3A_174 = arith.addi %mul3A_4, %mul3A_173 : i32
        %multiple_of3A_175 = tpu.assume_multiple %add3A_174, 8 : i32
        %dma_start3A_176 = tpu.memref_slice %arg3[%multiple_of3A_175] : memref<322560xi32, #tpu.memory_space<hbm>> -> memref<80xi32, #tpu.memory_space<hbm>>
        %dma_start3A_177 = tpu.memref_slice %arg3[%multiple_of3A_175] : memref<322560xi32, #tpu.memory_space<hbm>> -> memref<80xi32, #tpu.memory_space<hbm>>
        tpu.enqueue_dma source(%dma_start3A_177 : memref<80xi32, #tpu.memory_space<hbm>>) target(%arg8 : memref<80xi32, #tpu.memory_space<vmem>>) target_semaphore(%arg17 : memref<!tpu.dma_semaphore, #tpu.memory_space<semaphore_mem>>)
        %mul3A_178 = arith.constant 80 : i32
        %mul3A_179 = arith.muli %add3A_171, %mul3A_178 : i32
        %add3A_180 = arith.addi %mul3A_4, %mul3A_179 : i32
        %multiple_of3A_181 = tpu.assume_multiple %add3A_180, 8 : i32
        %dma_start3A_182 = tpu.memref_slice %arg4[%multiple_of3A_181] : memref<322560xi32, #tpu.memory_space<hbm>> -> memref<80xi32, #tpu.memory_space<hbm>>
        %dma_start3A_183 = tpu.memref_slice %arg4[%multiple_of3A_181] : memref<322560xi32, #tpu.memory_space<hbm>> -> memref<80xi32, #tpu.memory_space<hbm>>
        tpu.enqueue_dma source(%dma_start3A_183 : memref<80xi32, #tpu.memory_space<hbm>>) target(%arg11 : memref<80xi32, #tpu.memory_space<vmem>>) target_semaphore(%arg20 : memref<!tpu.dma_semaphore, #tpu.memory_space<semaphore_mem>>)
      } else {
      }
    }
    %dma_wait3A_74 = arith.constant 0 : i32
    %dma_wait3A_75 = arith.constant 0 : i32
    %dma_wait3A_76 = tpu.memref_slice %arg6[%dma_wait3A_74, %dma_wait3A_75] : memref<10240x128xf32, #tpu.memory_space<vmem_shared>> -> memref<10240x128xf32, #tpu.memory_space<vmem_shared>>
    tpu.wait_indirect_dma semaphore(%arg27 : memref<!tpu.dma_semaphore, #tpu.memory_space<semaphore_mem>>) src(%arg15 : memref<80x128xf32, #tpu.memory_space<vmem>>) dst(%dma_wait3A_76 : memref<10240x128xf32, #tpu.memory_space<vmem_shared>>)
    %barrier3A_77 = arith.constant 0 : index
    tpu.barrier barrier_id(%barrier3A_77)
    %mul3A_78 = arith.constant 640 : i32
    %mul3A_79 = arith.muli %arg1, %mul3A_78 : i32
    %multiple_of3A_80 = tpu.assume_multiple %mul3A_79, 8 : i32
    "tpu.region"() ({
      %run_scoped3A = tpu.sem_alloc : memref<!tpu.dma_semaphore, #tpu.memory_space<semaphore_mem>>
      %dma_start3A_81 = arith.constant 0 : i32
      %dma_start3A_82 = tpu.memref_slice %arg5[%arg0, %multiple_of3A_80, %dma_start3A_81] : memref<2x10240x128xf32, #tpu.memory_space<hbm>> -> memref<1x640x128xf32, #tpu.memory_space<hbm>>
      %dma_start3A_83 = tpu.memref_squeeze %dma_start3A_82 : memref<1x640x128xf32, #tpu.memory_space<hbm>> -> memref<640x128xf32, #tpu.memory_space<hbm>>
      %dma_start3A_84 = arith.constant 0 : i32
      %dma_start3A_85 = tpu.memref_slice %arg6[%multiple_of3A_80, %dma_start3A_84] : memref<10240x128xf32, #tpu.memory_space<vmem_shared>> -> memref<640x128xf32, #tpu.memory_space<vmem_shared>>
      tpu.enqueue_dma source(%dma_start3A_85 : memref<640x128xf32, #tpu.memory_space<vmem_shared>>) target(%dma_start3A_83 : memref<640x128xf32, #tpu.memory_space<hbm>>) target_semaphore(%run_scoped3A : memref<!tpu.dma_semaphore, #tpu.memory_space<semaphore_mem>>)
      %dma_wait3A_86 = arith.constant 0 : i32
      %dma_wait3A_87 = tpu.memref_slice %arg5[%arg0, %multiple_of3A_80, %dma_wait3A_86] : memref<2x10240x128xf32, #tpu.memory_space<hbm>> -> memref<1x640x128xf32, #tpu.memory_space<hbm>>
      %dma_wait3A_88 = tpu.memref_squeeze %dma_wait3A_87 : memref<1x640x128xf32, #tpu.memory_space<hbm>> -> memref<640x128xf32, #tpu.memory_space<hbm>>
      %dma_wait3A_89 = arith.constant 0 : i32
      %dma_wait3A_90 = tpu.memref_slice %arg6[%multiple_of3A_80, %dma_wait3A_89] : memref<10240x128xf32, #tpu.memory_space<vmem_shared>> -> memref<640x128xf32, #tpu.memory_space<vmem_shared>>
      tpu.wait_dma2 semaphore(%run_scoped3A : memref<!tpu.dma_semaphore, #tpu.memory_space<semaphore_mem>>) src(%dma_wait3A_90 : memref<640x128xf32, #tpu.memory_space<vmem_shared>>) dst(%dma_wait3A_88 : memref<640x128xf32, #tpu.memory_space<hbm>>)
      tpu.yield
    }) : () -> ()
    return
  }
}

#map = affine_map<(d0, d1) -> (0)>
#map1 = affine_map<(d0, d1) -> (0, 0)>
module attributes {stable_mosaic.version = 14 : i64} {
  func.func @_sc_deg(%arg0: i32, %arg1: i32, %arg2: memref<322560xi32, #tpu.memory_space<hbm>>, %arg3: memref<2x10240xf32, #tpu.memory_space<hbm>>, %arg4: memref<10240xf32, #tpu.memory_space<vmem_shared>>, %arg5: memref<80xi32, #tpu.memory_space<vmem>>, %arg6: memref<80xi32, #tpu.memory_space<vmem>>, %arg7: memref<80xf32, #tpu.memory_space<vmem>>, %arg8: memref<640xf32, #tpu.memory_space<vmem>>, %arg9: memref<!tpu.dma_semaphore, #tpu.memory_space<semaphore_mem>>, %arg10: memref<!tpu.dma_semaphore, #tpu.memory_space<semaphore_mem>>) attributes {dimension_semantics = [#tpu.dimension_semantics<core_parallel>, #tpu.dimension_semantics<subcore_parallel>], iteration_bounds = array<i64: 2, 16>, scalar_prefetch = 0 : i64, scratch_operands = 7 : i64, tpu.core_type = #tpu.core_type<sc_vector_subcore>, window_params = [{transform_indices = #map}, {transform_indices = #map1}]} {
    %mul3A = arith.constant 252 : i32
    %mul3A_0 = arith.muli %arg1, %mul3A : i32
    %mul3A_1 = arith.constant 162 : i32
    %mul3A_2 = arith.muli %arg0, %mul3A_1 : i32
    %add3A = arith.addi %mul3A_0, %mul3A_2 : i32
    %mul3A_3 = arith.constant 80 : i32
    %mul3A_4 = arith.muli %add3A, %mul3A_3 : i32
    %eq3A = arith.constant 0 : i32
    %eq3A_5 = arith.cmpi eq, %arg0, %eq3A : i32
    %jit3A = arith.constant 162 : i32
    %jit3A_6 = arith.constant 90 : i32
    %select_n3A = arith.select %eq3A_5, %jit3A, %jit3A_6 : i32
    %broadcast_in_dim3A = arith.constant 1.000000e+00 : f32
    %broadcast_in_dim3A_7 = vector.broadcast %broadcast_in_dim3A : f32 to vector<16xf32>
    %broadcast_in_dim3A_8 = arith.constant 0.000000e+00 : f32
    %broadcast_in_dim3A_9 = vector.broadcast %broadcast_in_dim3A_8 : f32 to vector<16xf32>
    %scan3A = arith.constant 0 : i32
    %scan3A_10 = arith.constant 5 : i32
    %scan3A_11 = arith.addi %scan3A, %scan3A_10 : i32
    %scan3A_12 = arith.constant 1 : i32
    scf.for %scan3A_70 = %scan3A to %scan3A_11 step %scan3A_12  : i32 {
      %mul3A_71 = arith.constant 1 : i32
      %mul3A_72 = arith.muli %scan3A_70, %mul3A_71 : i32
      %add3A_73 = arith.constant 0 : i32
      %add3A_74 = arith.addi %add3A_73, %mul3A_72 : i32
      %mul3A_75 = arith.constant 16 : i32
      %mul3A_76 = arith.muli %add3A_74, %mul3A_75 : i32
      %swap3A = arith.index_cast %mul3A_76 : i32 to index
      %swap3A_77 = tpu.vector_load %arg7[%swap3A] {strides = array<i32>} : memref<80xf32, #tpu.memory_space<vmem>>, vector<16xf32>,
      %swap3A_78 = vector.shape_cast %swap3A_77 : vector<16xf32> to vector<16xf32>
      %swap3A_79 = vector.shape_cast %broadcast_in_dim3A_7 : vector<16xf32> to vector<16xf32>
      tpu.vector_store %arg7[%swap3A], %swap3A_79 {strides = array<i32>} : memref<80xf32, #tpu.memory_space<vmem>>, vector<16xf32>,
    }
    %scan3A_13 = arith.constant 5 : i32
    %scan3A_14 = arith.constant 0 : i32
    %scan3A_15 = arith.constant 40 : i32
    %scan3A_16 = arith.addi %scan3A_14, %scan3A_15 : i32
    %scan3A_17 = arith.constant 1 : i32
    scf.for %scan3A_70 = %scan3A_14 to %scan3A_16 step %scan3A_17  : i32 {
      %mul3A_71 = arith.constant 1 : i32
      %mul3A_72 = arith.muli %scan3A_70, %mul3A_71 : i32
      %add3A_73 = arith.constant 0 : i32
      %add3A_74 = arith.addi %add3A_73, %mul3A_72 : i32
      %mul3A_75 = arith.constant 16 : i32
      %mul3A_76 = arith.muli %add3A_74, %mul3A_75 : i32
      %swap3A = arith.index_cast %mul3A_76 : i32 to index
      %swap3A_77 = tpu.vector_load %arg8[%swap3A] {strides = array<i32>} : memref<640xf32, #tpu.memory_space<vmem>>, vector<16xf32>,
      %swap3A_78 = vector.shape_cast %swap3A_77 : vector<16xf32> to vector<16xf32>
      %swap3A_79 = vector.shape_cast %broadcast_in_dim3A_9 : vector<16xf32> to vector<16xf32>
      tpu.vector_store %arg8[%swap3A], %swap3A_79 {strides = array<i32>} : memref<640xf32, #tpu.memory_space<vmem>>, vector<16xf32>,
    }
    %scan3A_18 = arith.constant 40 : i32
    %mul3A_19 = arith.constant 640 : i32
    %mul3A_20 = arith.muli %arg1, %mul3A_19 : i32
    %multiple_of3A = tpu.assume_multiple %mul3A_20, 8 : i32
    "tpu.region"() ({
      %run_scoped3A = tpu.sem_alloc : memref<!tpu.dma_semaphore, #tpu.memory_space<semaphore_mem>>
      %dma_start3A_70 = tpu.memref_slice %arg4[%multiple_of3A] : memref<10240xf32, #tpu.memory_space<vmem_shared>> -> memref<640xf32, #tpu.memory_space<vmem_shared>>
      %dma_start3A_71 = tpu.memref_slice %arg4[%multiple_of3A] : memref<10240xf32, #tpu.memory_space<vmem_shared>> -> memref<640xf32, #tpu.memory_space<vmem_shared>>
      tpu.enqueue_dma source(%arg8 : memref<640xf32, #tpu.memory_space<vmem>>) target(%dma_start3A_71 : memref<640xf32, #tpu.memory_space<vmem_shared>>) target_semaphore(%run_scoped3A : memref<!tpu.dma_semaphore, #tpu.memory_space<semaphore_mem>>)
      %dma_wait3A = tpu.memref_slice %arg4[%multiple_of3A] : memref<10240xf32, #tpu.memory_space<vmem_shared>> -> memref<640xf32, #tpu.memory_space<vmem_shared>>
      %dma_wait3A_72 = tpu.memref_slice %arg4[%multiple_of3A] : memref<10240xf32, #tpu.memory_space<vmem_shared>> -> memref<640xf32, #tpu.memory_space<vmem_shared>>
      tpu.wait_dma2 semaphore(%run_scoped3A : memref<!tpu.dma_semaphore, #tpu.memory_space<semaphore_mem>>) src(%arg8 : memref<640xf32, #tpu.memory_space<vmem>>) dst(%dma_wait3A_72 : memref<640xf32, #tpu.memory_space<vmem_shared>>)
      tpu.yield
    }) : () -> ()
    %add3A_21 = arith.constant 0 : i32
    %add3A_22 = arith.addi %mul3A_4, %add3A_21 : i32
    %multiple_of3A_23 = tpu.assume_multiple %add3A_22, 8 : i32
    %dma_start3A = tpu.memref_slice %arg2[%multiple_of3A_23] : memref<322560xi32, #tpu.memory_space<hbm>> -> memref<80xi32, #tpu.memory_space<hbm>>
    %dma_start3A_24 = tpu.memref_slice %arg2[%multiple_of3A_23] : memref<322560xi32, #tpu.memory_space<hbm>> -> memref<80xi32, #tpu.memory_space<hbm>>
    tpu.enqueue_dma source(%dma_start3A_24 : memref<80xi32, #tpu.memory_space<hbm>>) target(%arg5 : memref<80xi32, #tpu.memory_space<vmem>>) target_semaphore(%arg9 : memref<!tpu.dma_semaphore, #tpu.memory_space<semaphore_mem>>)
    %add3A_25 = arith.constant 80 : i32
    %add3A_26 = arith.addi %mul3A_4, %add3A_25 : i32
    %multiple_of3A_27 = tpu.assume_multiple %add3A_26, 8 : i32
    %dma_start3A_28 = tpu.memref_slice %arg2[%multiple_of3A_27] : memref<322560xi32, #tpu.memory_space<hbm>> -> memref<80xi32, #tpu.memory_space<hbm>>
    %dma_start3A_29 = tpu.memref_slice %arg2[%multiple_of3A_27] : memref<322560xi32, #tpu.memory_space<hbm>> -> memref<80xi32, #tpu.memory_space<hbm>>
    tpu.enqueue_dma source(%dma_start3A_29 : memref<80xi32, #tpu.memory_space<hbm>>) target(%arg6 : memref<80xi32, #tpu.memory_space<vmem>>) target_semaphore(%arg10 : memref<!tpu.dma_semaphore, #tpu.memory_space<semaphore_mem>>)
    %barrier3A = arith.constant 0 : index
    tpu.barrier barrier_id(%barrier3A)
    %jit3A_30 = arith.constant 2 : i32
    %div3A = arith.divsi %select_n3A, %jit3A_30 : i32
    %sign3A = arith.constant 0 : i32
    %sign3A_31 = arith.cmpi sgt, %select_n3A, %sign3A : i32
    %sign3A_32 = arith.extui %sign3A_31 : i1 to i32
    %sign3A_33 = arith.constant 0 : i32
    %sign3A_34 = arith.cmpi slt, %select_n3A, %sign3A_33 : i32
    %sign3A_35 = arith.extui %sign3A_34 : i1 to i32
    %sign3A_36 = arith.subi %sign3A_32, %sign3A_35 : i32
    %sign3A_37 = arith.constant 0 : i32
    %sign3A_38 = arith.cmpi sgt, %jit3A_30, %sign3A_37 : i32
    %sign3A_39 = arith.extui %sign3A_38 : i1 to i32
    %sign3A_40 = arith.constant 0 : i32
    %sign3A_41 = arith.cmpi slt, %jit3A_30, %sign3A_40 : i32
    %sign3A_42 = arith.extui %sign3A_41 : i1 to i32
    %sign3A_43 = arith.subi %sign3A_39, %sign3A_42 : i32
    %ne3A = arith.cmpi ne, %sign3A_36, %sign3A_43 : i32
    %rem3A = arith.remsi %select_n3A, %jit3A_30 : i32
    %ne3A_44 = arith.constant 0 : i32
    %ne3A_45 = arith.cmpi ne, %rem3A, %ne3A_44 : i32
    %and3A = arith.andi %ne3A, %ne3A_45 : i1
    %sub3A = arith.constant 1 : i32
    %sub3A_46 = arith.subi %div3A, %sub3A : i32
    %select_n3A_47 = arith.select %and3A, %sub3A_46, %div3A : i32
    %sub3A_48 = arith.constant 0 : i32
    %sub3A_49 = arith.subi %select_n3A_47, %sub3A_48 : i32
    %sub3A_50 = arith.constant 1 : i32
    %sub3A_51 = arith.constant 1 : i32
    %sub3A_52 = arith.subi %sub3A_50, %sub3A_51 : i32
    %add3A_53 = arith.addi %sub3A_49, %sub3A_52 : i32
    %div3A_54 = arith.constant 1 : i32
    %div3A_55 = arith.divsi %add3A_53, %div3A_54 : i32
    %while3A = arith.constant 1 : i32
    %while3A_56 = arith.constant 0 : i32
    %while3A_57 = arith.constant 0 : i32
    %while3A_58 = arith.subi %div3A_55, %while3A_57 : i32
    %while3A_59 = arith.addi %while3A_57, %while3A_58 : i32
    %while3A_60 = arith.constant 1 : i32
    %while3A_61 = arith.divsi %while3A_58, %while3A_60 : i32
    %while3A_62 = arith.muli %while3A_61, %while3A_60 : i32
    %while3A_63 = arith.addi %while3A_57, %while3A_62 : i32
    %while3A_64 = arith.constant 1 : i32
    scf.for %while3A_70 = %while3A_57 to %while3A_63 step %while3A_64  : i32 {
      %mul3A_71 = arith.muli %while3A_70, %while3A : i32
      %add3A_72 = arith.addi %while3A_56, %mul3A_71 : i32
      %mul3A_73 = arith.constant 2 : i32
      %mul3A_74 = arith.muli %add3A_72, %mul3A_73 : i32
      %dma_wait3A = arith.constant 0 : i32
      %dma_wait3A_75 = tpu.memref_slice %arg2[%dma_wait3A] : memref<322560xi32, #tpu.memory_space<hbm>> -> memref<80xi32, #tpu.memory_space<hbm>>
      %dma_wait3A_76 = arith.constant 0 : i32
      %dma_wait3A_77 = tpu.memref_slice %arg2[%dma_wait3A_76] : memref<322560xi32, #tpu.memory_space<hbm>> -> memref<80xi32, #tpu.memory_space<hbm>>
      tpu.wait_dma2 semaphore(%arg9 : memref<!tpu.dma_semaphore, #tpu.memory_space<semaphore_mem>>) src(%dma_wait3A_77 : memref<80xi32, #tpu.memory_space<hbm>>) dst(%arg5 : memref<80xi32, #tpu.memory_space<vmem>>)
      "tpu.region"() ({
        %run_scoped3A = tpu.sem_alloc : memref<!tpu.dma_semaphore, #tpu.memory_space<semaphore_mem>>
        %dma_start3A_93 = arith.constant 0 : i32
        %dma_start3A_94 = tpu.memref_slice %arg4[%dma_start3A_93] : memref<10240xf32, #tpu.memory_space<vmem_shared>> -> memref<10240xf32, #tpu.memory_space<vmem_shared>>
        tpu.enqueue_indirect_dma source(%arg7 : memref<80xf32, #tpu.memory_space<vmem>>) target(%dma_start3A_94 : memref<10240xf32, #tpu.memory_space<vmem_shared>>) offsets(%arg5 : memref<80xi32, #tpu.memory_space<vmem>>) semaphore(%run_scoped3A : memref<!tpu.dma_semaphore, #tpu.memory_space<semaphore_mem>>) {add = true}
        %dma_wait3A_95 = arith.constant 0 : i32
        %dma_wait3A_96 = tpu.memref_slice %arg4[%dma_wait3A_95] : memref<10240xf32, #tpu.memory_space<vmem_shared>> -> memref<10240xf32, #tpu.memory_space<vmem_shared>>
        tpu.wait_indirect_dma semaphore(%run_scoped3A : memref<!tpu.dma_semaphore, #tpu.memory_space<semaphore_mem>>) src(%arg7 : memref<80xf32, #tpu.memory_space<vmem>>) dst(%dma_wait3A_96 : memref<10240xf32, #tpu.memory_space<vmem_shared>>)
        tpu.yield
      }) : () -> ()
      %add3A_78 = arith.constant 2 : i32
      %add3A_79 = arith.addi %mul3A_74, %add3A_78 : i32
      %lt3A = arith.cmpi slt, %add3A_79, %select_n3A : i32
      %convert_element_type3A = arith.extui %lt3A : i1 to i32
      %cond3A = arith.constant 0 : i32
      %cond3A_80 = arith.cmpi ne, %convert_element_type3A, %cond3A : i32
      scf.if %cond3A_80 {
        %add3A_93 = arith.constant 2 : i32
        %add3A_94 = arith.addi %mul3A_74, %add3A_93 : i32
        %mul3A_95 = arith.constant 80 : i32
        %mul3A_96 = arith.muli %add3A_94, %mul3A_95 : i32
        %add3A_97 = arith.addi %mul3A_4, %mul3A_96 : i32
        %multiple_of3A_98 = tpu.assume_multiple %add3A_97, 8 : i32
        %dma_start3A_99 = tpu.memref_slice %arg2[%multiple_of3A_98] : memref<322560xi32, #tpu.memory_space<hbm>> -> memref<80xi32, #tpu.memory_space<hbm>>
        %dma_start3A_100 = tpu.memref_slice %arg2[%multiple_of3A_98] : memref<322560xi32, #tpu.memory_space<hbm>> -> memref<80xi32, #tpu.memory_space<hbm>>
        tpu.enqueue_dma source(%dma_start3A_100 : memref<80xi32, #tpu.memory_space<hbm>>) target(%arg5 : memref<80xi32, #tpu.memory_space<vmem>>) target_semaphore(%arg9 : memref<!tpu.dma_semaphore, #tpu.memory_space<semaphore_mem>>)
      } else {
      }
      %add3A_81 = arith.constant 1 : i32
      %add3A_82 = arith.addi %mul3A_74, %add3A_81 : i32
      %dma_wait3A_83 = arith.constant 0 : i32
      %dma_wait3A_84 = tpu.memref_slice %arg2[%dma_wait3A_83] : memref<322560xi32, #tpu.memory_space<hbm>> -> memref<80xi32, #tpu.memory_space<hbm>>
      %dma_wait3A_85 = arith.constant 0 : i32
      %dma_wait3A_86 = tpu.memref_slice %arg2[%dma_wait3A_85] : memref<322560xi32, #tpu.memory_space<hbm>> -> memref<80xi32, #tpu.memory_space<hbm>>
      tpu.wait_dma2 semaphore(%arg10 : memref<!tpu.dma_semaphore, #tpu.memory_space<semaphore_mem>>) src(%dma_wait3A_86 : memref<80xi32, #tpu.memory_space<hbm>>) dst(%arg6 : memref<80xi32, #tpu.memory_space<vmem>>)
      "tpu.region"() ({
        %run_scoped3A = tpu.sem_alloc : memref<!tpu.dma_semaphore, #tpu.memory_space<semaphore_mem>>
        %dma_start3A_93 = arith.constant 0 : i32
        %dma_start3A_94 = tpu.memref_slice %arg4[%dma_start3A_93] : memref<10240xf32, #tpu.memory_space<vmem_shared>> -> memref<10240xf32, #tpu.memory_space<vmem_shared>>
        tpu.enqueue_indirect_dma source(%arg7 : memref<80xf32, #tpu.memory_space<vmem>>) target(%dma_start3A_94 : memref<10240xf32, #tpu.memory_space<vmem_shared>>) offsets(%arg6 : memref<80xi32, #tpu.memory_space<vmem>>) semaphore(%run_scoped3A : memref<!tpu.dma_semaphore, #tpu.memory_space<semaphore_mem>>) {add = true}
        %dma_wait3A_95 = arith.constant 0 : i32
        %dma_wait3A_96 = tpu.memref_slice %arg4[%dma_wait3A_95] : memref<10240xf32, #tpu.memory_space<vmem_shared>> -> memref<10240xf32, #tpu.memory_space<vmem_shared>>
        tpu.wait_indirect_dma semaphore(%run_scoped3A : memref<!tpu.dma_semaphore, #tpu.memory_space<semaphore_mem>>) src(%arg7 : memref<80xf32, #tpu.memory_space<vmem>>) dst(%dma_wait3A_96 : memref<10240xf32, #tpu.memory_space<vmem_shared>>)
        tpu.yield
      }) : () -> ()
      %add3A_87 = arith.constant 2 : i32
      %add3A_88 = arith.addi %add3A_82, %add3A_87 : i32
      %lt3A_89 = arith.cmpi slt, %add3A_88, %select_n3A : i32
      %convert_element_type3A_90 = arith.extui %lt3A_89 : i1 to i32
      %cond3A_91 = arith.constant 0 : i32
      %cond3A_92 = arith.cmpi ne, %convert_element_type3A_90, %cond3A_91 : i32
      scf.if %cond3A_92 {
        %add3A_93 = arith.constant 2 : i32
        %add3A_94 = arith.addi %add3A_82, %add3A_93 : i32
        %mul3A_95 = arith.constant 80 : i32
        %mul3A_96 = arith.muli %add3A_94, %mul3A_95 : i32
        %add3A_97 = arith.addi %mul3A_4, %mul3A_96 : i32
        %multiple_of3A_98 = tpu.assume_multiple %add3A_97, 8 : i32
        %dma_start3A_99 = tpu.memref_slice %arg2[%multiple_of3A_98] : memref<322560xi32, #tpu.memory_space<hbm>> -> memref<80xi32, #tpu.memory_space<hbm>>
        %dma_start3A_100 = tpu.memref_slice %arg2[%multiple_of3A_98] : memref<322560xi32, #tpu.memory_space<hbm>> -> memref<80xi32, #tpu.memory_space<hbm>>
        tpu.enqueue_dma source(%dma_start3A_100 : memref<80xi32, #tpu.memory_space<hbm>>) target(%arg6 : memref<80xi32, #tpu.memory_space<vmem>>) target_semaphore(%arg10 : memref<!tpu.dma_semaphore, #tpu.memory_space<semaphore_mem>>)
      } else {
      }
    }
    %while3A_65 = arith.constant 1 : i32
    scf.for %while3A_70 = %while3A_63 to %while3A_59 step %while3A_65  : i32 {
      %mul3A_71 = arith.muli %while3A_70, %while3A : i32
      %add3A_72 = arith.addi %while3A_56, %mul3A_71 : i32
      %mul3A_73 = arith.constant 2 : i32
      %mul3A_74 = arith.muli %add3A_72, %mul3A_73 : i32
      %dma_wait3A = arith.constant 0 : i32
      %dma_wait3A_75 = tpu.memref_slice %arg2[%dma_wait3A] : memref<322560xi32, #tpu.memory_space<hbm>> -> memref<80xi32, #tpu.memory_space<hbm>>
      %dma_wait3A_76 = arith.constant 0 : i32
      %dma_wait3A_77 = tpu.memref_slice %arg2[%dma_wait3A_76] : memref<322560xi32, #tpu.memory_space<hbm>> -> memref<80xi32, #tpu.memory_space<hbm>>
      tpu.wait_dma2 semaphore(%arg9 : memref<!tpu.dma_semaphore, #tpu.memory_space<semaphore_mem>>) src(%dma_wait3A_77 : memref<80xi32, #tpu.memory_space<hbm>>) dst(%arg5 : memref<80xi32, #tpu.memory_space<vmem>>)
      "tpu.region"() ({
        %run_scoped3A = tpu.sem_alloc : memref<!tpu.dma_semaphore, #tpu.memory_space<semaphore_mem>>
        %dma_start3A_93 = arith.constant 0 : i32
        %dma_start3A_94 = tpu.memref_slice %arg4[%dma_start3A_93] : memref<10240xf32, #tpu.memory_space<vmem_shared>> -> memref<10240xf32, #tpu.memory_space<vmem_shared>>
        tpu.enqueue_indirect_dma source(%arg7 : memref<80xf32, #tpu.memory_space<vmem>>) target(%dma_start3A_94 : memref<10240xf32, #tpu.memory_space<vmem_shared>>) offsets(%arg5 : memref<80xi32, #tpu.memory_space<vmem>>) semaphore(%run_scoped3A : memref<!tpu.dma_semaphore, #tpu.memory_space<semaphore_mem>>) {add = true}
        %dma_wait3A_95 = arith.constant 0 : i32
        %dma_wait3A_96 = tpu.memref_slice %arg4[%dma_wait3A_95] : memref<10240xf32, #tpu.memory_space<vmem_shared>> -> memref<10240xf32, #tpu.memory_space<vmem_shared>>
        tpu.wait_indirect_dma semaphore(%run_scoped3A : memref<!tpu.dma_semaphore, #tpu.memory_space<semaphore_mem>>) src(%arg7 : memref<80xf32, #tpu.memory_space<vmem>>) dst(%dma_wait3A_96 : memref<10240xf32, #tpu.memory_space<vmem_shared>>)
        tpu.yield
      }) : () -> ()
      %add3A_78 = arith.constant 2 : i32
      %add3A_79 = arith.addi %mul3A_74, %add3A_78 : i32
      %lt3A = arith.cmpi slt, %add3A_79, %select_n3A : i32
      %convert_element_type3A = arith.extui %lt3A : i1 to i32
      %cond3A = arith.constant 0 : i32
      %cond3A_80 = arith.cmpi ne, %convert_element_type3A, %cond3A : i32
      scf.if %cond3A_80 {
        %add3A_93 = arith.constant 2 : i32
        %add3A_94 = arith.addi %mul3A_74, %add3A_93 : i32
        %mul3A_95 = arith.constant 80 : i32
        %mul3A_96 = arith.muli %add3A_94, %mul3A_95 : i32
        %add3A_97 = arith.addi %mul3A_4, %mul3A_96 : i32
        %multiple_of3A_98 = tpu.assume_multiple %add3A_97, 8 : i32
        %dma_start3A_99 = tpu.memref_slice %arg2[%multiple_of3A_98] : memref<322560xi32, #tpu.memory_space<hbm>> -> memref<80xi32, #tpu.memory_space<hbm>>
        %dma_start3A_100 = tpu.memref_slice %arg2[%multiple_of3A_98] : memref<322560xi32, #tpu.memory_space<hbm>> -> memref<80xi32, #tpu.memory_space<hbm>>
        tpu.enqueue_dma source(%dma_start3A_100 : memref<80xi32, #tpu.memory_space<hbm>>) target(%arg5 : memref<80xi32, #tpu.memory_space<vmem>>) target_semaphore(%arg9 : memref<!tpu.dma_semaphore, #tpu.memory_space<semaphore_mem>>)
      } else {
      }
      %add3A_81 = arith.constant 1 : i32
      %add3A_82 = arith.addi %mul3A_74, %add3A_81 : i32
      %dma_wait3A_83 = arith.constant 0 : i32
      %dma_wait3A_84 = tpu.memref_slice %arg2[%dma_wait3A_83] : memref<322560xi32, #tpu.memory_space<hbm>> -> memref<80xi32, #tpu.memory_space<hbm>>
      %dma_wait3A_85 = arith.constant 0 : i32
      %dma_wait3A_86 = tpu.memref_slice %arg2[%dma_wait3A_85] : memref<322560xi32, #tpu.memory_space<hbm>> -> memref<80xi32, #tpu.memory_space<hbm>>
      tpu.wait_dma2 semaphore(%arg10 : memref<!tpu.dma_semaphore, #tpu.memory_space<semaphore_mem>>) src(%dma_wait3A_86 : memref<80xi32, #tpu.memory_space<hbm>>) dst(%arg6 : memref<80xi32, #tpu.memory_space<vmem>>)
      "tpu.region"() ({
        %run_scoped3A = tpu.sem_alloc : memref<!tpu.dma_semaphore, #tpu.memory_space<semaphore_mem>>
        %dma_start3A_93 = arith.constant 0 : i32
        %dma_start3A_94 = tpu.memref_slice %arg4[%dma_start3A_93] : memref<10240xf32, #tpu.memory_space<vmem_shared>> -> memref<10240xf32, #tpu.memory_space<vmem_shared>>
        tpu.enqueue_indirect_dma source(%arg7 : memref<80xf32, #tpu.memory_space<vmem>>) target(%dma_start3A_94 : memref<10240xf32, #tpu.memory_space<vmem_shared>>) offsets(%arg6 : memref<80xi32, #tpu.memory_space<vmem>>) semaphore(%run_scoped3A : memref<!tpu.dma_semaphore, #tpu.memory_space<semaphore_mem>>) {add = true}
        %dma_wait3A_95 = arith.constant 0 : i32
        %dma_wait3A_96 = tpu.memref_slice %arg4[%dma_wait3A_95] : memref<10240xf32, #tpu.memory_space<vmem_shared>> -> memref<10240xf32, #tpu.memory_space<vmem_shared>>
        tpu.wait_indirect_dma semaphore(%run_scoped3A : memref<!tpu.dma_semaphore, #tpu.memory_space<semaphore_mem>>) src(%arg7 : memref<80xf32, #tpu.memory_space<vmem>>) dst(%dma_wait3A_96 : memref<10240xf32, #tpu.memory_space<vmem_shared>>)
        tpu.yield
      }) : () -> ()
      %add3A_87 = arith.constant 2 : i32
      %add3A_88 = arith.addi %add3A_82, %add3A_87 : i32
      %lt3A_89 = arith.cmpi slt, %add3A_88, %select_n3A : i32
      %convert_element_type3A_90 = arith.extui %lt3A_89 : i1 to i32
      %cond3A_91 = arith.constant 0 : i32
      %cond3A_92 = arith.cmpi ne, %convert_element_type3A_90, %cond3A_91 : i32
      scf.if %cond3A_92 {
        %add3A_93 = arith.constant 2 : i32
        %add3A_94 = arith.addi %add3A_82, %add3A_93 : i32
        %mul3A_95 = arith.constant 80 : i32
        %mul3A_96 = arith.muli %add3A_94, %mul3A_95 : i32
        %add3A_97 = arith.addi %mul3A_4, %mul3A_96 : i32
        %multiple_of3A_98 = tpu.assume_multiple %add3A_97, 8 : i32
        %dma_start3A_99 = tpu.memref_slice %arg2[%multiple_of3A_98] : memref<322560xi32, #tpu.memory_space<hbm>> -> memref<80xi32, #tpu.memory_space<hbm>>
        %dma_start3A_100 = tpu.memref_slice %arg2[%multiple_of3A_98] : memref<322560xi32, #tpu.memory_space<hbm>> -> memref<80xi32, #tpu.memory_space<hbm>>
        tpu.enqueue_dma source(%dma_start3A_100 : memref<80xi32, #tpu.memory_space<hbm>>) target(%arg6 : memref<80xi32, #tpu.memory_space<vmem>>) target_semaphore(%arg10 : memref<!tpu.dma_semaphore, #tpu.memory_space<semaphore_mem>>)
      } else {
      }
    }
    %barrier3A_66 = arith.constant 0 : index
    tpu.barrier barrier_id(%barrier3A_66)
    %mul3A_67 = arith.constant 640 : i32
    %mul3A_68 = arith.muli %arg1, %mul3A_67 : i32
    %multiple_of3A_69 = tpu.assume_multiple %mul3A_68, 8 : i32
    "tpu.region"() ({
      %run_scoped3A = tpu.sem_alloc : memref<!tpu.dma_semaphore, #tpu.memory_space<semaphore_mem>>
      %dma_start3A_70 = tpu.memref_slice %arg3[%arg0, %multiple_of3A_69] : memref<2x10240xf32, #tpu.memory_space<hbm>> -> memref<1x640xf32, #tpu.memory_space<hbm>>
      %dma_start3A_71 = tpu.memref_squeeze %dma_start3A_70 : memref<1x640xf32, #tpu.memory_space<hbm>> -> memref<640xf32, #tpu.memory_space<hbm>>
      %dma_start3A_72 = tpu.memref_slice %arg4[%multiple_of3A_69] : memref<10240xf32, #tpu.memory_space<vmem_shared>> -> memref<640xf32, #tpu.memory_space<vmem_shared>>
      tpu.enqueue_dma source(%dma_start3A_72 : memref<640xf32, #tpu.memory_space<vmem_shared>>) target(%dma_start3A_71 : memref<640xf32, #tpu.memory_space<hbm>>) target_semaphore(%run_scoped3A : memref<!tpu.dma_semaphore, #tpu.memory_space<semaphore_mem>>)
      %dma_wait3A = tpu.memref_slice %arg3[%arg0, %multiple_of3A_69] : memref<2x10240xf32, #tpu.memory_space<hbm>> -> memref<1x640xf32, #tpu.memory_space<hbm>>
      %dma_wait3A_73 = tpu.memref_squeeze %dma_wait3A : memref<1x640xf32, #tpu.memory_space<hbm>> -> memref<640xf32, #tpu.memory_space<hbm>>
      %dma_wait3A_74 = tpu.memref_slice %arg4[%multiple_of3A_69] : memref<10240xf32, #tpu.memory_space<vmem_shared>> -> memref<640xf32, #tpu.memory_space<vmem_shared>>
      tpu.wait_dma2 semaphore(%run_scoped3A : memref<!tpu.dma_semaphore, #tpu.memory_space<semaphore_mem>>) src(%dma_wait3A_74 : memref<640xf32, #tpu.memory_space<vmem_shared>>) dst(%dma_wait3A_73 : memref<640xf32, #tpu.memory_space<hbm>>)
      tpu.yield
    }) : () -> ()
    return
  }
}

#map = affine_map<(d0, d1) -> (0, 0)>
#map1 = affine_map<(d0, d1) -> (0)>
#map2 = affine_map<(d0, d1) -> (0, 0, 0)>
module attributes {stable_mosaic.version = 14 : i64} {
  func.func @_sc_agg(%arg0: i32, %arg1: i32, %arg2: memref<10000x128xf32, #tpu.memory_space<hbm>>, %arg3: memref<322560xi32, #tpu.memory_space<hbm>>, %arg4: memref<322560xi32, #tpu.memory_space<hbm>>, %arg5: memref<2x10240x128xf32, #tpu.memory_space<hbm>>, %arg6: memref<10240x128xf32, #tpu.memory_space<vmem_shared>>, %arg7: memref<80xi32, #tpu.memory_space<vmem>>, %arg8: memref<80xi32, #tpu.memory_space<vmem>>, %arg9: memref<80xi32, #tpu.memory_space<vmem>>, %arg10: memref<80xi32, #tpu.memory_space<vmem>>, %arg11: memref<80xi32, #tpu.memory_space<vmem>>, %arg12: memref<80xi32, #tpu.memory_space<vmem>>, %arg13: memref<80x128xf32, #tpu.memory_space<vmem>>, %arg14: memref<80x128xf32, #tpu.memory_space<vmem>>, %arg15: memref<80x128xf32, #tpu.memory_space<vmem>>, %arg16: memref<!tpu.dma_semaphore, #tpu.memory_space<semaphore_mem>>, %arg17: memref<!tpu.dma_semaphore, #tpu.memory_space<semaphore_mem>>, %arg18: memref<!tpu.dma_semaphore, #tpu.memory_space<semaphore_mem>>, %arg19: memref<!tpu.dma_semaphore, #tpu.memory_space<semaphore_mem>>, %arg20: memref<!tpu.dma_semaphore, #tpu.memory_space<semaphore_mem>>, %arg21: memref<!tpu.dma_semaphore, #tpu.memory_space<semaphore_mem>>, %arg22: memref<!tpu.dma_semaphore, #tpu.memory_space<semaphore_mem>>, %arg23: memref<!tpu.dma_semaphore, #tpu.memory_space<semaphore_mem>>, %arg24: memref<!tpu.dma_semaphore, #tpu.memory_space<semaphore_mem>>, %arg25: memref<!tpu.dma_semaphore, #tpu.memory_space<semaphore_mem>>, %arg26: memref<!tpu.dma_semaphore, #tpu.memory_space<semaphore_mem>>, %arg27: memref<!tpu.dma_semaphore, #tpu.memory_space<semaphore_mem>>) attributes {dimension_semantics = [#tpu.dimension_semantics<core_parallel>, #tpu.dimension_semantics<subcore_parallel>], iteration_bounds = array<i64: 2, 16>, scalar_prefetch = 0 : i64, scratch_operands = 22 : i64, tpu.core_type = #tpu.core_type<sc_vector_subcore>, window_params = [{transform_indices = #map}, {transform_indices = #map1}, {transform_indices = #map1}, {transform_indices = #map2}]} {
    %mul3A = arith.constant 252 : i32
    %mul3A_0 = arith.muli %arg1, %mul3A : i32
    %mul3A_1 = arith.constant 162 : i32
    %mul3A_2 = arith.muli %arg0, %mul3A_1 : i32
    %add3A = arith.addi %mul3A_0, %mul3A_2 : i32
    %mul3A_3 = arith.constant 80 : i32
    %mul3A_4 = arith.muli %add3A, %mul3A_3 : i32
    %eq3A = arith.constant 0 : i32
    %eq3A_5 = arith.cmpi eq, %arg0, %eq3A : i32
    %jit3A = arith.constant 162 : i32
    %jit3A_6 = arith.constant 90 : i32
    %select_n3A = arith.select %eq3A_5, %jit3A, %jit3A_6 : i32
    %lt3A = arith.constant 15 : i32
    %lt3A_7 = arith.cmpi slt, %arg1, %lt3A : i32
    %convert_element_type3A = arith.extui %lt3A_7 : i1 to i32
    %cond3A = arith.constant 0 : i32
    %cond3A_8 = arith.cmpi ne, %convert_element_type3A, %cond3A : i32
    scf.if %cond3A_8 {
      %mul3A_81 = arith.constant 624 : i32
      %mul3A_82 = arith.muli %arg1, %mul3A_81 : i32
      %multiple_of3A_83 = tpu.assume_multiple %mul3A_82, 8 : i32
      "tpu.region"() ({
        %run_scoped3A = tpu.sem_alloc : memref<!tpu.dma_semaphore, #tpu.memory_space<semaphore_mem>>
        %dma_start3A_84 = arith.constant 0 : i32
        %dma_start3A_85 = tpu.memref_slice %arg6[%multiple_of3A_83, %dma_start3A_84] : memref<10240x128xf32, #tpu.memory_space<vmem_shared>> -> memref<624x128xf32, #tpu.memory_space<vmem_shared>>
        %dma_start3A_86 = arith.constant 0 : i32
        %dma_start3A_87 = tpu.memref_slice %arg2[%multiple_of3A_83, %dma_start3A_86] : memref<10000x128xf32, #tpu.memory_space<hbm>> -> memref<624x128xf32, #tpu.memory_space<hbm>>
        tpu.enqueue_dma source(%dma_start3A_87 : memref<624x128xf32, #tpu.memory_space<hbm>>) target(%dma_start3A_85 : memref<624x128xf32, #tpu.memory_space<vmem_shared>>) target_semaphore(%run_scoped3A : memref<!tpu.dma_semaphore, #tpu.memory_space<semaphore_mem>>)
        %dma_wait3A_88 = arith.constant 0 : i32
        %dma_wait3A_89 = tpu.memref_slice %arg6[%multiple_of3A_83, %dma_wait3A_88] : memref<10240x128xf32, #tpu.memory_space<vmem_shared>> -> memref<624x128xf32, #tpu.memory_space<vmem_shared>>
        %dma_wait3A_90 = arith.constant 0 : i32
        %dma_wait3A_91 = tpu.memref_slice %arg2[%multiple_of3A_83, %dma_wait3A_90] : memref<10000x128xf32, #tpu.memory_space<hbm>> -> memref<624x128xf32, #tpu.memory_space<hbm>>
        tpu.wait_dma2 semaphore(%run_scoped3A : memref<!tpu.dma_semaphore, #tpu.memory_space<semaphore_mem>>) src(%dma_wait3A_91 : memref<624x128xf32, #tpu.memory_space<hbm>>) dst(%dma_wait3A_89 : memref<624x128xf32, #tpu.memory_space<vmem_shared>>)
        tpu.yield
      }) : () -> ()
    } else {
    }
    %eq3A_9 = arith.constant 15 : i32
    %eq3A_10 = arith.cmpi eq, %arg1, %eq3A_9 : i32
    %convert_element_type3A_11 = arith.extui %eq3A_10 : i1 to i32
    %cond3A_12 = arith.constant 0 : i32
    %cond3A_13 = arith.cmpi ne, %convert_element_type3A_11, %cond3A_12 : i32
    scf.if %cond3A_13 {
      "tpu.region"() ({
        %run_scoped3A = tpu.sem_alloc : memref<!tpu.dma_semaphore, #tpu.memory_space<semaphore_mem>>
        %dma_start3A_81 = arith.constant 9360 : i32
        %dma_start3A_82 = arith.constant 0 : i32
        %dma_start3A_83 = tpu.memref_slice %arg6[%dma_start3A_81, %dma_start3A_82] : memref<10240x128xf32, #tpu.memory_space<vmem_shared>> -> memref<640x128xf32, #tpu.memory_space<vmem_shared>>
        %dma_start3A_84 = arith.constant 9360 : i32
        %dma_start3A_85 = arith.constant 0 : i32
        %dma_start3A_86 = tpu.memref_slice %arg2[%dma_start3A_84, %dma_start3A_85] : memref<10000x128xf32, #tpu.memory_space<hbm>> -> memref<640x128xf32, #tpu.memory_space<hbm>>
        tpu.enqueue_dma source(%dma_start3A_86 : memref<640x128xf32, #tpu.memory_space<hbm>>) target(%dma_start3A_83 : memref<640x128xf32, #tpu.memory_space<vmem_shared>>) target_semaphore(%run_scoped3A : memref<!tpu.dma_semaphore, #tpu.memory_space<semaphore_mem>>)
        %dma_wait3A_87 = arith.constant 9360 : i32
        %dma_wait3A_88 = arith.constant 0 : i32
        %dma_wait3A_89 = tpu.memref_slice %arg6[%dma_wait3A_87, %dma_wait3A_88] : memref<10240x128xf32, #tpu.memory_space<vmem_shared>> -> memref<640x128xf32, #tpu.memory_space<vmem_shared>>
        %dma_wait3A_90 = arith.constant 9360 : i32
        %dma_wait3A_91 = arith.constant 0 : i32
        %dma_wait3A_92 = tpu.memref_slice %arg2[%dma_wait3A_90, %dma_wait3A_91] : memref<10000x128xf32, #tpu.memory_space<hbm>> -> memref<640x128xf32, #tpu.memory_space<hbm>>
        tpu.wait_dma2 semaphore(%run_scoped3A : memref<!tpu.dma_semaphore, #tpu.memory_space<semaphore_mem>>) src(%dma_wait3A_92 : memref<640x128xf32, #tpu.memory_space<hbm>>) dst(%dma_wait3A_89 : memref<640x128xf32, #tpu.memory_space<vmem_shared>>)
        tpu.yield
      }) : () -> ()
    } else {
    }
    %add3A_14 = arith.constant 0 : i32
    %add3A_15 = arith.addi %mul3A_4, %add3A_14 : i32
    %multiple_of3A = tpu.assume_multiple %add3A_15, 8 : i32
    %dma_start3A = tpu.memref_slice %arg3[%multiple_of3A] : memref<322560xi32, #tpu.memory_space<hbm>> -> memref<80xi32, #tpu.memory_space<hbm>>
    %dma_start3A_16 = tpu.memref_slice %arg3[%multiple_of3A] : memref<322560xi32, #tpu.memory_space<hbm>> -> memref<80xi32, #tpu.memory_space<hbm>>
    tpu.enqueue_dma source(%dma_start3A_16 : memref<80xi32, #tpu.memory_space<hbm>>) target(%arg7 : memref<80xi32, #tpu.memory_space<vmem>>) target_semaphore(%arg16 : memref<!tpu.dma_semaphore, #tpu.memory_space<semaphore_mem>>)
    %add3A_17 = arith.constant 0 : i32
    %add3A_18 = arith.addi %mul3A_4, %add3A_17 : i32
    %multiple_of3A_19 = tpu.assume_multiple %add3A_18, 8 : i32
    %dma_start3A_20 = tpu.memref_slice %arg4[%multiple_of3A_19] : memref<322560xi32, #tpu.memory_space<hbm>> -> memref<80xi32, #tpu.memory_space<hbm>>
    %dma_start3A_21 = tpu.memref_slice %arg4[%multiple_of3A_19] : memref<322560xi32, #tpu.memory_space<hbm>> -> memref<80xi32, #tpu.memory_space<hbm>>
    tpu.enqueue_dma source(%dma_start3A_21 : memref<80xi32, #tpu.memory_space<hbm>>) target(%arg10 : memref<80xi32, #tpu.memory_space<vmem>>) target_semaphore(%arg19 : memref<!tpu.dma_semaphore, #tpu.memory_space<semaphore_mem>>)
    %add3A_22 = arith.constant 80 : i32
    %add3A_23 = arith.addi %mul3A_4, %add3A_22 : i32
    %multiple_of3A_24 = tpu.assume_multiple %add3A_23, 8 : i32
    %dma_start3A_25 = tpu.memref_slice %arg3[%multiple_of3A_24] : memref<322560xi32, #tpu.memory_space<hbm>> -> memref<80xi32, #tpu.memory_space<hbm>>
    %dma_start3A_26 = tpu.memref_slice %arg3[%multiple_of3A_24] : memref<322560xi32, #tpu.memory_space<hbm>> -> memref<80xi32, #tpu.memory_space<hbm>>
    tpu.enqueue_dma source(%dma_start3A_26 : memref<80xi32, #tpu.memory_space<hbm>>) target(%arg8 : memref<80xi32, #tpu.memory_space<vmem>>) target_semaphore(%arg17 : memref<!tpu.dma_semaphore, #tpu.memory_space<semaphore_mem>>)
    %add3A_27 = arith.constant 80 : i32
    %add3A_28 = arith.addi %mul3A_4, %add3A_27 : i32
    %multiple_of3A_29 = tpu.assume_multiple %add3A_28, 8 : i32
    %dma_start3A_30 = tpu.memref_slice %arg4[%multiple_of3A_29] : memref<322560xi32, #tpu.memory_space<hbm>> -> memref<80xi32, #tpu.memory_space<hbm>>
    %dma_start3A_31 = tpu.memref_slice %arg4[%multiple_of3A_29] : memref<322560xi32, #tpu.memory_space<hbm>> -> memref<80xi32, #tpu.memory_space<hbm>>
    tpu.enqueue_dma source(%dma_start3A_31 : memref<80xi32, #tpu.memory_space<hbm>>) target(%arg11 : memref<80xi32, #tpu.memory_space<vmem>>) target_semaphore(%arg20 : memref<!tpu.dma_semaphore, #tpu.memory_space<semaphore_mem>>)
    %barrier3A = arith.constant 0 : index
    tpu.barrier barrier_id(%barrier3A)
    %dma_wait3A = arith.constant 0 : i32
    %dma_wait3A_32 = tpu.memref_slice %arg3[%dma_wait3A] : memref<322560xi32, #tpu.memory_space<hbm>> -> memref<80xi32, #tpu.memory_space<hbm>>
    %dma_wait3A_33 = arith.constant 0 : i32
    %dma_wait3A_34 = tpu.memref_slice %arg3[%dma_wait3A_33] : memref<322560xi32, #tpu.memory_space<hbm>> -> memref<80xi32, #tpu.memory_space<hbm>>
    tpu.wait_dma2 semaphore(%arg16 : memref<!tpu.dma_semaphore, #tpu.memory_space<semaphore_mem>>) src(%dma_wait3A_34 : memref<80xi32, #tpu.memory_space<hbm>>) dst(%arg7 : memref<80xi32, #tpu.memory_space<vmem>>)
    %dma_start3A_35 = arith.constant 0 : i32
    %dma_start3A_36 = arith.constant 0 : i32
    %dma_start3A_37 = tpu.memref_slice %arg2[%dma_start3A_35, %dma_start3A_36] : memref<10000x128xf32, #tpu.memory_space<hbm>> -> memref<10000x128xf32, #tpu.memory_space<hbm>>
    tpu.enqueue_indirect_dma source(%dma_start3A_37 : memref<10000x128xf32, #tpu.memory_space<hbm>>) target(%arg13 : memref<80x128xf32, #tpu.memory_space<vmem>>) offsets(%arg7 : memref<80xi32, #tpu.memory_space<vmem>>) semaphore(%arg22 : memref<!tpu.dma_semaphore, #tpu.memory_space<semaphore_mem>>)
    %jit3A_38 = arith.constant 3 : i32
    %div3A = arith.divsi %select_n3A, %jit3A_38 : i32
    %sign3A = arith.constant 0 : i32
    %sign3A_39 = arith.cmpi sgt, %select_n3A, %sign3A : i32
    %sign3A_40 = arith.extui %sign3A_39 : i1 to i32
    %sign3A_41 = arith.constant 0 : i32
    %sign3A_42 = arith.cmpi slt, %select_n3A, %sign3A_41 : i32
    %sign3A_43 = arith.extui %sign3A_42 : i1 to i32
    %sign3A_44 = arith.subi %sign3A_40, %sign3A_43 : i32
    %sign3A_45 = arith.constant 0 : i32
    %sign3A_46 = arith.cmpi sgt, %jit3A_38, %sign3A_45 : i32
    %sign3A_47 = arith.extui %sign3A_46 : i1 to i32
    %sign3A_48 = arith.constant 0 : i32
    %sign3A_49 = arith.cmpi slt, %jit3A_38, %sign3A_48 : i32
    %sign3A_50 = arith.extui %sign3A_49 : i1 to i32
    %sign3A_51 = arith.subi %sign3A_47, %sign3A_50 : i32
    %ne3A = arith.cmpi ne, %sign3A_44, %sign3A_51 : i32
    %rem3A = arith.remsi %select_n3A, %jit3A_38 : i32
    %ne3A_52 = arith.constant 0 : i32
    %ne3A_53 = arith.cmpi ne, %rem3A, %ne3A_52 : i32
    %and3A = arith.andi %ne3A, %ne3A_53 : i1
    %sub3A = arith.constant 1 : i32
    %sub3A_54 = arith.subi %div3A, %sub3A : i32
    %select_n3A_55 = arith.select %and3A, %sub3A_54, %div3A : i32
    %sub3A_56 = arith.constant 0 : i32
    %sub3A_57 = arith.subi %select_n3A_55, %sub3A_56 : i32
    %sub3A_58 = arith.constant 1 : i32
    %sub3A_59 = arith.constant 1 : i32
    %sub3A_60 = arith.subi %sub3A_58, %sub3A_59 : i32
    %add3A_61 = arith.addi %sub3A_57, %sub3A_60 : i32
    %div3A_62 = arith.constant 1 : i32
    %div3A_63 = arith.divsi %add3A_61, %div3A_62 : i32
    %while3A = arith.constant 1 : i32
    %while3A_64 = arith.constant 0 : i32
    %while3A_65 = arith.constant 0 : i32
    %while3A_66 = arith.subi %div3A_63, %while3A_65 : i32
    %while3A_67 = arith.addi %while3A_65, %while3A_66 : i32
    %while3A_68 = arith.constant 1 : i32
    %while3A_69 = arith.divsi %while3A_66, %while3A_68 : i32
    %while3A_70 = arith.muli %while3A_69, %while3A_68 : i32
    %while3A_71 = arith.addi %while3A_65, %while3A_70 : i32
    %while3A_72 = arith.constant 1 : i32
    scf.for %while3A_81 = %while3A_65 to %while3A_71 step %while3A_72  : i32 {
      %mul3A_82 = arith.muli %while3A_81, %while3A : i32
      %add3A_83 = arith.addi %while3A_64, %mul3A_82 : i32
      %mul3A_84 = arith.constant 3 : i32
      %mul3A_85 = arith.muli %add3A_83, %mul3A_84 : i32
      %dma_wait3A_86 = arith.constant 0 : i32
      %dma_wait3A_87 = tpu.memref_slice %arg4[%dma_wait3A_86] : memref<322560xi32, #tpu.memory_space<hbm>> -> memref<80xi32, #tpu.memory_space<hbm>>
      %dma_wait3A_88 = arith.constant 0 : i32
      %dma_wait3A_89 = tpu.memref_slice %arg4[%dma_wait3A_88] : memref<322560xi32, #tpu.memory_space<hbm>> -> memref<80xi32, #tpu.memory_space<hbm>>
      tpu.wait_dma2 semaphore(%arg19 : memref<!tpu.dma_semaphore, #tpu.memory_space<semaphore_mem>>) src(%dma_wait3A_89 : memref<80xi32, #tpu.memory_space<hbm>>) dst(%arg10 : memref<80xi32, #tpu.memory_space<vmem>>)
      %dma_wait3A_90 = arith.constant 0 : i32
      %dma_wait3A_91 = arith.constant 0 : i32
      %dma_wait3A_92 = tpu.memref_slice %arg2[%dma_wait3A_90, %dma_wait3A_91] : memref<10000x128xf32, #tpu.memory_space<hbm>> -> memref<10000x128xf32, #tpu.memory_space<hbm>>
      tpu.wait_indirect_dma semaphore(%arg22 : memref<!tpu.dma_semaphore, #tpu.memory_space<semaphore_mem>>) src(%dma_wait3A_92 : memref<10000x128xf32, #tpu.memory_space<hbm>>) dst(%arg13 : memref<80x128xf32, #tpu.memory_space<vmem>>)
      %dma_start3A_93 = arith.constant 0 : i32
      %dma_start3A_94 = arith.constant 0 : i32
      %dma_start3A_95 = tpu.memref_slice %arg6[%dma_start3A_93, %dma_start3A_94] : memref<10240x128xf32, #tpu.memory_space<vmem_shared>> -> memref<10240x128xf32, #tpu.memory_space<vmem_shared>>
      tpu.enqueue_indirect_dma source(%arg13 : memref<80x128xf32, #tpu.memory_space<vmem>>) target(%dma_start3A_95 : memref<10240x128xf32, #tpu.memory_space<vmem_shared>>) offsets(%arg10 : memref<80xi32, #tpu.memory_space<vmem>>) semaphore(%arg25 : memref<!tpu.dma_semaphore, #tpu.memory_space<semaphore_mem>>) {add = true}
      %add3A_96 = arith.constant 1 : i32
      %add3A_97 = arith.addi %mul3A_85, %add3A_96 : i32
      %lt3A_98 = arith.cmpi slt, %add3A_97, %select_n3A : i32
      %convert_element_type3A_99 = arith.extui %lt3A_98 : i1 to i32
      %cond3A_100 = arith.constant 0 : i32
      %cond3A_101 = arith.cmpi ne, %convert_element_type3A_99, %cond3A_100 : i32
      scf.if %cond3A_101 {
        %dma_wait3A_170 = arith.constant 0 : i32
        %dma_wait3A_171 = tpu.memref_slice %arg3[%dma_wait3A_170] : memref<322560xi32, #tpu.memory_space<hbm>> -> memref<80xi32, #tpu.memory_space<hbm>>
        %dma_wait3A_172 = arith.constant 0 : i32
        %dma_wait3A_173 = tpu.memref_slice %arg3[%dma_wait3A_172] : memref<322560xi32, #tpu.memory_space<hbm>> -> memref<80xi32, #tpu.memory_space<hbm>>
        tpu.wait_dma2 semaphore(%arg17 : memref<!tpu.dma_semaphore, #tpu.memory_space<semaphore_mem>>) src(%dma_wait3A_173 : memref<80xi32, #tpu.memory_space<hbm>>) dst(%arg8 : memref<80xi32, #tpu.memory_space<vmem>>)
        %dma_start3A_174 = arith.constant 0 : i32
        %dma_start3A_175 = arith.constant 0 : i32
        %dma_start3A_176 = tpu.memref_slice %arg2[%dma_start3A_174, %dma_start3A_175] : memref<10000x128xf32, #tpu.memory_space<hbm>> -> memref<10000x128xf32, #tpu.memory_space<hbm>>
        tpu.enqueue_indirect_dma source(%dma_start3A_176 : memref<10000x128xf32, #tpu.memory_space<hbm>>) target(%arg14 : memref<80x128xf32, #tpu.memory_space<vmem>>) offsets(%arg8 : memref<80xi32, #tpu.memory_space<vmem>>) semaphore(%arg23 : memref<!tpu.dma_semaphore, #tpu.memory_space<semaphore_mem>>)
      } else {
      }
      %ge3A = arith.constant 1 : i32
      %ge3A_102 = arith.cmpi sge, %mul3A_85, %ge3A : i32
      %convert_element_type3A_103 = arith.extui %ge3A_102 : i1 to i32
      %cond3A_104 = arith.constant 0 : i32
      %cond3A_105 = arith.cmpi ne, %convert_element_type3A_103, %cond3A_104 : i32
      scf.if %cond3A_105 {
        %dma_wait3A_170 = arith.constant 0 : i32
        %dma_wait3A_171 = arith.constant 0 : i32
        %dma_wait3A_172 = tpu.memref_slice %arg6[%dma_wait3A_170, %dma_wait3A_171] : memref<10240x128xf32, #tpu.memory_space<vmem_shared>> -> memref<10240x128xf32, #tpu.memory_space<vmem_shared>>
        tpu.wait_indirect_dma semaphore(%arg27 : memref<!tpu.dma_semaphore, #tpu.memory_space<semaphore_mem>>) src(%arg15 : memref<80x128xf32, #tpu.memory_space<vmem>>) dst(%dma_wait3A_172 : memref<10240x128xf32, #tpu.memory_space<vmem_shared>>)
      } else {
      }
      %add3A_106 = arith.constant 2 : i32
      %add3A_107 = arith.addi %mul3A_85, %add3A_106 : i32
      %lt3A_108 = arith.cmpi slt, %add3A_107, %select_n3A : i32
      %convert_element_type3A_109 = arith.extui %lt3A_108 : i1 to i32
      %cond3A_110 = arith.constant 0 : i32
      %cond3A_111 = arith.cmpi ne, %convert_element_type3A_109, %cond3A_110 : i32
      scf.if %cond3A_111 {
        %add3A_170 = arith.constant 2 : i32
        %add3A_171 = arith.addi %mul3A_85, %add3A_170 : i32
        %mul3A_172 = arith.constant 80 : i32
        %mul3A_173 = arith.muli %add3A_171, %mul3A_172 : i32
        %add3A_174 = arith.addi %mul3A_4, %mul3A_173 : i32
        %multiple_of3A_175 = tpu.assume_multiple %add3A_174, 8 : i32
        %dma_start3A_176 = tpu.memref_slice %arg3[%multiple_of3A_175] : memref<322560xi32, #tpu.memory_space<hbm>> -> memref<80xi32, #tpu.memory_space<hbm>>
        %dma_start3A_177 = tpu.memref_slice %arg3[%multiple_of3A_175] : memref<322560xi32, #tpu.memory_space<hbm>> -> memref<80xi32, #tpu.memory_space<hbm>>
        tpu.enqueue_dma source(%dma_start3A_177 : memref<80xi32, #tpu.memory_space<hbm>>) target(%arg9 : memref<80xi32, #tpu.memory_space<vmem>>) target_semaphore(%arg18 : memref<!tpu.dma_semaphore, #tpu.memory_space<semaphore_mem>>)
        %mul3A_178 = arith.constant 80 : i32
        %mul3A_179 = arith.muli %add3A_171, %mul3A_178 : i32
        %add3A_180 = arith.addi %mul3A_4, %mul3A_179 : i32
        %multiple_of3A_181 = tpu.assume_multiple %add3A_180, 8 : i32
        %dma_start3A_182 = tpu.memref_slice %arg4[%multiple_of3A_181] : memref<322560xi32, #tpu.memory_space<hbm>> -> memref<80xi32, #tpu.memory_space<hbm>>
        %dma_start3A_183 = tpu.memref_slice %arg4[%multiple_of3A_181] : memref<322560xi32, #tpu.memory_space<hbm>> -> memref<80xi32, #tpu.memory_space<hbm>>
        tpu.enqueue_dma source(%dma_start3A_183 : memref<80xi32, #tpu.memory_space<hbm>>) target(%arg12 : memref<80xi32, #tpu.memory_space<vmem>>) target_semaphore(%arg21 : memref<!tpu.dma_semaphore, #tpu.memory_space<semaphore_mem>>)
      } else {
      }
      %add3A_112 = arith.constant 1 : i32
      %add3A_113 = arith.addi %mul3A_85, %add3A_112 : i32
      %dma_wait3A_114 = arith.constant 0 : i32
      %dma_wait3A_115 = tpu.memref_slice %arg4[%dma_wait3A_114] : memref<322560xi32, #tpu.memory_space<hbm>> -> memref<80xi32, #tpu.memory_space<hbm>>
      %dma_wait3A_116 = arith.constant 0 : i32
      %dma_wait3A_117 = tpu.memref_slice %arg4[%dma_wait3A_116] : memref<322560xi32, #tpu.memory_space<hbm>> -> memref<80xi32, #tpu.memory_space<hbm>>
      tpu.wait_dma2 semaphore(%arg20 : memref<!tpu.dma_semaphore, #tpu.memory_space<semaphore_mem>>) src(%dma_wait3A_117 : memref<80xi32, #tpu.memory_space<hbm>>) dst(%arg11 : memref<80xi32, #tpu.memory_space<vmem>>)
      %dma_wait3A_118 = arith.constant 0 : i32
      %dma_wait3A_119 = arith.constant 0 : i32
      %dma_wait3A_120 = tpu.memref_slice %arg2[%dma_wait3A_118, %dma_wait3A_119] : memref<10000x128xf32, #tpu.memory_space<hbm>> -> memref<10000x128xf32, #tpu.memory_space<hbm>>
      tpu.wait_indirect_dma semaphore(%arg23 : memref<!tpu.dma_semaphore, #tpu.memory_space<semaphore_mem>>) src(%dma_wait3A_120 : memref<10000x128xf32, #tpu.memory_space<hbm>>) dst(%arg14 : memref<80x128xf32, #tpu.memory_space<vmem>>)
      %dma_start3A_121 = arith.constant 0 : i32
      %dma_start3A_122 = arith.constant 0 : i32
      %dma_start3A_123 = tpu.memref_slice %arg6[%dma_start3A_121, %dma_start3A_122] : memref<10240x128xf32, #tpu.memory_space<vmem_shared>> -> memref<10240x128xf32, #tpu.memory_space<vmem_shared>>
      tpu.enqueue_indirect_dma source(%arg14 : memref<80x128xf32, #tpu.memory_space<vmem>>) target(%dma_start3A_123 : memref<10240x128xf32, #tpu.memory_space<vmem_shared>>) offsets(%arg11 : memref<80xi32, #tpu.memory_space<vmem>>) semaphore(%arg26 : memref<!tpu.dma_semaphore, #tpu.memory_space<semaphore_mem>>) {add = true}
      %add3A_124 = arith.constant 1 : i32
      %add3A_125 = arith.addi %add3A_113, %add3A_124 : i32
      %lt3A_126 = arith.cmpi slt, %add3A_125, %select_n3A : i32
      %convert_element_type3A_127 = arith.extui %lt3A_126 : i1 to i32
      %cond3A_128 = arith.constant 0 : i32
      %cond3A_129 = arith.cmpi ne, %convert_element_type3A_127, %cond3A_128 : i32
      scf.if %cond3A_129 {
        %dma_wait3A_170 = arith.constant 0 : i32
        %dma_wait3A_171 = tpu.memref_slice %arg3[%dma_wait3A_170] : memref<322560xi32, #tpu.memory_space<hbm>> -> memref<80xi32, #tpu.memory_space<hbm>>
        %dma_wait3A_172 = arith.constant 0 : i32
        %dma_wait3A_173 = tpu.memref_slice %arg3[%dma_wait3A_172] : memref<322560xi32, #tpu.memory_space<hbm>> -> memref<80xi32, #tpu.memory_space<hbm>>
        tpu.wait_dma2 semaphore(%arg18 : memref<!tpu.dma_semaphore, #tpu.memory_space<semaphore_mem>>) src(%dma_wait3A_173 : memref<80xi32, #tpu.memory_space<hbm>>) dst(%arg9 : memref<80xi32, #tpu.memory_space<vmem>>)
        %dma_start3A_174 = arith.constant 0 : i32
        %dma_start3A_175 = arith.constant 0 : i32
        %dma_start3A_176 = tpu.memref_slice %arg2[%dma_start3A_174, %dma_start3A_175] : memref<10000x128xf32, #tpu.memory_space<hbm>> -> memref<10000x128xf32, #tpu.memory_space<hbm>>
        tpu.enqueue_indirect_dma source(%dma_start3A_176 : memref<10000x128xf32, #tpu.memory_space<hbm>>) target(%arg15 : memref<80x128xf32, #tpu.memory_space<vmem>>) offsets(%arg9 : memref<80xi32, #tpu.memory_space<vmem>>) semaphore(%arg24 : memref<!tpu.dma_semaphore, #tpu.memory_space<semaphore_mem>>)
      } else {
      }
      %ge3A_130 = arith.constant 1 : i32
      %ge3A_131 = arith.cmpi sge, %add3A_113, %ge3A_130 : i32
      %convert_element_type3A_132 = arith.extui %ge3A_131 : i1 to i32
      %cond3A_133 = arith.constant 0 : i32
      %cond3A_134 = arith.cmpi ne, %convert_element_type3A_132, %cond3A_133 : i32
      scf.if %cond3A_134 {
        %dma_wait3A_170 = arith.constant 0 : i32
        %dma_wait3A_171 = arith.constant 0 : i32
        %dma_wait3A_172 = tpu.memref_slice %arg6[%dma_wait3A_170, %dma_wait3A_171] : memref<10240x128xf32, #tpu.memory_space<vmem_shared>> -> memref<10240x128xf32, #tpu.memory_space<vmem_shared>>
        tpu.wait_indirect_dma semaphore(%arg25 : memref<!tpu.dma_semaphore, #tpu.memory_space<semaphore_mem>>) src(%arg13 : memref<80x128xf32, #tpu.memory_space<vmem>>) dst(%dma_wait3A_172 : memref<10240x128xf32, #tpu.memory_space<vmem_shared>>)
      } else {
      }
      %add3A_135 = arith.constant 2 : i32
      %add3A_136 = arith.addi %add3A_113, %add3A_135 : i32
      %lt3A_137 = arith.cmpi slt, %add3A_136, %select_n3A : i32
      %convert_element_type3A_138 = arith.extui %lt3A_137 : i1 to i32
      %cond3A_139 = arith.constant 0 : i32
      %cond3A_140 = arith.cmpi ne, %convert_element_type3A_138, %cond3A_139 : i32
      scf.if %cond3A_140 {
        %add3A_170 = arith.constant 2 : i32
        %add3A_171 = arith.addi %add3A_113, %add3A_170 : i32
        %mul3A_172 = arith.constant 80 : i32
        %mul3A_173 = arith.muli %add3A_171, %mul3A_172 : i32
        %add3A_174 = arith.addi %mul3A_4, %mul3A_173 : i32
        %multiple_of3A_175 = tpu.assume_multiple %add3A_174, 8 : i32
        %dma_start3A_176 = tpu.memref_slice %arg3[%multiple_of3A_175] : memref<322560xi32, #tpu.memory_space<hbm>> -> memref<80xi32, #tpu.memory_space<hbm>>
        %dma_start3A_177 = tpu.memref_slice %arg3[%multiple_of3A_175] : memref<322560xi32, #tpu.memory_space<hbm>> -> memref<80xi32, #tpu.memory_space<hbm>>
        tpu.enqueue_dma source(%dma_start3A_177 : memref<80xi32, #tpu.memory_space<hbm>>) target(%arg7 : memref<80xi32, #tpu.memory_space<vmem>>) target_semaphore(%arg16 : memref<!tpu.dma_semaphore, #tpu.memory_space<semaphore_mem>>)
        %mul3A_178 = arith.constant 80 : i32
        %mul3A_179 = arith.muli %add3A_171, %mul3A_178 : i32
        %add3A_180 = arith.addi %mul3A_4, %mul3A_179 : i32
        %multiple_of3A_181 = tpu.assume_multiple %add3A_180, 8 : i32
        %dma_start3A_182 = tpu.memref_slice %arg4[%multiple_of3A_181] : memref<322560xi32, #tpu.memory_space<hbm>> -> memref<80xi32, #tpu.memory_space<hbm>>
        %dma_start3A_183 = tpu.memref_slice %arg4[%multiple_of3A_181] : memref<322560xi32, #tpu.memory_space<hbm>> -> memref<80xi32, #tpu.memory_space<hbm>>
        tpu.enqueue_dma source(%dma_start3A_183 : memref<80xi32, #tpu.memory_space<hbm>>) target(%arg10 : memref<80xi32, #tpu.memory_space<vmem>>) target_semaphore(%arg19 : memref<!tpu.dma_semaphore, #tpu.memory_space<semaphore_mem>>)
      } else {
      }
      %add3A_141 = arith.constant 2 : i32
      %add3A_142 = arith.addi %mul3A_85, %add3A_141 : i32
      %dma_wait3A_143 = arith.constant 0 : i32
      %dma_wait3A_144 = tpu.memref_slice %arg4[%dma_wait3A_143] : memref<322560xi32, #tpu.memory_space<hbm>> -> memref<80xi32, #tpu.memory_space<hbm>>
      %dma_wait3A_145 = arith.constant 0 : i32
      %dma_wait3A_146 = tpu.memref_slice %arg4[%dma_wait3A_145] : memref<322560xi32, #tpu.memory_space<hbm>> -> memref<80xi32, #tpu.memory_space<hbm>>
      tpu.wait_dma2 semaphore(%arg21 : memref<!tpu.dma_semaphore, #tpu.memory_space<semaphore_mem>>) src(%dma_wait3A_146 : memref<80xi32, #tpu.memory_space<hbm>>) dst(%arg12 : memref<80xi32, #tpu.memory_space<vmem>>)
      %dma_wait3A_147 = arith.constant 0 : i32
      %dma_wait3A_148 = arith.constant 0 : i32
      %dma_wait3A_149 = tpu.memref_slice %arg2[%dma_wait3A_147, %dma_wait3A_148] : memref<10000x128xf32, #tpu.memory_space<hbm>> -> memref<10000x128xf32, #tpu.memory_space<hbm>>
      tpu.wait_indirect_dma semaphore(%arg24 : memref<!tpu.dma_semaphore, #tpu.memory_space<semaphore_mem>>) src(%dma_wait3A_149 : memref<10000x128xf32, #tpu.memory_space<hbm>>) dst(%arg15 : memref<80x128xf32, #tpu.memory_space<vmem>>)
      %dma_start3A_150 = arith.constant 0 : i32
      %dma_start3A_151 = arith.constant 0 : i32
      %dma_start3A_152 = tpu.memref_slice %arg6[%dma_start3A_150, %dma_start3A_151] : memref<10240x128xf32, #tpu.memory_space<vmem_shared>> -> memref<10240x128xf32, #tpu.memory_space<vmem_shared>>
      tpu.enqueue_indirect_dma source(%arg15 : memref<80x128xf32, #tpu.memory_space<vmem>>) target(%dma_start3A_152 : memref<10240x128xf32, #tpu.memory_space<vmem_shared>>) offsets(%arg12 : memref<80xi32, #tpu.memory_space<vmem>>) semaphore(%arg27 : memref<!tpu.dma_semaphore, #tpu.memory_space<semaphore_mem>>) {add = true}
      %add3A_153 = arith.constant 1 : i32
      %add3A_154 = arith.addi %add3A_142, %add3A_153 : i32
      %lt3A_155 = arith.cmpi slt, %add3A_154, %select_n3A : i32
      %convert_element_type3A_156 = arith.extui %lt3A_155 : i1 to i32
      %cond3A_157 = arith.constant 0 : i32
      %cond3A_158 = arith.cmpi ne, %convert_element_type3A_156, %cond3A_157 : i32
      scf.if %cond3A_158 {
        %dma_wait3A_170 = arith.constant 0 : i32
        %dma_wait3A_171 = tpu.memref_slice %arg3[%dma_wait3A_170] : memref<322560xi32, #tpu.memory_space<hbm>> -> memref<80xi32, #tpu.memory_space<hbm>>
        %dma_wait3A_172 = arith.constant 0 : i32
        %dma_wait3A_173 = tpu.memref_slice %arg3[%dma_wait3A_172] : memref<322560xi32, #tpu.memory_space<hbm>> -> memref<80xi32, #tpu.memory_space<hbm>>
        tpu.wait_dma2 semaphore(%arg16 : memref<!tpu.dma_semaphore, #tpu.memory_space<semaphore_mem>>) src(%dma_wait3A_173 : memref<80xi32, #tpu.memory_space<hbm>>) dst(%arg7 : memref<80xi32, #tpu.memory_space<vmem>>)
        %dma_start3A_174 = arith.constant 0 : i32
        %dma_start3A_175 = arith.constant 0 : i32
        %dma_start3A_176 = tpu.memref_slice %arg2[%dma_start3A_174, %dma_start3A_175] : memref<10000x128xf32, #tpu.memory_space<hbm>> -> memref<10000x128xf32, #tpu.memory_space<hbm>>
        tpu.enqueue_indirect_dma source(%dma_start3A_176 : memref<10000x128xf32, #tpu.memory_space<hbm>>) target(%arg13 : memref<80x128xf32, #tpu.memory_space<vmem>>) offsets(%arg7 : memref<80xi32, #tpu.memory_space<vmem>>) semaphore(%arg22 : memref<!tpu.dma_semaphore, #tpu.memory_space<semaphore_mem>>)
      } else {
      }
      %ge3A_159 = arith.constant 1 : i32
      %ge3A_160 = arith.cmpi sge, %add3A_142, %ge3A_159 : i32
      %convert_element_type3A_161 = arith.extui %ge3A_160 : i1 to i32
      %cond3A_162 = arith.constant 0 : i32
      %cond3A_163 = arith.cmpi ne, %convert_element_type3A_161, %cond3A_162 : i32
      scf.if %cond3A_163 {
        %dma_wait3A_170 = arith.constant 0 : i32
        %dma_wait3A_171 = arith.constant 0 : i32
        %dma_wait3A_172 = tpu.memref_slice %arg6[%dma_wait3A_170, %dma_wait3A_171] : memref<10240x128xf32, #tpu.memory_space<vmem_shared>> -> memref<10240x128xf32, #tpu.memory_space<vmem_shared>>
        tpu.wait_indirect_dma semaphore(%arg26 : memref<!tpu.dma_semaphore, #tpu.memory_space<semaphore_mem>>) src(%arg14 : memref<80x128xf32, #tpu.memory_space<vmem>>) dst(%dma_wait3A_172 : memref<10240x128xf32, #tpu.memory_space<vmem_shared>>)
      } else {
      }
      %add3A_164 = arith.constant 2 : i32
      %add3A_165 = arith.addi %add3A_142, %add3A_164 : i32
      %lt3A_166 = arith.cmpi slt, %add3A_165, %select_n3A : i32
      %convert_element_type3A_167 = arith.extui %lt3A_166 : i1 to i32
      %cond3A_168 = arith.constant 0 : i32
      %cond3A_169 = arith.cmpi ne, %convert_element_type3A_167, %cond3A_168 : i32
      scf.if %cond3A_169 {
        %add3A_170 = arith.constant 2 : i32
        %add3A_171 = arith.addi %add3A_142, %add3A_170 : i32
        %mul3A_172 = arith.constant 80 : i32
        %mul3A_173 = arith.muli %add3A_171, %mul3A_172 : i32
        %add3A_174 = arith.addi %mul3A_4, %mul3A_173 : i32
        %multiple_of3A_175 = tpu.assume_multiple %add3A_174, 8 : i32
        %dma_start3A_176 = tpu.memref_slice %arg3[%multiple_of3A_175] : memref<322560xi32, #tpu.memory_space<hbm>> -> memref<80xi32, #tpu.memory_space<hbm>>
        %dma_start3A_177 = tpu.memref_slice %arg3[%multiple_of3A_175] : memref<322560xi32, #tpu.memory_space<hbm>> -> memref<80xi32, #tpu.memory_space<hbm>>
        tpu.enqueue_dma source(%dma_start3A_177 : memref<80xi32, #tpu.memory_space<hbm>>) target(%arg8 : memref<80xi32, #tpu.memory_space<vmem>>) target_semaphore(%arg17 : memref<!tpu.dma_semaphore, #tpu.memory_space<semaphore_mem>>)
        %mul3A_178 = arith.constant 80 : i32
        %mul3A_179 = arith.muli %add3A_171, %mul3A_178 : i32
        %add3A_180 = arith.addi %mul3A_4, %mul3A_179 : i32
        %multiple_of3A_181 = tpu.assume_multiple %add3A_180, 8 : i32
        %dma_start3A_182 = tpu.memref_slice %arg4[%multiple_of3A_181] : memref<322560xi32, #tpu.memory_space<hbm>> -> memref<80xi32, #tpu.memory_space<hbm>>
        %dma_start3A_183 = tpu.memref_slice %arg4[%multiple_of3A_181] : memref<322560xi32, #tpu.memory_space<hbm>> -> memref<80xi32, #tpu.memory_space<hbm>>
        tpu.enqueue_dma source(%dma_start3A_183 : memref<80xi32, #tpu.memory_space<hbm>>) target(%arg11 : memref<80xi32, #tpu.memory_space<vmem>>) target_semaphore(%arg20 : memref<!tpu.dma_semaphore, #tpu.memory_space<semaphore_mem>>)
      } else {
      }
    }
    %while3A_73 = arith.constant 1 : i32
    scf.for %while3A_81 = %while3A_71 to %while3A_67 step %while3A_73  : i32 {
      %mul3A_82 = arith.muli %while3A_81, %while3A : i32
      %add3A_83 = arith.addi %while3A_64, %mul3A_82 : i32
      %mul3A_84 = arith.constant 3 : i32
      %mul3A_85 = arith.muli %add3A_83, %mul3A_84 : i32
      %dma_wait3A_86 = arith.constant 0 : i32
      %dma_wait3A_87 = tpu.memref_slice %arg4[%dma_wait3A_86] : memref<322560xi32, #tpu.memory_space<hbm>> -> memref<80xi32, #tpu.memory_space<hbm>>
      %dma_wait3A_88 = arith.constant 0 : i32
      %dma_wait3A_89 = tpu.memref_slice %arg4[%dma_wait3A_88] : memref<322560xi32, #tpu.memory_space<hbm>> -> memref<80xi32, #tpu.memory_space<hbm>>
      tpu.wait_dma2 semaphore(%arg19 : memref<!tpu.dma_semaphore, #tpu.memory_space<semaphore_mem>>) src(%dma_wait3A_89 : memref<80xi32, #tpu.memory_space<hbm>>) dst(%arg10 : memref<80xi32, #tpu.memory_space<vmem>>)
      %dma_wait3A_90 = arith.constant 0 : i32
      %dma_wait3A_91 = arith.constant 0 : i32
      %dma_wait3A_92 = tpu.memref_slice %arg2[%dma_wait3A_90, %dma_wait3A_91] : memref<10000x128xf32, #tpu.memory_space<hbm>> -> memref<10000x128xf32, #tpu.memory_space<hbm>>
      tpu.wait_indirect_dma semaphore(%arg22 : memref<!tpu.dma_semaphore, #tpu.memory_space<semaphore_mem>>) src(%dma_wait3A_92 : memref<10000x128xf32, #tpu.memory_space<hbm>>) dst(%arg13 : memref<80x128xf32, #tpu.memory_space<vmem>>)
      %dma_start3A_93 = arith.constant 0 : i32
      %dma_start3A_94 = arith.constant 0 : i32
      %dma_start3A_95 = tpu.memref_slice %arg6[%dma_start3A_93, %dma_start3A_94] : memref<10240x128xf32, #tpu.memory_space<vmem_shared>> -> memref<10240x128xf32, #tpu.memory_space<vmem_shared>>
      tpu.enqueue_indirect_dma source(%arg13 : memref<80x128xf32, #tpu.memory_space<vmem>>) target(%dma_start3A_95 : memref<10240x128xf32, #tpu.memory_space<vmem_shared>>) offsets(%arg10 : memref<80xi32, #tpu.memory_space<vmem>>) semaphore(%arg25 : memref<!tpu.dma_semaphore, #tpu.memory_space<semaphore_mem>>) {add = true}
      %add3A_96 = arith.constant 1 : i32
      %add3A_97 = arith.addi %mul3A_85, %add3A_96 : i32
      %lt3A_98 = arith.cmpi slt, %add3A_97, %select_n3A : i32
      %convert_element_type3A_99 = arith.extui %lt3A_98 : i1 to i32
      %cond3A_100 = arith.constant 0 : i32
      %cond3A_101 = arith.cmpi ne, %convert_element_type3A_99, %cond3A_100 : i32
      scf.if %cond3A_101 {
        %dma_wait3A_170 = arith.constant 0 : i32
        %dma_wait3A_171 = tpu.memref_slice %arg3[%dma_wait3A_170] : memref<322560xi32, #tpu.memory_space<hbm>> -> memref<80xi32, #tpu.memory_space<hbm>>
        %dma_wait3A_172 = arith.constant 0 : i32
        %dma_wait3A_173 = tpu.memref_slice %arg3[%dma_wait3A_172] : memref<322560xi32, #tpu.memory_space<hbm>> -> memref<80xi32, #tpu.memory_space<hbm>>
        tpu.wait_dma2 semaphore(%arg17 : memref<!tpu.dma_semaphore, #tpu.memory_space<semaphore_mem>>) src(%dma_wait3A_173 : memref<80xi32, #tpu.memory_space<hbm>>) dst(%arg8 : memref<80xi32, #tpu.memory_space<vmem>>)
        %dma_start3A_174 = arith.constant 0 : i32
        %dma_start3A_175 = arith.constant 0 : i32
        %dma_start3A_176 = tpu.memref_slice %arg2[%dma_start3A_174, %dma_start3A_175] : memref<10000x128xf32, #tpu.memory_space<hbm>> -> memref<10000x128xf32, #tpu.memory_space<hbm>>
        tpu.enqueue_indirect_dma source(%dma_start3A_176 : memref<10000x128xf32, #tpu.memory_space<hbm>>) target(%arg14 : memref<80x128xf32, #tpu.memory_space<vmem>>) offsets(%arg8 : memref<80xi32, #tpu.memory_space<vmem>>) semaphore(%arg23 : memref<!tpu.dma_semaphore, #tpu.memory_space<semaphore_mem>>)
      } else {
      }
      %ge3A = arith.constant 1 : i32
      %ge3A_102 = arith.cmpi sge, %mul3A_85, %ge3A : i32
      %convert_element_type3A_103 = arith.extui %ge3A_102 : i1 to i32
      %cond3A_104 = arith.constant 0 : i32
      %cond3A_105 = arith.cmpi ne, %convert_element_type3A_103, %cond3A_104 : i32
      scf.if %cond3A_105 {
        %dma_wait3A_170 = arith.constant 0 : i32
        %dma_wait3A_171 = arith.constant 0 : i32
        %dma_wait3A_172 = tpu.memref_slice %arg6[%dma_wait3A_170, %dma_wait3A_171] : memref<10240x128xf32, #tpu.memory_space<vmem_shared>> -> memref<10240x128xf32, #tpu.memory_space<vmem_shared>>
        tpu.wait_indirect_dma semaphore(%arg27 : memref<!tpu.dma_semaphore, #tpu.memory_space<semaphore_mem>>) src(%arg15 : memref<80x128xf32, #tpu.memory_space<vmem>>) dst(%dma_wait3A_172 : memref<10240x128xf32, #tpu.memory_space<vmem_shared>>)
      } else {
      }
      %add3A_106 = arith.constant 2 : i32
      %add3A_107 = arith.addi %mul3A_85, %add3A_106 : i32
      %lt3A_108 = arith.cmpi slt, %add3A_107, %select_n3A : i32
      %convert_element_type3A_109 = arith.extui %lt3A_108 : i1 to i32
      %cond3A_110 = arith.constant 0 : i32
      %cond3A_111 = arith.cmpi ne, %convert_element_type3A_109, %cond3A_110 : i32
      scf.if %cond3A_111 {
        %add3A_170 = arith.constant 2 : i32
        %add3A_171 = arith.addi %mul3A_85, %add3A_170 : i32
        %mul3A_172 = arith.constant 80 : i32
        %mul3A_173 = arith.muli %add3A_171, %mul3A_172 : i32
        %add3A_174 = arith.addi %mul3A_4, %mul3A_173 : i32
        %multiple_of3A_175 = tpu.assume_multiple %add3A_174, 8 : i32
        %dma_start3A_176 = tpu.memref_slice %arg3[%multiple_of3A_175] : memref<322560xi32, #tpu.memory_space<hbm>> -> memref<80xi32, #tpu.memory_space<hbm>>
        %dma_start3A_177 = tpu.memref_slice %arg3[%multiple_of3A_175] : memref<322560xi32, #tpu.memory_space<hbm>> -> memref<80xi32, #tpu.memory_space<hbm>>
        tpu.enqueue_dma source(%dma_start3A_177 : memref<80xi32, #tpu.memory_space<hbm>>) target(%arg9 : memref<80xi32, #tpu.memory_space<vmem>>) target_semaphore(%arg18 : memref<!tpu.dma_semaphore, #tpu.memory_space<semaphore_mem>>)
        %mul3A_178 = arith.constant 80 : i32
        %mul3A_179 = arith.muli %add3A_171, %mul3A_178 : i32
        %add3A_180 = arith.addi %mul3A_4, %mul3A_179 : i32
        %multiple_of3A_181 = tpu.assume_multiple %add3A_180, 8 : i32
        %dma_start3A_182 = tpu.memref_slice %arg4[%multiple_of3A_181] : memref<322560xi32, #tpu.memory_space<hbm>> -> memref<80xi32, #tpu.memory_space<hbm>>
        %dma_start3A_183 = tpu.memref_slice %arg4[%multiple_of3A_181] : memref<322560xi32, #tpu.memory_space<hbm>> -> memref<80xi32, #tpu.memory_space<hbm>>
        tpu.enqueue_dma source(%dma_start3A_183 : memref<80xi32, #tpu.memory_space<hbm>>) target(%arg12 : memref<80xi32, #tpu.memory_space<vmem>>) target_semaphore(%arg21 : memref<!tpu.dma_semaphore, #tpu.memory_space<semaphore_mem>>)
      } else {
      }
      %add3A_112 = arith.constant 1 : i32
      %add3A_113 = arith.addi %mul3A_85, %add3A_112 : i32
      %dma_wait3A_114 = arith.constant 0 : i32
      %dma_wait3A_115 = tpu.memref_slice %arg4[%dma_wait3A_114] : memref<322560xi32, #tpu.memory_space<hbm>> -> memref<80xi32, #tpu.memory_space<hbm>>
      %dma_wait3A_116 = arith.constant 0 : i32
      %dma_wait3A_117 = tpu.memref_slice %arg4[%dma_wait3A_116] : memref<322560xi32, #tpu.memory_space<hbm>> -> memref<80xi32, #tpu.memory_space<hbm>>
      tpu.wait_dma2 semaphore(%arg20 : memref<!tpu.dma_semaphore, #tpu.memory_space<semaphore_mem>>) src(%dma_wait3A_117 : memref<80xi32, #tpu.memory_space<hbm>>) dst(%arg11 : memref<80xi32, #tpu.memory_space<vmem>>)
      %dma_wait3A_118 = arith.constant 0 : i32
      %dma_wait3A_119 = arith.constant 0 : i32
      %dma_wait3A_120 = tpu.memref_slice %arg2[%dma_wait3A_118, %dma_wait3A_119] : memref<10000x128xf32, #tpu.memory_space<hbm>> -> memref<10000x128xf32, #tpu.memory_space<hbm>>
      tpu.wait_indirect_dma semaphore(%arg23 : memref<!tpu.dma_semaphore, #tpu.memory_space<semaphore_mem>>) src(%dma_wait3A_120 : memref<10000x128xf32, #tpu.memory_space<hbm>>) dst(%arg14 : memref<80x128xf32, #tpu.memory_space<vmem>>)
      %dma_start3A_121 = arith.constant 0 : i32
      %dma_start3A_122 = arith.constant 0 : i32
      %dma_start3A_123 = tpu.memref_slice %arg6[%dma_start3A_121, %dma_start3A_122] : memref<10240x128xf32, #tpu.memory_space<vmem_shared>> -> memref<10240x128xf32, #tpu.memory_space<vmem_shared>>
      tpu.enqueue_indirect_dma source(%arg14 : memref<80x128xf32, #tpu.memory_space<vmem>>) target(%dma_start3A_123 : memref<10240x128xf32, #tpu.memory_space<vmem_shared>>) offsets(%arg11 : memref<80xi32, #tpu.memory_space<vmem>>) semaphore(%arg26 : memref<!tpu.dma_semaphore, #tpu.memory_space<semaphore_mem>>) {add = true}
      %add3A_124 = arith.constant 1 : i32
      %add3A_125 = arith.addi %add3A_113, %add3A_124 : i32
      %lt3A_126 = arith.cmpi slt, %add3A_125, %select_n3A : i32
      %convert_element_type3A_127 = arith.extui %lt3A_126 : i1 to i32
      %cond3A_128 = arith.constant 0 : i32
      %cond3A_129 = arith.cmpi ne, %convert_element_type3A_127, %cond3A_128 : i32
      scf.if %cond3A_129 {
        %dma_wait3A_170 = arith.constant 0 : i32
        %dma_wait3A_171 = tpu.memref_slice %arg3[%dma_wait3A_170] : memref<322560xi32, #tpu.memory_space<hbm>> -> memref<80xi32, #tpu.memory_space<hbm>>
        %dma_wait3A_172 = arith.constant 0 : i32
        %dma_wait3A_173 = tpu.memref_slice %arg3[%dma_wait3A_172] : memref<322560xi32, #tpu.memory_space<hbm>> -> memref<80xi32, #tpu.memory_space<hbm>>
        tpu.wait_dma2 semaphore(%arg18 : memref<!tpu.dma_semaphore, #tpu.memory_space<semaphore_mem>>) src(%dma_wait3A_173 : memref<80xi32, #tpu.memory_space<hbm>>) dst(%arg9 : memref<80xi32, #tpu.memory_space<vmem>>)
        %dma_start3A_174 = arith.constant 0 : i32
        %dma_start3A_175 = arith.constant 0 : i32
        %dma_start3A_176 = tpu.memref_slice %arg2[%dma_start3A_174, %dma_start3A_175] : memref<10000x128xf32, #tpu.memory_space<hbm>> -> memref<10000x128xf32, #tpu.memory_space<hbm>>
        tpu.enqueue_indirect_dma source(%dma_start3A_176 : memref<10000x128xf32, #tpu.memory_space<hbm>>) target(%arg15 : memref<80x128xf32, #tpu.memory_space<vmem>>) offsets(%arg9 : memref<80xi32, #tpu.memory_space<vmem>>) semaphore(%arg24 : memref<!tpu.dma_semaphore, #tpu.memory_space<semaphore_mem>>)
      } else {
      }
      %ge3A_130 = arith.constant 1 : i32
      %ge3A_131 = arith.cmpi sge, %add3A_113, %ge3A_130 : i32
      %convert_element_type3A_132 = arith.extui %ge3A_131 : i1 to i32
      %cond3A_133 = arith.constant 0 : i32
      %cond3A_134 = arith.cmpi ne, %convert_element_type3A_132, %cond3A_133 : i32
      scf.if %cond3A_134 {
        %dma_wait3A_170 = arith.constant 0 : i32
        %dma_wait3A_171 = arith.constant 0 : i32
        %dma_wait3A_172 = tpu.memref_slice %arg6[%dma_wait3A_170, %dma_wait3A_171] : memref<10240x128xf32, #tpu.memory_space<vmem_shared>> -> memref<10240x128xf32, #tpu.memory_space<vmem_shared>>
        tpu.wait_indirect_dma semaphore(%arg25 : memref<!tpu.dma_semaphore, #tpu.memory_space<semaphore_mem>>) src(%arg13 : memref<80x128xf32, #tpu.memory_space<vmem>>) dst(%dma_wait3A_172 : memref<10240x128xf32, #tpu.memory_space<vmem_shared>>)
      } else {
      }
      %add3A_135 = arith.constant 2 : i32
      %add3A_136 = arith.addi %add3A_113, %add3A_135 : i32
      %lt3A_137 = arith.cmpi slt, %add3A_136, %select_n3A : i32
      %convert_element_type3A_138 = arith.extui %lt3A_137 : i1 to i32
      %cond3A_139 = arith.constant 0 : i32
      %cond3A_140 = arith.cmpi ne, %convert_element_type3A_138, %cond3A_139 : i32
      scf.if %cond3A_140 {
        %add3A_170 = arith.constant 2 : i32
        %add3A_171 = arith.addi %add3A_113, %add3A_170 : i32
        %mul3A_172 = arith.constant 80 : i32
        %mul3A_173 = arith.muli %add3A_171, %mul3A_172 : i32
        %add3A_174 = arith.addi %mul3A_4, %mul3A_173 : i32
        %multiple_of3A_175 = tpu.assume_multiple %add3A_174, 8 : i32
        %dma_start3A_176 = tpu.memref_slice %arg3[%multiple_of3A_175] : memref<322560xi32, #tpu.memory_space<hbm>> -> memref<80xi32, #tpu.memory_space<hbm>>
        %dma_start3A_177 = tpu.memref_slice %arg3[%multiple_of3A_175] : memref<322560xi32, #tpu.memory_space<hbm>> -> memref<80xi32, #tpu.memory_space<hbm>>
        tpu.enqueue_dma source(%dma_start3A_177 : memref<80xi32, #tpu.memory_space<hbm>>) target(%arg7 : memref<80xi32, #tpu.memory_space<vmem>>) target_semaphore(%arg16 : memref<!tpu.dma_semaphore, #tpu.memory_space<semaphore_mem>>)
        %mul3A_178 = arith.constant 80 : i32
        %mul3A_179 = arith.muli %add3A_171, %mul3A_178 : i32
        %add3A_180 = arith.addi %mul3A_4, %mul3A_179 : i32
        %multiple_of3A_181 = tpu.assume_multiple %add3A_180, 8 : i32
        %dma_start3A_182 = tpu.memref_slice %arg4[%multiple_of3A_181] : memref<322560xi32, #tpu.memory_space<hbm>> -> memref<80xi32, #tpu.memory_space<hbm>>
        %dma_start3A_183 = tpu.memref_slice %arg4[%multiple_of3A_181] : memref<322560xi32, #tpu.memory_space<hbm>> -> memref<80xi32, #tpu.memory_space<hbm>>
        tpu.enqueue_dma source(%dma_start3A_183 : memref<80xi32, #tpu.memory_space<hbm>>) target(%arg10 : memref<80xi32, #tpu.memory_space<vmem>>) target_semaphore(%arg19 : memref<!tpu.dma_semaphore, #tpu.memory_space<semaphore_mem>>)
      } else {
      }
      %add3A_141 = arith.constant 2 : i32
      %add3A_142 = arith.addi %mul3A_85, %add3A_141 : i32
      %dma_wait3A_143 = arith.constant 0 : i32
      %dma_wait3A_144 = tpu.memref_slice %arg4[%dma_wait3A_143] : memref<322560xi32, #tpu.memory_space<hbm>> -> memref<80xi32, #tpu.memory_space<hbm>>
      %dma_wait3A_145 = arith.constant 0 : i32
      %dma_wait3A_146 = tpu.memref_slice %arg4[%dma_wait3A_145] : memref<322560xi32, #tpu.memory_space<hbm>> -> memref<80xi32, #tpu.memory_space<hbm>>
      tpu.wait_dma2 semaphore(%arg21 : memref<!tpu.dma_semaphore, #tpu.memory_space<semaphore_mem>>) src(%dma_wait3A_146 : memref<80xi32, #tpu.memory_space<hbm>>) dst(%arg12 : memref<80xi32, #tpu.memory_space<vmem>>)
      %dma_wait3A_147 = arith.constant 0 : i32
      %dma_wait3A_148 = arith.constant 0 : i32
      %dma_wait3A_149 = tpu.memref_slice %arg2[%dma_wait3A_147, %dma_wait3A_148] : memref<10000x128xf32, #tpu.memory_space<hbm>> -> memref<10000x128xf32, #tpu.memory_space<hbm>>
      tpu.wait_indirect_dma semaphore(%arg24 : memref<!tpu.dma_semaphore, #tpu.memory_space<semaphore_mem>>) src(%dma_wait3A_149 : memref<10000x128xf32, #tpu.memory_space<hbm>>) dst(%arg15 : memref<80x128xf32, #tpu.memory_space<vmem>>)
      %dma_start3A_150 = arith.constant 0 : i32
      %dma_start3A_151 = arith.constant 0 : i32
      %dma_start3A_152 = tpu.memref_slice %arg6[%dma_start3A_150, %dma_start3A_151] : memref<10240x128xf32, #tpu.memory_space<vmem_shared>> -> memref<10240x128xf32, #tpu.memory_space<vmem_shared>>
      tpu.enqueue_indirect_dma source(%arg15 : memref<80x128xf32, #tpu.memory_space<vmem>>) target(%dma_start3A_152 : memref<10240x128xf32, #tpu.memory_space<vmem_shared>>) offsets(%arg12 : memref<80xi32, #tpu.memory_space<vmem>>) semaphore(%arg27 : memref<!tpu.dma_semaphore, #tpu.memory_space<semaphore_mem>>) {add = true}
      %add3A_153 = arith.constant 1 : i32
      %add3A_154 = arith.addi %add3A_142, %add3A_153 : i32
      %lt3A_155 = arith.cmpi slt, %add3A_154, %select_n3A : i32
      %convert_element_type3A_156 = arith.extui %lt3A_155 : i1 to i32
      %cond3A_157 = arith.constant 0 : i32
      %cond3A_158 = arith.cmpi ne, %convert_element_type3A_156, %cond3A_157 : i32
      scf.if %cond3A_158 {
        %dma_wait3A_170 = arith.constant 0 : i32
        %dma_wait3A_171 = tpu.memref_slice %arg3[%dma_wait3A_170] : memref<322560xi32, #tpu.memory_space<hbm>> -> memref<80xi32, #tpu.memory_space<hbm>>
        %dma_wait3A_172 = arith.constant 0 : i32
        %dma_wait3A_173 = tpu.memref_slice %arg3[%dma_wait3A_172] : memref<322560xi32, #tpu.memory_space<hbm>> -> memref<80xi32, #tpu.memory_space<hbm>>
        tpu.wait_dma2 semaphore(%arg16 : memref<!tpu.dma_semaphore, #tpu.memory_space<semaphore_mem>>) src(%dma_wait3A_173 : memref<80xi32, #tpu.memory_space<hbm>>) dst(%arg7 : memref<80xi32, #tpu.memory_space<vmem>>)
        %dma_start3A_174 = arith.constant 0 : i32
        %dma_start3A_175 = arith.constant 0 : i32
        %dma_start3A_176 = tpu.memref_slice %arg2[%dma_start3A_174, %dma_start3A_175] : memref<10000x128xf32, #tpu.memory_space<hbm>> -> memref<10000x128xf32, #tpu.memory_space<hbm>>
        tpu.enqueue_indirect_dma source(%dma_start3A_176 : memref<10000x128xf32, #tpu.memory_space<hbm>>) target(%arg13 : memref<80x128xf32, #tpu.memory_space<vmem>>) offsets(%arg7 : memref<80xi32, #tpu.memory_space<vmem>>) semaphore(%arg22 : memref<!tpu.dma_semaphore, #tpu.memory_space<semaphore_mem>>)
      } else {
      }
      %ge3A_159 = arith.constant 1 : i32
      %ge3A_160 = arith.cmpi sge, %add3A_142, %ge3A_159 : i32
      %convert_element_type3A_161 = arith.extui %ge3A_160 : i1 to i32
      %cond3A_162 = arith.constant 0 : i32
      %cond3A_163 = arith.cmpi ne, %convert_element_type3A_161, %cond3A_162 : i32
      scf.if %cond3A_163 {
        %dma_wait3A_170 = arith.constant 0 : i32
        %dma_wait3A_171 = arith.constant 0 : i32
        %dma_wait3A_172 = tpu.memref_slice %arg6[%dma_wait3A_170, %dma_wait3A_171] : memref<10240x128xf32, #tpu.memory_space<vmem_shared>> -> memref<10240x128xf32, #tpu.memory_space<vmem_shared>>
        tpu.wait_indirect_dma semaphore(%arg26 : memref<!tpu.dma_semaphore, #tpu.memory_space<semaphore_mem>>) src(%arg14 : memref<80x128xf32, #tpu.memory_space<vmem>>) dst(%dma_wait3A_172 : memref<10240x128xf32, #tpu.memory_space<vmem_shared>>)
      } else {
      }
      %add3A_164 = arith.constant 2 : i32
      %add3A_165 = arith.addi %add3A_142, %add3A_164 : i32
      %lt3A_166 = arith.cmpi slt, %add3A_165, %select_n3A : i32
      %convert_element_type3A_167 = arith.extui %lt3A_166 : i1 to i32
      %cond3A_168 = arith.constant 0 : i32
      %cond3A_169 = arith.cmpi ne, %convert_element_type3A_167, %cond3A_168 : i32
      scf.if %cond3A_169 {
        %add3A_170 = arith.constant 2 : i32
        %add3A_171 = arith.addi %add3A_142, %add3A_170 : i32
        %mul3A_172 = arith.constant 80 : i32
        %mul3A_173 = arith.muli %add3A_171, %mul3A_172 : i32
        %add3A_174 = arith.addi %mul3A_4, %mul3A_173 : i32
        %multiple_of3A_175 = tpu.assume_multiple %add3A_174, 8 : i32
        %dma_start3A_176 = tpu.memref_slice %arg3[%multiple_of3A_175] : memref<322560xi32, #tpu.memory_space<hbm>> -> memref<80xi32, #tpu.memory_space<hbm>>
        %dma_start3A_177 = tpu.memref_slice %arg3[%multiple_of3A_175] : memref<322560xi32, #tpu.memory_space<hbm>> -> memref<80xi32, #tpu.memory_space<hbm>>
        tpu.enqueue_dma source(%dma_start3A_177 : memref<80xi32, #tpu.memory_space<hbm>>) target(%arg8 : memref<80xi32, #tpu.memory_space<vmem>>) target_semaphore(%arg17 : memref<!tpu.dma_semaphore, #tpu.memory_space<semaphore_mem>>)
        %mul3A_178 = arith.constant 80 : i32
        %mul3A_179 = arith.muli %add3A_171, %mul3A_178 : i32
        %add3A_180 = arith.addi %mul3A_4, %mul3A_179 : i32
        %multiple_of3A_181 = tpu.assume_multiple %add3A_180, 8 : i32
        %dma_start3A_182 = tpu.memref_slice %arg4[%multiple_of3A_181] : memref<322560xi32, #tpu.memory_space<hbm>> -> memref<80xi32, #tpu.memory_space<hbm>>
        %dma_start3A_183 = tpu.memref_slice %arg4[%multiple_of3A_181] : memref<322560xi32, #tpu.memory_space<hbm>> -> memref<80xi32, #tpu.memory_space<hbm>>
        tpu.enqueue_dma source(%dma_start3A_183 : memref<80xi32, #tpu.memory_space<hbm>>) target(%arg11 : memref<80xi32, #tpu.memory_space<vmem>>) target_semaphore(%arg20 : memref<!tpu.dma_semaphore, #tpu.memory_space<semaphore_mem>>)
      } else {
      }
    }
    %dma_wait3A_74 = arith.constant 0 : i32
    %dma_wait3A_75 = arith.constant 0 : i32
    %dma_wait3A_76 = tpu.memref_slice %arg6[%dma_wait3A_74, %dma_wait3A_75] : memref<10240x128xf32, #tpu.memory_space<vmem_shared>> -> memref<10240x128xf32, #tpu.memory_space<vmem_shared>>
    tpu.wait_indirect_dma semaphore(%arg27 : memref<!tpu.dma_semaphore, #tpu.memory_space<semaphore_mem>>) src(%arg15 : memref<80x128xf32, #tpu.memory_space<vmem>>) dst(%dma_wait3A_76 : memref<10240x128xf32, #tpu.memory_space<vmem_shared>>)
    %barrier3A_77 = arith.constant 0 : index
    tpu.barrier barrier_id(%barrier3A_77)
    %mul3A_78 = arith.constant 640 : i32
    %mul3A_79 = arith.muli %arg1, %mul3A_78 : i32
    %multiple_of3A_80 = tpu.assume_multiple %mul3A_79, 8 : i32
    "tpu.region"() ({
      %run_scoped3A = tpu.sem_alloc : memref<!tpu.dma_semaphore, #tpu.memory_space<semaphore_mem>>
      %dma_start3A_81 = arith.constant 0 : i32
      %dma_start3A_82 = tpu.memref_slice %arg5[%arg0, %multiple_of3A_80, %dma_start3A_81] : memref<2x10240x128xf32, #tpu.memory_space<hbm>> -> memref<1x640x128xf32, #tpu.memory_space<hbm>>
      %dma_start3A_83 = tpu.memref_squeeze %dma_start3A_82 : memref<1x640x128xf32, #tpu.memory_space<hbm>> -> memref<640x128xf32, #tpu.memory_space<hbm>>
      %dma_start3A_84 = arith.constant 0 : i32
      %dma_start3A_85 = tpu.memref_slice %arg6[%multiple_of3A_80, %dma_start3A_84] : memref<10240x128xf32, #tpu.memory_space<vmem_shared>> -> memref<640x128xf32, #tpu.memory_space<vmem_shared>>
      tpu.enqueue_dma source(%dma_start3A_85 : memref<640x128xf32, #tpu.memory_space<vmem_shared>>) target(%dma_start3A_83 : memref<640x128xf32, #tpu.memory_space<hbm>>) target_semaphore(%run_scoped3A : memref<!tpu.dma_semaphore, #tpu.memory_space<semaphore_mem>>)
      %dma_wait3A_86 = arith.constant 0 : i32
      %dma_wait3A_87 = tpu.memref_slice %arg5[%arg0, %multiple_of3A_80, %dma_wait3A_86] : memref<2x10240x128xf32, #tpu.memory_space<hbm>> -> memref<1x640x128xf32, #tpu.memory_space<hbm>>
      %dma_wait3A_88 = tpu.memref_squeeze %dma_wait3A_87 : memref<1x640x128xf32, #tpu.memory_space<hbm>> -> memref<640x128xf32, #tpu.memory_space<hbm>>
      %dma_wait3A_89 = arith.constant 0 : i32
      %dma_wait3A_90 = tpu.memref_slice %arg6[%multiple_of3A_80, %dma_wait3A_89] : memref<10240x128xf32, #tpu.memory_space<vmem_shared>> -> memref<640x128xf32, #tpu.memory_space<vmem_shared>>
      tpu.wait_dma2 semaphore(%run_scoped3A : memref<!tpu.dma_semaphore, #tpu.memory_space<semaphore_mem>>) src(%dma_wait3A_90 : memref<640x128xf32, #tpu.memory_space<vmem_shared>>) dst(%dma_wait3A_88 : memref<640x128xf32, #tpu.memory_space<hbm>>)
      tpu.yield
    }) : () -> ()
    return
  }
}

module attributes {stable_mosaic.version = 14 : i64} {
  func.func @_tc_prep(%arg0: i32, %arg1: memref<2000x128xf32, #tpu.memory_space<vmem>>, %arg2: memref<128x128xf32, #tpu.memory_space<vmem>>, %arg3: memref<2x2000x1xf32, #tpu.memory_space<vmem>>, %arg4: memref<2000x1xf32, #tpu.memory_space<vmem>>, %arg5: memref<2000x128xf32, #tpu.memory_space<vmem>>) attributes {dimension_semantics = [#tpu.dimension_semantics<arbitrary>], iteration_bounds = array<i64: 5>, scalar_prefetch = 0 : i64, scratch_operands = 0 : i64, tpu.core_type = #tpu.core_type<tc>, window_params = [{transform_indices = @transform_0, window_bounds = array<i64: 2000, 128>}, {pipeline_mode = #tpu.pipeline_mode<synchronous>, transform_indices = @transform_1, window_bounds = array<i64: 128, 128>}, {transform_indices = @transform_2, window_bounds = array<i64: 2, 2000, 1>}, {transform_indices = @transform_3, window_bounds = array<i64: 2000, 1>}, {transform_indices = @transform_4, window_bounds = array<i64: 2000, 128>}]} {
    %get3A = arith.constant 0 : index
    %get3A_0 = arith.constant 0 : index
    %get3A_1 = arith.constant 0 : index
    %get3A_2 = vector.load %arg3[%get3A, %get3A_0, %get3A_1] : memref<2x2000x1xf32, #tpu.memory_space<vmem>>, vector<1x2000x1xf32>
    %get3A_3 = vector.shape_cast %get3A_2 : vector<1x2000x1xf32> to vector<2000x1xf32>
    %get3A_4 = arith.constant 1 : index
    %get3A_5 = arith.constant 0 : index
    %get3A_6 = arith.constant 0 : index
    %get3A_7 = vector.load %arg3[%get3A_4, %get3A_5, %get3A_6] : memref<2x2000x1xf32, #tpu.memory_space<vmem>>, vector<1x2000x1xf32>
    %get3A_8 = vector.shape_cast %get3A_7 : vector<1x2000x1xf32> to vector<2000x1xf32>
    %add3A = arith.addf %get3A_3, %get3A_8 : vector<2000x1xf32>
    %add3A_9 = arith.constant 1.000000e+00 : f32
    %add3A_10 = vector.broadcast %add3A_9 : f32 to vector<2000x1xf32>
    %add3A_11 = arith.addf %add3A, %add3A_10 : vector<2000x1xf32>
    %rsqrt3A = math.rsqrt %add3A_11 : vector<2000x1xf32>
    %swap3A = arith.constant 0 : index
    %swap3A_12 = arith.constant 0 : index
    %swap3A_13 = vector.load %arg4[%swap3A, %swap3A_12] : memref<2000x1xf32, #tpu.memory_space<vmem>>, vector<2000x1xf32>
    tpu.vector_store %arg4[%swap3A, %swap3A_12], %rsqrt3A {strides = array<i32>} : memref<2000x1xf32, #tpu.memory_space<vmem>>, vector<2000x1xf32>,
    %get3A_14 = arith.constant 0 : index
    %get3A_15 = arith.constant 0 : index
    %get3A_16 = vector.load %arg1[%get3A_14, %get3A_15] : memref<2000x128xf32, #tpu.memory_space<vmem>>, vector<2000x128xf32>
    %get3A_17 = arith.constant 0 : index
    %get3A_18 = arith.constant 0 : index
    %get3A_19 = vector.load %arg2[%get3A_17, %get3A_18] : memref<128x128xf32, #tpu.memory_space<vmem>>, vector<128x128xf32>
    %dot_general3A = arith.constant dense<0.000000e+00> : vector<2000x128xf32>
    %dot_general3A_20 = tpu.matmul %get3A_16, %get3A_19, %dot_general3A {dimension_numbers = #tpu.dot_dimension_numbers<[1], [0], [0], [1], [0, 0, 1, 1], [], []>, transpose_lhs_hint = false} : vector<2000x128xf32>, vector<128x128xf32>, vector<2000x128xf32> -> vector<2000x128xf32>
    %mul3A = vector.broadcast %rsqrt3A : vector<2000x1xf32> to vector<2000x128xf32>
    %mul3A_21 = arith.mulf %mul3A, %dot_general3A_20 : vector<2000x128xf32>
    %swap3A_22 = arith.constant 0 : index
    %swap3A_23 = arith.constant 0 : index
    %swap3A_24 = vector.load %arg5[%swap3A_22, %swap3A_23] : memref<2000x128xf32, #tpu.memory_space<vmem>>, vector<2000x128xf32>
    tpu.vector_store %arg5[%swap3A_22, %swap3A_23], %mul3A_21 {strides = array<i32>} : memref<2000x128xf32, #tpu.memory_space<vmem>>, vector<2000x128xf32>,
    return
  }
  func.func @transform_0(%arg0: i32) -> (i32, i32) {
    %c0_i32 = arith.constant 0 : i32
    %c0_i32_0 = arith.constant 0 : i32
    return %arg0, %c0_i32 : i32, i32
  }
  func.func @transform_1(%arg0: i32) -> (i32, i32) {
    %c0_i32 = arith.constant 0 : i32
    %c0_i32_0 = arith.constant 0 : i32
    %c0_i32_1 = arith.constant 0 : i32
    return %c0_i32, %c0_i32_0 : i32, i32
  }
  func.func @transform_2(%arg0: i32) -> (i32, i32, i32) {
    %c0_i32 = arith.constant 0 : i32
    %c0_i32_0 = arith.constant 0 : i32
    %c0_i32_1 = arith.constant 0 : i32
    return %c0_i32, %arg0, %c0_i32_0 : i32, i32, i32
  }
  func.func @transform_3(%arg0: i32) -> (i32, i32) {
    %c0_i32 = arith.constant 0 : i32
    %c0_i32_0 = arith.constant 0 : i32
    return %arg0, %c0_i32 : i32, i32
  }
  func.func @transform_4(%arg0: i32) -> (i32, i32) {
    %c0_i32 = arith.constant 0 : i32
    %c0_i32_0 = arith.constant 0 : i32
    return %arg0, %c0_i32 : i32, i32
  }
}

module attributes {stable_mosaic.version = 14 : i64} {
  func.func @_tc_mid(%arg0: i32, %arg1: memref<2x2000x128xf32, #tpu.memory_space<vmem>>, %arg2: memref<2000x128xf32, #tpu.memory_space<vmem>>, %arg3: memref<2000x1xf32, #tpu.memory_space<vmem>>, %arg4: memref<1x128xf32, #tpu.memory_space<vmem>>, %arg5: memref<128x128xf32, #tpu.memory_space<vmem>>, %arg6: memref<2000x128xf32, #tpu.memory_space<vmem>>) attributes {dimension_semantics = [#tpu.dimension_semantics<arbitrary>], iteration_bounds = array<i64: 5>, scalar_prefetch = 0 : i64, scratch_operands = 0 : i64, tpu.core_type = #tpu.core_type<tc>, window_params = [{transform_indices = @transform_0, window_bounds = array<i64: 2, 2000, 128>}, {transform_indices = @transform_1, window_bounds = array<i64: 2000, 128>}, {transform_indices = @transform_2, window_bounds = array<i64: 2000, 1>}, {pipeline_mode = #tpu.pipeline_mode<synchronous>, transform_indices = @transform_3, window_bounds = array<i64: 1, 128>}, {pipeline_mode = #tpu.pipeline_mode<synchronous>, transform_indices = @transform_4, window_bounds = array<i64: 128, 128>}, {transform_indices = @transform_5, window_bounds = array<i64: 2000, 128>}]} {
    %get3A = arith.constant 0 : index
    %get3A_0 = arith.constant 0 : index
    %get3A_1 = vector.load %arg3[%get3A, %get3A_0] : memref<2000x1xf32, #tpu.memory_space<vmem>>, vector<2000x1xf32>
    %get3A_2 = arith.constant 0 : index
    %get3A_3 = arith.constant 0 : index
    %get3A_4 = arith.constant 0 : index
    %get3A_5 = vector.load %arg1[%get3A_2, %get3A_3, %get3A_4] : memref<2x2000x128xf32, #tpu.memory_space<vmem>>, vector<1x2000x128xf32>
    %get3A_6 = vector.shape_cast %get3A_5 : vector<1x2000x128xf32> to vector<2000x128xf32>
    %get3A_7 = arith.constant 1 : index
    %get3A_8 = arith.constant 0 : index
    %get3A_9 = arith.constant 0 : index
    %get3A_10 = vector.load %arg1[%get3A_7, %get3A_8, %get3A_9] : memref<2x2000x128xf32, #tpu.memory_space<vmem>>, vector<1x2000x128xf32>
    %get3A_11 = vector.shape_cast %get3A_10 : vector<1x2000x128xf32> to vector<2000x128xf32>
    %add3A = arith.addf %get3A_6, %get3A_11 : vector<2000x128xf32>
    %get3A_12 = arith.constant 0 : index
    %get3A_13 = arith.constant 0 : index
    %get3A_14 = vector.load %arg2[%get3A_12, %get3A_13] : memref<2000x128xf32, #tpu.memory_space<vmem>>, vector<2000x128xf32>
    %sub3A = arith.subf %add3A, %get3A_14 : vector<2000x128xf32>
    %mul3A = vector.broadcast %get3A_1 : vector<2000x1xf32> to vector<2000x128xf32>
    %mul3A_15 = arith.mulf %mul3A, %sub3A : vector<2000x128xf32>
    %get3A_16 = arith.constant 0 : index
    %get3A_17 = arith.constant 0 : index
    %get3A_18 = vector.load %arg4[%get3A_16, %get3A_17] : memref<1x128xf32, #tpu.memory_space<vmem>>, vector<1x128xf32>
    %add3A_19 = vector.broadcast %get3A_18 : vector<1x128xf32> to vector<2000x128xf32>
    %add3A_20 = arith.addf %mul3A_15, %add3A_19 : vector<2000x128xf32>
    %max3A = arith.constant 0.000000e+00 : f32
    %max3A_21 = vector.broadcast %max3A : f32 to vector<2000x128xf32>
    %max3A_22 = arith.maximumf %add3A_20, %max3A_21 : vector<2000x128xf32>
    %get3A_23 = arith.constant 0 : index
    %get3A_24 = arith.constant 0 : index
    %get3A_25 = vector.load %arg5[%get3A_23, %get3A_24] : memref<128x128xf32, #tpu.memory_space<vmem>>, vector<128x128xf32>
    %dot_general3A = arith.constant dense<0.000000e+00> : vector<2000x128xf32>
    %dot_general3A_26 = tpu.matmul %max3A_22, %get3A_25, %dot_general3A {dimension_numbers = #tpu.dot_dimension_numbers<[1], [0], [0], [1], [0, 0, 1, 1], [], []>, transpose_lhs_hint = false} : vector<2000x128xf32>, vector<128x128xf32>, vector<2000x128xf32> -> vector<2000x128xf32>
    %mul3A_27 = vector.broadcast %get3A_1 : vector<2000x1xf32> to vector<2000x128xf32>
    %mul3A_28 = arith.mulf %mul3A_27, %dot_general3A_26 : vector<2000x128xf32>
    %swap3A = arith.constant 0 : index
    %swap3A_29 = arith.constant 0 : index
    %swap3A_30 = vector.load %arg6[%swap3A, %swap3A_29] : memref<2000x128xf32, #tpu.memory_space<vmem>>, vector<2000x128xf32>
    tpu.vector_store %arg6[%swap3A, %swap3A_29], %mul3A_28 {strides = array<i32>} : memref<2000x128xf32, #tpu.memory_space<vmem>>, vector<2000x128xf32>,
    return
  }
  func.func @transform_0(%arg0: i32) -> (i32, i32, i32) {
    %c0_i32 = arith.constant 0 : i32
    %c0_i32_0 = arith.constant 0 : i32
    %c0_i32_1 = arith.constant 0 : i32
    return %c0_i32, %arg0, %c0_i32_0 : i32, i32, i32
  }
  func.func @transform_1(%arg0: i32) -> (i32, i32) {
    %c0_i32 = arith.constant 0 : i32
    %c0_i32_0 = arith.constant 0 : i32
    return %arg0, %c0_i32 : i32, i32
  }
  func.func @transform_2(%arg0: i32) -> (i32, i32) {
    %c0_i32 = arith.constant 0 : i32
    %c0_i32_0 = arith.constant 0 : i32
    return %arg0, %c0_i32 : i32, i32
  }
  func.func @transform_3(%arg0: i32) -> (i32, i32) {
    %c0_i32 = arith.constant 0 : i32
    %c0_i32_0 = arith.constant 0 : i32
    %c0_i32_1 = arith.constant 0 : i32
    return %c0_i32, %c0_i32_0 : i32, i32
  }
  func.func @transform_4(%arg0: i32) -> (i32, i32) {
    %c0_i32 = arith.constant 0 : i32
    %c0_i32_0 = arith.constant 0 : i32
    %c0_i32_1 = arith.constant 0 : i32
    return %c0_i32, %c0_i32_0 : i32, i32
  }
  func.func @transform_5(%arg0: i32) -> (i32, i32) {
    %c0_i32 = arith.constant 0 : i32
    %c0_i32_0 = arith.constant 0 : i32
    return %arg0, %c0_i32 : i32, i32
  }
}

module attributes {stable_mosaic.version = 14 : i64} {
  func.func @_tc_final(%arg0: i32, %arg1: memref<2x2000x128xf32, #tpu.memory_space<vmem>>, %arg2: memref<2000x128xf32, #tpu.memory_space<vmem>>, %arg3: memref<2000x1xf32, #tpu.memory_space<vmem>>, %arg4: memref<1x128xf32, #tpu.memory_space<vmem>>, %arg5: memref<2000x1xi32, #tpu.memory_space<vmem>>, %arg6: memref<64x1xi32, #tpu.memory_space<vmem>>, %arg7: memref<128x4xf32, #tpu.memory_space<vmem>>, %arg8: memref<1x4xf32, #tpu.memory_space<vmem>>, %arg9: memref<64x1xf32, #tpu.memory_space<vmem>>, %arg10: memref<64x128xf32, #tpu.memory_space<vmem>>, %arg11: memref<64x128xf32, #tpu.memory_space<vmem>>) attributes {dimension_semantics = [#tpu.dimension_semantics<arbitrary>], iteration_bounds = array<i64: 5>, scalar_prefetch = 0 : i64, scratch_operands = 2 : i64, tpu.core_type = #tpu.core_type<tc>, window_params = [{transform_indices = @transform_0, window_bounds = array<i64: 2, 2000, 128>}, {transform_indices = @transform_1, window_bounds = array<i64: 2000, 128>}, {transform_indices = @transform_2, window_bounds = array<i64: 2000, 1>}, {pipeline_mode = #tpu.pipeline_mode<synchronous>, transform_indices = @transform_3, window_bounds = array<i64: 1, 128>}, {transform_indices = @transform_4, window_bounds = array<i64: 2000, 1>}, {pipeline_mode = #tpu.pipeline_mode<synchronous>, transform_indices = @transform_5, window_bounds = array<i64: 64, 1>}, {pipeline_mode = #tpu.pipeline_mode<synchronous>, transform_indices = @transform_6, window_bounds = array<i64: 128, 4>}, {pipeline_mode = #tpu.pipeline_mode<synchronous>, transform_indices = @transform_7, window_bounds = array<i64: 1, 4>}, {pipeline_mode = #tpu.pipeline_mode<synchronous>, transform_indices = @transform_8, window_bounds = array<i64: 64, 1>}]} {
    %eq3A = arith.constant 0 : i32
    %eq3A_0 = arith.cmpi eq, %arg0, %eq3A : i32
    %convert_element_type3A = arith.extui %eq3A_0 : i1 to i32
    %cond3A = arith.constant 0 : i32
    %cond3A_1 = arith.cmpi ne, %convert_element_type3A, %cond3A : i32
    scf.if %cond3A_1 {
      %broadcast_in_dim3A_52 = arith.constant 0.000000e+00 : f32
      %broadcast_in_dim3A_53 = vector.broadcast %broadcast_in_dim3A_52 : f32 to vector<64x128xf32>
      %swap3A_54 = arith.constant 0 : index
      %swap3A_55 = arith.constant 0 : index
      %swap3A_56 = vector.load %arg10[%swap3A_54, %swap3A_55] : memref<64x128xf32, #tpu.memory_space<vmem>>, vector<64x128xf32>
      tpu.vector_store %arg10[%swap3A_54, %swap3A_55], %broadcast_in_dim3A_53 {strides = array<i32>} : memref<64x128xf32, #tpu.memory_space<vmem>>, vector<64x128xf32>,
      %broadcast_in_dim3A_57 = arith.constant 0.000000e+00 : f32
      %broadcast_in_dim3A_58 = vector.broadcast %broadcast_in_dim3A_57 : f32 to vector<64x128xf32>
      %swap3A_59 = arith.constant 0 : index
      %swap3A_60 = arith.constant 0 : index
      %swap3A_61 = vector.load %arg11[%swap3A_59, %swap3A_60] : memref<64x128xf32, #tpu.memory_space<vmem>>, vector<64x128xf32>
      tpu.vector_store %arg11[%swap3A_59, %swap3A_60], %broadcast_in_dim3A_58 {strides = array<i32>} : memref<64x128xf32, #tpu.memory_space<vmem>>, vector<64x128xf32>,
    } else {
    }
    %get3A = arith.constant 0 : index
    %get3A_2 = arith.constant 0 : index
    %get3A_3 = vector.load %arg3[%get3A, %get3A_2] : memref<2000x1xf32, #tpu.memory_space<vmem>>, vector<2000x1xf32>
    %get3A_4 = arith.constant 0 : index
    %get3A_5 = arith.constant 0 : index
    %get3A_6 = arith.constant 0 : index
    %get3A_7 = vector.load %arg1[%get3A_4, %get3A_5, %get3A_6] : memref<2x2000x128xf32, #tpu.memory_space<vmem>>, vector<1x2000x128xf32>
    %get3A_8 = vector.shape_cast %get3A_7 : vector<1x2000x128xf32> to vector<2000x128xf32>
    %get3A_9 = arith.constant 1 : index
    %get3A_10 = arith.constant 0 : index
    %get3A_11 = arith.constant 0 : index
    %get3A_12 = vector.load %arg1[%get3A_9, %get3A_10, %get3A_11] : memref<2x2000x128xf32, #tpu.memory_space<vmem>>, vector<1x2000x128xf32>
    %get3A_13 = vector.shape_cast %get3A_12 : vector<1x2000x128xf32> to vector<2000x128xf32>
    %add3A = arith.addf %get3A_8, %get3A_13 : vector<2000x128xf32>
    %get3A_14 = arith.constant 0 : index
    %get3A_15 = arith.constant 0 : index
    %get3A_16 = vector.load %arg2[%get3A_14, %get3A_15] : memref<2000x128xf32, #tpu.memory_space<vmem>>, vector<2000x128xf32>
    %sub3A = arith.subf %add3A, %get3A_16 : vector<2000x128xf32>
    %mul3A = vector.broadcast %get3A_3 : vector<2000x1xf32> to vector<2000x128xf32>
    %mul3A_17 = arith.mulf %mul3A, %sub3A : vector<2000x128xf32>
    %get3A_18 = arith.constant 0 : index
    %get3A_19 = arith.constant 0 : index
    %get3A_20 = vector.load %arg4[%get3A_18, %get3A_19] : memref<1x128xf32, #tpu.memory_space<vmem>>, vector<1x128xf32>
    %add3A_21 = vector.broadcast %get3A_20 : vector<1x128xf32> to vector<2000x128xf32>
    %add3A_22 = arith.addf %mul3A_17, %add3A_21 : vector<2000x128xf32>
    %iota3A = tpu.iota {dimensions = array<i32: 1>} : vector<2000x64xi32>
    %get3A_23 = arith.constant 0 : index
    %get3A_24 = arith.constant 0 : index
    %get3A_25 = vector.load %arg5[%get3A_23, %get3A_24] : memref<2000x1xi32, #tpu.memory_space<vmem>>, vector<2000x1xi32>
    %eq3A_26 = vector.broadcast %get3A_25 : vector<2000x1xi32> to vector<2000x64xi32>
    %eq3A_27 = arith.cmpi eq, %eq3A_26, %iota3A : vector<2000x64xi32>
    %convert_element_type3A_28 = arith.extui %eq3A_27 : vector<2000x64xi1> to vector<2000x64xi32>
    %convert_element_type3A_29 = arith.sitofp %convert_element_type3A_28 : vector<2000x64xi32> to vector<2000x64xf32>
    %get3A_30 = arith.constant 0 : index
    %get3A_31 = arith.constant 0 : index
    %get3A_32 = vector.load %arg10[%get3A_30, %get3A_31] : memref<64x128xf32, #tpu.memory_space<vmem>>, vector<64x128xf32>
    %dot_general3A = arith.constant dense<0.000000e+00> : vector<64x128xf32>
    %dot_general3A_33 = tpu.matmul %convert_element_type3A_29, %add3A_22, %dot_general3A {dimension_numbers = #tpu.dot_dimension_numbers<[0], [0], [1], [1], [0, 1, 1, 1], [], []>, transpose_lhs_hint = false} : vector<2000x64xf32>, vector<2000x128xf32>, vector<64x128xf32> -> vector<64x128xf32>
    %add3A_34 = arith.addf %get3A_32, %dot_general3A_33 : vector<64x128xf32>
    %swap3A = arith.constant 0 : index
    %swap3A_35 = arith.constant 0 : index
    %swap3A_36 = vector.load %arg10[%swap3A, %swap3A_35] : memref<64x128xf32, #tpu.memory_space<vmem>>, vector<64x128xf32>
    tpu.vector_store %arg10[%swap3A, %swap3A_35], %add3A_34 {strides = array<i32>} : memref<64x128xf32, #tpu.memory_space<vmem>>, vector<64x128xf32>,
    %get3A_37 = arith.constant 0 : index
    %get3A_38 = arith.constant 0 : index
    %get3A_39 = vector.load %arg11[%get3A_37, %get3A_38] : memref<64x128xf32, #tpu.memory_space<vmem>>, vector<64x128xf32>
    %broadcast_in_dim3A = arith.constant 1.000000e+00 : f32
    %broadcast_in_dim3A_40 = vector.broadcast %broadcast_in_dim3A : f32 to vector<2000x128xf32>
    %dot_general3A_41 = arith.constant dense<0.000000e+00> : vector<64x128xf32>
    %dot_general3A_42 = tpu.matmul %convert_element_type3A_29, %broadcast_in_dim3A_40, %dot_general3A_41 {dimension_numbers = #tpu.dot_dimension_numbers<[0], [0], [1], [1], [0, 1, 1, 1], [], []>, transpose_lhs_hint = false} : vector<2000x64xf32>, vector<2000x128xf32>, vector<64x128xf32> -> vector<64x128xf32>
    %add3A_43 = arith.addf %get3A_39, %dot_general3A_42 : vector<64x128xf32>
    %swap3A_44 = arith.constant 0 : index
    %swap3A_45 = arith.constant 0 : index
    %swap3A_46 = vector.load %arg11[%swap3A_44, %swap3A_45] : memref<64x128xf32, #tpu.memory_space<vmem>>, vector<64x128xf32>
    tpu.vector_store %arg11[%swap3A_44, %swap3A_45], %add3A_43 {strides = array<i32>} : memref<64x128xf32, #tpu.memory_space<vmem>>, vector<64x128xf32>,
    %eq3A_47 = arith.constant 4 : i32
    %eq3A_48 = arith.cmpi eq, %arg0, %eq3A_47 : i32
    %convert_element_type3A_49 = arith.extui %eq3A_48 : i1 to i32
    %cond3A_50 = arith.constant 0 : i32
    %cond3A_51 = arith.cmpi ne, %convert_element_type3A_49, %cond3A_50 : i32
    scf.if %cond3A_51 {
      %get3A_52 = arith.constant 0 : index
      %get3A_53 = arith.constant 0 : index
      %get3A_54 = vector.load %arg10[%get3A_52, %get3A_53] : memref<64x128xf32, #tpu.memory_space<vmem>>, vector<64x128xf32>
      %get3A_55 = arith.constant 0 : index
      %get3A_56 = arith.constant 0 : index
      %get3A_57 = vector.load %arg11[%get3A_55, %get3A_56] : memref<64x128xf32, #tpu.memory_space<vmem>>, vector<64x128xf32>
      %max3A = arith.constant 1.000000e+00 : f32
      %max3A_58 = vector.broadcast %max3A : f32 to vector<64x128xf32>
      %max3A_59 = arith.maximumf %get3A_57, %max3A_58 : vector<64x128xf32>
      %div3A = arith.divf %get3A_54, %max3A_59 : vector<64x128xf32>
      %get3A_60 = arith.constant 0 : index
      %get3A_61 = arith.constant 0 : index
      %get3A_62 = vector.load %arg7[%get3A_60, %get3A_61] : memref<128x4xf32, #tpu.memory_space<vmem>>, vector<128x4xf32>
      %dot_general3A_63 = arith.constant dense<0.000000e+00> : vector<64x4xf32>
      %dot_general3A_64 = tpu.matmul %div3A, %get3A_62, %dot_general3A_63 {dimension_numbers = #tpu.dot_dimension_numbers<[1], [0], [0], [1], [0, 0, 1, 1], [], []>, transpose_lhs_hint = false} : vector<64x128xf32>, vector<128x4xf32>, vector<64x4xf32> -> vector<64x4xf32>
      %iota3A_65 = tpu.iota {dimensions = array<i32: 1>} : vector<64x4xi32>
      %get3A_66 = arith.constant 0 : index
      %get3A_67 = arith.constant 0 : index
      %get3A_68 = vector.load %arg6[%get3A_66, %get3A_67] : memref<64x1xi32, #tpu.memory_space<vmem>>, vector<64x1xi32>
      %eq3A_69 = vector.broadcast %get3A_68 : vector<64x1xi32> to vector<64x4xi32>
      %eq3A_70 = arith.cmpi eq, %eq3A_69, %iota3A_65 : vector<64x4xi32>
      %convert_element_type3A_71 = arith.extui %eq3A_70 : vector<64x4xi1> to vector<64x4xi32>
      %convert_element_type3A_72 = arith.sitofp %convert_element_type3A_71 : vector<64x4xi32> to vector<64x4xf32>
      %get3A_73 = arith.constant 0 : index
      %get3A_74 = arith.constant 0 : index
      %get3A_75 = vector.load %arg8[%get3A_73, %get3A_74] : memref<1x4xf32, #tpu.memory_space<vmem>>, vector<1x4xf32>
      %add3A_76 = vector.broadcast %get3A_75 : vector<1x4xf32> to vector<64x4xf32>
      %add3A_77 = arith.addf %dot_general3A_64, %add3A_76 : vector<64x4xf32>
      %mul3A_78 = arith.mulf %convert_element_type3A_72, %add3A_77 : vector<64x4xf32>
      %reduce_sum3A = arith.constant dense<0.000000e+00> : vector<64xf32>
      %reduce_sum3A_79 = vector.multi_reduction <add>, %mul3A_78, %reduce_sum3A [1] : vector<64x4xf32> to vector<64xf32>
      %broadcast_in_dim3A_80 = vector.shape_cast %reduce_sum3A_79 : vector<64xf32> to vector<64x1xf32>
      %swap3A_81 = arith.constant 0 : index
      %swap3A_82 = arith.constant 0 : index
      %swap3A_83 = vector.load %arg9[%swap3A_81, %swap3A_82] : memref<64x1xf32, #tpu.memory_space<vmem>>, vector<64x1xf32>
      tpu.vector_store %arg9[%swap3A_81, %swap3A_82], %broadcast_in_dim3A_80 {strides = array<i32>} : memref<64x1xf32, #tpu.memory_space<vmem>>, vector<64x1xf32>,
    } else {
    }
    return
  }
  func.func @transform_0(%arg0: i32) -> (i32, i32, i32) {
    %c0_i32 = arith.constant 0 : i32
    %c0_i32_0 = arith.constant 0 : i32
    %c0_i32_1 = arith.constant 0 : i32
    return %c0_i32, %arg0, %c0_i32_0 : i32, i32, i32
  }
  func.func @transform_1(%arg0: i32) -> (i32, i32) {
    %c0_i32 = arith.constant 0 : i32
    %c0_i32_0 = arith.constant 0 : i32
    return %arg0, %c0_i32 : i32, i32
  }
  func.func @transform_2(%arg0: i32) -> (i32, i32) {
    %c0_i32 = arith.constant 0 : i32
    %c0_i32_0 = arith.constant 0 : i32
    return %arg0, %c0_i32 : i32, i32
  }
  func.func @transform_3(%arg0: i32) -> (i32, i32) {
    %c0_i32 = arith.constant 0 : i32
    %c0_i32_0 = arith.constant 0 : i32
    %c0_i32_1 = arith.constant 0 : i32
    return %c0_i32, %c0_i32_0 : i32, i32
  }
  func.func @transform_4(%arg0: i32) -> (i32, i32) {
    %c0_i32 = arith.constant 0 : i32
    %c0_i32_0 = arith.constant 0 : i32
    return %arg0, %c0_i32 : i32, i32
  }
  func.func @transform_5(%arg0: i32) -> (i32, i32) {
    %c0_i32 = arith.constant 0 : i32
    %c0_i32_0 = arith.constant 0 : i32
    %c0_i32_1 = arith.constant 0 : i32
    return %c0_i32, %c0_i32_0 : i32, i32
  }
  func.func @transform_6(%arg0: i32) -> (i32, i32) {
    %c0_i32 = arith.constant 0 : i32
    %c0_i32_0 = arith.constant 0 : i32
    %c0_i32_1 = arith.constant 0 : i32
    return %c0_i32, %c0_i32_0 : i32, i32
  }
  func.func @transform_7(%arg0: i32) -> (i32, i32) {
    %c0_i32 = arith.constant 0 : i32
    %c0_i32_0 = arith.constant 0 : i32
    %c0_i32_1 = arith.constant 0 : i32
    return %c0_i32, %c0_i32_0 : i32, i32
  }
  func.func @transform_8(%arg0: i32) -> (i32, i32) {
    %c0_i32 = arith.constant 0 : i32
    %c0_i32_0 = arith.constant 0 : i32
    %c0_i32_1 = arith.constant 0 : i32
    return %c0_i32, %c0_i32_0 : i32, i32
  }
}

</mosaic_0001>

<sc_bundles>
// kernel: kernel.10.cloned.1.call-start
scs
__scs_entry_jumppad:
0x0: {  	(pc) =	sbr.rel $0x88, $3  }
0x1: {  	(tag) =	ssettag $0x0;
	lr =	simm.s32 $0x1  }
0x2: {  	[smem:$0x3F95] =	sst lr;
	_ =	strace $0xD0000000  }
0x3: {  	_ = 	snop  }
0x4: {  	_ = 	snop  }
0x5: {  	_ = 	snop  }
0x6: {  	_ = 	snop  }
0x7: {  	_ = 	snop  }
__scs_overlays_trampoline_lowered:
0x8: {  	[smem:$0x3FA4] =	sst s0  }
0x9: {  	[smem:$0x3FA5] =	sst s1  }
0xa: {  	[smem:$0x3FA6] =	sst s2  }
0xb: {  	[smem:$0x3FA7] =	sst s3  }
0xc: {  	[smem:$0x3FA8] =	sst s4  }
0xd: {  	[smem:$0x3FA9] =	sst s5  }
0xe: {  	[smem:$0x3FAA] =	sst s6  }
0xf: {  	[smem:$0x3FAB] =	sst s7  }
0x10: {  	[smem:$0x3FAC] =	sst s8  }
0x11: {  	[smem:$0x3FAD] =	sst s9;
	s0 =	simm.s32 @!p0 $0x0  }
0x12: {  	s1 =	sld [smem:$0x3F93];
	s0 =	simm.s32 @p0 $0x1  }
0x13: {  	[smem:$0x3FAE] =	sst s0;
	s0 =	simm.s32 @!p1 $0x0  }
0x14: {  	s2 =	sld [smem:$0x3F92];
	s0 =	simm.s32 @p1 $0x1  }
0x15: {  	[smem:$0x3FAF] =	sst s0;
	s0 =	simm.s32 @!p2 $0x0  }
0x16: {  	s3 =	sld [smem:$0x3FDB];
	s0 =	simm.s32 @p2 $0x1  }
0x17: {  	s4 =	simm.s32 $0x1BF5;
	[smem:$0x3FB1] =	sst s0  }
0x18: {  	s0 =	sld [smem:$0x3F94];
	_ =	swait.ge [sflag:s4], $0x0  }
0x19: {  	s7 =	sld [smem:$0x3F95]  }
0x1a: {  	s8 =	sadd.s32 $0xFFFFE003, lr  }
0x1b: {  	s9 =	sadd.s32 $0xFFFFFEF7, lr;
	s5 =	simm.s32 $0xFFFFFFFF;
	p2 =	slt.u32 s8, $0xFFFFF086  }
0x1c: {  	p1 =	slt.u32 s9, $0xF7A;
	s5 =	simm.s32 @!p2 $0x0  }
0x1d: {  	s5 =	simm.s32 @p1 $0x1;
	p0 =	seq.s32 s7, s2  }
0x1e: {  	s7 =	smul.u32 @!p0 $0xF7A, s2;
	p2 =	seq.s32 @!p0 s5, $0x0  }
0x1f: {  	s9 =	smul.u32 $0xF7A, s1;
	s8 =	simm.s32 @!p0 $0x1BF5;
	p2 =	por !p2, p0  }
0x20: {  	[sflag:s8] =	ssyncset.s32 @!p0 $0xFFFFF086;
	s6 =	sadd.s32 @!p0 s3, s7;
	s7 =	simm.s32 @!p0 $0x108  }
0x21: {  	s3 =	sadd.s32 s3, s9;
	s6 =	sadd.s32 @!p0 $0x88, s6;
	s7 =	simm.s32 @p2 $0x1082  }
0x22: {  	[simem:s7], [sflag:s8] =	dma.local @!p0 [hbm:s6], $0xF7A  }
0x23: {  	s9 =	sor.u32 $0xD0000000, s2;
	s6 =	simm.s32 $0x108;
	_ =	swait.ge @!p0 [sflag:s8], $0x0  }
0x24: {  	s3 =	sadd.s32 $0x88, s3;
	s6 =	simm.s32 @!p1 $0x1082;
	[sflag:s4] =	ssyncset.s32 $0xFFFFF086  }
0x25: {  	[simem:s6], [sflag:s4] =	dma.local [hbm:s3], $0xF7A  }
0x26: {  	[smem:$0x3F95] =	sst s1;
	(tag) =	ssettag s2;
	_ =	strace s9  }
0x27: {  	s1 =	sld [smem:$0x3FA5]  }
0x28: {  	s2 =	sld [smem:$0x3FA6]  }
0x29: {  	s4 =	sld [smem:$0x3FA8]  }
0x2a: {  	p0 =	seq.s32 s5, $0x0;
	s5 =	sld [smem:$0x3FA9]  }
0x2b: {  	s6 =	sld [smem:$0x3FAA]  }
0x2c: {  	s7 =	sld [smem:$0x3FAB]  }
0x2d: {  	s3 =	simm.s32 $0x108;
	s8 =	sld [smem:$0x3FAC]  }
0x2e: {  	s3 =	simm.s32 @!p0 $0x1082;
	s9 =	sld [smem:$0x3FAD]  }
0x2f: {  	lr =	sadd.s32 s0, s3;
	s0 =	sld [smem:$0x3FA4]  }
0x30: {  	s3 =	sld [smem:$0x3FA7]  }
0x31: {  	[smem:$0x3FB0] =	sst s10  }
0x32: {  	s10 =	sld [smem:$0x3FAE];
	_ =	sdelay $0x3  }
0x33: {  	p0 =	seq.s32 s10, $0x1;
	s10 =	sld [smem:$0x3FB0];
	_ =	sdelay $0x3  }
0x34: {  	[smem:$0x3FB0] =	sst s10  }
0x35: {  	s10 =	sld [smem:$0x3FAF];
	_ =	sdelay $0x3  }
0x36: {  	p1 =	seq.s32 s10, $0x1;
	s10 =	sld [smem:$0x3FB0];
	_ =	sdelay $0x3  }
0x37: {  	[smem:$0x3FB0] =	sst s10  }
0x38: {  	s10 =	sld [smem:$0x3FB1]  }
0x39: {  	_ = 	snop;
	(pc) =	sbr.ind lr, $3  }
0x3a: {  	_ = 	snop  }
0x3b: {  	_ = 	snop  }
0x3c: {  	p2 =	seq.s32 s10, $0x1;
	s10 =	sld [smem:$0x3FB0]  }
0x3d: {  	_ =	shalt  }
0x3e: {  	_ =	shalt  }
0x3f: {  	_ =	shalt  }
0x40: {  	_ =	shalt  }
0x41: {  	_ =	shalt  }
0x42: {  	_ =	shalt  }
0x43: {  	_ =	shalt  }
0x44: {  	_ =	shalt  }
0x45: {  	_ =	shalt  }
0x46: {  	_ =	shalt  }
0x47: {  	_ =	shalt  }
0x48: {  	_ =	shalt  }
0x49: {  	_ =	shalt  }
0x4a: {  	_ =	shalt  }
0x4b: {  	_ =	shalt  }
0x4c: {  	_ =	shalt  }
0x4d: {  	_ =	shalt  }
0x4e: {  	_ =	shalt  }
0x4f: {  	_ =	shalt  }
0x50: {  	_ =	shalt  }
0x51: {  	_ =	shalt  }
0x52: {  	_ =	shalt  }
0x53: {  	_ =	shalt  }
0x54: {  	_ =	shalt  }
0x55: {  	_ =	shalt  }
0x56: {  	_ =	shalt  }
0x57: {  	_ =	shalt  }
0x58: {  	_ =	shalt  }
0x59: {  	_ =	shalt  }
0x5a: {  	_ =	shalt  }
0x5b: {  	_ =	shalt  }
0x5c: {  	_ =	shalt  }
0x5d: {  	_ =	shalt  }
0x5e: {  	_ =	shalt  }
0x5f: {  	_ =	shalt  }
0x60: {  	_ =	shalt  }
0x61: {  	_ =	shalt  }
0x62: {  	_ =	shalt  }
0x63: {  	_ =	shalt  }
0x64: {  	_ =	shalt  }
0x65: {  	_ =	shalt  }
0x66: {  	_ =	shalt  }
0x67: {  	_ =	shalt  }
0x68: {  	_ =	shalt  }
0x69: {  	_ =	shalt  }
0x6a: {  	_ =	shalt  }
0x6b: {  	_ =	shalt  }
0x6c: {  	_ =	shalt  }
0x6d: {  	_ =	shalt  }
0x6e: {  	_ =	shalt  }
0x6f: {  	_ =	shalt  }
0x70: {  	_ =	shalt  }
0x71: {  	_ =	shalt  }
0x72: {  	_ =	shalt  }
0x73: {  	_ =	shalt  }
0x74: {  	_ =	shalt  }
0x75: {  	_ =	shalt  }
0x76: {  	_ =	shalt  }
0x77: {  	_ =	shalt  }
0x78: {  	_ =	shalt  }
0x79: {  	_ =	shalt  }
0x7a: {  	_ =	shalt  }
0x7b: {  	_ =	shalt  }
0x7c: {  	_ =	shalt  }
0x7d: {  	_ =	shalt  }
0x7e: {  	_ =	shalt  }
0x7f: {  	_ =	shalt  }
0x80: {  	_ =	shalt  }
0x81: {  	_ =	shalt  }
0x82: {  	_ =	shalt  }
0x83: {  	_ =	shalt  }
0x84: {  	_ =	shalt  }
0x85: {  	_ =	shalt  }
0x86: {  	_ =	shalt  }
0x87: {  	_ =	shalt  }
.Lfunc_end0:
.L_simem_size_0:
called_computation_lowered:
.L_overlay_start_0:
0x88: {  	s2 =	sld [smem:$0x3FD9]  }
0x89: {  	s3 =	sld [smem:$0x3FFE];
	_ =	sdelay $0x1  }
0x8a: {  	s1 =	srdreg.scid  }
0x8b: {  	s0 =	sand.u32 $0x1, s1  }
0x8c: {  	s16 =	sshll.u32 s0, $0xA;
	s2 =	sadd.s32 s3, s2  }
0x8d: {  	s2 =	sadd.s32 s2, s16  }
0x8e: {  	[smem:$0x3FBC] =	sst s2  }
0x8f: {  	_ = 	snop  }
0x90: {  	(tm) =	ssettm $0x1  }
0x91: {  	s17 =	sld [smem:$0x3FFB];
	_ =	sdelay $0x3  }
0x92: {  	_ =	strace s17  }
0x93: {  	s2 =	sld [smem:$0x3FFC];
	_ =	sdelay $0x3  }
0x94: {  	_ =	strace s2  }
0x95: {  	s2 =	sld [smem:$0x3FFD];
	_ =	sdelay $0x3  }
0x96: {  	_ =	strace s2  }
0x97: {  	_ =	strace $0x8FFFFFFF  }
0x98: {  	s18 =	sld [smem:$0x3FDB];
	_ =	sdelay $0x1  }
0x99: {  	s19 =	simm.s32 $_scs_section_size  }
0x9a: {  	s4 =	simm.s32 $_size__tile_overlayer_lowered;
	s5 =	simm.s32 $_tile_overlayer_lowered  }
0x9b: {  	s22 =	simm.s32 $0x1BFF;
	s21 =	sshll.u32 s5, $0x1;
	s2 =	sadd.s32 s19, s18  }
0x9c: {  	s6 =	simm.s32 $0x0;
	s20 =	sshll.u32 s4, $0x1;
	s4 =	sadd.s32 s21, s2  }
0x9d: {  	[timem:s6], [sflag:s22] =	dma.local [hbm:s4], s20  }
0x9e: {  	_ =	swait.ge [sflag:s22], s20  }
0x9f: {  	s3 =	ssub.s32 $0x0, s20;
	[sflag:s22] =	ssyncset.done $0x0  }
0xa0: {  	[sflag:s22] =	ssyncadd.s32 s3;
	_ =	sdelay $0x1  }
0xa1: {  	s23 =	simm.s32 $0x1B8B  }
0xa2: {  	_ =	swait.ge [sflag:s23], $0x1  }
0xa3: {  	[sflag:s23] =	ssyncset.done $0x0  }
0xa4: {  	s25 =	simm.s32 $0x1B8E;
	s24 =	sld [smem:$0x3FFE];
	[sflag:s23] =	ssyncadd.s32 $0xFFFFFFFF  }
0xa5: {  	s26 =	simm.s32 $execute0_lowered;
	[smem:$0x3FD2] =	sst s25  }
0xa6: {  	s4 =	sshll.u32 s26, $0x1;
	_ =	strace $0x80000046;
	[dreg:$0x1] =	wrdreg $0xFFFFFFFF  }
0xa7: {  	s28 =	simm.s32 $_size_execute0_lowered;
	s2 =	sadd.s32 s2, s4;
	[dreg:$0x0] =	wrdreg $0x0  }
0xa8: {  	s4 =	sshll.u32 s28, $0x1;
	[dreg:$0x2] =	wrdreg s2  }
0xa9: {  	[dreg:$0x3] =	wrdreg s4  }
0xaa: {  	[dreg:$0x4] =	wrdreg $0xC0  }
0xab: {  	_ =	task [dreg:s6], $0x5FFFF  }
0xac: {  	[dreg:$0x1] =	wrdreg $0xFFFFFFFF  }
0xad: {  	[dreg:$0x0] =	wrdreg $0x60  }
0xae: {  	[dreg:$0x2] =	wrdreg s24  }
0xaf: {  	[dreg:$0x3] =	wrdreg $0x0  }
0xb0: {  	[dreg:$0x4] =	wrdreg $0x9  }
0xb1: {  	_ =	task.clear_ibuf [dreg:s6], $0x5FFFF;
	_ =	strace $0x90000046  }
0xb2: {  	s29 =	simm.s32 $0x9;
	_ =	strace $0x80000048  }
0xb3: {  	_ =	swait.ge [sflag:s29], $0x1  }
0xb4: {  	[sflag:s29] =	ssyncadd.s32 $0xFFFFFFFF  }
0xb5: {  	_ =	strace $0x90000048  }
0xb6: {  	_ =	sfence  }
0xb7: {  	s30 =	sld [smem:$0x0];
	_ =	sdelay $0x2  }
0xb8: {  	s31 =	sshll.u32 s1, $0xD;
	s1 =	sshrl.u32 s1, $0x2  }
0xb9: {  	s3 =	sand.u32 $0x4000, s31;
	s1 =	sadd.s32 s1, s30  }
0xba: {  	s0 =	sor.u32 s3, s0;
	s1 =	sshll.u32 s1, $0x11  }
0xbb: {  	s0 =	sor.u32 s1, s0  }
0xbc: {  	s0 =	sadd.s32 $0x8F2B, s0  }
0xbd: {  	[sflag:s0] =	ssyncadd.remote.s32 $0x1  }
0xbe: {  	_ =	sfence.sel $0xFFFF  }
0xbf: {  	[dreg:$0x0] =	wrdreg $0xFFFFFFFF;
	(pc) =	sbr.abs _section_cstart, $3  }
0xc0: {  	[dreg:$0x1] =	wrdreg $0xFFFFFFFF  }
0xc1: {  	_ =	task.clear_ibuf [dreg:s6], $0x2FFFF;
	_ =	strace $0x9FFFFFFF  }
0xc2: {  	(tm) =	ssettm $0x7FFFFFFF  }
0xc3: {  	_ =	shalt  }
tec
execute0_lowered:
.L_overlay_start_1:
0x0: {  	(tag) =	ssettag $0x1  }
0x1: {  	s5 =	rddreg [dreg:$0x0]  }
0x2: {  	s2 =	rddreg [dreg:$0x1]  }
0x3: {  	s0 =	rddreg [dreg:$0x2]  }
0x4: {  	s1 =	stileid.u32;
	s4 =	srdreg.scid  }
0x5: {  	s3 =	simm.s32 $0x0;
	s14 =	simm.s32 $0x280;
	s15 =	simm.s32 $0x300  }
0x6: {  	s16 =	simm.s32 $0x1;
	s17 =	simm.s32 $0x50;
	s6 =	smul.u32 $0x500, s1  }
0x7: {  	s18 =	simm.s32 $0x380;
	s19 =	simm.s32 $0x2;
	s24 =	smul.u32 $0xFC, s1  }
0x8: {  	s22 =	simm.s32 $0x20;
	s23 =	simm.s32 $0x10;
	s12 =	smul.u32 $0xA00, s1  }
0x9: {  	s7 =	sand.u32 $0x1, s4;
	[smem:$0x7FF] =	sst s3;
	s30 =	smul.u32 $0x9D8, s1  }
0xa: {  	s9 =	sadd.s32 $0x2C00, s5;
	s20 =	sshll.u32 s1, $0x6;
	s8 =	smul.u32 $0xA2, s7  }
0xb: {  	_ =	strace $0x80000047;
	s10 =	sshll.u32 s7, $0x7;
	s25 =	ssub.s32 $0x2, s7  }
0xc: {  	p0 =	seq.s32 s7, $0x0;
	s31 =	smul.u32 $0x654, s7;
	s20 =	sor.u32 $0x1C03, s20  }
0xd: {  	s6 =	sor.u32 s10, s6;
	s26 =	sshrl.u32 s25, $0x1;
	s28 =	sshrl.u32 s12, $0x2  }
0xe: {  	s12 =	simm.s32 $0x400;
	s4 =	sadd.s32 s8, s24;
	s6 =	sshrl.u32 s6, $0x3  }
0xf: {  	s10 =	ssub.s32 s25, s26;
	s24 =	simm.s32 $0x0;
	s11 =	smul.u32 $0x50, s4  }
0x10: {  	s4 =	simm.s32 $0xA2;
	s13 =	sadd.s32 s6, s5;
	s5 =	sadd.s32 s28, s2  }
0x11: {  	s10 =	smax.u32 s10, $0x1;
	s4 =	simm.s32 @!p0 $0x5A;
	s21 =	sshrl.u32 s5, $0x3  }
0x12: {  	s29 =	sshrl.u32 s11, $0x3;
	s8 =	sshrl.u32 s4, $0x1;
	s11 =	sadd.s32 s30, s9  }
0x13: {  	s6 =	sadd.s32 s9, s29;
	s9 =	sadd.s32 $0xCA00, s13;
	s11 =	sadd.s32 s31, s11  }
0x14: {  	v0 =	vimm.f32 $1.000000000e+00;
	v1 =	vimm.f32 $0.0e+00;
	s13 =	simm.s32 $0x3;
	s7 =	sadd.s32 $0xA, s6;
	s11 =	sadd.s32 $0x14, s11  }
.LBB2_1:
0x15: {  	[tilespmem:$0x380] =	vst v0  }
0x16: {  	[tilespmem:$0x390] =	vst v0  }
0x17: {  	[tilespmem:$0x3A0] =	vst v0  }
0x18: {  	[tilespmem:$0x3B0] =	vst v0  }
0x19: {  	[tilespmem:$0x3C0] =	vst v0  }
0x1a: {  	[tilespmem:$0x400] =	vst v1  }
0x1b: {  	[tilespmem:$0x410] =	vst v1  }
0x1c: {  	[tilespmem:$0x420] =	vst v1  }
0x1d: {  	[tilespmem:$0x430] =	vst v1  }
0x1e: {  	[tilespmem:$0x440] =	vst v1  }
0x1f: {  	[tilespmem:$0x450] =	vst v1  }
0x20: {  	[tilespmem:$0x460] =	vst v1  }
0x21: {  	[tilespmem:$0x470] =	vst v1  }
0x22: {  	[tilespmem:$0x480] =	vst v1  }
0x23: {  	[tilespmem:$0x490] =	vst v1  }
0x24: {  	[tilespmem:$0x4A0] =	vst v1  }
0x25: {  	[tilespmem:$0x4B0] =	vst v1  }
0x26: {  	[tilespmem:$0x4C0] =	vst v1  }
0x27: {  	[tilespmem:$0x4D0] =	vst v1  }
0x28: {  	[tilespmem:$0x4E0] =	vst v1  }
0x29: {  	[tilespmem:$0x4F0] =	vst v1  }
0x2a: {  	[tilespmem:$0x500] =	vst v1  }
0x2b: {  	[tilespmem:$0x510] =	vst v1  }
0x2c: {  	[tilespmem:$0x520] =	vst v1  }
0x2d: {  	[tilespmem:$0x530] =	vst v1  }
0x2e: {  	[tilespmem:$0x540] =	vst v1  }
0x2f: {  	[tilespmem:$0x550] =	vst v1  }
0x30: {  	[tilespmem:$0x560] =	vst v1  }
0x31: {  	[tilespmem:$0x570] =	vst v1  }
0x32: {  	[tilespmem:$0x580] =	vst v1  }
0x33: {  	[tilespmem:$0x590] =	vst v1  }
0x34: {  	[tilespmem:$0x5A0] =	vst v1  }
0x35: {  	[tilespmem:$0x5B0] =	vst v1  }
0x36: {  	[tilespmem:$0x5C0] =	vst v1  }
0x37: {  	[tilespmem:$0x5D0] =	vst v1  }
0x38: {  	[tilespmem:$0x5E0] =	vst v1  }
0x39: {  	[tilespmem:$0x5F0] =	vst v1  }
0x3a: {  	[tilespmem:$0x600] =	vst v1  }
0x3b: {  	[tilespmem:$0x610] =	vst v1  }
0x3c: {  	[tilespmem:$0x620] =	vst v1  }
0x3d: {  	[tilespmem:$0x630] =	vst v1  }
0x3e: {  	[tilespmem:$0x640] =	vst v1  }
0x3f: {  	[tilespmem:$0x650] =	vst v1  }
0x40: {  	[tilespmem:$0x660] =	vst v1  }
0x41: {  	[tilespmem:$0x670] =	vst v1  }
0x42: {  	[spmem:s5] =	stream.linear.scatter [tilespmem:s12], [sflag:$0x3], $0x280, $0x38;
	[tilespmem:$0x680] =	vst v63  }
0x43: {  	_ =	swait.ge [sflag:s13], $0x280  }
0x44: {  	[sflag:s13] =	ssyncset.done $0x0  }
0x45: {  	[sflag:s13] =	ssyncadd.s32 $0xFFFFFD80  }
0x46: {  	[tilespmem:s14], [sflag:$0x1] =	stream.linear.gather [hbm4b:s6+s3], $0x50, $0x38;
	[tilespmem:$0x680] =	vst v63  }
0x47: {  	_ = 	snop  }
0x48: {  	[tilespmem:s15], [sflag:$0x2] =	stream.linear.gather [hbm4b:s7+s3], $0x50, $0x38;
	[tilespmem:$0x680] =	vst v63  }
0x49: {  	[bflag:$0x0] =	sbarrier.arrive $0xFFFF  }
0x4a: {  	_ =	swait.ge [sflag:s16], $0x50  }
0x4b: {  	[sflag:s16] =	ssyncset.done $0x0  }
0x4c: {  	[sflag:s16] =	ssyncadd.s32 $0xFFFFFFB0  }
0x4d: {  	[spmem:s2] =	stream.indirect.scatter.add.f32 [tilespmem:s18], [sflag:$0x3], $0x1, s14, s17, $0xb8;
	[tilespmem:$0x680] =	vst v63  }
0x4e: {  	_ =	swait.ge [sflag:s13], $0x50  }
0x4f: {  	p0 =	sle.u32 s4, $0x2;
	[sflag:s13] =	ssyncset.done $0x0  }
0x50: {  	s25 =	simm.s32 @!p0 $0x0;
	s26 =	simm.s32 @!p0 $0x280;
	[sflag:s13] =	ssyncadd.s32 $0xFFFFFFB0  }
0x51: {  	[tilespmem:s26], [sflag:$0x1] =	stream.linear.gather @!p0 [hbm4b:s11+s25], $0x50, $0x38;
	[tilespmem:$0x680] =	vst v63  }
0x52: {  	s25 =	sadd.s32 $0xFFFFFFFF, s8  }
0x53: {  	_ =	swait.ge [sflag:s19], $0x50;
	p0 =	sne.s32 s25, $0x0  }
.Ltmp0:
0x54: {  	[sflag:s19] =	ssyncset.done $0x0;
	(pc) =	sbr.rel @!p0 .LBB2_3-.Ltmp0, $4  }
0x55: {  	p1 =	sle.u32 s4, $0x3;
	[sflag:s19] =	ssyncadd.s32 $0xFFFFFFB0  }
0x56: {  	[spmem:s2] =	stream.indirect.scatter.add.f32 [tilespmem:s18], [sflag:$0x3], $0x1, s15, s17, $0xb8;
	[tilespmem:$0x680] =	vst v63  }
0x57: {  	s28 =	sadd.s32 $0x14, s11;
	s29 =	sadd.s32 @!p1 $0xA, s11;
	_ =	swait.ge [sflag:s13], $0x50  }
0x58: {  	s30 =	simm.s32 @!p1 $0x0;
	s26 =	simm.s32 $0x4;
	[sflag:s13] =	ssyncset.done $0x0  }
.LBB2_2:
0x59: {  	s25 =	sadd.s32 $0xFFFFFFFF, s25;
	[sflag:s13] =	ssyncadd.s32 $0xFFFFFFB0;
	s31 =	simm.s32 @!p1 $0x300  }
0x5a: {  	[tilespmem:s31], [sflag:$0x2] =	stream.linear.gather @!p1 [hbm4b:s29+s30], $0x50, $0x38;
	[tilespmem:$0x680] =	vst v63  }
0x5b: {  	p0 =	sne.s32 s25, $0x0;
	s29 =	smov.u32 s28;
	_ =	swait.ge [sflag:s16], $0x50  }
0x5c: {  	[sflag:s16] =	ssyncset.done $0x0  }
0x5d: {  	[sflag:s16] =	ssyncadd.s32 $0xFFFFFFB0  }
0x5e: {  	[spmem:s2] =	stream.indirect.scatter.add.f32 [tilespmem:s18], [sflag:$0x3], $0x1, s14, s17, $0xb8;
	[tilespmem:$0x680] =	vst v63  }
0x5f: {  	p1 =	sge.u32 s26, s4;
	_ =	swait.ge [sflag:s13], $0x50  }
0x60: {  	s30 =	simm.s32 @!p1 $0x0;
	s31 =	simm.s32 @!p1 $0x280;
	[sflag:s13] =	ssyncset.done $0x0  }
0x61: {  	[sflag:s13] =	ssyncadd.s32 $0xFFFFFFB0  }
0x62: {  	[tilespmem:s31], [sflag:$0x1] =	stream.linear.gather @!p1 [hbm4b:s28+s30], $0x50, $0x38;
	[tilespmem:$0x680] =	vst v63  }
0x63: {  	_ =	swait.ge [sflag:s19], $0x50  }
.Ltmp1:
0x64: {  	[sflag:s19] =	ssyncset.done $0x0;
	(pc) =	sbr.rel @p0 .LBB2_2-.Ltmp1, $4  }
0x65: {  	s30 =	sadd.s32 $0x1, s26;
	s26 =	sadd.s32 $0x2, s26;
	[sflag:s19] =	ssyncadd.s32 $0xFFFFFFB0  }
0x66: {  	[spmem:s2] =	stream.indirect.scatter.add.f32 [tilespmem:s18], [sflag:$0x3], $0x1, s15, s17, $0xb8;
	[tilespmem:$0x680] =	vst v63  }
0x67: {  	s28 =	sadd.s32 $0x14, s28;
	p1 =	sge.u32 s30, s4;
	_ =	swait.ge [sflag:s13], $0x50  }
0x68: {  	s29 =	sadd.s32 @!p1 $0xA, s29;
	s30 =	simm.s32 @!p1 $0x0;
	[sflag:s13] =	ssyncset.done $0x0  }
.LBB2_3:
0x69: {  	[sflag:s13] =	ssyncadd.s32 $0xFFFFFFB0;
	s25 =	simm.s32 @!p1 $0x300;
	s24 =	sadd.s32 $0x1, s24  }
0x6a: {  	[tilespmem:s25], [sflag:$0x2] =	stream.linear.gather @!p1 [hbm4b:s29+s30], $0x50, $0x38;
	[tilespmem:$0x680] =	vst v63  }
0x6b: {  	p0 =	sne.s32 s24, s10  }
.Ltmp2:
0x6c: {  	[bflag:$0x0] =	sbarrier.arrive $0xFFFF;
	(pc) =	sbr.rel @p0 .LBB2_1-.Ltmp2, $4  }
0x6d: {  	[hbm:s9@s22], [sflag:s20] =	dma.strided [spmem:s21@s23], $0x50, s16, $0x10   }
0x6e: {  	_ =	swait.ge [sflag:s13], $0x50  }
0x6f: {  	[sflag:s13] =	ssyncset.done $0x0  }
0x70: {  	[sflag:s13] =	ssyncadd.s32 $0xFFFFFFB0  }
0x71: {  	_ =	sfence.sel $0x180000  }
0x72: {  	[bflag:$0x0] =	sbarrier.arrive $0xFFFF  }
0x73: {  	p0 =	sne.s32 s1, $0x0;
	_ =	strace $0x90000047  }
0x74: {  	s0 =	sadd.s32 @!p0 $0x100000, s0;
	[bflag:$0x2] =	sbarrier.arrive $0xFFFF  }
0x75: {  	[sflag:s0] =	ssyncadd.tile.s32 @!p0 $0x1;
	_ =	shalt  }
.Lfunc_end2:
_tile_overlayer_lowered:
.L_overlay_start_2:
0x76: {  	(tag) =	ssettag $0x2  }
0x77: {  	s0 =	rddreg [dreg:$0x0];
	s2 =	stileid.u32  }
0x78: {  	s1 =	rddreg [dreg:$0x1];
	p0 =	sne.s32 s2, $0x0  }
0x79: {  	s3 =	rddreg [dreg:$0x2];
	[bflag:$0x3] =	sbarrier.arrive $0xFFFF;
	s2 =	simm.s32 @!p0 $0x1C03  }
0x7a: {  	[timem:s3], [sflag:s2] =	dma.local @!p0 [hbm:s0], s1  }
0x7b: {  	s0 =	simm.s32 @!p0 $0x3  }
0x7c: {  	_ =	swait.ge @!p0 [sflag:s0], s1  }
0x7d: {  	s1 =	ssub.s32 @!p0 $0x0, s1;
	[sflag:s0] =	ssyncset.done @!p0 $0x0  }
0x7e: {  	[sflag:s0] =	ssyncadd.s32 @!p0 s1  }
0x7f: {  	[bflag:$0x3] =	sbarrier.arrive $0xFFFF  }
0x80: {  	_ =	shalt  }

// kernel: kernel.13.cloned.1.call-start
scs
__scs_entry_jumppad:
0x0: {  	(pc) =	sbr.rel $0x88, $3  }
0x1: {  	(tag) =	ssettag $0x0;
	lr =	simm.s32 $0x1  }
0x2: {  	[smem:$0x3F95] =	sst lr;
	_ =	strace $0xD0000000  }
0x3: {  	_ = 	snop  }
0x4: {  	_ = 	snop  }
0x5: {  	_ = 	snop  }
0x6: {  	_ = 	snop  }
0x7: {  	_ = 	snop  }
__scs_overlays_trampoline_lowered:
0x8: {  	[smem:$0x3FA4] =	sst s0  }
0x9: {  	[smem:$0x3FA5] =	sst s1  }
0xa: {  	[smem:$0x3FA6] =	sst s2  }
0xb: {  	[smem:$0x3FA7] =	sst s3  }
0xc: {  	[smem:$0x3FA8] =	sst s4  }
0xd: {  	[smem:$0x3FA9] =	sst s5  }
0xe: {  	[smem:$0x3FAA] =	sst s6  }
0xf: {  	[smem:$0x3FAB] =	sst s7  }
0x10: {  	[smem:$0x3FAC] =	sst s8  }
0x11: {  	[smem:$0x3FAD] =	sst s9;
	s0 =	simm.s32 @!p0 $0x0  }
0x12: {  	s1 =	sld [smem:$0x3F93];
	s0 =	simm.s32 @p0 $0x1  }
0x13: {  	[smem:$0x3FAE] =	sst s0;
	s0 =	simm.s32 @!p1 $0x0  }
0x14: {  	s2 =	sld [smem:$0x3F92];
	s0 =	simm.s32 @p1 $0x1  }
0x15: {  	[smem:$0x3FAF] =	sst s0;
	s0 =	simm.s32 @!p2 $0x0  }
0x16: {  	s3 =	sld [smem:$0x3FDB];
	s0 =	simm.s32 @p2 $0x1  }
0x17: {  	s4 =	simm.s32 $0x1BF5;
	[smem:$0x3FB1] =	sst s0  }
0x18: {  	s0 =	sld [smem:$0x3F94];
	_ =	swait.ge [sflag:s4], $0x0  }
0x19: {  	s7 =	sld [smem:$0x3F95]  }
0x1a: {  	s8 =	sadd.s32 $0xFFFFE003, lr  }
0x1b: {  	s9 =	sadd.s32 $0xFFFFFEF7, lr;
	s5 =	simm.s32 $0xFFFFFFFF;
	p2 =	slt.u32 s8, $0xFFFFF086  }
0x1c: {  	p1 =	slt.u32 s9, $0xF7A;
	s5 =	simm.s32 @!p2 $0x0  }
0x1d: {  	s5 =	simm.s32 @p1 $0x1;
	p0 =	seq.s32 s7, s2  }
0x1e: {  	s7 =	smul.u32 @!p0 $0xF7A, s2;
	p2 =	seq.s32 @!p0 s5, $0x0  }
0x1f: {  	s9 =	smul.u32 $0xF7A, s1;
	s8 =	simm.s32 @!p0 $0x1BF5;
	p2 =	por !p2, p0  }
0x20: {  	[sflag:s8] =	ssyncset.s32 @!p0 $0xFFFFF086;
	s6 =	sadd.s32 @!p0 s3, s7;
	s7 =	simm.s32 @!p0 $0x108  }
0x21: {  	s3 =	sadd.s32 s3, s9;
	s6 =	sadd.s32 @!p0 $0x88, s6;
	s7 =	simm.s32 @p2 $0x1082  }
0x22: {  	[simem:s7], [sflag:s8] =	dma.local @!p0 [hbm:s6], $0xF7A  }
0x23: {  	s9 =	sor.u32 $0xD0000000, s2;
	s6 =	simm.s32 $0x108;
	_ =	swait.ge @!p0 [sflag:s8], $0x0  }
0x24: {  	s3 =	sadd.s32 $0x88, s3;
	s6 =	simm.s32 @!p1 $0x1082;
	[sflag:s4] =	ssyncset.s32 $0xFFFFF086  }
0x25: {  	[simem:s6], [sflag:s4] =	dma.local [hbm:s3], $0xF7A  }
0x26: {  	[smem:$0x3F95] =	sst s1;
	(tag) =	ssettag s2;
	_ =	strace s9  }
0x27: {  	s1 =	sld [smem:$0x3FA5]  }
0x28: {  	s2 =	sld [smem:$0x3FA6]  }
0x29: {  	s4 =	sld [smem:$0x3FA8]  }
0x2a: {  	p0 =	seq.s32 s5, $0x0;
	s5 =	sld [smem:$0x3FA9]  }
0x2b: {  	s6 =	sld [smem:$0x3FAA]  }
0x2c: {  	s7 =	sld [smem:$0x3FAB]  }
0x2d: {  	s3 =	simm.s32 $0x108;
	s8 =	sld [smem:$0x3FAC]  }
0x2e: {  	s3 =	simm.s32 @!p0 $0x1082;
	s9 =	sld [smem:$0x3FAD]  }
0x2f: {  	lr =	sadd.s32 s0, s3;
	s0 =	sld [smem:$0x3FA4]  }
0x30: {  	s3 =	sld [smem:$0x3FA7]  }
0x31: {  	[smem:$0x3FB0] =	sst s10  }
0x32: {  	s10 =	sld [smem:$0x3FAE];
	_ =	sdelay $0x3  }
0x33: {  	p0 =	seq.s32 s10, $0x1;
	s10 =	sld [smem:$0x3FB0];
	_ =	sdelay $0x3  }
0x34: {  	[smem:$0x3FB0] =	sst s10  }
0x35: {  	s10 =	sld [smem:$0x3FAF];
	_ =	sdelay $0x3  }
0x36: {  	p1 =	seq.s32 s10, $0x1;
	s10 =	sld [smem:$0x3FB0];
	_ =	sdelay $0x3  }
0x37: {  	[smem:$0x3FB0] =	sst s10  }
0x38: {  	s10 =	sld [smem:$0x3FB1]  }
0x39: {  	_ = 	snop;
	(pc) =	sbr.ind lr, $3  }
0x3a: {  	_ = 	snop  }
0x3b: {  	_ = 	snop  }
0x3c: {  	p2 =	seq.s32 s10, $0x1;
	s10 =	sld [smem:$0x3FB0]  }
0x3d: {  	_ =	shalt  }
0x3e: {  	_ =	shalt  }
0x3f: {  	_ =	shalt  }
0x40: {  	_ =	shalt  }
0x41: {  	_ =	shalt  }
0x42: {  	_ =	shalt  }
0x43: {  	_ =	shalt  }
0x44: {  	_ =	shalt  }
0x45: {  	_ =	shalt  }
0x46: {  	_ =	shalt  }
0x47: {  	_ =	shalt  }
0x48: {  	_ =	shalt  }
0x49: {  	_ =	shalt  }
0x4a: {  	_ =	shalt  }
0x4b: {  	_ =	shalt  }
0x4c: {  	_ =	shalt  }
0x4d: {  	_ =	shalt  }
0x4e: {  	_ =	shalt  }
0x4f: {  	_ =	shalt  }
0x50: {  	_ =	shalt  }
0x51: {  	_ =	shalt  }
0x52: {  	_ =	shalt  }
0x53: {  	_ =	shalt  }
0x54: {  	_ =	shalt  }
0x55: {  	_ =	shalt  }
0x56: {  	_ =	shalt  }
0x57: {  	_ =	shalt  }
0x58: {  	_ =	shalt  }
0x59: {  	_ =	shalt  }
0x5a: {  	_ =	shalt  }
0x5b: {  	_ =	shalt  }
0x5c: {  	_ =	shalt  }
0x5d: {  	_ =	shalt  }
0x5e: {  	_ =	shalt  }
0x5f: {  	_ =	shalt  }
0x60: {  	_ =	shalt  }
0x61: {  	_ =	shalt  }
0x62: {  	_ =	shalt  }
0x63: {  	_ =	shalt  }
0x64: {  	_ =	shalt  }
0x65: {  	_ =	shalt  }
0x66: {  	_ =	shalt  }
0x67: {  	_ =	shalt  }
0x68: {  	_ =	shalt  }
0x69: {  	_ =	shalt  }
0x6a: {  	_ =	shalt  }
0x6b: {  	_ =	shalt  }
0x6c: {  	_ =	shalt  }
0x6d: {  	_ =	shalt  }
0x6e: {  	_ =	shalt  }
0x6f: {  	_ =	shalt  }
0x70: {  	_ =	shalt  }
0x71: {  	_ =	shalt  }
0x72: {  	_ =	shalt  }
0x73: {  	_ =	shalt  }
0x74: {  	_ =	shalt  }
0x75: {  	_ =	shalt  }
0x76: {  	_ =	shalt  }
0x77: {  	_ =	shalt  }
0x78: {  	_ =	shalt  }
0x79: {  	_ =	shalt  }
0x7a: {  	_ =	shalt  }
0x7b: {  	_ =	shalt  }
0x7c: {  	_ =	shalt  }
0x7d: {  	_ =	shalt  }
0x7e: {  	_ =	shalt  }
0x7f: {  	_ =	shalt  }
0x80: {  	_ =	shalt  }
0x81: {  	_ =	shalt  }
0x82: {  	_ =	shalt  }
0x83: {  	_ =	shalt  }
0x84: {  	_ =	shalt  }
0x85: {  	_ =	shalt  }
0x86: {  	_ =	shalt  }
0x87: {  	_ =	shalt  }
.Lfunc_end0:
.L_simem_size_0:
called_computation.1_lowered:
.L_overlay_start_0:
0x88: {  	s2 =	sld [smem:$0x3FD9]  }
0x89: {  	s3 =	sld [smem:$0x3FFE];
	_ =	sdelay $0x1  }
0x8a: {  	s1 =	srdreg.scid  }
0x8b: {  	s0 =	sand.u32 $0x1, s1  }
0x8c: {  	s16 =	sshll.u32 s0, $0xA;
	s2 =	sadd.s32 s3, s2  }
0x8d: {  	s2 =	sadd.s32 s2, s16  }
0x8e: {  	[smem:$0x3FBC] =	sst s2  }
0x8f: {  	_ = 	snop  }
0x90: {  	(tm) =	ssettm $0x1  }
0x91: {  	s17 =	sld [smem:$0x3FFB];
	_ =	sdelay $0x3  }
0x92: {  	_ =	strace s17  }
0x93: {  	s2 =	sld [smem:$0x3FFC];
	_ =	sdelay $0x3  }
0x94: {  	_ =	strace s2  }
0x95: {  	s2 =	sld [smem:$0x3FFD];
	_ =	sdelay $0x3  }
0x96: {  	_ =	strace s2  }
0x97: {  	_ =	strace $0x8FFFFFFF  }
0x98: {  	s18 =	sld [smem:$0x3FDB];
	_ =	sdelay $0x1  }
0x99: {  	s19 =	simm.s32 $_scs_section_size  }
0x9a: {  	s4 =	simm.s32 $_size__tile_overlayer_lowered;
	s5 =	simm.s32 $_tile_overlayer_lowered  }
0x9b: {  	s22 =	simm.s32 $0x1BFF;
	s21 =	sshll.u32 s5, $0x1;
	s2 =	sadd.s32 s19, s18  }
0x9c: {  	s6 =	simm.s32 $0x0;
	s20 =	sshll.u32 s4, $0x1;
	s4 =	sadd.s32 s21, s2  }
0x9d: {  	[timem:s6], [sflag:s22] =	dma.local [hbm:s4], s20  }
0x9e: {  	_ =	swait.ge [sflag:s22], s20  }
0x9f: {  	s3 =	ssub.s32 $0x0, s20;
	[sflag:s22] =	ssyncset.done $0x0  }
0xa0: {  	[sflag:s22] =	ssyncadd.s32 s3;
	_ =	sdelay $0x1  }
0xa1: {  	s23 =	simm.s32 $0x1B8B  }
0xa2: {  	_ =	swait.ge [sflag:s23], $0x1  }
0xa3: {  	[sflag:s23] =	ssyncset.done $0x0  }
0xa4: {  	s25 =	simm.s32 $0x1B8E;
	s24 =	sld [smem:$0x3FFE];
	[sflag:s23] =	ssyncadd.s32 $0xFFFFFFFF  }
0xa5: {  	s26 =	simm.s32 $execute0_lowered;
	[smem:$0x3FD2] =	sst s25  }
0xa6: {  	s4 =	sshll.u32 s26, $0x1;
	_ =	strace $0x80000049;
	[dreg:$0x1] =	wrdreg $0xFFFFFFFF  }
0xa7: {  	s28 =	simm.s32 $_size_execute0_lowered;
	s2 =	sadd.s32 s2, s4;
	[dreg:$0x0] =	wrdreg $0x0  }
0xa8: {  	s4 =	sshll.u32 s28, $0x1;
	[dreg:$0x2] =	wrdreg s2  }
0xa9: {  	[dreg:$0x3] =	wrdreg s4  }
0xaa: {  	[dreg:$0x4] =	wrdreg $0xC0  }
0xab: {  	_ =	task [dreg:s6], $0x5FFFF  }
0xac: {  	[dreg:$0x1] =	wrdreg $0xFFFFFFFF  }
0xad: {  	[dreg:$0x0] =	wrdreg $0x60  }
0xae: {  	[dreg:$0x2] =	wrdreg s24  }
0xaf: {  	[dreg:$0x3] =	wrdreg $0x0  }
0xb0: {  	[dreg:$0x4] =	wrdreg $0x9  }
0xb1: {  	_ =	task.clear_ibuf [dreg:s6], $0x5FFFF;
	_ =	strace $0x90000049  }
0xb2: {  	s29 =	simm.s32 $0x9;
	_ =	strace $0x8000004B  }
0xb3: {  	_ =	swait.ge [sflag:s29], $0x1  }
0xb4: {  	[sflag:s29] =	ssyncadd.s32 $0xFFFFFFFF  }
0xb5: {  	_ =	strace $0x9000004B  }
0xb6: {  	_ =	sfence  }
0xb7: {  	s30 =	sld [smem:$0x0];
	_ =	sdelay $0x2  }
0xb8: {  	s31 =	sshll.u32 s1, $0xD;
	s1 =	sshrl.u32 s1, $0x2  }
0xb9: {  	s3 =	sand.u32 $0x4000, s31;
	s1 =	sadd.s32 s1, s30  }
0xba: {  	s0 =	sor.u32 s3, s0;
	s1 =	sshll.u32 s1, $0x11  }
0xbb: {  	s0 =	sor.u32 s1, s0  }
0xbc: {  	s0 =	sadd.s32 $0x8F2B, s0  }
0xbd: {  	[sflag:s0] =	ssyncadd.remote.s32 $0x1  }
0xbe: {  	_ =	sfence.sel $0xFFFF  }
0xbf: {  	[dreg:$0x0] =	wrdreg $0xFFFFFFFF;
	(pc) =	sbr.abs _section_cstart, $3  }
0xc0: {  	[dreg:$0x1] =	wrdreg $0xFFFFFFFF  }
0xc1: {  	_ =	task.clear_ibuf [dreg:s6], $0x2FFFF;
	_ =	strace $0x9FFFFFFF  }
0xc2: {  	(tm) =	ssettm $0x7FFFFFFF  }
0xc3: {  	_ =	shalt  }
tec
execute0_lowered:
.L_overlay_start_1:
0x0: {  	(tag) =	ssettag $0x1  }
0x1: {  	s0 =	rddreg [dreg:$0x0]  }
0x2: {  	s1 =	rddreg [dreg:$0x1];
	s17 =	stileid.u32  }
0x3: {  	s2 =	srdreg.scid;
	s3 =	simm.s32 $0x0;
	s6 =	smul.u32 $0x14000, s17  }
0x4: {  	s28 =	simm.s32 $0x14300;
	s29 =	simm.s32 $0x4;
	s13 =	smul.u32 $0xFC, s17  }
0x5: {  	s30 =	simm.s32 $0x7;
	s31 =	simm.s32 $0xA;
	s15 =	smul.u32 $0x4E000, s17  }
0x6: {  	s2 =	sand.u32 $0x1, s2;
	[smem:$0x7FF] =	sst s3;
	s12 =	smul.u32 $0x2700, s17  }
0x7: {  	s4 =	sadd.s32 $0x17200, s0;
	s7 =	sadd.s32 $0xD400, s0;
	s26 =	smul.u32 $0x9D8, s17  }
0x8: {  	s10 =	sadd.s32 $0x2C00, s0;
	s5 =	smul.u32 $0x140000, s2;
	_ =	strace $0x8000004A  }
0x9: {  	s8 =	ssub.s32 $0x2, s2;
	s9 =	smul.u32 $0xA2, s2;
	p0 =	seq.s32 s2, $0x0  }
0xa: {  	s14 =	sshrl.u32 s8, $0x1;
	s12 =	sadd.s32 s4, s12;
	s5 =	sadd.s32 s6, s5  }
0xb: {  	s8 =	ssub.s32 s8, s14;
	s6 =	sadd.s32 s9, s13;
	s9 =	sshrl.u32 s15, $0x2  }
0xc: {  	[dreg:$0x5] =	wrdreg s12;
	s12 =	sadd.s32 $0x124800, s1;
	s14 =	smul.u32 $0x50000, s17  }
0xd: {  	s15 =	sadd.s32 s26, s7;
	s5 =	sshrl.u32 s5, $0x3;
	s6 =	smul.u32 $0x50, s6  }
0xe: {  	s9 =	sadd.s32 s9, s1;
	s8 =	smax.u32 s8, $0x1;
	s11 =	sadd.s32 s5, s0  }
0xf: {  	s5 =	simm.s32 $0xA2;
	s0 =	sadd.s32 $0x3BB00, s0;
	s24 =	sshrl.u32 s14, $0x2  }
0x10: {  	[dreg:$0xc] =	wrdreg s8;
	s14 =	smul.u32 $0x654, s2;
	s5 =	simm.s32 @!p0 $0x5A  }
0x11: {  	[dreg:$0x6] =	wrdreg s0;
	s16 =	sshrl.u32 s6, $0x3;
	s23 =	sadd.s32 $0x3E400, s11  }
0x12: {  	s6 =	sadd.s32 s24, s1;
	p0 =	seq.s32 s17, $0xF;
	s24 =	simm.s32 $0x1  }
0x13: {  	s18 =	smul.u32 $0xAB, s5;
	s13 =	sadd.s32 s7, s16;
	s19 =	sadd.s32 $0xA, s16  }
0x14: {  	s0 =	sadd.s32 s10, s16;
	[dreg:$0xb] =	wrdreg s23;
	s25 =	sadd.s32 $0xFFFFFFFF, s5  }
0x15: {  	s16 =	sadd.s32 s26, s10;
	s2 =	sshrl.u32 @p0 s12, $0x3;
	[dreg:$0x7] =	wrdreg s13  }
0x16: {  	s26 =	simm.s32 $0x50;
	s23 =	simm.s32 $0xD;
	[dreg:$0x8] =	wrdreg s0  }
0x17: {  	s20 =	sadd.s32 s7, s19;
	s21 =	sadd.s32 s10, s19;
	[dreg:$0x3] =	wrdreg s25  }
0x18: {  	[dreg:$0xd] =	wrdreg s2;
	s19 =	sshrl.u32 @!p0 s9, $0x3;
	s22 =	sshrl.u32 s18, $0x9  }
0x19: {  	s25 =	sshrl.u32 s6, $0x3;
	[dreg:$0x9] =	wrdreg s20;
	s0 =	ssub.s32 $0x0, s22  }
0x1a: {  	s2 =	simm.s32 $0x0;
	[dreg:$0x4] =	wrdreg s0;
	s0 =	sshll.u32 @!p0 s17, $0x6  }
0x1b: {  	[dreg:$0xa] =	wrdreg s21;
	s21 =	simm.s32 $0x14180;
	s0 =	sor.u32 @!p0 $0x1C0D, s0  }
0x1c: {  	s22 =	simm.s32 $0xC;
	[dreg:$0xe] =	wrdreg s0;
	s0 =	simm.s32 $0xB  }
.LBB2_1:
0x1d: {  	s7 =	rddreg [dreg:$0x6]  }
0x1e: {  	s6 =	simm.s32 @p0 $0x1FCD;
	s8 =	rddreg [dreg:$0xd]  }
0x1f: {  	[spmem:s8], [sflag:s6] =	dma.local @p0 [hbm:s7], $0x2800  }
0x20: {  	s6 =	simm.s32 @p0 $0xD  }
0x21: {  	_ =	swait.ge @p0 [sflag:s6], $0x2800  }
0x22: {  	[sflag:s6] =	ssyncset.done @p0 $0x0;
	s7 =	rddreg [dreg:$0xe]  }
0x23: {  	[sflag:s6] =	ssyncadd.s32 @p0 $0xFFFFD800;
	s6 =	rddreg [dreg:$0x5]  }
0x24: {  	[spmem:s19], [sflag:s7] =	dma.local @!p0 [hbm:s6], $0x2700  }
0x25: {  	s6 =	simm.s32 @!p0 $0xD  }
0x26: {  	_ =	swait.ge @!p0 [sflag:s6], $0x2700  }
0x27: {  	[sflag:s6] =	ssyncset.done @!p0 $0x0  }
0x28: {  	s20 =	simm.s32 $0x14000;
	s18 =	rddreg [dreg:$0x7];
	[sflag:s6] =	ssyncadd.s32 @!p0 $0xFFFFD900  }
0x29: {  	[tilespmem:s20], [sflag:$0x1] =	stream.linear.gather [hbm4b:s18+s3], $0x50, $0x38;
	[tilespmem:$0x1BB00] =	vst v63  }
0x2a: {  	s9 =	rddreg [dreg:$0x8]  }
0x2b: {  	[tilespmem:s21], [sflag:$0x4] =	stream.linear.gather [hbm4b:s9+s3], $0x50, $0x38;
	[tilespmem:$0x1BB00] =	vst v63  }
0x2c: {  	s11 =	simm.s32 $0x14080;
	s10 =	rddreg [dreg:$0x9]  }
0x2d: {  	[tilespmem:s11], [sflag:$0x2] =	stream.linear.gather [hbm4b:s10+s3], $0x50, $0x38;
	[tilespmem:$0x1BB00] =	vst v63  }
0x2e: {  	s13 =	simm.s32 $0x14200;
	s12 =	rddreg [dreg:$0xa]  }
0x2f: {  	[tilespmem:s13], [sflag:$0x5] =	stream.linear.gather [hbm4b:s12+s3], $0x50, $0x38;
	[tilespmem:$0x1BB00] =	vst v63  }
0x30: {  	[bflag:$0x0] =	sbarrier.arrive $0xFFFF  }
0x31: {  	_ =	swait.ge [sflag:s24], $0x50  }
0x32: {  	[sflag:s24] =	ssyncset.done $0x0  }
0x33: {  	[sflag:s24] =	ssyncadd.s32 $0xFFFFFFB0  }
0x34: {  	[tilespmem:s28], [sflag:$0x7] =	stream.indirect.gather [hbm4b:s4+s26], $0x80, s20, s26, $0xb8;
	[tilespmem:$0x1BB00] =	vst v63  }
0x35: {  	_ =	swait.ge [sflag:s29], $0x50  }
0x36: {  	[sflag:s29] =	ssyncset.done $0x0  }
0x37: {  	[sflag:s29] =	ssyncadd.s32 $0xFFFFFFB0  }
0x38: {  	_ =	swait.ge [sflag:s30], $0x2800  }
0x39: {  	[sflag:s30] =	ssyncset.done $0x0;
	s17 =	rddreg [dreg:$0x3]  }
0x3a: {  	[sflag:s30] =	ssyncadd.s32 $0xFFFFD800;
	p1 =	sle.u32 s17, $0x0  }
0x3b: {  	[spmem:s1] =	stream.indirect.scatter.add.f32 [tilespmem:s28], [sflag:$0xA], $0x80, s21, s26, $0xb8;
	[tilespmem:$0x1BB00] =	vst v63  }
0x3c: {  	s6 =	simm.s32 @!p1 $0x2  }
0x3d: {  	p2 =	por $0x1, $0x1;
	_ =	swait.ge @!p1 [sflag:s6], $0x50  }
0x3e: {  	s9 =	simm.s32 @!p2 $0xC;
	s7 =	simm.s32 @!p1 $0x14080;
	[sflag:s6] =	ssyncset.done @!p1 $0x0  }
0x3f: {  	s8 =	simm.s32 @!p1 $0x16B00;
	[sflag:s6] =	ssyncadd.s32 @!p1 $0xFFFFFFB0;
	s6 =	simm.s32 @!p1 $0x50  }
0x40: {  	[tilespmem:s8], [sflag:$0x8] =	stream.indirect.gather @!p1 [hbm4b:s4+s6], $0x80, s7, s6, $0xb8;
	[tilespmem:$0x1BB00] =	vst v63  }
0x41: {  	_ =	swait.ge @!p2 [sflag:s9], $0x2800  }
0x42: {  	p1 =	sle.u32 s5, $0x2;
	[sflag:s9] =	ssyncset.done @!p2 $0x0  }
0x43: {  	s6 =	simm.s32 @p1 $0x5;
	[sflag:s9] =	ssyncadd.s32 @!p2 $0xFFFFD800  }
0x44: {  	_ =	swait.ge @p1 [sflag:s6], $0x50  }
0x45: {  	[sflag:s6] =	ssyncset.done @p1 $0x0  }
0x46: {  	[sflag:s6] =	ssyncadd.s32 @p1 $0xFFFFFFB0;
	s6 =	simm.s32 @p1 $0x8  }
0x47: {  	s7 =	sadd.s32 @!p1 s15, s14;
	_ =	swait.ge @p1 [sflag:s6], $0x2800  }
0x48: {  	s8 =	simm.s32 @p1 $0x16B00;
	s7 =	sadd.s32 @!p1 $0x14, s7;
	[sflag:s6] =	ssyncset.done @p1 $0x0  }
0x49: {  	s9 =	simm.s32 @p1 $0x14200;
	[sflag:s6] =	ssyncadd.s32 @p1 $0xFFFFD800;
	s6 =	simm.s32 @p1 $0x50  }
0x4a: {  	[spmem:s1] =	stream.indirect.scatter.add.f32 @p1 [tilespmem:s8], [sflag:$0xB], $0x80, s9, s6, $0xb8;
	[tilespmem:$0x1BB00] =	vst v63  }
0x4b: {  	s6 =	sadd.s32 @!p1 s16, s14;
	s8 =	simm.s32 @!p1 $0x0;
	s9 =	simm.s32 @!p1 $0x14100  }
0x4c: {  	[tilespmem:s9], [sflag:$0x3] =	stream.linear.gather @!p1 [hbm4b:s7+s8], $0x50, $0x38;
	[tilespmem:$0x1BB00] =	vst v63  }
0x4d: {  	s10 =	simm.s32 @!p1 $0x5;
	s6 =	sadd.s32 @!p1 $0x14, s6;
	s7 =	simm.s32 @!p1 $0x14280  }
0x4e: {  	[tilespmem:s7], [sflag:$0x6] =	stream.linear.gather @!p1 [hbm4b:s6+s8], $0x50, $0x38;
	[tilespmem:$0x1BB00] =	vst v63  }
0x4f: {  	_ =	swait.ge @!p1 [sflag:s10], $0x50  }
0x50: {  	[sflag:s10] =	ssyncset.done @!p1 $0x0  }
0x51: {  	s6 =	simm.s32 @!p1 $0x8;
	[sflag:s10] =	ssyncadd.s32 @!p1 $0xFFFFFFB0  }
0x52: {  	_ =	swait.ge @!p1 [sflag:s6], $0x2800  }
0x53: {  	s7 =	simm.s32 @!p1 $0x16B00;
	s8 =	simm.s32 @!p1 $0x3;
	[sflag:s6] =	ssyncset.done @!p1 $0x0  }
0x54: {  	s10 =	simm.s32 @!p1 $0x14200;
	[sflag:s6] =	ssyncadd.s32 @!p1 $0xFFFFD800;
	s6 =	simm.s32 @!p1 $0x50  }
0x55: {  	[spmem:s1] =	stream.indirect.scatter.add.f32 @!p1 [tilespmem:s7], [sflag:$0xB], $0x80, s10, s6, $0xb8;
	[tilespmem:$0x1BB00] =	vst v63  }
0x56: {  	_ =	swait.ge @!p1 [sflag:s8], $0x50  }
0x57: {  	[sflag:s8] =	ssyncset.done @!p1 $0x0  }
0x58: {  	s7 =	simm.s32 @!p1 $0x19300;
	[sflag:s8] =	ssyncadd.s32 @!p1 $0xFFFFFFB0  }
0x59: {  	[tilespmem:s7], [sflag:$0x9] =	stream.indirect.gather @!p1 [hbm4b:s4+s6], $0x80, s9, s6, $0xb8;
	[tilespmem:$0x1BB00] =	vst v63  }
0x5a: {  	_ =	swait.ge [sflag:s31], $0x2800  }
0x5b: {  	p1 =	sle.u32 s5, $0x3;
	[sflag:s31] =	ssyncset.done $0x0  }
0x5c: {  	s6 =	simm.s32 @p1 $0x6;
	[sflag:s31] =	ssyncadd.s32 $0xFFFFD800  }
0x5d: {  	_ =	swait.ge @p1 [sflag:s6], $0x50  }
0x5e: {  	[sflag:s6] =	ssyncset.done @p1 $0x0  }
0x5f: {  	[sflag:s6] =	ssyncadd.s32 @p1 $0xFFFFFFB0;
	s6 =	simm.s32 @p1 $0x9  }
0x60: {  	s7 =	sadd.s32 @!p1 s15, s14;
	_ =	swait.ge @p1 [sflag:s6], $0x2800  }
0x61: {  	s8 =	simm.s32 @p1 $0x19300;
	s9 =	simm.s32 @p1 $0x14280;
	[sflag:s6] =	ssyncset.done @p1 $0x0  }
0x62: {  	s7 =	sadd.s32 @!p1 $0x1E, s7;
	[sflag:s6] =	ssyncadd.s32 @p1 $0xFFFFD800;
	s6 =	simm.s32 @p1 $0x50  }
0x63: {  	[spmem:s1] =	stream.indirect.scatter.add.f32 @p1 [tilespmem:s8], [sflag:$0xC], $0x80, s9, s6, $0xb8;
	[tilespmem:$0x1BB00] =	vst v63  }
0x64: {  	s6 =	sadd.s32 @!p1 s16, s14;
	s8 =	simm.s32 @!p1 $0x0;
	s9 =	simm.s32 @!p1 $0x14000  }
0x65: {  	[tilespmem:s9], [sflag:$0x1] =	stream.linear.gather @!p1 [hbm4b:s7+s8], $0x50, $0x38;
	[tilespmem:$0x1BB00] =	vst v63  }
0x66: {  	s10 =	simm.s32 @!p1 $0x6;
	s6 =	sadd.s32 @!p1 $0x1E, s6;
	s7 =	simm.s32 @!p1 $0x14180  }
0x67: {  	[tilespmem:s7], [sflag:$0x4] =	stream.linear.gather @!p1 [hbm4b:s6+s8], $0x50, $0x38;
	[tilespmem:$0x1BB00] =	vst v63  }
0x68: {  	_ =	swait.ge @!p1 [sflag:s10], $0x50  }
0x69: {  	[sflag:s10] =	ssyncset.done @!p1 $0x0  }
0x6a: {  	s6 =	simm.s32 @!p1 $0x9;
	[sflag:s10] =	ssyncadd.s32 @!p1 $0xFFFFFFB0  }
0x6b: {  	_ =	swait.ge @!p1 [sflag:s6], $0x2800  }
0x6c: {  	s7 =	simm.s32 @!p1 $0x19300;
	s8 =	simm.s32 @!p1 $0x1;
	[sflag:s6] =	ssyncset.done @!p1 $0x0  }
0x6d: {  	s10 =	simm.s32 @!p1 $0x14280;
	[sflag:s6] =	ssyncadd.s32 @!p1 $0xFFFFD800;
	s6 =	simm.s32 @!p1 $0x50  }
0x6e: {  	[spmem:s1] =	stream.indirect.scatter.add.f32 @!p1 [tilespmem:s7], [sflag:$0xC], $0x80, s10, s6, $0xb8;
	[tilespmem:$0x1BB00] =	vst v63  }
0x6f: {  	_ =	swait.ge @!p1 [sflag:s8], $0x50  }
0x70: {  	[sflag:s8] =	ssyncset.done @!p1 $0x0  }
0x71: {  	s7 =	simm.s32 @!p1 $0x14300;
	[sflag:s8] =	ssyncadd.s32 @!p1 $0xFFFFFFB0  }
0x72: {  	[tilespmem:s7], [sflag:$0x7] =	stream.indirect.gather @!p1 [hbm4b:s4+s6], $0x80, s9, s6, $0xb8;
	[tilespmem:$0x1BB00] =	vst v63  }
0x73: {  	_ =	swait.ge [sflag:s0], $0x2800  }
0x74: {  	s18 =	rddreg [dreg:$0x4]  }
0x75: {  	p2 =	sne.s32 s18, $0xFFFFFFFF  }
.Ltmp0:
0x76: {  	s8 =	sadd.s32 $0x1E, s16;
	s6 =	simm.s32 $0xFFFFFFFF;
	(pc) =	sbr.rel @!p2 .LBB2_3-.Ltmp0, $4  }
0x77: {  	s7 =	simm.s32 $0x3;
	p1 =	sle.u32 s5, $0x4;
	s9 =	sadd.s32 $0x1E, s15  }
0x78: {  	s12 =	simm.s32 @!p1 $0x0;
	s10 =	sadd.s32 @!p1 s15, s14;
	s11 =	simm.s32 @!p1 $0x14080  }
0x79: {  	s20 =	sadd.s32 @!p1 s16, s14;
	[sflag:s0] =	ssyncset.done $0x0;
	s13 =	sadd.s32 @!p1 $0x28, s10  }
0x7a: {  	s10 =	simm.s32 @!p1 $0x14200;
	s20 =	sadd.s32 @!p1 $0x28, s20;
	[sflag:s0] =	ssyncadd.s32 $0xFFFFD800  }
.LBB2_2:
0x7b: {  	[tilespmem:s11], [sflag:$0x2] =	stream.linear.gather @!p1 [hbm4b:s13+s12], $0x50, $0x38;
	[tilespmem:$0x1BB00] =	vst v63  }
0x7c: {  	_ = 	snop  }
0x7d: {  	[tilespmem:s10], [sflag:$0x5] =	stream.linear.gather @!p1 [hbm4b:s20+s12], $0x50, $0x38;
	[tilespmem:$0x1BB00] =	vst v63  }
0x7e: {  	_ =	swait.ge [sflag:s29], $0x50  }
0x7f: {  	[sflag:s29] =	ssyncset.done $0x0  }
0x80: {  	[sflag:s29] =	ssyncadd.s32 $0xFFFFFFB0  }
0x81: {  	_ =	swait.ge [sflag:s30], $0x2800  }
0x82: {  	[sflag:s30] =	ssyncset.done $0x0;
	s18 =	rddreg [dreg:$0x3]  }
0x83: {  	[sflag:s30] =	ssyncadd.s32 $0xFFFFD800;
	p1 =	sge.u32 s7, s18  }
0x84: {  	[spmem:s1] =	stream.indirect.scatter.add.f32 [tilespmem:s28], [sflag:$0xA], $0x80, s21, s26, $0xb8;
	[tilespmem:$0x1BB00] =	vst v63  }
0x85: {  	s13 =	smov.u32 s6;
	s12 =	simm.s32 @!p1 $0x2  }
0x86: {  	p2 =	seq.s32 s13, $0x0;
	_ =	swait.ge @!p1 [sflag:s12], $0x50  }
0x87: {  	s13 =	simm.s32 @!p2 $0xC;
	s20 =	simm.s32 @!p1 $0x14080;
	[sflag:s12] =	ssyncset.done @!p1 $0x0  }
0x88: {  	s17 =	simm.s32 @!p1 $0x16B00;
	[sflag:s12] =	ssyncadd.s32 @!p1 $0xFFFFFFB0;
	s12 =	simm.s32 @!p1 $0x50  }
0x89: {  	[tilespmem:s17], [sflag:$0x8] =	stream.indirect.gather @!p1 [hbm4b:s4+s12], $0x80, s20, s12, $0xb8;
	[tilespmem:$0x1BB00] =	vst v63  }
0x8a: {  	s20 =	sadd.s32 $0x2, s7;
	_ =	swait.ge @!p2 [sflag:s13], $0x2800  }
0x8b: {  	p1 =	sge.u32 s20, s5;
	[sflag:s13] =	ssyncset.done @!p2 $0x0  }
0x8c: {  	s12 =	simm.s32 @p1 $0x5;
	[sflag:s13] =	ssyncadd.s32 @!p2 $0xFFFFD800  }
0x8d: {  	_ =	swait.ge @p1 [sflag:s12], $0x50  }
0x8e: {  	[sflag:s12] =	ssyncset.done @p1 $0x0  }
0x8f: {  	[sflag:s12] =	ssyncadd.s32 @p1 $0xFFFFFFB0;
	s12 =	simm.s32 @p1 $0x8  }
0x90: {  	s17 =	sadd.s32 @!p1 s8, s14;
	_ =	swait.ge @p1 [sflag:s12], $0x2800  }
0x91: {  	s20 =	simm.s32 @p1 $0x16B00;
	s18 =	simm.s32 @p1 $0x14200;
	[sflag:s12] =	ssyncset.done @p1 $0x0  }
0x92: {  	s13 =	sadd.s32 @!p1 s9, s14;
	[sflag:s12] =	ssyncadd.s32 @p1 $0xFFFFD800;
	s12 =	simm.s32 @p1 $0x50  }
0x93: {  	[spmem:s1] =	stream.indirect.scatter.add.f32 @p1 [tilespmem:s20], [sflag:$0xB], $0x80, s18, s12, $0xb8;
	[tilespmem:$0x1BB00] =	vst v63  }
0x94: {  	s13 =	sadd.s32 @!p1 $0x14, s13;
	s12 =	simm.s32 @!p1 $0x0;
	s18 =	simm.s32 @!p1 $0x14100  }
0x95: {  	[tilespmem:s18], [sflag:$0x3] =	stream.linear.gather @!p1 [hbm4b:s13+s12], $0x50, $0x38;
	[tilespmem:$0x1BB00] =	vst v63  }
0x96: {  	s17 =	sadd.s32 @!p1 $0x14, s17;
	s20 =	simm.s32 @!p1 $0x5;
	s13 =	simm.s32 @!p1 $0x14280  }
0x97: {  	[tilespmem:s13], [sflag:$0x6] =	stream.linear.gather @!p1 [hbm4b:s17+s12], $0x50, $0x38;
	[tilespmem:$0x1BB00] =	vst v63  }
0x98: {  	_ =	swait.ge @!p1 [sflag:s20], $0x50  }
0x99: {  	[sflag:s20] =	ssyncset.done @!p1 $0x0  }
0x9a: {  	s12 =	simm.s32 @!p1 $0x8;
	[sflag:s20] =	ssyncadd.s32 @!p1 $0xFFFFFFB0  }
0x9b: {  	_ =	swait.ge @!p1 [sflag:s12], $0x2800  }
0x9c: {  	s13 =	simm.s32 @!p1 $0x16B00;
	s17 =	simm.s32 @!p1 $0x3;
	[sflag:s12] =	ssyncset.done @!p1 $0x0  }
0x9d: {  	s20 =	simm.s32 @!p1 $0x14200;
	[sflag:s12] =	ssyncadd.s32 @!p1 $0xFFFFD800;
	s12 =	simm.s32 @!p1 $0x50  }
0x9e: {  	[spmem:s1] =	stream.indirect.scatter.add.f32 @!p1 [tilespmem:s13], [sflag:$0xB], $0x80, s20, s12, $0xb8;
	[tilespmem:$0x1BB00] =	vst v63  }
0x9f: {  	_ =	swait.ge @!p1 [sflag:s17], $0x50  }
0xa0: {  	[sflag:s17] =	ssyncset.done @!p1 $0x0  }
0xa1: {  	s13 =	simm.s32 @!p1 $0x19300;
	[sflag:s17] =	ssyncadd.s32 @!p1 $0xFFFFFFB0  }
0xa2: {  	[tilespmem:s13], [sflag:$0x9] =	stream.indirect.gather @!p1 [hbm4b:s4+s12], $0x80, s18, s12, $0xb8;
	[tilespmem:$0x1BB00] =	vst v63  }
0xa3: {  	s11 =	smov.u32 s7;
	s7 =	sadd.s32 $0x3, s7;
	_ =	swait.ge [sflag:s31], $0x2800  }
0xa4: {  	p1 =	sge.u32 s7, s5;
	[sflag:s31] =	ssyncset.done $0x0  }
0xa5: {  	s12 =	simm.s32 @p1 $0x6;
	[sflag:s31] =	ssyncadd.s32 $0xFFFFD800  }
0xa6: {  	_ =	swait.ge @p1 [sflag:s12], $0x50  }
0xa7: {  	[sflag:s12] =	ssyncset.done @p1 $0x0  }
0xa8: {  	[sflag:s12] =	ssyncadd.s32 @p1 $0xFFFFFFB0;
	s12 =	simm.s32 @p1 $0x9  }
0xa9: {  	s13 =	sadd.s32 @!p1 s9, s14;
	_ =	swait.ge @p1 [sflag:s12], $0x2800  }
0xaa: {  	s17 =	sadd.s32 @!p1 s8, s14;
	s18 =	simm.s32 @p1 $0x19300;
	[sflag:s12] =	ssyncset.done @p1 $0x0  }
0xab: {  	s20 =	simm.s32 @p1 $0x14280;
	[sflag:s12] =	ssyncadd.s32 @p1 $0xFFFFD800;
	s12 =	simm.s32 @p1 $0x50  }
0xac: {  	[spmem:s1] =	stream.indirect.scatter.add.f32 @p1 [tilespmem:s18], [sflag:$0xC], $0x80, s20, s12, $0xb8;
	[tilespmem:$0x1BB00] =	vst v63  }
0xad: {  	s13 =	sadd.s32 @!p1 $0x1E, s13;
	s12 =	simm.s32 @!p1 $0x0;
	s18 =	simm.s32 @!p1 $0x14000  }
0xae: {  	[tilespmem:s18], [sflag:$0x1] =	stream.linear.gather @!p1 [hbm4b:s13+s12], $0x50, $0x38;
	[tilespmem:$0x1BB00] =	vst v63  }
0xaf: {  	s17 =	sadd.s32 @!p1 $0x1E, s17;
	s20 =	simm.s32 @!p1 $0x6;
	s13 =	simm.s32 @!p1 $0x14180  }
0xb0: {  	[tilespmem:s13], [sflag:$0x4] =	stream.linear.gather @!p1 [hbm4b:s17+s12], $0x50, $0x38;
	[tilespmem:$0x1BB00] =	vst v63  }
0xb1: {  	_ =	swait.ge @!p1 [sflag:s20], $0x50  }
0xb2: {  	[sflag:s20] =	ssyncset.done @!p1 $0x0  }
0xb3: {  	s12 =	simm.s32 @!p1 $0x9;
	[sflag:s20] =	ssyncadd.s32 @!p1 $0xFFFFFFB0  }
0xb4: {  	_ =	swait.ge @!p1 [sflag:s12], $0x2800  }
0xb5: {  	s13 =	simm.s32 @!p1 $0x19300;
	s17 =	simm.s32 @!p1 $0x1;
	[sflag:s12] =	ssyncset.done @!p1 $0x0  }
0xb6: {  	s20 =	simm.s32 @!p1 $0x14280;
	[sflag:s12] =	ssyncadd.s32 @!p1 $0xFFFFD800;
	s12 =	simm.s32 @!p1 $0x50  }
0xb7: {  	[spmem:s1] =	stream.indirect.scatter.add.f32 @!p1 [tilespmem:s13], [sflag:$0xC], $0x80, s20, s12, $0xb8;
	[tilespmem:$0x1BB00] =	vst v63  }
0xb8: {  	_ =	swait.ge @!p1 [sflag:s17], $0x50  }
0xb9: {  	[sflag:s17] =	ssyncset.done @!p1 $0x0  }
0xba: {  	s13 =	simm.s32 @!p1 $0x14300;
	[sflag:s17] =	ssyncadd.s32 @!p1 $0xFFFFFFB0  }
0xbb: {  	[tilespmem:s13], [sflag:$0x7] =	stream.indirect.gather @!p1 [hbm4b:s4+s12], $0x80, s18, s12, $0xb8;
	[tilespmem:$0x1BB00] =	vst v63  }
0xbc: {  	_ =	swait.ge [sflag:s0], $0x2800  }
0xbd: {  	s6 =	sadd.s32 $0xFFFFFFFF, s6;
	s17 =	rddreg [dreg:$0x4]  }
0xbe: {  	s11 =	sadd.s32 $0x4, s11;
	p2 =	sne.s32 s17, s6  }
.Ltmp1:
0xbf: {  	p1 =	sge.u32 s11, s5;
	(pc) =	sbr.rel @p2 .LBB2_2-.Ltmp1, $4  }
0xc0: {  	s10 =	smov.u32 s8;
	s8 =	sadd.s32 $0x1E, s8;
	s12 =	simm.s32 @!p1 $0x0  }
0xc1: {  	s13 =	sadd.s32 @!p1 s9, s14;
	s11 =	simm.s32 @!p1 $0x14080;
	s18 =	sadd.s32 @!p1 s10, s14  }
0xc2: {  	s10 =	simm.s32 @!p1 $0x14200;
	s9 =	sadd.s32 $0x1E, s9;
	[sflag:s0] =	ssyncset.done $0x0  }
0xc3: {  	s13 =	sadd.s32 @!p1 $0x28, s13;
	s20 =	sadd.s32 @!p1 $0x28, s18;
	[sflag:s0] =	ssyncadd.s32 $0xFFFFD800  }
.LBB2_3:
0xc4: {  	[tilespmem:s11], [sflag:$0x2] =	stream.linear.gather @!p1 [hbm4b:s13+s12], $0x50, $0x38;
	[tilespmem:$0x1BB00] =	vst v63  }
0xc5: {  	_ = 	snop  }
0xc6: {  	[tilespmem:s10], [sflag:$0x5] =	stream.linear.gather @!p1 [hbm4b:s20+s12], $0x50, $0x38;
	[tilespmem:$0x1BB00] =	vst v63  }
0xc7: {  	_ =	swait.ge [sflag:s22], $0x2800  }
0xc8: {  	[sflag:s22] =	ssyncset.done $0x0  }
0xc9: {  	s6 =	stileid.u32;
	[sflag:s22] =	ssyncadd.s32 $0xFFFFD800  }
0xca: {  	s6 =	sshll.u32 s6, $0x6;
	[bflag:$0x0] =	sbarrier.arrive $0xFFFF  }
0xcb: {  	s6 =	sor.u32 $0x1C0D, s6;
	s7 =	rddreg [dreg:$0xb]  }
0xcc: {  	[hbm:s7], [sflag:s6] =	dma.local [spmem:s25], $0x2800  }
0xcd: {  	_ =	swait.ge [sflag:s23], $0x2800  }
0xce: {  	s2 =	sadd.s32 $0x1, s2;
	s20 =	rddreg [dreg:$0xc]  }
0xcf: {  	p1 =	sne.s32 s2, s20  }
.Ltmp2:
0xd0: {  	_ = 	snop;
	(pc) =	sbr.rel @p1 .LBB2_1-.Ltmp2, $3  }
0xd1: {  	_ =	sdelay $0x1  }
0xd2: {  	[sflag:s23] =	ssyncset.done $0x0  }
0xd3: {  	[sflag:s23] =	ssyncadd.s32 $0xFFFFD800  }
0xd4: {  	_ =	sfence.sel $0x180000  }
0xd5: {  	[bflag:$0x0] =	sbarrier.arrive $0xFFFF  }
0xd6: {  	_ =	strace $0x9000004A  }
0xd7: {  	s0 =	stileid.u32;
	[bflag:$0x2] =	sbarrier.arrive $0xFFFF  }
0xd8: {  	p0 =	sne.s32 s0, $0x0;
	s0 =	rddreg [dreg:$0x2]  }
0xd9: {  	s0 =	sadd.s32 @!p0 $0x100000, s0  }
0xda: {  	[sflag:s0] =	ssyncadd.tile.s32 @!p0 $0x1;
	_ =	shalt  }
.Lfunc_end2:
_tile_overlayer_lowered:
.L_overlay_start_2:
0xdb: {  	(tag) =	ssettag $0x2  }
0xdc: {  	s0 =	rddreg [dreg:$0x0];
	s2 =	stileid.u32  }
0xdd: {  	s1 =	rddreg [dreg:$0x1];
	p0 =	sne.s32 s2, $0x0  }
0xde: {  	s3 =	rddreg [dreg:$0x2];
	[bflag:$0x3] =	sbarrier.arrive $0xFFFF;
	s2 =	simm.s32 @!p0 $0x1C0D  }
0xdf: {  	[timem:s3], [sflag:s2] =	dma.local @!p0 [hbm:s0], s1  }
0xe0: {  	s0 =	simm.s32 @!p0 $0xD  }
0xe1: {  	_ =	swait.ge @!p0 [sflag:s0], s1  }
0xe2: {  	s1 =	ssub.s32 @!p0 $0x0, s1;
	[sflag:s0] =	ssyncset.done @!p0 $0x0  }
0xe3: {  	[sflag:s0] =	ssyncadd.s32 @!p0 s1  }
0xe4: {  	[bflag:$0x3] =	sbarrier.arrive $0xFFFF  }
0xe5: {  	_ =	shalt  }

// kernel: kernel.16.cloned.1.call-start
scs
__scs_entry_jumppad:
0x0: {  	(pc) =	sbr.rel $0x88, $3  }
0x1: {  	(tag) =	ssettag $0x0;
	lr =	simm.s32 $0x1  }
0x2: {  	[smem:$0x3F95] =	sst lr;
	_ =	strace $0xD0000000  }
0x3: {  	_ = 	snop  }
0x4: {  	_ = 	snop  }
0x5: {  	_ = 	snop  }
0x6: {  	_ = 	snop  }
0x7: {  	_ = 	snop  }
__scs_overlays_trampoline_lowered:
0x8: {  	[smem:$0x3FA4] =	sst s0  }
0x9: {  	[smem:$0x3FA5] =	sst s1  }
0xa: {  	[smem:$0x3FA6] =	sst s2  }
0xb: {  	[smem:$0x3FA7] =	sst s3  }
0xc: {  	[smem:$0x3FA8] =	sst s4  }
0xd: {  	[smem:$0x3FA9] =	sst s5  }
0xe: {  	[smem:$0x3FAA] =	sst s6  }
0xf: {  	[smem:$0x3FAB] =	sst s7  }
0x10: {  	[smem:$0x3FAC] =	sst s8  }
0x11: {  	[smem:$0x3FAD] =	sst s9;
	s0 =	simm.s32 @!p0 $0x0  }
0x12: {  	s1 =	sld [smem:$0x3F93];
	s0 =	simm.s32 @p0 $0x1  }
0x13: {  	[smem:$0x3FAE] =	sst s0;
	s0 =	simm.s32 @!p1 $0x0  }
0x14: {  	s2 =	sld [smem:$0x3F92];
	s0 =	simm.s32 @p1 $0x1  }
0x15: {  	[smem:$0x3FAF] =	sst s0;
	s0 =	simm.s32 @!p2 $0x0  }
0x16: {  	s3 =	sld [smem:$0x3FDB];
	s0 =	simm.s32 @p2 $0x1  }
0x17: {  	s4 =	simm.s32 $0x1BF5;
	[smem:$0x3FB1] =	sst s0  }
0x18: {  	s0 =	sld [smem:$0x3F94];
	_ =	swait.ge [sflag:s4], $0x0  }
0x19: {  	s7 =	sld [smem:$0x3F95]  }
0x1a: {  	s8 =	sadd.s32 $0xFFFFE003, lr  }
0x1b: {  	s9 =	sadd.s32 $0xFFFFFEF7, lr;
	s5 =	simm.s32 $0xFFFFFFFF;
	p2 =	slt.u32 s8, $0xFFFFF086  }
0x1c: {  	p1 =	slt.u32 s9, $0xF7A;
	s5 =	simm.s32 @!p2 $0x0  }
0x1d: {  	s5 =	simm.s32 @p1 $0x1;
	p0 =	seq.s32 s7, s2  }
0x1e: {  	s7 =	smul.u32 @!p0 $0xF7A, s2;
	p2 =	seq.s32 @!p0 s5, $0x0  }
0x1f: {  	s9 =	smul.u32 $0xF7A, s1;
	s8 =	simm.s32 @!p0 $0x1BF5;
	p2 =	por !p2, p0  }
0x20: {  	[sflag:s8] =	ssyncset.s32 @!p0 $0xFFFFF086;
	s6 =	sadd.s32 @!p0 s3, s7;
	s7 =	simm.s32 @!p0 $0x108  }
0x21: {  	s3 =	sadd.s32 s3, s9;
	s6 =	sadd.s32 @!p0 $0x88, s6;
	s7 =	simm.s32 @p2 $0x1082  }
0x22: {  	[simem:s7], [sflag:s8] =	dma.local @!p0 [hbm:s6], $0xF7A  }
0x23: {  	s9 =	sor.u32 $0xD0000000, s2;
	s6 =	simm.s32 $0x108;
	_ =	swait.ge @!p0 [sflag:s8], $0x0  }
0x24: {  	s3 =	sadd.s32 $0x88, s3;
	s6 =	simm.s32 @!p1 $0x1082;
	[sflag:s4] =	ssyncset.s32 $0xFFFFF086  }
0x25: {  	[simem:s6], [sflag:s4] =	dma.local [hbm:s3], $0xF7A  }
0x26: {  	[smem:$0x3F95] =	sst s1;
	(tag) =	ssettag s2;
	_ =	strace s9  }
0x27: {  	s1 =	sld [smem:$0x3FA5]  }
0x28: {  	s2 =	sld [smem:$0x3FA6]  }
0x29: {  	s4 =	sld [smem:$0x3FA8]  }
0x2a: {  	p0 =	seq.s32 s5, $0x0;
	s5 =	sld [smem:$0x3FA9]  }
0x2b: {  	s6 =	sld [smem:$0x3FAA]  }
0x2c: {  	s7 =	sld [smem:$0x3FAB]  }
0x2d: {  	s3 =	simm.s32 $0x108;
	s8 =	sld [smem:$0x3FAC]  }
0x2e: {  	s3 =	simm.s32 @!p0 $0x1082;
	s9 =	sld [smem:$0x3FAD]  }
0x2f: {  	lr =	sadd.s32 s0, s3;
	s0 =	sld [smem:$0x3FA4]  }
0x30: {  	s3 =	sld [smem:$0x3FA7]  }
0x31: {  	[smem:$0x3FB0] =	sst s10  }
0x32: {  	s10 =	sld [smem:$0x3FAE];
	_ =	sdelay $0x3  }
0x33: {  	p0 =	seq.s32 s10, $0x1;
	s10 =	sld [smem:$0x3FB0];
	_ =	sdelay $0x3  }
0x34: {  	[smem:$0x3FB0] =	sst s10  }
0x35: {  	s10 =	sld [smem:$0x3FAF];
	_ =	sdelay $0x3  }
0x36: {  	p1 =	seq.s32 s10, $0x1;
	s10 =	sld [smem:$0x3FB0];
	_ =	sdelay $0x3  }
0x37: {  	[smem:$0x3FB0] =	sst s10  }
0x38: {  	s10 =	sld [smem:$0x3FB1]  }
0x39: {  	_ = 	snop;
	(pc) =	sbr.ind lr, $3  }
0x3a: {  	_ = 	snop  }
0x3b: {  	_ = 	snop  }
0x3c: {  	p2 =	seq.s32 s10, $0x1;
	s10 =	sld [smem:$0x3FB0]  }
0x3d: {  	_ =	shalt  }
0x3e: {  	_ =	shalt  }
0x3f: {  	_ =	shalt  }
0x40: {  	_ =	shalt  }
0x41: {  	_ =	shalt  }
0x42: {  	_ =	shalt  }
0x43: {  	_ =	shalt  }
0x44: {  	_ =	shalt  }
0x45: {  	_ =	shalt  }
0x46: {  	_ =	shalt  }
0x47: {  	_ =	shalt  }
0x48: {  	_ =	shalt  }
0x49: {  	_ =	shalt  }
0x4a: {  	_ =	shalt  }
0x4b: {  	_ =	shalt  }
0x4c: {  	_ =	shalt  }
0x4d: {  	_ =	shalt  }
0x4e: {  	_ =	shalt  }
0x4f: {  	_ =	shalt  }
0x50: {  	_ =	shalt  }
0x51: {  	_ =	shalt  }
0x52: {  	_ =	shalt  }
0x53: {  	_ =	shalt  }
0x54: {  	_ =	shalt  }
0x55: {  	_ =	shalt  }
0x56: {  	_ =	shalt  }
0x57: {  	_ =	shalt  }
0x58: {  	_ =	shalt  }
0x59: {  	_ =	shalt  }
0x5a: {  	_ =	shalt  }
0x5b: {  	_ =	shalt  }
0x5c: {  	_ =	shalt  }
0x5d: {  	_ =	shalt  }
0x5e: {  	_ =	shalt  }
0x5f: {  	_ =	shalt  }
0x60: {  	_ =	shalt  }
0x61: {  	_ =	shalt  }
0x62: {  	_ =	shalt  }
0x63: {  	_ =	shalt  }
0x64: {  	_ =	shalt  }
0x65: {  	_ =	shalt  }
0x66: {  	_ =	shalt  }
0x67: {  	_ =	shalt  }
0x68: {  	_ =	shalt  }
0x69: {  	_ =	shalt  }
0x6a: {  	_ =	shalt  }
0x6b: {  	_ =	shalt  }
0x6c: {  	_ =	shalt  }
0x6d: {  	_ =	shalt  }
0x6e: {  	_ =	shalt  }
0x6f: {  	_ =	shalt  }
0x70: {  	_ =	shalt  }
0x71: {  	_ =	shalt  }
0x72: {  	_ =	shalt  }
0x73: {  	_ =	shalt  }
0x74: {  	_ =	shalt  }
0x75: {  	_ =	shalt  }
0x76: {  	_ =	shalt  }
0x77: {  	_ =	shalt  }
0x78: {  	_ =	shalt  }
0x79: {  	_ =	shalt  }
0x7a: {  	_ =	shalt  }
0x7b: {  	_ =	shalt  }
0x7c: {  	_ =	shalt  }
0x7d: {  	_ =	shalt  }
0x7e: {  	_ =	shalt  }
0x7f: {  	_ =	shalt  }
0x80: {  	_ =	shalt  }
0x81: {  	_ =	shalt  }
0x82: {  	_ =	shalt  }
0x83: {  	_ =	shalt  }
0x84: {  	_ =	shalt  }
0x85: {  	_ =	shalt  }
0x86: {  	_ =	shalt  }
0x87: {  	_ =	shalt  }
.Lfunc_end0:
.L_simem_size_0:
called_computation.2_lowered:
.L_overlay_start_0:
0x88: {  	s2 =	sld [smem:$0x3FD9]  }
0x89: {  	s3 =	sld [smem:$0x3FFE];
	_ =	sdelay $0x1  }
0x8a: {  	s1 =	srdreg.scid  }
0x8b: {  	s0 =	sand.u32 $0x1, s1  }
0x8c: {  	s16 =	sshll.u32 s0, $0xA;
	s2 =	sadd.s32 s3, s2  }
0x8d: {  	s2 =	sadd.s32 s2, s16  }
0x8e: {  	[smem:$0x3FBC] =	sst s2  }
0x8f: {  	_ = 	snop  }
0x90: {  	(tm) =	ssettm $0x1  }
0x91: {  	s17 =	sld [smem:$0x3FFB];
	_ =	sdelay $0x3  }
0x92: {  	_ =	strace s17  }
0x93: {  	s2 =	sld [smem:$0x3FFC];
	_ =	sdelay $0x3  }
0x94: {  	_ =	strace s2  }
0x95: {  	s2 =	sld [smem:$0x3FFD];
	_ =	sdelay $0x3  }
0x96: {  	_ =	strace s2  }
0x97: {  	_ =	strace $0x8FFFFFFF  }
0x98: {  	s18 =	sld [smem:$0x3FDB];
	_ =	sdelay $0x1  }
0x99: {  	s19 =	simm.s32 $_scs_section_size  }
0x9a: {  	s4 =	simm.s32 $_size__tile_overlayer_lowered;
	s5 =	simm.s32 $_tile_overlayer_lowered  }
0x9b: {  	s22 =	simm.s32 $0x1BFF;
	s21 =	sshll.u32 s5, $0x1;
	s2 =	sadd.s32 s19, s18  }
0x9c: {  	s6 =	simm.s32 $0x0;
	s20 =	sshll.u32 s4, $0x1;
	s4 =	sadd.s32 s21, s2  }
0x9d: {  	[timem:s6], [sflag:s22] =	dma.local [hbm:s4], s20  }
0x9e: {  	_ =	swait.ge [sflag:s22], s20  }
0x9f: {  	s3 =	ssub.s32 $0x0, s20;
	[sflag:s22] =	ssyncset.done $0x0  }
0xa0: {  	[sflag:s22] =	ssyncadd.s32 s3;
	_ =	sdelay $0x1  }
0xa1: {  	s23 =	simm.s32 $0x1B8B  }
0xa2: {  	_ =	swait.ge [sflag:s23], $0x1  }
0xa3: {  	[sflag:s23] =	ssyncset.done $0x0  }
0xa4: {  	s25 =	simm.s32 $0x1B8E;
	s24 =	sld [smem:$0x3FFE];
	[sflag:s23] =	ssyncadd.s32 $0xFFFFFFFF  }
0xa5: {  	s26 =	simm.s32 $execute0_lowered;
	[smem:$0x3FD2] =	sst s25  }
0xa6: {  	s4 =	sshll.u32 s26, $0x1;
	_ =	strace $0x8000004C;
	[dreg:$0x1] =	wrdreg $0xFFFFFFFF  }
0xa7: {  	s28 =	simm.s32 $_size_execute0_lowered;
	s2 =	sadd.s32 s2, s4;
	[dreg:$0x0] =	wrdreg $0x0  }
0xa8: {  	s4 =	sshll.u32 s28, $0x1;
	[dreg:$0x2] =	wrdreg s2  }
0xa9: {  	[dreg:$0x3] =	wrdreg s4  }
0xaa: {  	[dreg:$0x4] =	wrdreg $0xC0  }
0xab: {  	_ =	task [dreg:s6], $0x5FFFF  }
0xac: {  	[dreg:$0x1] =	wrdreg $0xFFFFFFFF  }
0xad: {  	[dreg:$0x0] =	wrdreg $0x60  }
0xae: {  	[dreg:$0x2] =	wrdreg s24  }
0xaf: {  	[dreg:$0x3] =	wrdreg $0x0  }
0xb0: {  	[dreg:$0x4] =	wrdreg $0x9  }
0xb1: {  	_ =	task.clear_ibuf [dreg:s6], $0x5FFFF;
	_ =	strace $0x9000004C  }
0xb2: {  	s29 =	simm.s32 $0x9;
	_ =	strace $0x8000004E  }
0xb3: {  	_ =	swait.ge [sflag:s29], $0x1  }
0xb4: {  	[sflag:s29] =	ssyncadd.s32 $0xFFFFFFFF  }
0xb5: {  	_ =	strace $0x9000004E  }
0xb6: {  	_ =	sfence  }
0xb7: {  	s30 =	sld [smem:$0x0];
	_ =	sdelay $0x2  }
0xb8: {  	s31 =	sshll.u32 s1, $0xD;
	s1 =	sshrl.u32 s1, $0x2  }
0xb9: {  	s3 =	sand.u32 $0x4000, s31;
	s1 =	sadd.s32 s1, s30  }
0xba: {  	s0 =	sor.u32 s3, s0;
	s1 =	sshll.u32 s1, $0x11  }
0xbb: {  	s0 =	sor.u32 s1, s0  }
0xbc: {  	s0 =	sadd.s32 $0x8F2B, s0  }
0xbd: {  	[sflag:s0] =	ssyncadd.remote.s32 $0x1  }
0xbe: {  	_ =	sfence.sel $0xFFFF  }
0xbf: {  	[dreg:$0x0] =	wrdreg $0xFFFFFFFF;
	(pc) =	sbr.abs _section_cstart, $3  }
0xc0: {  	[dreg:$0x1] =	wrdreg $0xFFFFFFFF  }
0xc1: {  	_ =	task.clear_ibuf [dreg:s6], $0x2FFFF;
	_ =	strace $0x9FFFFFFF  }
0xc2: {  	(tm) =	ssettm $0x7FFFFFFF  }
0xc3: {  	_ =	shalt  }
tec
execute0_lowered:
.L_overlay_start_1:
0x0: {  	(tag) =	ssettag $0x1  }
0x1: {  	s0 =	rddreg [dreg:$0x0]  }
0x2: {  	s1 =	rddreg [dreg:$0x1];
	s17 =	stileid.u32  }
0x3: {  	s2 =	srdreg.scid;
	s3 =	simm.s32 $0x0;
	s6 =	smul.u32 $0x14000, s17  }
0x4: {  	s28 =	simm.s32 $0x14300;
	s29 =	simm.s32 $0x4;
	s13 =	smul.u32 $0xFC, s17  }
0x5: {  	s30 =	simm.s32 $0x7;
	s31 =	simm.s32 $0xA;
	s15 =	smul.u32 $0x4E000, s17  }
0x6: {  	s2 =	sand.u32 $0x1, s2;
	[smem:$0x7FF] =	sst s3;
	s12 =	smul.u32 $0x2700, s17  }
0x7: {  	s4 =	sadd.s32 $0x17200, s0;
	s7 =	sadd.s32 $0xD400, s0;
	s26 =	smul.u32 $0x9D8, s17  }
0x8: {  	s10 =	sadd.s32 $0x2C00, s0;
	s5 =	smul.u32 $0x140000, s2;
	_ =	strace $0x8000004D  }
0x9: {  	s8 =	ssub.s32 $0x2, s2;
	s9 =	smul.u32 $0xA2, s2;
	p0 =	seq.s32 s2, $0x0  }
0xa: {  	s14 =	sshrl.u32 s8, $0x1;
	s12 =	sadd.s32 s4, s12;
	s5 =	sadd.s32 s6, s5  }
0xb: {  	s8 =	ssub.s32 s8, s14;
	s6 =	sadd.s32 s9, s13;
	s9 =	sshrl.u32 s15, $0x2  }
0xc: {  	[dreg:$0x5] =	wrdreg s12;
	s12 =	sadd.s32 $0x124800, s1;
	s14 =	smul.u32 $0x50000, s17  }
0xd: {  	s15 =	sadd.s32 s26, s7;
	s5 =	sshrl.u32 s5, $0x3;
	s6 =	smul.u32 $0x50, s6  }
0xe: {  	s9 =	sadd.s32 s9, s1;
	s8 =	smax.u32 s8, $0x1;
	s11 =	sadd.s32 s5, s0  }
0xf: {  	s5 =	simm.s32 $0xA2;
	s0 =	sadd.s32 $0x3BB00, s0;
	s24 =	sshrl.u32 s14, $0x2  }
0x10: {  	[dreg:$0xc] =	wrdreg s8;
	s14 =	smul.u32 $0x654, s2;
	s5 =	simm.s32 @!p0 $0x5A  }
0x11: {  	[dreg:$0x6] =	wrdreg s0;
	s16 =	sshrl.u32 s6, $0x3;
	s23 =	sadd.s32 $0x3E400, s11  }
0x12: {  	s6 =	sadd.s32 s24, s1;
	p0 =	seq.s32 s17, $0xF;
	s24 =	simm.s32 $0x1  }
0x13: {  	s18 =	smul.u32 $0xAB, s5;
	s13 =	sadd.s32 s7, s16;
	s19 =	sadd.s32 $0xA, s16  }
0x14: {  	s0 =	sadd.s32 s10, s16;
	[dreg:$0xb] =	wrdreg s23;
	s25 =	sadd.s32 $0xFFFFFFFF, s5  }
0x15: {  	s16 =	sadd.s32 s26, s10;
	s2 =	sshrl.u32 @p0 s12, $0x3;
	[dreg:$0x7] =	wrdreg s13  }
0x16: {  	s26 =	simm.s32 $0x50;
	s23 =	simm.s32 $0xD;
	[dreg:$0x8] =	wrdreg s0  }
0x17: {  	s20 =	sadd.s32 s7, s19;
	s21 =	sadd.s32 s10, s19;
	[dreg:$0x3] =	wrdreg s25  }
0x18: {  	[dreg:$0xd] =	wrdreg s2;
	s19 =	sshrl.u32 @!p0 s9, $0x3;
	s22 =	sshrl.u32 s18, $0x9  }
0x19: {  	s25 =	sshrl.u32 s6, $0x3;
	[dreg:$0x9] =	wrdreg s20;
	s0 =	ssub.s32 $0x0, s22  }
0x1a: {  	s2 =	simm.s32 $0x0;
	[dreg:$0x4] =	wrdreg s0;
	s0 =	sshll.u32 @!p0 s17, $0x6  }
0x1b: {  	[dreg:$0xa] =	wrdreg s21;
	s21 =	simm.s32 $0x14180;
	s0 =	sor.u32 @!p0 $0x1C0D, s0  }
0x1c: {  	s22 =	simm.s32 $0xC;
	[dreg:$0xe] =	wrdreg s0;
	s0 =	simm.s32 $0xB  }
.LBB2_1:
0x1d: {  	s7 =	rddreg [dreg:$0x6]  }
0x1e: {  	s6 =	simm.s32 @p0 $0x1FCD;
	s8 =	rddreg [dreg:$0xd]  }
0x1f: {  	[spmem:s8], [sflag:s6] =	dma.local @p0 [hbm:s7], $0x2800  }
0x20: {  	s6 =	simm.s32 @p0 $0xD  }
0x21: {  	_ =	swait.ge @p0 [sflag:s6], $0x2800  }
0x22: {  	[sflag:s6] =	ssyncset.done @p0 $0x0;
	s7 =	rddreg [dreg:$0xe]  }
0x23: {  	[sflag:s6] =	ssyncadd.s32 @p0 $0xFFFFD800;
	s6 =	rddreg [dreg:$0x5]  }
0x24: {  	[spmem:s19], [sflag:s7] =	dma.local @!p0 [hbm:s6], $0x2700  }
0x25: {  	s6 =	simm.s32 @!p0 $0xD  }
0x26: {  	_ =	swait.ge @!p0 [sflag:s6], $0x2700  }
0x27: {  	[sflag:s6] =	ssyncset.done @!p0 $0x0  }
0x28: {  	s20 =	simm.s32 $0x14000;
	s18 =	rddreg [dreg:$0x7];
	[sflag:s6] =	ssyncadd.s32 @!p0 $0xFFFFD900  }
0x29: {  	[tilespmem:s20], [sflag:$0x1] =	stream.linear.gather [hbm4b:s18+s3], $0x50, $0x38;
	[tilespmem:$0x1BB00] =	vst v63  }
0x2a: {  	s9 =	rddreg [dreg:$0x8]  }
0x2b: {  	[tilespmem:s21], [sflag:$0x4] =	stream.linear.gather [hbm4b:s9+s3], $0x50, $0x38;
	[tilespmem:$0x1BB00] =	vst v63  }
0x2c: {  	s11 =	simm.s32 $0x14080;
	s10 =	rddreg [dreg:$0x9]  }
0x2d: {  	[tilespmem:s11], [sflag:$0x2] =	stream.linear.gather [hbm4b:s10+s3], $0x50, $0x38;
	[tilespmem:$0x1BB00] =	vst v63  }
0x2e: {  	s13 =	simm.s32 $0x14200;
	s12 =	rddreg [dreg:$0xa]  }
0x2f: {  	[tilespmem:s13], [sflag:$0x5] =	stream.linear.gather [hbm4b:s12+s3], $0x50, $0x38;
	[tilespmem:$0x1BB00] =	vst v63  }
0x30: {  	[bflag:$0x0] =	sbarrier.arrive $0xFFFF  }
0x31: {  	_ =	swait.ge [sflag:s24], $0x50  }
0x32: {  	[sflag:s24] =	ssyncset.done $0x0  }
0x33: {  	[sflag:s24] =	ssyncadd.s32 $0xFFFFFFB0  }
0x34: {  	[tilespmem:s28], [sflag:$0x7] =	stream.indirect.gather [hbm4b:s4+s26], $0x80, s20, s26, $0xb8;
	[tilespmem:$0x1BB00] =	vst v63  }
0x35: {  	_ =	swait.ge [sflag:s29], $0x50  }
0x36: {  	[sflag:s29] =	ssyncset.done $0x0  }
0x37: {  	[sflag:s29] =	ssyncadd.s32 $0xFFFFFFB0  }
0x38: {  	_ =	swait.ge [sflag:s30], $0x2800  }
0x39: {  	[sflag:s30] =	ssyncset.done $0x0;
	s17 =	rddreg [dreg:$0x3]  }
0x3a: {  	[sflag:s30] =	ssyncadd.s32 $0xFFFFD800;
	p1 =	sle.u32 s17, $0x0  }
0x3b: {  	[spmem:s1] =	stream.indirect.scatter.add.f32 [tilespmem:s28], [sflag:$0xA], $0x80, s21, s26, $0xb8;
	[tilespmem:$0x1BB00] =	vst v63  }
0x3c: {  	s6 =	simm.s32 @!p1 $0x2  }
0x3d: {  	p2 =	por $0x1, $0x1;
	_ =	swait.ge @!p1 [sflag:s6], $0x50  }
0x3e: {  	s9 =	simm.s32 @!p2 $0xC;
	s7 =	simm.s32 @!p1 $0x14080;
	[sflag:s6] =	ssyncset.done @!p1 $0x0  }
0x3f: {  	s8 =	simm.s32 @!p1 $0x16B00;
	[sflag:s6] =	ssyncadd.s32 @!p1 $0xFFFFFFB0;
	s6 =	simm.s32 @!p1 $0x50  }
0x40: {  	[tilespmem:s8], [sflag:$0x8] =	stream.indirect.gather @!p1 [hbm4b:s4+s6], $0x80, s7, s6, $0xb8;
	[tilespmem:$0x1BB00] =	vst v63  }
0x41: {  	_ =	swait.ge @!p2 [sflag:s9], $0x2800  }
0x42: {  	p1 =	sle.u32 s5, $0x2;
	[sflag:s9] =	ssyncset.done @!p2 $0x0  }
0x43: {  	s6 =	simm.s32 @p1 $0x5;
	[sflag:s9] =	ssyncadd.s32 @!p2 $0xFFFFD800  }
0x44: {  	_ =	swait.ge @p1 [sflag:s6], $0x50  }
0x45: {  	[sflag:s6] =	ssyncset.done @p1 $0x0  }
0x46: {  	[sflag:s6] =	ssyncadd.s32 @p1 $0xFFFFFFB0;
	s6 =	simm.s32 @p1 $0x8  }
0x47: {  	s7 =	sadd.s32 @!p1 s15, s14;
	_ =	swait.ge @p1 [sflag:s6], $0x2800  }
0x48: {  	s8 =	simm.s32 @p1 $0x16B00;
	s7 =	sadd.s32 @!p1 $0x14, s7;
	[sflag:s6] =	ssyncset.done @p1 $0x0  }
0x49: {  	s9 =	simm.s32 @p1 $0x14200;
	[sflag:s6] =	ssyncadd.s32 @p1 $0xFFFFD800;
	s6 =	simm.s32 @p1 $0x50  }
0x4a: {  	[spmem:s1] =	stream.indirect.scatter.add.f32 @p1 [tilespmem:s8], [sflag:$0xB], $0x80, s9, s6, $0xb8;
	[tilespmem:$0x1BB00] =	vst v63  }
0x4b: {  	s6 =	sadd.s32 @!p1 s16, s14;
	s8 =	simm.s32 @!p1 $0x0;
	s9 =	simm.s32 @!p1 $0x14100  }
0x4c: {  	[tilespmem:s9], [sflag:$0x3] =	stream.linear.gather @!p1 [hbm4b:s7+s8], $0x50, $0x38;
	[tilespmem:$0x1BB00] =	vst v63  }
0x4d: {  	s10 =	simm.s32 @!p1 $0x5;
	s6 =	sadd.s32 @!p1 $0x14, s6;
	s7 =	simm.s32 @!p1 $0x14280  }
0x4e: {  	[tilespmem:s7], [sflag:$0x6] =	stream.linear.gather @!p1 [hbm4b:s6+s8], $0x50, $0x38;
	[tilespmem:$0x1BB00] =	vst v63  }
0x4f: {  	_ =	swait.ge @!p1 [sflag:s10], $0x50  }
0x50: {  	[sflag:s10] =	ssyncset.done @!p1 $0x0  }
0x51: {  	s6 =	simm.s32 @!p1 $0x8;
	[sflag:s10] =	ssyncadd.s32 @!p1 $0xFFFFFFB0  }
0x52: {  	_ =	swait.ge @!p1 [sflag:s6], $0x2800  }
0x53: {  	s7 =	simm.s32 @!p1 $0x16B00;
	s8 =	simm.s32 @!p1 $0x3;
	[sflag:s6] =	ssyncset.done @!p1 $0x0  }
0x54: {  	s10 =	simm.s32 @!p1 $0x14200;
	[sflag:s6] =	ssyncadd.s32 @!p1 $0xFFFFD800;
	s6 =	simm.s32 @!p1 $0x50  }
0x55: {  	[spmem:s1] =	stream.indirect.scatter.add.f32 @!p1 [tilespmem:s7], [sflag:$0xB], $0x80, s10, s6, $0xb8;
	[tilespmem:$0x1BB00] =	vst v63  }
0x56: {  	_ =	swait.ge @!p1 [sflag:s8], $0x50  }
0x57: {  	[sflag:s8] =	ssyncset.done @!p1 $0x0  }
0x58: {  	s7 =	simm.s32 @!p1 $0x19300;
	[sflag:s8] =	ssyncadd.s32 @!p1 $0xFFFFFFB0  }
0x59: {  	[tilespmem:s7], [sflag:$0x9] =	stream.indirect.gather @!p1 [hbm4b:s4+s6], $0x80, s9, s6, $0xb8;
	[tilespmem:$0x1BB00] =	vst v63  }
0x5a: {  	_ =	swait.ge [sflag:s31], $0x2800  }
0x5b: {  	p1 =	sle.u32 s5, $0x3;
	[sflag:s31] =	ssyncset.done $0x0  }
0x5c: {  	s6 =	simm.s32 @p1 $0x6;
	[sflag:s31] =	ssyncadd.s32 $0xFFFFD800  }
0x5d: {  	_ =	swait.ge @p1 [sflag:s6], $0x50  }
0x5e: {  	[sflag:s6] =	ssyncset.done @p1 $0x0  }
0x5f: {  	[sflag:s6] =	ssyncadd.s32 @p1 $0xFFFFFFB0;
	s6 =	simm.s32 @p1 $0x9  }
0x60: {  	s7 =	sadd.s32 @!p1 s15, s14;
	_ =	swait.ge @p1 [sflag:s6], $0x2800  }
0x61: {  	s8 =	simm.s32 @p1 $0x19300;
	s9 =	simm.s32 @p1 $0x14280;
	[sflag:s6] =	ssyncset.done @p1 $0x0  }
0x62: {  	s7 =	sadd.s32 @!p1 $0x1E, s7;
	[sflag:s6] =	ssyncadd.s32 @p1 $0xFFFFD800;
	s6 =	simm.s32 @p1 $0x50  }
0x63: {  	[spmem:s1] =	stream.indirect.scatter.add.f32 @p1 [tilespmem:s8], [sflag:$0xC], $0x80, s9, s6, $0xb8;
	[tilespmem:$0x1BB00] =	vst v63  }
0x64: {  	s6 =	sadd.s32 @!p1 s16, s14;
	s8 =	simm.s32 @!p1 $0x0;
	s9 =	simm.s32 @!p1 $0x14000  }
0x65: {  	[tilespmem:s9], [sflag:$0x1] =	stream.linear.gather @!p1 [hbm4b:s7+s8], $0x50, $0x38;
	[tilespmem:$0x1BB00] =	vst v63  }
0x66: {  	s10 =	simm.s32 @!p1 $0x6;
	s6 =	sadd.s32 @!p1 $0x1E, s6;
	s7 =	simm.s32 @!p1 $0x14180  }
0x67: {  	[tilespmem:s7], [sflag:$0x4] =	stream.linear.gather @!p1 [hbm4b:s6+s8], $0x50, $0x38;
	[tilespmem:$0x1BB00] =	vst v63  }
0x68: {  	_ =	swait.ge @!p1 [sflag:s10], $0x50  }
0x69: {  	[sflag:s10] =	ssyncset.done @!p1 $0x0  }
0x6a: {  	s6 =	simm.s32 @!p1 $0x9;
	[sflag:s10] =	ssyncadd.s32 @!p1 $0xFFFFFFB0  }
0x6b: {  	_ =	swait.ge @!p1 [sflag:s6], $0x2800  }
0x6c: {  	s7 =	simm.s32 @!p1 $0x19300;
	s8 =	simm.s32 @!p1 $0x1;
	[sflag:s6] =	ssyncset.done @!p1 $0x0  }
0x6d: {  	s10 =	simm.s32 @!p1 $0x14280;
	[sflag:s6] =	ssyncadd.s32 @!p1 $0xFFFFD800;
	s6 =	simm.s32 @!p1 $0x50  }
0x6e: {  	[spmem:s1] =	stream.indirect.scatter.add.f32 @!p1 [tilespmem:s7], [sflag:$0xC], $0x80, s10, s6, $0xb8;
	[tilespmem:$0x1BB00] =	vst v63  }
0x6f: {  	_ =	swait.ge @!p1 [sflag:s8], $0x50  }
0x70: {  	[sflag:s8] =	ssyncset.done @!p1 $0x0  }
0x71: {  	s7 =	simm.s32 @!p1 $0x14300;
	[sflag:s8] =	ssyncadd.s32 @!p1 $0xFFFFFFB0  }
0x72: {  	[tilespmem:s7], [sflag:$0x7] =	stream.indirect.gather @!p1 [hbm4b:s4+s6], $0x80, s9, s6, $0xb8;
	[tilespmem:$0x1BB00] =	vst v63  }
0x73: {  	_ =	swait.ge [sflag:s0], $0x2800  }
0x74: {  	s18 =	rddreg [dreg:$0x4]  }
0x75: {  	p2 =	sne.s32 s18, $0xFFFFFFFF  }
.Ltmp0:
0x76: {  	s8 =	sadd.s32 $0x1E, s16;
	s6 =	simm.s32 $0xFFFFFFFF;
	(pc) =	sbr.rel @!p2 .LBB2_3-.Ltmp0, $4  }
0x77: {  	s7 =	simm.s32 $0x3;
	p1 =	sle.u32 s5, $0x4;
	s9 =	sadd.s32 $0x1E, s15  }
0x78: {  	s12 =	simm.s32 @!p1 $0x0;
	s10 =	sadd.s32 @!p1 s15, s14;
	s11 =	simm.s32 @!p1 $0x14080  }
0x79: {  	s20 =	sadd.s32 @!p1 s16, s14;
	[sflag:s0] =	ssyncset.done $0x0;
	s13 =	sadd.s32 @!p1 $0x28, s10  }
0x7a: {  	s10 =	simm.s32 @!p1 $0x14200;
	s20 =	sadd.s32 @!p1 $0x28, s20;
	[sflag:s0] =	ssyncadd.s32 $0xFFFFD800  }
.LBB2_2:
0x7b: {  	[tilespmem:s11], [sflag:$0x2] =	stream.linear.gather @!p1 [hbm4b:s13+s12], $0x50, $0x38;
	[tilespmem:$0x1BB00] =	vst v63  }
0x7c: {  	_ = 	snop  }
0x7d: {  	[tilespmem:s10], [sflag:$0x5] =	stream.linear.gather @!p1 [hbm4b:s20+s12], $0x50, $0x38;
	[tilespmem:$0x1BB00] =	vst v63  }
0x7e: {  	_ =	swait.ge [sflag:s29], $0x50  }
0x7f: {  	[sflag:s29] =	ssyncset.done $0x0  }
0x80: {  	[sflag:s29] =	ssyncadd.s32 $0xFFFFFFB0  }
0x81: {  	_ =	swait.ge [sflag:s30], $0x2800  }
0x82: {  	[sflag:s30] =	ssyncset.done $0x0;
	s18 =	rddreg [dreg:$0x3]  }
0x83: {  	[sflag:s30] =	ssyncadd.s32 $0xFFFFD800;
	p1 =	sge.u32 s7, s18  }
0x84: {  	[spmem:s1] =	stream.indirect.scatter.add.f32 [tilespmem:s28], [sflag:$0xA], $0x80, s21, s26, $0xb8;
	[tilespmem:$0x1BB00] =	vst v63  }
0x85: {  	s13 =	smov.u32 s6;
	s12 =	simm.s32 @!p1 $0x2  }
0x86: {  	p2 =	seq.s32 s13, $0x0;
	_ =	swait.ge @!p1 [sflag:s12], $0x50  }
0x87: {  	s13 =	simm.s32 @!p2 $0xC;
	s20 =	simm.s32 @!p1 $0x14080;
	[sflag:s12] =	ssyncset.done @!p1 $0x0  }
0x88: {  	s17 =	simm.s32 @!p1 $0x16B00;
	[sflag:s12] =	ssyncadd.s32 @!p1 $0xFFFFFFB0;
	s12 =	simm.s32 @!p1 $0x50  }
0x89: {  	[tilespmem:s17], [sflag:$0x8] =	stream.indirect.gather @!p1 [hbm4b:s4+s12], $0x80, s20, s12, $0xb8;
	[tilespmem:$0x1BB00] =	vst v63  }
0x8a: {  	s20 =	sadd.s32 $0x2, s7;
	_ =	swait.ge @!p2 [sflag:s13], $0x2800  }
0x8b: {  	p1 =	sge.u32 s20, s5;
	[sflag:s13] =	ssyncset.done @!p2 $0x0  }
0x8c: {  	s12 =	simm.s32 @p1 $0x5;
	[sflag:s13] =	ssyncadd.s32 @!p2 $0xFFFFD800  }
0x8d: {  	_ =	swait.ge @p1 [sflag:s12], $0x50  }
0x8e: {  	[sflag:s12] =	ssyncset.done @p1 $0x0  }
0x8f: {  	[sflag:s12] =	ssyncadd.s32 @p1 $0xFFFFFFB0;
	s12 =	simm.s32 @p1 $0x8  }
0x90: {  	s17 =	sadd.s32 @!p1 s8, s14;
	_ =	swait.ge @p1 [sflag:s12], $0x2800  }
0x91: {  	s20 =	simm.s32 @p1 $0x16B00;
	s18 =	simm.s32 @p1 $0x14200;
	[sflag:s12] =	ssyncset.done @p1 $0x0  }
0x92: {  	s13 =	sadd.s32 @!p1 s9, s14;
	[sflag:s12] =	ssyncadd.s32 @p1 $0xFFFFD800;
	s12 =	simm.s32 @p1 $0x50  }
0x93: {  	[spmem:s1] =	stream.indirect.scatter.add.f32 @p1 [tilespmem:s20], [sflag:$0xB], $0x80, s18, s12, $0xb8;
	[tilespmem:$0x1BB00] =	vst v63  }
0x94: {  	s13 =	sadd.s32 @!p1 $0x14, s13;
	s12 =	simm.s32 @!p1 $0x0;
	s18 =	simm.s32 @!p1 $0x14100  }
0x95: {  	[tilespmem:s18], [sflag:$0x3] =	stream.linear.gather @!p1 [hbm4b:s13+s12], $0x50, $0x38;
	[tilespmem:$0x1BB00] =	vst v63  }
0x96: {  	s17 =	sadd.s32 @!p1 $0x14, s17;
	s20 =	simm.s32 @!p1 $0x5;
	s13 =	simm.s32 @!p1 $0x14280  }
0x97: {  	[tilespmem:s13], [sflag:$0x6] =	stream.linear.gather @!p1 [hbm4b:s17+s12], $0x50, $0x38;
	[tilespmem:$0x1BB00] =	vst v63  }
0x98: {  	_ =	swait.ge @!p1 [sflag:s20], $0x50  }
0x99: {  	[sflag:s20] =	ssyncset.done @!p1 $0x0  }
0x9a: {  	s12 =	simm.s32 @!p1 $0x8;
	[sflag:s20] =	ssyncadd.s32 @!p1 $0xFFFFFFB0  }
0x9b: {  	_ =	swait.ge @!p1 [sflag:s12], $0x2800  }
0x9c: {  	s13 =	simm.s32 @!p1 $0x16B00;
	s17 =	simm.s32 @!p1 $0x3;
	[sflag:s12] =	ssyncset.done @!p1 $0x0  }
0x9d: {  	s20 =	simm.s32 @!p1 $0x14200;
	[sflag:s12] =	ssyncadd.s32 @!p1 $0xFFFFD800;
	s12 =	simm.s32 @!p1 $0x50  }
0x9e: {  	[spmem:s1] =	stream.indirect.scatter.add.f32 @!p1 [tilespmem:s13], [sflag:$0xB], $0x80, s20, s12, $0xb8;
	[tilespmem:$0x1BB00] =	vst v63  }
0x9f: {  	_ =	swait.ge @!p1 [sflag:s17], $0x50  }
0xa0: {  	[sflag:s17] =	ssyncset.done @!p1 $0x0  }
0xa1: {  	s13 =	simm.s32 @!p1 $0x19300;
	[sflag:s17] =	ssyncadd.s32 @!p1 $0xFFFFFFB0  }
0xa2: {  	[tilespmem:s13], [sflag:$0x9] =	stream.indirect.gather @!p1 [hbm4b:s4+s12], $0x80, s18, s12, $0xb8;
	[tilespmem:$0x1BB00] =	vst v63  }
0xa3: {  	s11 =	smov.u32 s7;
	s7 =	sadd.s32 $0x3, s7;
	_ =	swait.ge [sflag:s31], $0x2800  }
0xa4: {  	p1 =	sge.u32 s7, s5;
	[sflag:s31] =	ssyncset.done $0x0  }
0xa5: {  	s12 =	simm.s32 @p1 $0x6;
	[sflag:s31] =	ssyncadd.s32 $0xFFFFD800  }
0xa6: {  	_ =	swait.ge @p1 [sflag:s12], $0x50  }
0xa7: {  	[sflag:s12] =	ssyncset.done @p1 $0x0  }
0xa8: {  	[sflag:s12] =	ssyncadd.s32 @p1 $0xFFFFFFB0;
	s12 =	simm.s32 @p1 $0x9  }
0xa9: {  	s13 =	sadd.s32 @!p1 s9, s14;
	_ =	swait.ge @p1 [sflag:s12], $0x2800  }
0xaa: {  	s17 =	sadd.s32 @!p1 s8, s14;
	s18 =	simm.s32 @p1 $0x19300;
	[sflag:s12] =	ssyncset.done @p1 $0x0  }
0xab: {  	s20 =	simm.s32 @p1 $0x14280;
	[sflag:s12] =	ssyncadd.s32 @p1 $0xFFFFD800;
	s12 =	simm.s32 @p1 $0x50  }
0xac: {  	[spmem:s1] =	stream.indirect.scatter.add.f32 @p1 [tilespmem:s18], [sflag:$0xC], $0x80, s20, s12, $0xb8;
	[tilespmem:$0x1BB00] =	vst v63  }
0xad: {  	s13 =	sadd.s32 @!p1 $0x1E, s13;
	s12 =	simm.s32 @!p1 $0x0;
	s18 =	simm.s32 @!p1 $0x14000  }
0xae: {  	[tilespmem:s18], [sflag:$0x1] =	stream.linear.gather @!p1 [hbm4b:s13+s12], $0x50, $0x38;
	[tilespmem:$0x1BB00] =	vst v63  }
0xaf: {  	s17 =	sadd.s32 @!p1 $0x1E, s17;
	s20 =	simm.s32 @!p1 $0x6;
	s13 =	simm.s32 @!p1 $0x14180  }
0xb0: {  	[tilespmem:s13], [sflag:$0x4] =	stream.linear.gather @!p1 [hbm4b:s17+s12], $0x50, $0x38;
	[tilespmem:$0x1BB00] =	vst v63  }
0xb1: {  	_ =	swait.ge @!p1 [sflag:s20], $0x50  }
0xb2: {  	[sflag:s20] =	ssyncset.done @!p1 $0x0  }
0xb3: {  	s12 =	simm.s32 @!p1 $0x9;
	[sflag:s20] =	ssyncadd.s32 @!p1 $0xFFFFFFB0  }
0xb4: {  	_ =	swait.ge @!p1 [sflag:s12], $0x2800  }
0xb5: {  	s13 =	simm.s32 @!p1 $0x19300;
	s17 =	simm.s32 @!p1 $0x1;
	[sflag:s12] =	ssyncset.done @!p1 $0x0  }
0xb6: {  	s20 =	simm.s32 @!p1 $0x14280;
	[sflag:s12] =	ssyncadd.s32 @!p1 $0xFFFFD800;
	s12 =	simm.s32 @!p1 $0x50  }
0xb7: {  	[spmem:s1] =	stream.indirect.scatter.add.f32 @!p1 [tilespmem:s13], [sflag:$0xC], $0x80, s20, s12, $0xb8;
	[tilespmem:$0x1BB00] =	vst v63  }
0xb8: {  	_ =	swait.ge @!p1 [sflag:s17], $0x50  }
0xb9: {  	[sflag:s17] =	ssyncset.done @!p1 $0x0  }
0xba: {  	s13 =	simm.s32 @!p1 $0x14300;
	[sflag:s17] =	ssyncadd.s32 @!p1 $0xFFFFFFB0  }
0xbb: {  	[tilespmem:s13], [sflag:$0x7] =	stream.indirect.gather @!p1 [hbm4b:s4+s12], $0x80, s18, s12, $0xb8;
	[tilespmem:$0x1BB00] =	vst v63  }
0xbc: {  	_ =	swait.ge [sflag:s0], $0x2800  }
0xbd: {  	s6 =	sadd.s32 $0xFFFFFFFF, s6;
	s17 =	rddreg [dreg:$0x4]  }
0xbe: {  	s11 =	sadd.s32 $0x4, s11;
	p2 =	sne.s32 s17, s6  }
.Ltmp1:
0xbf: {  	p1 =	sge.u32 s11, s5;
	(pc) =	sbr.rel @p2 .LBB2_2-.Ltmp1, $4  }
0xc0: {  	s10 =	smov.u32 s8;
	s8 =	sadd.s32 $0x1E, s8;
	s12 =	simm.s32 @!p1 $0x0  }
0xc1: {  	s13 =	sadd.s32 @!p1 s9, s14;
	s11 =	simm.s32 @!p1 $0x14080;
	s18 =	sadd.s32 @!p1 s10, s14  }
0xc2: {  	s10 =	simm.s32 @!p1 $0x14200;
	s9 =	sadd.s32 $0x1E, s9;
	[sflag:s0] =	ssyncset.done $0x0  }
0xc3: {  	s13 =	sadd.s32 @!p1 $0x28, s13;
	s20 =	sadd.s32 @!p1 $0x28, s18;
	[sflag:s0] =	ssyncadd.s32 $0xFFFFD800  }
.LBB2_3:
0xc4: {  	[tilespmem:s11], [sflag:$0x2] =	stream.linear.gather @!p1 [hbm4b:s13+s12], $0x50, $0x38;
	[tilespmem:$0x1BB00] =	vst v63  }
0xc5: {  	_ = 	snop  }
0xc6: {  	[tilespmem:s10], [sflag:$0x5] =	stream.linear.gather @!p1 [hbm4b:s20+s12], $0x50, $0x38;
	[tilespmem:$0x1BB00] =	vst v63  }
0xc7: {  	_ =	swait.ge [sflag:s22], $0x2800  }
0xc8: {  	[sflag:s22] =	ssyncset.done $0x0  }
0xc9: {  	s6 =	stileid.u32;
	[sflag:s22] =	ssyncadd.s32 $0xFFFFD800  }
0xca: {  	s6 =	sshll.u32 s6, $0x6;
	[bflag:$0x0] =	sbarrier.arrive $0xFFFF  }
0xcb: {  	s6 =	sor.u32 $0x1C0D, s6;
	s7 =	rddreg [dreg:$0xb]  }
0xcc: {  	[hbm:s7], [sflag:s6] =	dma.local [spmem:s25], $0x2800  }
0xcd: {  	_ =	swait.ge [sflag:s23], $0x2800  }
0xce: {  	s2 =	sadd.s32 $0x1, s2;
	s20 =	rddreg [dreg:$0xc]  }
0xcf: {  	p1 =	sne.s32 s2, s20  }
.Ltmp2:
0xd0: {  	_ = 	snop;
	(pc) =	sbr.rel @p1 .LBB2_1-.Ltmp2, $3  }
0xd1: {  	_ =	sdelay $0x1  }
0xd2: {  	[sflag:s23] =	ssyncset.done $0x0  }
0xd3: {  	[sflag:s23] =	ssyncadd.s32 $0xFFFFD800  }
0xd4: {  	_ =	sfence.sel $0x180000  }
0xd5: {  	[bflag:$0x0] =	sbarrier.arrive $0xFFFF  }
0xd6: {  	_ =	strace $0x9000004D  }
0xd7: {  	s0 =	stileid.u32;
	[bflag:$0x2] =	sbarrier.arrive $0xFFFF  }
0xd8: {  	p0 =	sne.s32 s0, $0x0;
	s0 =	rddreg [dreg:$0x2]  }
0xd9: {  	s0 =	sadd.s32 @!p0 $0x100000, s0  }
0xda: {  	[sflag:s0] =	ssyncadd.tile.s32 @!p0 $0x1;
	_ =	shalt  }
.Lfunc_end2:
_tile_overlayer_lowered:
.L_overlay_start_2:
0xdb: {  	(tag) =	ssettag $0x2  }
0xdc: {  	s0 =	rddreg [dreg:$0x0];
	s2 =	stileid.u32  }
0xdd: {  	s1 =	rddreg [dreg:$0x1];
	p0 =	sne.s32 s2, $0x0  }
0xde: {  	s3 =	rddreg [dreg:$0x2];
	[bflag:$0x3] =	sbarrier.arrive $0xFFFF;
	s2 =	simm.s32 @!p0 $0x1C0D  }
0xdf: {  	[timem:s3], [sflag:s2] =	dma.local @!p0 [hbm:s0], s1  }
0xe0: {  	s0 =	simm.s32 @!p0 $0xD  }
0xe1: {  	_ =	swait.ge @!p0 [sflag:s0], s1  }
0xe2: {  	s1 =	ssub.s32 @!p0 $0x0, s1;
	[sflag:s0] =	ssyncset.done @!p0 $0x0  }
0xe3: {  	[sflag:s0] =	ssyncadd.s32 @!p0 s1  }
0xe4: {  	[bflag:$0x3] =	sbarrier.arrive $0xFFFF  }
0xe5: {  	_ =	shalt  }

// kernel: kernel.19.cloned.1.call-start
scs
__scs_entry_jumppad:
0x0: {  	(pc) =	sbr.rel $0x88, $3  }
0x1: {  	(tag) =	ssettag $0x0;
	lr =	simm.s32 $0x1  }
0x2: {  	[smem:$0x3F95] =	sst lr;
	_ =	strace $0xD0000000  }
0x3: {  	_ = 	snop  }
0x4: {  	_ = 	snop  }
0x5: {  	_ = 	snop  }
0x6: {  	_ = 	snop  }
0x7: {  	_ = 	snop  }
__scs_overlays_trampoline_lowered:
0x8: {  	[smem:$0x3FA4] =	sst s0  }
0x9: {  	[smem:$0x3FA5] =	sst s1  }
0xa: {  	[smem:$0x3FA6] =	sst s2  }
0xb: {  	[smem:$0x3FA7] =	sst s3  }
0xc: {  	[smem:$0x3FA8] =	sst s4  }
0xd: {  	[smem:$0x3FA9] =	sst s5  }
0xe: {  	[smem:$0x3FAA] =	sst s6  }
0xf: {  	[smem:$0x3FAB] =	sst s7  }
0x10: {  	[smem:$0x3FAC] =	sst s8  }
0x11: {  	[smem:$0x3FAD] =	sst s9;
	s0 =	simm.s32 @!p0 $0x0  }
0x12: {  	s1 =	sld [smem:$0x3F93];
	s0 =	simm.s32 @p0 $0x1  }
0x13: {  	[smem:$0x3FAE] =	sst s0;
	s0 =	simm.s32 @!p1 $0x0  }
0x14: {  	s2 =	sld [smem:$0x3F92];
	s0 =	simm.s32 @p1 $0x1  }
0x15: {  	[smem:$0x3FAF] =	sst s0;
	s0 =	simm.s32 @!p2 $0x0  }
0x16: {  	s3 =	sld [smem:$0x3FDB];
	s0 =	simm.s32 @p2 $0x1  }
0x17: {  	s4 =	simm.s32 $0x1BF5;
	[smem:$0x3FB1] =	sst s0  }
0x18: {  	s0 =	sld [smem:$0x3F94];
	_ =	swait.ge [sflag:s4], $0x0  }
0x19: {  	s7 =	sld [smem:$0x3F95]  }
0x1a: {  	s8 =	sadd.s32 $0xFFFFE003, lr  }
0x1b: {  	s9 =	sadd.s32 $0xFFFFFEF7, lr;
	s5 =	simm.s32 $0xFFFFFFFF;
	p2 =	slt.u32 s8, $0xFFFFF086  }
0x1c: {  	p1 =	slt.u32 s9, $0xF7A;
	s5 =	simm.s32 @!p2 $0x0  }
0x1d: {  	s5 =	simm.s32 @p1 $0x1;
	p0 =	seq.s32 s7, s2  }
0x1e: {  	s7 =	smul.u32 @!p0 $0xF7A, s2;
	p2 =	seq.s32 @!p0 s5, $0x0  }
0x1f: {  	s9 =	smul.u32 $0xF7A, s1;
	s8 =	simm.s32 @!p0 $0x1BF5;
	p2 =	por !p2, p0  }
0x20: {  	[sflag:s8] =	ssyncset.s32 @!p0 $0xFFFFF086;
	s6 =	sadd.s32 @!p0 s3, s7;
	s7 =	simm.s32 @!p0 $0x108  }
0x21: {  	s3 =	sadd.s32 s3, s9;
	s6 =	sadd.s32 @!p0 $0x88, s6;
	s7 =	simm.s32 @p2 $0x1082  }
0x22: {  	[simem:s7], [sflag:s8] =	dma.local @!p0 [hbm:s6], $0xF7A  }
0x23: {  	s9 =	sor.u32 $0xD0000000, s2;
	s6 =	simm.s32 $0x108;
	_ =	swait.ge @!p0 [sflag:s8], $0x0  }
0x24: {  	s3 =	sadd.s32 $0x88, s3;
	s6 =	simm.s32 @!p1 $0x1082;
	[sflag:s4] =	ssyncset.s32 $0xFFFFF086  }
0x25: {  	[simem:s6], [sflag:s4] =	dma.local [hbm:s3], $0xF7A  }
0x26: {  	[smem:$0x3F95] =	sst s1;
	(tag) =	ssettag s2;
	_ =	strace s9  }
0x27: {  	s1 =	sld [smem:$0x3FA5]  }
0x28: {  	s2 =	sld [smem:$0x3FA6]  }
0x29: {  	s4 =	sld [smem:$0x3FA8]  }
0x2a: {  	p0 =	seq.s32 s5, $0x0;
	s5 =	sld [smem:$0x3FA9]  }
0x2b: {  	s6 =	sld [smem:$0x3FAA]  }
0x2c: {  	s7 =	sld [smem:$0x3FAB]  }
0x2d: {  	s3 =	simm.s32 $0x108;
	s8 =	sld [smem:$0x3FAC]  }
0x2e: {  	s3 =	simm.s32 @!p0 $0x1082;
	s9 =	sld [smem:$0x3FAD]  }
0x2f: {  	lr =	sadd.s32 s0, s3;
	s0 =	sld [smem:$0x3FA4]  }
0x30: {  	s3 =	sld [smem:$0x3FA7]  }
0x31: {  	[smem:$0x3FB0] =	sst s10  }
0x32: {  	s10 =	sld [smem:$0x3FAE];
	_ =	sdelay $0x3  }
0x33: {  	p0 =	seq.s32 s10, $0x1;
	s10 =	sld [smem:$0x3FB0];
	_ =	sdelay $0x3  }
0x34: {  	[smem:$0x3FB0] =	sst s10  }
0x35: {  	s10 =	sld [smem:$0x3FAF];
	_ =	sdelay $0x3  }
0x36: {  	p1 =	seq.s32 s10, $0x1;
	s10 =	sld [smem:$0x3FB0];
	_ =	sdelay $0x3  }
0x37: {  	[smem:$0x3FB0] =	sst s10  }
0x38: {  	s10 =	sld [smem:$0x3FB1]  }
0x39: {  	_ = 	snop;
	(pc) =	sbr.ind lr, $3  }
0x3a: {  	_ = 	snop  }
0x3b: {  	_ = 	snop  }
0x3c: {  	p2 =	seq.s32 s10, $0x1;
	s10 =	sld [smem:$0x3FB0]  }
0x3d: {  	_ =	shalt  }
0x3e: {  	_ =	shalt  }
0x3f: {  	_ =	shalt  }
0x40: {  	_ =	shalt  }
0x41: {  	_ =	shalt  }
0x42: {  	_ =	shalt  }
0x43: {  	_ =	shalt  }
0x44: {  	_ =	shalt  }
0x45: {  	_ =	shalt  }
0x46: {  	_ =	shalt  }
0x47: {  	_ =	shalt  }
0x48: {  	_ =	shalt  }
0x49: {  	_ =	shalt  }
0x4a: {  	_ =	shalt  }
0x4b: {  	_ =	shalt  }
0x4c: {  	_ =	shalt  }
0x4d: {  	_ =	shalt  }
0x4e: {  	_ =	shalt  }
0x4f: {  	_ =	shalt  }
0x50: {  	_ =	shalt  }
0x51: {  	_ =	shalt  }
0x52: {  	_ =	shalt  }
0x53: {  	_ =	shalt  }
0x54: {  	_ =	shalt  }
0x55: {  	_ =	shalt  }
0x56: {  	_ =	shalt  }
0x57: {  	_ =	shalt  }
0x58: {  	_ =	shalt  }
0x59: {  	_ =	shalt  }
0x5a: {  	_ =	shalt  }
0x5b: {  	_ =	shalt  }
0x5c: {  	_ =	shalt  }
0x5d: {  	_ =	shalt  }
0x5e: {  	_ =	shalt  }
0x5f: {  	_ =	shalt  }
0x60: {  	_ =	shalt  }
0x61: {  	_ =	shalt  }
0x62: {  	_ =	shalt  }
0x63: {  	_ =	shalt  }
0x64: {  	_ =	shalt  }
0x65: {  	_ =	shalt  }
0x66: {  	_ =	shalt  }
0x67: {  	_ =	shalt  }
0x68: {  	_ =	shalt  }
0x69: {  	_ =	shalt  }
0x6a: {  	_ =	shalt  }
0x6b: {  	_ =	shalt  }
0x6c: {  	_ =	shalt  }
0x6d: {  	_ =	shalt  }
0x6e: {  	_ =	shalt  }
0x6f: {  	_ =	shalt  }
0x70: {  	_ =	shalt  }
0x71: {  	_ =	shalt  }
0x72: {  	_ =	shalt  }
0x73: {  	_ =	shalt  }
0x74: {  	_ =	shalt  }
0x75: {  	_ =	shalt  }
0x76: {  	_ =	shalt  }
0x77: {  	_ =	shalt  }
0x78: {  	_ =	shalt  }
0x79: {  	_ =	shalt  }
0x7a: {  	_ =	shalt  }
0x7b: {  	_ =	shalt  }
0x7c: {  	_ =	shalt  }
0x7d: {  	_ =	shalt  }
0x7e: {  	_ =	shalt  }
0x7f: {  	_ =	shalt  }
0x80: {  	_ =	shalt  }
0x81: {  	_ =	shalt  }
0x82: {  	_ =	shalt  }
0x83: {  	_ =	shalt  }
0x84: {  	_ =	shalt  }
0x85: {  	_ =	shalt  }
0x86: {  	_ =	shalt  }
0x87: {  	_ =	shalt  }
.Lfunc_end0:
.L_simem_size_0:
called_computation.3_lowered:
.L_overlay_start_0:
0x88: {  	s2 =	sld [smem:$0x3FD9]  }
0x89: {  	s3 =	sld [smem:$0x3FFE];
	_ =	sdelay $0x1  }
0x8a: {  	s1 =	srdreg.scid  }
0x8b: {  	s0 =	sand.u32 $0x1, s1  }
0x8c: {  	s16 =	sshll.u32 s0, $0xA;
	s2 =	sadd.s32 s3, s2  }
0x8d: {  	s2 =	sadd.s32 s2, s16  }
0x8e: {  	[smem:$0x3FBC] =	sst s2  }
0x8f: {  	_ = 	snop  }
0x90: {  	(tm) =	ssettm $0x1  }
0x91: {  	s17 =	sld [smem:$0x3FFB];
	_ =	sdelay $0x3  }
0x92: {  	_ =	strace s17  }
0x93: {  	s2 =	sld [smem:$0x3FFC];
	_ =	sdelay $0x3  }
0x94: {  	_ =	strace s2  }
0x95: {  	s2 =	sld [smem:$0x3FFD];
	_ =	sdelay $0x3  }
0x96: {  	_ =	strace s2  }
0x97: {  	_ =	strace $0x8FFFFFFF  }
0x98: {  	s18 =	sld [smem:$0x3FDB];
	_ =	sdelay $0x1  }
0x99: {  	s19 =	simm.s32 $_scs_section_size  }
0x9a: {  	s4 =	simm.s32 $_size__tile_overlayer_lowered;
	s5 =	simm.s32 $_tile_overlayer_lowered  }
0x9b: {  	s22 =	simm.s32 $0x1BFF;
	s21 =	sshll.u32 s5, $0x1;
	s2 =	sadd.s32 s19, s18  }
0x9c: {  	s6 =	simm.s32 $0x0;
	s20 =	sshll.u32 s4, $0x1;
	s4 =	sadd.s32 s21, s2  }
0x9d: {  	[timem:s6], [sflag:s22] =	dma.local [hbm:s4], s20  }
0x9e: {  	_ =	swait.ge [sflag:s22], s20  }
0x9f: {  	s3 =	ssub.s32 $0x0, s20;
	[sflag:s22] =	ssyncset.done $0x0  }
0xa0: {  	[sflag:s22] =	ssyncadd.s32 s3;
	_ =	sdelay $0x1  }
0xa1: {  	s23 =	simm.s32 $0x1B8B  }
0xa2: {  	_ =	swait.ge [sflag:s23], $0x1  }
0xa3: {  	[sflag:s23] =	ssyncset.done $0x0  }
0xa4: {  	s25 =	simm.s32 $0x1B8E;
	s24 =	sld [smem:$0x3FFE];
	[sflag:s23] =	ssyncadd.s32 $0xFFFFFFFF  }
0xa5: {  	s26 =	simm.s32 $execute0_lowered;
	[smem:$0x3FD2] =	sst s25  }
0xa6: {  	s4 =	sshll.u32 s26, $0x1;
	_ =	strace $0x8000004F;
	[dreg:$0x1] =	wrdreg $0xFFFFFFFF  }
0xa7: {  	s28 =	simm.s32 $_size_execute0_lowered;
	s2 =	sadd.s32 s2, s4;
	[dreg:$0x0] =	wrdreg $0x0  }
0xa8: {  	s4 =	sshll.u32 s28, $0x1;
	[dreg:$0x2] =	wrdreg s2  }
0xa9: {  	[dreg:$0x3] =	wrdreg s4  }
0xaa: {  	[dreg:$0x4] =	wrdreg $0xC0  }
0xab: {  	_ =	task [dreg:s6], $0x5FFFF  }
0xac: {  	[dreg:$0x1] =	wrdreg $0xFFFFFFFF  }
0xad: {  	[dreg:$0x0] =	wrdreg $0x60  }
0xae: {  	[dreg:$0x2] =	wrdreg s24  }
0xaf: {  	[dreg:$0x3] =	wrdreg $0x0  }
0xb0: {  	[dreg:$0x4] =	wrdreg $0x9  }
0xb1: {  	_ =	task.clear_ibuf [dreg:s6], $0x5FFFF;
	_ =	strace $0x9000004F  }
0xb2: {  	s29 =	simm.s32 $0x9;
	_ =	strace $0x80000051  }
0xb3: {  	_ =	swait.ge [sflag:s29], $0x1  }
0xb4: {  	[sflag:s29] =	ssyncadd.s32 $0xFFFFFFFF  }
0xb5: {  	_ =	strace $0x90000051  }
0xb6: {  	_ =	sfence  }
0xb7: {  	s30 =	sld [smem:$0x0];
	_ =	sdelay $0x2  }
0xb8: {  	s31 =	sshll.u32 s1, $0xD;
	s1 =	sshrl.u32 s1, $0x2  }
0xb9: {  	s3 =	sand.u32 $0x4000, s31;
	s1 =	sadd.s32 s1, s30  }
0xba: {  	s0 =	sor.u32 s3, s0;
	s1 =	sshll.u32 s1, $0x11  }
0xbb: {  	s0 =	sor.u32 s1, s0  }
0xbc: {  	s0 =	sadd.s32 $0x8F2B, s0  }
0xbd: {  	[sflag:s0] =	ssyncadd.remote.s32 $0x1  }
0xbe: {  	_ =	sfence.sel $0xFFFF  }
0xbf: {  	[dreg:$0x0] =	wrdreg $0xFFFFFFFF;
	(pc) =	sbr.abs _section_cstart, $3  }
0xc0: {  	[dreg:$0x1] =	wrdreg $0xFFFFFFFF  }
0xc1: {  	_ =	task.clear_ibuf [dreg:s6], $0x2FFFF;
	_ =	strace $0x9FFFFFFF  }
0xc2: {  	(tm) =	ssettm $0x7FFFFFFF  }
0xc3: {  	_ =	shalt  }
tec
execute0_lowered:
.L_overlay_start_1:
0x0: {  	(tag) =	ssettag $0x1  }
0x1: {  	s0 =	rddreg [dreg:$0x0]  }
0x2: {  	s1 =	rddreg [dreg:$0x1];
	s17 =	stileid.u32  }
0x3: {  	s2 =	srdreg.scid;
	s3 =	simm.s32 $0x0;
	s6 =	smul.u32 $0x14000, s17  }
0x4: {  	s28 =	simm.s32 $0x14300;
	s29 =	simm.s32 $0x4;
	s13 =	smul.u32 $0xFC, s17  }
0x5: {  	s30 =	simm.s32 $0x7;
	s31 =	simm.s32 $0xA;
	s15 =	smul.u32 $0x4E000, s17  }
0x6: {  	s2 =	sand.u32 $0x1, s2;
	[smem:$0x7FF] =	sst s3;
	s12 =	smul.u32 $0x2700, s17  }
0x7: {  	s4 =	sadd.s32 $0x17200, s0;
	s7 =	sadd.s32 $0xD400, s0;
	s26 =	smul.u32 $0x9D8, s17  }
0x8: {  	s10 =	sadd.s32 $0x2C00, s0;
	s5 =	smul.u32 $0x140000, s2;
	_ =	strace $0x80000050  }
0x9: {  	s8 =	ssub.s32 $0x2, s2;
	s9 =	smul.u32 $0xA2, s2;
	p0 =	seq.s32 s2, $0x0  }
0xa: {  	s14 =	sshrl.u32 s8, $0x1;
	s12 =	sadd.s32 s4, s12;
	s5 =	sadd.s32 s6, s5  }
0xb: {  	s8 =	ssub.s32 s8, s14;
	s6 =	sadd.s32 s9, s13;
	s9 =	sshrl.u32 s15, $0x2  }
0xc: {  	[dreg:$0x5] =	wrdreg s12;
	s12 =	sadd.s32 $0x124800, s1;
	s14 =	smul.u32 $0x50000, s17  }
0xd: {  	s15 =	sadd.s32 s26, s7;
	s5 =	sshrl.u32 s5, $0x3;
	s6 =	smul.u32 $0x50, s6  }
0xe: {  	s9 =	sadd.s32 s9, s1;
	s8 =	smax.u32 s8, $0x1;
	s11 =	sadd.s32 s5, s0  }
0xf: {  	s5 =	simm.s32 $0xA2;
	s0 =	sadd.s32 $0x3BB00, s0;
	s24 =	sshrl.u32 s14, $0x2  }
0x10: {  	[dreg:$0xc] =	wrdreg s8;
	s14 =	smul.u32 $0x654, s2;
	s5 =	simm.s32 @!p0 $0x5A  }
0x11: {  	[dreg:$0x6] =	wrdreg s0;
	s16 =	sshrl.u32 s6, $0x3;
	s23 =	sadd.s32 $0x3E400, s11  }
0x12: {  	s6 =	sadd.s32 s24, s1;
	p0 =	seq.s32 s17, $0xF;
	s24 =	simm.s32 $0x1  }
0x13: {  	s18 =	smul.u32 $0xAB, s5;
	s13 =	sadd.s32 s7, s16;
	s19 =	sadd.s32 $0xA, s16  }
0x14: {  	s0 =	sadd.s32 s10, s16;
	[dreg:$0xb] =	wrdreg s23;
	s25 =	sadd.s32 $0xFFFFFFFF, s5  }
0x15: {  	s16 =	sadd.s32 s26, s10;
	s2 =	sshrl.u32 @p0 s12, $0x3;
	[dreg:$0x7] =	wrdreg s13  }
0x16: {  	s26 =	simm.s32 $0x50;
	s23 =	simm.s32 $0xD;
	[dreg:$0x8] =	wrdreg s0  }
0x17: {  	s20 =	sadd.s32 s7, s19;
	s21 =	sadd.s32 s10, s19;
	[dreg:$0x3] =	wrdreg s25  }
0x18: {  	[dreg:$0xd] =	wrdreg s2;
	s19 =	sshrl.u32 @!p0 s9, $0x3;
	s22 =	sshrl.u32 s18, $0x9  }
0x19: {  	s25 =	sshrl.u32 s6, $0x3;
	[dreg:$0x9] =	wrdreg s20;
	s0 =	ssub.s32 $0x0, s22  }
0x1a: {  	s2 =	simm.s32 $0x0;
	[dreg:$0x4] =	wrdreg s0;
	s0 =	sshll.u32 @!p0 s17, $0x6  }
0x1b: {  	[dreg:$0xa] =	wrdreg s21;
	s21 =	simm.s32 $0x14180;
	s0 =	sor.u32 @!p0 $0x1C0D, s0  }
0x1c: {  	s22 =	simm.s32 $0xC;
	[dreg:$0xe] =	wrdreg s0;
	s0 =	simm.s32 $0xB  }
.LBB2_1:
0x1d: {  	s7 =	rddreg [dreg:$0x6]  }
0x1e: {  	s6 =	simm.s32 @p0 $0x1FCD;
	s8 =	rddreg [dreg:$0xd]  }
0x1f: {  	[spmem:s8], [sflag:s6] =	dma.local @p0 [hbm:s7], $0x2800  }
0x20: {  	s6 =	simm.s32 @p0 $0xD  }
0x21: {  	_ =	swait.ge @p0 [sflag:s6], $0x2800  }
0x22: {  	[sflag:s6] =	ssyncset.done @p0 $0x0;
	s7 =	rddreg [dreg:$0xe]  }
0x23: {  	[sflag:s6] =	ssyncadd.s32 @p0 $0xFFFFD800;
	s6 =	rddreg [dreg:$0x5]  }
0x24: {  	[spmem:s19], [sflag:s7] =	dma.local @!p0 [hbm:s6], $0x2700  }
0x25: {  	s6 =	simm.s32 @!p0 $0xD  }
0x26: {  	_ =	swait.ge @!p0 [sflag:s6], $0x2700  }
0x27: {  	[sflag:s6] =	ssyncset.done @!p0 $0x0  }
0x28: {  	s20 =	simm.s32 $0x14000;
	s18 =	rddreg [dreg:$0x7];
	[sflag:s6] =	ssyncadd.s32 @!p0 $0xFFFFD900  }
0x29: {  	[tilespmem:s20], [sflag:$0x1] =	stream.linear.gather [hbm4b:s18+s3], $0x50, $0x38;
	[tilespmem:$0x1BB00] =	vst v63  }
0x2a: {  	s9 =	rddreg [dreg:$0x8]  }
0x2b: {  	[tilespmem:s21], [sflag:$0x4] =	stream.linear.gather [hbm4b:s9+s3], $0x50, $0x38;
	[tilespmem:$0x1BB00] =	vst v63  }
0x2c: {  	s11 =	simm.s32 $0x14080;
	s10 =	rddreg [dreg:$0x9]  }
0x2d: {  	[tilespmem:s11], [sflag:$0x2] =	stream.linear.gather [hbm4b:s10+s3], $0x50, $0x38;
	[tilespmem:$0x1BB00] =	vst v63  }
0x2e: {  	s13 =	simm.s32 $0x14200;
	s12 =	rddreg [dreg:$0xa]  }
0x2f: {  	[tilespmem:s13], [sflag:$0x5] =	stream.linear.gather [hbm4b:s12+s3], $0x50, $0x38;
	[tilespmem:$0x1BB00] =	vst v63  }
0x30: {  	[bflag:$0x0] =	sbarrier.arrive $0xFFFF  }
0x31: {  	_ =	swait.ge [sflag:s24], $0x50  }
0x32: {  	[sflag:s24] =	ssyncset.done $0x0  }
0x33: {  	[sflag:s24] =	ssyncadd.s32 $0xFFFFFFB0  }
0x34: {  	[tilespmem:s28], [sflag:$0x7] =	stream.indirect.gather [hbm4b:s4+s26], $0x80, s20, s26, $0xb8;
	[tilespmem:$0x1BB00] =	vst v63  }
0x35: {  	_ =	swait.ge [sflag:s29], $0x50  }
0x36: {  	[sflag:s29] =	ssyncset.done $0x0  }
0x37: {  	[sflag:s29] =	ssyncadd.s32 $0xFFFFFFB0  }
0x38: {  	_ =	swait.ge [sflag:s30], $0x2800  }
0x39: {  	[sflag:s30] =	ssyncset.done $0x0;
	s17 =	rddreg [dreg:$0x3]  }
0x3a: {  	[sflag:s30] =	ssyncadd.s32 $0xFFFFD800;
	p1 =	sle.u32 s17, $0x0  }
0x3b: {  	[spmem:s1] =	stream.indirect.scatter.add.f32 [tilespmem:s28], [sflag:$0xA], $0x80, s21, s26, $0xb8;
	[tilespmem:$0x1BB00] =	vst v63  }
0x3c: {  	s6 =	simm.s32 @!p1 $0x2  }
0x3d: {  	p2 =	por $0x1, $0x1;
	_ =	swait.ge @!p1 [sflag:s6], $0x50  }
0x3e: {  	s9 =	simm.s32 @!p2 $0xC;
	s7 =	simm.s32 @!p1 $0x14080;
	[sflag:s6] =	ssyncset.done @!p1 $0x0  }
0x3f: {  	s8 =	simm.s32 @!p1 $0x16B00;
	[sflag:s6] =	ssyncadd.s32 @!p1 $0xFFFFFFB0;
	s6 =	simm.s32 @!p1 $0x50  }
0x40: {  	[tilespmem:s8], [sflag:$0x8] =	stream.indirect.gather @!p1 [hbm4b:s4+s6], $0x80, s7, s6, $0xb8;
	[tilespmem:$0x1BB00] =	vst v63  }
0x41: {  	_ =	swait.ge @!p2 [sflag:s9], $0x2800  }
0x42: {  	p1 =	sle.u32 s5, $0x2;
	[sflag:s9] =	ssyncset.done @!p2 $0x0  }
0x43: {  	s6 =	simm.s32 @p1 $0x5;
	[sflag:s9] =	ssyncadd.s32 @!p2 $0xFFFFD800  }
0x44: {  	_ =	swait.ge @p1 [sflag:s6], $0x50  }
0x45: {  	[sflag:s6] =	ssyncset.done @p1 $0x0  }
0x46: {  	[sflag:s6] =	ssyncadd.s32 @p1 $0xFFFFFFB0;
	s6 =	simm.s32 @p1 $0x8  }
0x47: {  	s7 =	sadd.s32 @!p1 s15, s14;
	_ =	swait.ge @p1 [sflag:s6], $0x2800  }
0x48: {  	s8 =	simm.s32 @p1 $0x16B00;
	s7 =	sadd.s32 @!p1 $0x14, s7;
	[sflag:s6] =	ssyncset.done @p1 $0x0  }
0x49: {  	s9 =	simm.s32 @p1 $0x14200;
	[sflag:s6] =	ssyncadd.s32 @p1 $0xFFFFD800;
	s6 =	simm.s32 @p1 $0x50  }
0x4a: {  	[spmem:s1] =	stream.indirect.scatter.add.f32 @p1 [tilespmem:s8], [sflag:$0xB], $0x80, s9, s6, $0xb8;
	[tilespmem:$0x1BB00] =	vst v63  }
0x4b: {  	s6 =	sadd.s32 @!p1 s16, s14;
	s8 =	simm.s32 @!p1 $0x0;
	s9 =	simm.s32 @!p1 $0x14100  }
0x4c: {  	[tilespmem:s9], [sflag:$0x3] =	stream.linear.gather @!p1 [hbm4b:s7+s8], $0x50, $0x38;
	[tilespmem:$0x1BB00] =	vst v63  }
0x4d: {  	s10 =	simm.s32 @!p1 $0x5;
	s6 =	sadd.s32 @!p1 $0x14, s6;
	s7 =	simm.s32 @!p1 $0x14280  }
0x4e: {  	[tilespmem:s7], [sflag:$0x6] =	stream.linear.gather @!p1 [hbm4b:s6+s8], $0x50, $0x38;
	[tilespmem:$0x1BB00] =	vst v63  }
0x4f: {  	_ =	swait.ge @!p1 [sflag:s10], $0x50  }
0x50: {  	[sflag:s10] =	ssyncset.done @!p1 $0x0  }
0x51: {  	s6 =	simm.s32 @!p1 $0x8;
	[sflag:s10] =	ssyncadd.s32 @!p1 $0xFFFFFFB0  }
0x52: {  	_ =	swait.ge @!p1 [sflag:s6], $0x2800  }
0x53: {  	s7 =	simm.s32 @!p1 $0x16B00;
	s8 =	simm.s32 @!p1 $0x3;
	[sflag:s6] =	ssyncset.done @!p1 $0x0  }
0x54: {  	s10 =	simm.s32 @!p1 $0x14200;
	[sflag:s6] =	ssyncadd.s32 @!p1 $0xFFFFD800;
	s6 =	simm.s32 @!p1 $0x50  }
0x55: {  	[spmem:s1] =	stream.indirect.scatter.add.f32 @!p1 [tilespmem:s7], [sflag:$0xB], $0x80, s10, s6, $0xb8;
	[tilespmem:$0x1BB00] =	vst v63  }
0x56: {  	_ =	swait.ge @!p1 [sflag:s8], $0x50  }
0x57: {  	[sflag:s8] =	ssyncset.done @!p1 $0x0  }
0x58: {  	s7 =	simm.s32 @!p1 $0x19300;
	[sflag:s8] =	ssyncadd.s32 @!p1 $0xFFFFFFB0  }
0x59: {  	[tilespmem:s7], [sflag:$0x9] =	stream.indirect.gather @!p1 [hbm4b:s4+s6], $0x80, s9, s6, $0xb8;
	[tilespmem:$0x1BB00] =	vst v63  }
0x5a: {  	_ =	swait.ge [sflag:s31], $0x2800  }
0x5b: {  	p1 =	sle.u32 s5, $0x3;
	[sflag:s31] =	ssyncset.done $0x0  }
0x5c: {  	s6 =	simm.s32 @p1 $0x6;
	[sflag:s31] =	ssyncadd.s32 $0xFFFFD800  }
0x5d: {  	_ =	swait.ge @p1 [sflag:s6], $0x50  }
0x5e: {  	[sflag:s6] =	ssyncset.done @p1 $0x0  }
0x5f: {  	[sflag:s6] =	ssyncadd.s32 @p1 $0xFFFFFFB0;
	s6 =	simm.s32 @p1 $0x9  }
0x60: {  	s7 =	sadd.s32 @!p1 s15, s14;
	_ =	swait.ge @p1 [sflag:s6], $0x2800  }
0x61: {  	s8 =	simm.s32 @p1 $0x19300;
	s9 =	simm.s32 @p1 $0x14280;
	[sflag:s6] =	ssyncset.done @p1 $0x0  }
0x62: {  	s7 =	sadd.s32 @!p1 $0x1E, s7;
	[sflag:s6] =	ssyncadd.s32 @p1 $0xFFFFD800;
	s6 =	simm.s32 @p1 $0x50  }
0x63: {  	[spmem:s1] =	stream.indirect.scatter.add.f32 @p1 [tilespmem:s8], [sflag:$0xC], $0x80, s9, s6, $0xb8;
	[tilespmem:$0x1BB00] =	vst v63  }
0x64: {  	s6 =	sadd.s32 @!p1 s16, s14;
	s8 =	simm.s32 @!p1 $0x0;
	s9 =	simm.s32 @!p1 $0x14000  }
0x65: {  	[tilespmem:s9], [sflag:$0x1] =	stream.linear.gather @!p1 [hbm4b:s7+s8], $0x50, $0x38;
	[tilespmem:$0x1BB00] =	vst v63  }
0x66: {  	s10 =	simm.s32 @!p1 $0x6;
	s6 =	sadd.s32 @!p1 $0x1E, s6;
	s7 =	simm.s32 @!p1 $0x14180  }
0x67: {  	[tilespmem:s7], [sflag:$0x4] =	stream.linear.gather @!p1 [hbm4b:s6+s8], $0x50, $0x38;
	[tilespmem:$0x1BB00] =	vst v63  }
0x68: {  	_ =	swait.ge @!p1 [sflag:s10], $0x50  }
0x69: {  	[sflag:s10] =	ssyncset.done @!p1 $0x0  }
0x6a: {  	s6 =	simm.s32 @!p1 $0x9;
	[sflag:s10] =	ssyncadd.s32 @!p1 $0xFFFFFFB0  }
0x6b: {  	_ =	swait.ge @!p1 [sflag:s6], $0x2800  }
0x6c: {  	s7 =	simm.s32 @!p1 $0x19300;
	s8 =	simm.s32 @!p1 $0x1;
	[sflag:s6] =	ssyncset.done @!p1 $0x0  }
0x6d: {  	s10 =	simm.s32 @!p1 $0x14280;
	[sflag:s6] =	ssyncadd.s32 @!p1 $0xFFFFD800;
	s6 =	simm.s32 @!p1 $0x50  }
0x6e: {  	[spmem:s1] =	stream.indirect.scatter.add.f32 @!p1 [tilespmem:s7], [sflag:$0xC], $0x80, s10, s6, $0xb8;
	[tilespmem:$0x1BB00] =	vst v63  }
0x6f: {  	_ =	swait.ge @!p1 [sflag:s8], $0x50  }
0x70: {  	[sflag:s8] =	ssyncset.done @!p1 $0x0  }
0x71: {  	s7 =	simm.s32 @!p1 $0x14300;
	[sflag:s8] =	ssyncadd.s32 @!p1 $0xFFFFFFB0  }
0x72: {  	[tilespmem:s7], [sflag:$0x7] =	stream.indirect.gather @!p1 [hbm4b:s4+s6], $0x80, s9, s6, $0xb8;
	[tilespmem:$0x1BB00] =	vst v63  }
0x73: {  	_ =	swait.ge [sflag:s0], $0x2800  }
0x74: {  	s18 =	rddreg [dreg:$0x4]  }
0x75: {  	p2 =	sne.s32 s18, $0xFFFFFFFF  }
.Ltmp0:
0x76: {  	s8 =	sadd.s32 $0x1E, s16;
	s6 =	simm.s32 $0xFFFFFFFF;
	(pc) =	sbr.rel @!p2 .LBB2_3-.Ltmp0, $4  }
0x77: {  	s7 =	simm.s32 $0x3;
	p1 =	sle.u32 s5, $0x4;
	s9 =	sadd.s32 $0x1E, s15  }
0x78: {  	s12 =	simm.s32 @!p1 $0x0;
	s10 =	sadd.s32 @!p1 s15, s14;
	s11 =	simm.s32 @!p1 $0x14080  }
0x79: {  	s20 =	sadd.s32 @!p1 s16, s14;
	[sflag:s0] =	ssyncset.done $0x0;
	s13 =	sadd.s32 @!p1 $0x28, s10  }
0x7a: {  	s10 =	simm.s32 @!p1 $0x14200;
	s20 =	sadd.s32 @!p1 $0x28, s20;
	[sflag:s0] =	ssyncadd.s32 $0xFFFFD800  }
.LBB2_2:
0x7b: {  	[tilespmem:s11], [sflag:$0x2] =	stream.linear.gather @!p1 [hbm4b:s13+s12], $0x50, $0x38;
	[tilespmem:$0x1BB00] =	vst v63  }
0x7c: {  	_ = 	snop  }
0x7d: {  	[tilespmem:s10], [sflag:$0x5] =	stream.linear.gather @!p1 [hbm4b:s20+s12], $0x50, $0x38;
	[tilespmem:$0x1BB00] =	vst v63  }
0x7e: {  	_ =	swait.ge [sflag:s29], $0x50  }
0x7f: {  	[sflag:s29] =	ssyncset.done $0x0  }
0x80: {  	[sflag:s29] =	ssyncadd.s32 $0xFFFFFFB0  }
0x81: {  	_ =	swait.ge [sflag:s30], $0x2800  }
0x82: {  	[sflag:s30] =	ssyncset.done $0x0;
	s18 =	rddreg [dreg:$0x3]  }
0x83: {  	[sflag:s30] =	ssyncadd.s32 $0xFFFFD800;
	p1 =	sge.u32 s7, s18  }
0x84: {  	[spmem:s1] =	stream.indirect.scatter.add.f32 [tilespmem:s28], [sflag:$0xA], $0x80, s21, s26, $0xb8;
	[tilespmem:$0x1BB00] =	vst v63  }
0x85: {  	s13 =	smov.u32 s6;
	s12 =	simm.s32 @!p1 $0x2  }
0x86: {  	p2 =	seq.s32 s13, $0x0;
	_ =	swait.ge @!p1 [sflag:s12], $0x50  }
0x87: {  	s13 =	simm.s32 @!p2 $0xC;
	s20 =	simm.s32 @!p1 $0x14080;
	[sflag:s12] =	ssyncset.done @!p1 $0x0  }
0x88: {  	s17 =	simm.s32 @!p1 $0x16B00;
	[sflag:s12] =	ssyncadd.s32 @!p1 $0xFFFFFFB0;
	s12 =	simm.s32 @!p1 $0x50  }
0x89: {  	[tilespmem:s17], [sflag:$0x8] =	stream.indirect.gather @!p1 [hbm4b:s4+s12], $0x80, s20, s12, $0xb8;
	[tilespmem:$0x1BB00] =	vst v63  }
0x8a: {  	s20 =	sadd.s32 $0x2, s7;
	_ =	swait.ge @!p2 [sflag:s13], $0x2800  }
0x8b: {  	p1 =	sge.u32 s20, s5;
	[sflag:s13] =	ssyncset.done @!p2 $0x0  }
0x8c: {  	s12 =	simm.s32 @p1 $0x5;
	[sflag:s13] =	ssyncadd.s32 @!p2 $0xFFFFD800  }
0x8d: {  	_ =	swait.ge @p1 [sflag:s12], $0x50  }
0x8e: {  	[sflag:s12] =	ssyncset.done @p1 $0x0  }
0x8f: {  	[sflag:s12] =	ssyncadd.s32 @p1 $0xFFFFFFB0;
	s12 =	simm.s32 @p1 $0x8  }
0x90: {  	s17 =	sadd.s32 @!p1 s8, s14;
	_ =	swait.ge @p1 [sflag:s12], $0x2800  }
0x91: {  	s20 =	simm.s32 @p1 $0x16B00;
	s18 =	simm.s32 @p1 $0x14200;
	[sflag:s12] =	ssyncset.done @p1 $0x0  }
0x92: {  	s13 =	sadd.s32 @!p1 s9, s14;
	[sflag:s12] =	ssyncadd.s32 @p1 $0xFFFFD800;
	s12 =	simm.s32 @p1 $0x50  }
0x93: {  	[spmem:s1] =	stream.indirect.scatter.add.f32 @p1 [tilespmem:s20], [sflag:$0xB], $0x80, s18, s12, $0xb8;
	[tilespmem:$0x1BB00] =	vst v63  }
0x94: {  	s13 =	sadd.s32 @!p1 $0x14, s13;
	s12 =	simm.s32 @!p1 $0x0;
	s18 =	simm.s32 @!p1 $0x14100  }
0x95: {  	[tilespmem:s18], [sflag:$0x3] =	stream.linear.gather @!p1 [hbm4b:s13+s12], $0x50, $0x38;
	[tilespmem:$0x1BB00] =	vst v63  }
0x96: {  	s17 =	sadd.s32 @!p1 $0x14, s17;
	s20 =	simm.s32 @!p1 $0x5;
	s13 =	simm.s32 @!p1 $0x14280  }
0x97: {  	[tilespmem:s13], [sflag:$0x6] =	stream.linear.gather @!p1 [hbm4b:s17+s12], $0x50, $0x38;
	[tilespmem:$0x1BB00] =	vst v63  }
0x98: {  	_ =	swait.ge @!p1 [sflag:s20], $0x50  }
0x99: {  	[sflag:s20] =	ssyncset.done @!p1 $0x0  }
0x9a: {  	s12 =	simm.s32 @!p1 $0x8;
	[sflag:s20] =	ssyncadd.s32 @!p1 $0xFFFFFFB0  }
0x9b: {  	_ =	swait.ge @!p1 [sflag:s12], $0x2800  }
0x9c: {  	s13 =	simm.s32 @!p1 $0x16B00;
	s17 =	simm.s32 @!p1 $0x3;
	[sflag:s12] =	ssyncset.done @!p1 $0x0  }
0x9d: {  	s20 =	simm.s32 @!p1 $0x14200;
	[sflag:s12] =	ssyncadd.s32 @!p1 $0xFFFFD800;
	s12 =	simm.s32 @!p1 $0x50  }
0x9e: {  	[spmem:s1] =	stream.indirect.scatter.add.f32 @!p1 [tilespmem:s13], [sflag:$0xB], $0x80, s20, s12, $0xb8;
	[tilespmem:$0x1BB00] =	vst v63  }
0x9f: {  	_ =	swait.ge @!p1 [sflag:s17], $0x50  }
0xa0: {  	[sflag:s17] =	ssyncset.done @!p1 $0x0  }
0xa1: {  	s13 =	simm.s32 @!p1 $0x19300;
	[sflag:s17] =	ssyncadd.s32 @!p1 $0xFFFFFFB0  }
0xa2: {  	[tilespmem:s13], [sflag:$0x9] =	stream.indirect.gather @!p1 [hbm4b:s4+s12], $0x80, s18, s12, $0xb8;
	[tilespmem:$0x1BB00] =	vst v63  }
0xa3: {  	s11 =	smov.u32 s7;
	s7 =	sadd.s32 $0x3, s7;
	_ =	swait.ge [sflag:s31], $0x2800  }
0xa4: {  	p1 =	sge.u32 s7, s5;
	[sflag:s31] =	ssyncset.done $0x0  }
0xa5: {  	s12 =	simm.s32 @p1 $0x6;
	[sflag:s31] =	ssyncadd.s32 $0xFFFFD800  }
0xa6: {  	_ =	swait.ge @p1 [sflag:s12], $0x50  }
0xa7: {  	[sflag:s12] =	ssyncset.done @p1 $0x0  }
0xa8: {  	[sflag:s12] =	ssyncadd.s32 @p1 $0xFFFFFFB0;
	s12 =	simm.s32 @p1 $0x9  }
0xa9: {  	s13 =	sadd.s32 @!p1 s9, s14;
	_ =	swait.ge @p1 [sflag:s12], $0x2800  }
0xaa: {  	s17 =	sadd.s32 @!p1 s8, s14;
	s18 =	simm.s32 @p1 $0x19300;
	[sflag:s12] =	ssyncset.done @p1 $0x0  }
0xab: {  	s20 =	simm.s32 @p1 $0x14280;
	[sflag:s12] =	ssyncadd.s32 @p1 $0xFFFFD800;
	s12 =	simm.s32 @p1 $0x50  }
0xac: {  	[spmem:s1] =	stream.indirect.scatter.add.f32 @p1 [tilespmem:s18], [sflag:$0xC], $0x80, s20, s12, $0xb8;
	[tilespmem:$0x1BB00] =	vst v63  }
0xad: {  	s13 =	sadd.s32 @!p1 $0x1E, s13;
	s12 =	simm.s32 @!p1 $0x0;
	s18 =	simm.s32 @!p1 $0x14000  }
0xae: {  	[tilespmem:s18], [sflag:$0x1] =	stream.linear.gather @!p1 [hbm4b:s13+s12], $0x50, $0x38;
	[tilespmem:$0x1BB00] =	vst v63  }
0xaf: {  	s17 =	sadd.s32 @!p1 $0x1E, s17;
	s20 =	simm.s32 @!p1 $0x6;
	s13 =	simm.s32 @!p1 $0x14180  }
0xb0: {  	[tilespmem:s13], [sflag:$0x4] =	stream.linear.gather @!p1 [hbm4b:s17+s12], $0x50, $0x38;
	[tilespmem:$0x1BB00] =	vst v63  }
0xb1: {  	_ =	swait.ge @!p1 [sflag:s20], $0x50  }
0xb2: {  	[sflag:s20] =	ssyncset.done @!p1 $0x0  }
0xb3: {  	s12 =	simm.s32 @!p1 $0x9;
	[sflag:s20] =	ssyncadd.s32 @!p1 $0xFFFFFFB0  }
0xb4: {  	_ =	swait.ge @!p1 [sflag:s12], $0x2800  }
0xb5: {  	s13 =	simm.s32 @!p1 $0x19300;
	s17 =	simm.s32 @!p1 $0x1;
	[sflag:s12] =	ssyncset.done @!p1 $0x0  }
0xb6: {  	s20 =	simm.s32 @!p1 $0x14280;
	[sflag:s12] =	ssyncadd.s32 @!p1 $0xFFFFD800;
	s12 =	simm.s32 @!p1 $0x50  }
0xb7: {  	[spmem:s1] =	stream.indirect.scatter.add.f32 @!p1 [tilespmem:s13], [sflag:$0xC], $0x80, s20, s12, $0xb8;
	[tilespmem:$0x1BB00] =	vst v63  }
0xb8: {  	_ =	swait.ge @!p1 [sflag:s17], $0x50  }
0xb9: {  	[sflag:s17] =	ssyncset.done @!p1 $0x0  }
0xba: {  	s13 =	simm.s32 @!p1 $0x14300;
	[sflag:s17] =	ssyncadd.s32 @!p1 $0xFFFFFFB0  }
0xbb: {  	[tilespmem:s13], [sflag:$0x7] =	stream.indirect.gather @!p1 [hbm4b:s4+s12], $0x80, s18, s12, $0xb8;
	[tilespmem:$0x1BB00] =	vst v63  }
0xbc: {  	_ =	swait.ge [sflag:s0], $0x2800  }
0xbd: {  	s6 =	sadd.s32 $0xFFFFFFFF, s6;
	s17 =	rddreg [dreg:$0x4]  }
0xbe: {  	s11 =	sadd.s32 $0x4, s11;
	p2 =	sne.s32 s17, s6  }
.Ltmp1:
0xbf: {  	p1 =	sge.u32 s11, s5;
	(pc) =	sbr.rel @p2 .LBB2_2-.Ltmp1, $4  }
0xc0: {  	s10 =	smov.u32 s8;
	s8 =	sadd.s32 $0x1E, s8;
	s12 =	simm.s32 @!p1 $0x0  }
0xc1: {  	s13 =	sadd.s32 @!p1 s9, s14;
	s11 =	simm.s32 @!p1 $0x14080;
	s18 =	sadd.s32 @!p1 s10, s14  }
0xc2: {  	s10 =	simm.s32 @!p1 $0x14200;
	s9 =	sadd.s32 $0x1E, s9;
	[sflag:s0] =	ssyncset.done $0x0  }
0xc3: {  	s13 =	sadd.s32 @!p1 $0x28, s13;
	s20 =	sadd.s32 @!p1 $0x28, s18;
	[sflag:s0] =	ssyncadd.s32 $0xFFFFD800  }
.LBB2_3:
0xc4: {  	[tilespmem:s11], [sflag:$0x2] =	stream.linear.gather @!p1 [hbm4b:s13+s12], $0x50, $0x38;
	[tilespmem:$0x1BB00] =	vst v63  }
0xc5: {  	_ = 	snop  }
0xc6: {  	[tilespmem:s10], [sflag:$0x5] =	stream.linear.gather @!p1 [hbm4b:s20+s12], $0x50, $0x38;
	[tilespmem:$0x1BB00] =	vst v63  }
0xc7: {  	_ =	swait.ge [sflag:s22], $0x2800  }
0xc8: {  	[sflag:s22] =	ssyncset.done $0x0  }
0xc9: {  	s6 =	stileid.u32;
	[sflag:s22] =	ssyncadd.s32 $0xFFFFD800  }
0xca: {  	s6 =	sshll.u32 s6, $0x6;
	[bflag:$0x0] =	sbarrier.arrive $0xFFFF  }
0xcb: {  	s6 =	sor.u32 $0x1C0D, s6;
	s7 =	rddreg [dreg:$0xb]  }
0xcc: {  	[hbm:s7], [sflag:s6] =	dma.local [spmem:s25], $0x2800  }
0xcd: {  	_ =	swait.ge [sflag:s23], $0x2800  }
0xce: {  	s2 =	sadd.s32 $0x1, s2;
	s20 =	rddreg [dreg:$0xc]  }
0xcf: {  	p1 =	sne.s32 s2, s20  }
.Ltmp2:
0xd0: {  	_ = 	snop;
	(pc) =	sbr.rel @p1 .LBB2_1-.Ltmp2, $3  }
0xd1: {  	_ =	sdelay $0x1  }
0xd2: {  	[sflag:s23] =	ssyncset.done $0x0  }
0xd3: {  	[sflag:s23] =	ssyncadd.s32 $0xFFFFD800  }
0xd4: {  	_ =	sfence.sel $0x180000  }
0xd5: {  	[bflag:$0x0] =	sbarrier.arrive $0xFFFF  }
0xd6: {  	_ =	strace $0x90000050  }
0xd7: {  	s0 =	stileid.u32;
	[bflag:$0x2] =	sbarrier.arrive $0xFFFF  }
0xd8: {  	p0 =	sne.s32 s0, $0x0;
	s0 =	rddreg [dreg:$0x2]  }
0xd9: {  	s0 =	sadd.s32 @!p0 $0x100000, s0  }
0xda: {  	[sflag:s0] =	ssyncadd.tile.s32 @!p0 $0x1;
	_ =	shalt  }
.Lfunc_end2:
_tile_overlayer_lowered:
.L_overlay_start_2:
0xdb: {  	(tag) =	ssettag $0x2  }
0xdc: {  	s0 =	rddreg [dreg:$0x0];
	s2 =	stileid.u32  }
0xdd: {  	s1 =	rddreg [dreg:$0x1];
	p0 =	sne.s32 s2, $0x0  }
0xde: {  	s3 =	rddreg [dreg:$0x2];
	[bflag:$0x3] =	sbarrier.arrive $0xFFFF;
	s2 =	simm.s32 @!p0 $0x1C0D  }
0xdf: {  	[timem:s3], [sflag:s2] =	dma.local @!p0 [hbm:s0], s1  }
0xe0: {  	s0 =	simm.s32 @!p0 $0xD  }
0xe1: {  	_ =	swait.ge @!p0 [sflag:s0], s1  }
0xe2: {  	s1 =	ssub.s32 @!p0 $0x0, s1;
	[sflag:s0] =	ssyncset.done @!p0 $0x0  }
0xe3: {  	[sflag:s0] =	ssyncadd.s32 @!p0 s1  }
0xe4: {  	[bflag:$0x3] =	sbarrier.arrive $0xFFFF  }
0xe5: {  	_ =	shalt  }

</sc_bundles>
